<compile_context>
chip_gen: v7x
topology: tpu7x:2x2x1
jax: 0.10.2.dev20260603
libtpu: 0.0.44.dev20260713+nightly
codegen_flags: <defaults>
</compile_context>

<pallas_src>
import functools

import jax
import jax.numpy as jnp
from jax import lax
from jax.experimental import pallas as pl
from jax.experimental.pallas import tpu as pltpu
from jax.experimental.pallas import tpu_sc as plsc

IDXW = 128
K = 2
NBUF = 3


@functools.lru_cache(maxsize=None)
def _make_gather(s1, s2, d):
    assert d == 64 and s1 % IDXW == 0
    info = plsc.get_sparse_core_info()
    nc, ns = info.num_cores, info.num_subcores
    nw = nc * ns
    nchunks = (s1 // IDXW) * s2
    tj_n = s1 // IDXW
    per_w = nchunks // nw
    steps = per_w // K
    assert steps >= 2 * NBUF and steps % NBUF == 1
    mesh = plsc.VectorSubcoreMesh(core_axis_name="c", subcore_axis_name="s")

    @functools.partial(
        pl.kernel,
        mesh=mesh,
        out_type=jax.ShapeDtypeStruct((s2, d // 8, tj_n, 8, IDXW), jnp.float32),
        scratch_types=[
            pltpu.VMEM((NBUF, K, IDXW), jnp.int32),
            pltpu.VMEM((NBUF, K, IDXW, d), jnp.float32),
            [pltpu.VMEM((d // 8, 8, IDXW + 1), jnp.float32)] * (NBUF * K),
            [pltpu.SemaphoreType.DMA] * NBUF,
            [pltpu.SemaphoreType.DMA] * NBUF,
            [pltpu.SemaphoreType.DMA] * NBUF,
        ],
        compiler_params=pltpu.CompilerParams(
            use_tc_tiling_on_sc=False, needs_layout_passes=False),
    )
    def k(idx_hbm, table_hbm, out_hbm, idx_v, rows_v, rowsT_v, gsems,
          isems, osems):
        wid = lax.axis_index("s") * nc + lax.axis_index("c")
        cbase = wid * per_w
        dgs = [lax.iota(jnp.int32, 16) + 16 * gq for gq in range(d // 16)]
        dgs_hi = [dg // 8 for dg in dgs]
        dgs_lo = [dg % 8 for dg in dgs]

        def fire_gathers(b):
            for j in range(K):
                pltpu.async_copy(
                    table_hbm.at[idx_v.at[b, j]], rows_v.at[b, j], gsems[b])

        def wait_gathers(b):
            for j in range(K):
                pltpu.make_async_copy(
                    table_hbm.at[idx_v.at[b, j]], rows_v.at[b, j],
                    gsems[b]).wait()

        def stage_idx(g, b):
            pltpu.async_copy(
                idx_hbm.at[pl.ds(cbase + g * K, K)], idx_v.at[b], isems[b])

        def wait_idx(g, b):
            pltpu.make_async_copy(
                idx_hbm.at[pl.ds(cbase + g * K, K)], idx_v.at[b],
                isems[b]).wait()

        def out_dma(g, b, wait_only):
            for j in range(K):
                c = cbase + g * K + j
                ps2 = c // tj_n
                tj = c % tj_n
                cp = pltpu.make_async_copy(
                    rowsT_v[b * K + j].at[:, :, pl.ds(0, IDXW)],
                    out_hbm.at[ps2, :, tj], osems[b])
                if wait_only:
                    cp.wait()
                else:
                    cp.start()

        def transpose_scale(b):
            for j in range(K):
                src = rows_v.at[b, j]
                dst = rowsT_v[b * K + j]

                @plsc.parallel_loop(0, IDXW, unroll=4)
                def _(t):
                    tv = jnp.broadcast_to(t, (16,))
                    for gq in range(d // 16):
                        vals = src[t, pl.ds(gq * 16, 16)]
                        plsc.store_scatter(
                            dst, [dgs_hi[gq], dgs_lo[gq], tv], vals * 8.0)

        def do_step(g, b, last):
            wait_gathers(b)
            if not last:
                @pl.when(g + NBUF < steps)
                def _():
                    stage_idx(g + NBUF, b)

                @pl.when(g + 2 < steps)
                def _():
                    b2 = (b + 2) % NBUF
                    wait_idx(g + 2, b2)
                    fire_gathers(b2)

            @pl.when(g >= NBUF)
            def _():
                out_dma(g - NBUF, b, wait_only=True)

            transpose_scale(b)
            out_dma(g, b, wait_only=False)

        for g0 in range(NBUF):
            stage_idx(g0, g0)
        for g0 in range(2):
            wait_idx(g0, g0)
            fire_gathers(g0)

        def body(t, carry):
            for r in range(NBUF):
                do_step(NBUF * t + r, r, last=False)
            return carry

        lax.fori_loop(0, (steps - 1) // NBUF, body, 0)
        do_step(steps - 1, (steps - 1) % NBUF, last=True)

        for g0 in range(steps - NBUF, steps):
            out_dma(g0, g0 % NBUF, wait_only=True)

    return k


def kernel(x, table):
    s1, s2 = x.shape
    v, d = table.shape
    idx2 = jnp.reshape(jnp.transpose(x.astype(jnp.int32)),
                       ((s1 // IDXW) * s2, IDXW))
    out5 = _make_gather(s1, s2, d)(idx2, table)
    return jnp.reshape(jnp.transpose(out5, (2, 4, 0, 1, 3)), (s1, s2, d))

# --- scband reference (transcript-rebuilt; emitter-appended) ---
"""Pipeline reference for scband-embeddings-65326452572983 (READ-ONLY COPY).

The authoritative reference and input builder live on the scoring server;
editing this copy changes nothing except your own understanding.
"""

import jax, jax.numpy as jnp
import numpy as np

D_MODEL = 64
VOCAB_SIZE = 100000

def setup_inputs(seed: int = 0) -> dict:
    key = jax.random.key(seed)
    k1, k2 = jax.random.split(key)
    x = jax.random.randint(k1, (4096, 200), 0, VOCAB_SIZE, dtype=jnp.int64) if jax.config.jax_enable_x64 else jax.random.randint(k1, (4096, 200), 0, VOCAB_SIZE, dtype=jnp.int32)
    table = jax.random.normal(k2, (VOCAB_SIZE, D_MODEL), dtype=jnp.float32)
    return {"x": x, "table": table}

def reference(x, table):
    d_model_sqrt = jnp.sqrt(jnp.array([D_MODEL], dtype=jnp.float32))
    emb = jnp.take(table, x, axis=0)
    return emb.astype(jnp.float32) * d_model_sqrt

if __name__ == "__main__":
    import jax
    _d = setup_inputs()
    print(jax.jit(kernel)(*tuple(_d.values())))

</pallas_src>

<mosaic_0001>
#map = affine_map<(d0, d1) -> (0, 0)>
#map1 = affine_map<(d0, d1) -> (0, 0, 0, 0, 0)>
module attributes {stable_mosaic.version = 14 : i64} {
  func.func @k(%arg0: i32, %arg1: i32, %arg2: memref<6400x128xi32, #tpu.memory_space<hbm>>, %arg3: memref<100000x64xf32, #tpu.memory_space<hbm>>, %arg4: memref<200x8x32x8x128xf32, #tpu.memory_space<hbm>>, %arg5: memref<3x2x128xi32, #tpu.memory_space<vmem>>, %arg6: memref<3x2x128x64xf32, #tpu.memory_space<vmem>>, %arg7: memref<8x8x129xf32, #tpu.memory_space<vmem>>, %arg8: memref<8x8x129xf32, #tpu.memory_space<vmem>>, %arg9: memref<8x8x129xf32, #tpu.memory_space<vmem>>, %arg10: memref<8x8x129xf32, #tpu.memory_space<vmem>>, %arg11: memref<8x8x129xf32, #tpu.memory_space<vmem>>, %arg12: memref<8x8x129xf32, #tpu.memory_space<vmem>>, %arg13: memref<!tpu.dma_semaphore, #tpu.memory_space<semaphore_mem>>, %arg14: memref<!tpu.dma_semaphore, #tpu.memory_space<semaphore_mem>>, %arg15: memref<!tpu.dma_semaphore, #tpu.memory_space<semaphore_mem>>, %arg16: memref<!tpu.dma_semaphore, #tpu.memory_space<semaphore_mem>>, %arg17: memref<!tpu.dma_semaphore, #tpu.memory_space<semaphore_mem>>, %arg18: memref<!tpu.dma_semaphore, #tpu.memory_space<semaphore_mem>>, %arg19: memref<!tpu.dma_semaphore, #tpu.memory_space<semaphore_mem>>, %arg20: memref<!tpu.dma_semaphore, #tpu.memory_space<semaphore_mem>>, %arg21: memref<!tpu.dma_semaphore, #tpu.memory_space<semaphore_mem>>) attributes {dimension_semantics = [#tpu.dimension_semantics<core_parallel>, #tpu.dimension_semantics<subcore_parallel>], iteration_bounds = array<i64: 2, 16>, scalar_prefetch = 0 : i64, scratch_operands = 17 : i64, tpu.core_type = #tpu.core_type<sc_vector_subcore>, window_params = [{transform_indices = #map}, {transform_indices = #map}, {transform_indices = #map1}]} {
    %mul3A = arith.constant 2 : i32
    %mul3A_0 = arith.muli %arg1, %mul3A : i32
    %add3A = arith.addi %mul3A_0, %arg0 : i32
    %mul3A_1 = arith.constant 200 : i32
    %mul3A_2 = arith.muli %add3A, %mul3A_1 : i32
    %iota3A = tpu.iota {dimensions = array<i32: 0>} : vector<16xi32>
    %add3A_3 = arith.constant 0 : i32
    %add3A_4 = vector.broadcast %add3A_3 : i32 to vector<16xi32>
    %add3A_5 = arith.addi %iota3A, %add3A_4 : vector<16xi32>
    %iota3A_6 = tpu.iota {dimensions = array<i32: 0>} : vector<16xi32>
    %add3A_7 = arith.constant 16 : i32
    %add3A_8 = vector.broadcast %add3A_7 : i32 to vector<16xi32>
    %add3A_9 = arith.addi %iota3A_6, %add3A_8 : vector<16xi32>
    %iota3A_10 = tpu.iota {dimensions = array<i32: 0>} : vector<16xi32>
    %add3A_11 = arith.constant 32 : i32
    %add3A_12 = vector.broadcast %add3A_11 : i32 to vector<16xi32>
    %add3A_13 = arith.addi %iota3A_10, %add3A_12 : vector<16xi32>
    %iota3A_14 = tpu.iota {dimensions = array<i32: 0>} : vector<16xi32>
    %add3A_15 = arith.constant 48 : i32
    %add3A_16 = vector.broadcast %add3A_15 : i32 to vector<16xi32>
    %add3A_17 = arith.addi %iota3A_14, %add3A_16 : vector<16xi32>
    %jit3A = arith.constant 8 : i32
    %div3A = vector.broadcast %jit3A : i32 to vector<16xi32>
    %div3A_18 = arith.divsi %add3A_5, %div3A : vector<16xi32>
    %sign3A = arith.constant 0 : i32
    %sign3A_19 = vector.broadcast %sign3A : i32 to vector<16xi32>
    %sign3A_20 = arith.cmpi sgt, %add3A_5, %sign3A_19 : vector<16xi32>
    %sign3A_21 = arith.extui %sign3A_20 : vector<16xi1> to vector<16xi32>
    %sign3A_22 = arith.constant 0 : i32
    %sign3A_23 = vector.broadcast %sign3A_22 : i32 to vector<16xi32>
    %sign3A_24 = arith.cmpi slt, %add3A_5, %sign3A_23 : vector<16xi32>
    %sign3A_25 = arith.extui %sign3A_24 : vector<16xi1> to vector<16xi32>
    %sign3A_26 = arith.subi %sign3A_21, %sign3A_25 : vector<16xi32>
    %sign3A_27 = arith.constant 0 : i32
    %sign3A_28 = arith.cmpi sgt, %jit3A, %sign3A_27 : i32
    %sign3A_29 = arith.extui %sign3A_28 : i1 to i32
    %sign3A_30 = arith.constant 0 : i32
    %sign3A_31 = arith.cmpi slt, %jit3A, %sign3A_30 : i32
    %sign3A_32 = arith.extui %sign3A_31 : i1 to i32
    %sign3A_33 = arith.subi %sign3A_29, %sign3A_32 : i32
    %ne3A = vector.broadcast %sign3A_33 : i32 to vector<16xi32>
    %ne3A_34 = arith.cmpi ne, %sign3A_26, %ne3A : vector<16xi32>
    %rem3A = vector.broadcast %jit3A : i32 to vector<16xi32>
    %rem3A_35 = arith.remsi %add3A_5, %rem3A : vector<16xi32>
    %ne3A_36 = arith.constant 0 : i32
    %ne3A_37 = vector.broadcast %ne3A_36 : i32 to vector<16xi32>
    %ne3A_38 = arith.cmpi ne, %rem3A_35, %ne3A_37 : vector<16xi32>
    %and3A = arith.andi %ne3A_34, %ne3A_38 : vector<16xi1>
    %sub3A = arith.constant 1 : i32
    %sub3A_39 = vector.broadcast %sub3A : i32 to vector<16xi32>
    %sub3A_40 = arith.subi %div3A_18, %sub3A_39 : vector<16xi32>
    %select_n3A = arith.select %and3A, %sub3A_40, %div3A_18 : vector<16xi1>, vector<16xi32>
    %jit3A_41 = arith.constant 8 : i32
    %div3A_42 = vector.broadcast %jit3A_41 : i32 to vector<16xi32>
    %div3A_43 = arith.divsi %add3A_9, %div3A_42 : vector<16xi32>
    %sign3A_44 = arith.constant 0 : i32
    %sign3A_45 = vector.broadcast %sign3A_44 : i32 to vector<16xi32>
    %sign3A_46 = arith.cmpi sgt, %add3A_9, %sign3A_45 : vector<16xi32>
    %sign3A_47 = arith.extui %sign3A_46 : vector<16xi1> to vector<16xi32>
    %sign3A_48 = arith.constant 0 : i32
    %sign3A_49 = vector.broadcast %sign3A_48 : i32 to vector<16xi32>
    %sign3A_50 = arith.cmpi slt, %add3A_9, %sign3A_49 : vector<16xi32>
    %sign3A_51 = arith.extui %sign3A_50 : vector<16xi1> to vector<16xi32>
    %sign3A_52 = arith.subi %sign3A_47, %sign3A_51 : vector<16xi32>
    %sign3A_53 = arith.constant 0 : i32
    %sign3A_54 = arith.cmpi sgt, %jit3A_41, %sign3A_53 : i32
    %sign3A_55 = arith.extui %sign3A_54 : i1 to i32
    %sign3A_56 = arith.constant 0 : i32
    %sign3A_57 = arith.cmpi slt, %jit3A_41, %sign3A_56 : i32
    %sign3A_58 = arith.extui %sign3A_57 : i1 to i32
    %sign3A_59 = arith.subi %sign3A_55, %sign3A_58 : i32
    %ne3A_60 = vector.broadcast %sign3A_59 : i32 to vector<16xi32>
    %ne3A_61 = arith.cmpi ne, %sign3A_52, %ne3A_60 : vector<16xi32>
    %rem3A_62 = vector.broadcast %jit3A_41 : i32 to vector<16xi32>
    %rem3A_63 = arith.remsi %add3A_9, %rem3A_62 : vector<16xi32>
    %ne3A_64 = arith.constant 0 : i32
    %ne3A_65 = vector.broadcast %ne3A_64 : i32 to vector<16xi32>
    %ne3A_66 = arith.cmpi ne, %rem3A_63, %ne3A_65 : vector<16xi32>
    %and3A_67 = arith.andi %ne3A_61, %ne3A_66 : vector<16xi1>
    %sub3A_68 = arith.constant 1 : i32
    %sub3A_69 = vector.broadcast %sub3A_68 : i32 to vector<16xi32>
    %sub3A_70 = arith.subi %div3A_43, %sub3A_69 : vector<16xi32>
    %select_n3A_71 = arith.select %and3A_67, %sub3A_70, %div3A_43 : vector<16xi1>, vector<16xi32>
    %jit3A_72 = arith.constant 8 : i32
    %div3A_73 = vector.broadcast %jit3A_72 : i32 to vector<16xi32>
    %div3A_74 = arith.divsi %add3A_13, %div3A_73 : vector<16xi32>
    %sign3A_75 = arith.constant 0 : i32
    %sign3A_76 = vector.broadcast %sign3A_75 : i32 to vector<16xi32>
    %sign3A_77 = arith.cmpi sgt, %add3A_13, %sign3A_76 : vector<16xi32>
    %sign3A_78 = arith.extui %sign3A_77 : vector<16xi1> to vector<16xi32>
    %sign3A_79 = arith.constant 0 : i32
    %sign3A_80 = vector.broadcast %sign3A_79 : i32 to vector<16xi32>
    %sign3A_81 = arith.cmpi slt, %add3A_13, %sign3A_80 : vector<16xi32>
    %sign3A_82 = arith.extui %sign3A_81 : vector<16xi1> to vector<16xi32>
    %sign3A_83 = arith.subi %sign3A_78, %sign3A_82 : vector<16xi32>
    %sign3A_84 = arith.constant 0 : i32
    %sign3A_85 = arith.cmpi sgt, %jit3A_72, %sign3A_84 : i32
    %sign3A_86 = arith.extui %sign3A_85 : i1 to i32
    %sign3A_87 = arith.constant 0 : i32
    %sign3A_88 = arith.cmpi slt, %jit3A_72, %sign3A_87 : i32
    %sign3A_89 = arith.extui %sign3A_88 : i1 to i32
    %sign3A_90 = arith.subi %sign3A_86, %sign3A_89 : i32
    %ne3A_91 = vector.broadcast %sign3A_90 : i32 to vector<16xi32>
    %ne3A_92 = arith.cmpi ne, %sign3A_83, %ne3A_91 : vector<16xi32>
    %rem3A_93 = vector.broadcast %jit3A_72 : i32 to vector<16xi32>
    %rem3A_94 = arith.remsi %add3A_13, %rem3A_93 : vector<16xi32>
    %ne3A_95 = arith.constant 0 : i32
    %ne3A_96 = vector.broadcast %ne3A_95 : i32 to vector<16xi32>
    %ne3A_97 = arith.cmpi ne, %rem3A_94, %ne3A_96 : vector<16xi32>
    %and3A_98 = arith.andi %ne3A_92, %ne3A_97 : vector<16xi1>
    %sub3A_99 = arith.constant 1 : i32
    %sub3A_100 = vector.broadcast %sub3A_99 : i32 to vector<16xi32>
    %sub3A_101 = arith.subi %div3A_74, %sub3A_100 : vector<16xi32>
    %select_n3A_102 = arith.select %and3A_98, %sub3A_101, %div3A_74 : vector<16xi1>, vector<16xi32>
    %jit3A_103 = arith.constant 8 : i32
    %div3A_104 = vector.broadcast %jit3A_103 : i32 to vector<16xi32>
    %div3A_105 = arith.divsi %add3A_17, %div3A_104 : vector<16xi32>
    %sign3A_106 = arith.constant 0 : i32
    %sign3A_107 = vector.broadcast %sign3A_106 : i32 to vector<16xi32>
    %sign3A_108 = arith.cmpi sgt, %add3A_17, %sign3A_107 : vector<16xi32>
    %sign3A_109 = arith.extui %sign3A_108 : vector<16xi1> to vector<16xi32>
    %sign3A_110 = arith.constant 0 : i32
    %sign3A_111 = vector.broadcast %sign3A_110 : i32 to vector<16xi32>
    %sign3A_112 = arith.cmpi slt, %add3A_17, %sign3A_111 : vector<16xi32>
    %sign3A_113 = arith.extui %sign3A_112 : vector<16xi1> to vector<16xi32>
    %sign3A_114 = arith.subi %sign3A_109, %sign3A_113 : vector<16xi32>
    %sign3A_115 = arith.constant 0 : i32
    %sign3A_116 = arith.cmpi sgt, %jit3A_103, %sign3A_115 : i32
    %sign3A_117 = arith.extui %sign3A_116 : i1 to i32
    %sign3A_118 = arith.constant 0 : i32
    %sign3A_119 = arith.cmpi slt, %jit3A_103, %sign3A_118 : i32
    %sign3A_120 = arith.extui %sign3A_119 : i1 to i32
    %sign3A_121 = arith.subi %sign3A_117, %sign3A_120 : i32
    %ne3A_122 = vector.broadcast %sign3A_121 : i32 to vector<16xi32>
    %ne3A_123 = arith.cmpi ne, %sign3A_114, %ne3A_122 : vector<16xi32>
    %rem3A_124 = vector.broadcast %jit3A_103 : i32 to vector<16xi32>
    %rem3A_125 = arith.remsi %add3A_17, %rem3A_124 : vector<16xi32>
    %ne3A_126 = arith.constant 0 : i32
    %ne3A_127 = vector.broadcast %ne3A_126 : i32 to vector<16xi32>
    %ne3A_128 = arith.cmpi ne, %rem3A_125, %ne3A_127 : vector<16xi32>
    %and3A_129 = arith.andi %ne3A_123, %ne3A_128 : vector<16xi1>
    %sub3A_130 = arith.constant 1 : i32
    %sub3A_131 = vector.broadcast %sub3A_130 : i32 to vector<16xi32>
    %sub3A_132 = arith.subi %div3A_105, %sub3A_131 : vector<16xi32>
    %select_n3A_133 = arith.select %and3A_129, %sub3A_132, %div3A_105 : vector<16xi1>, vector<16xi32>
    %jit3A_134 = arith.constant 8 : i32
    %eq3A = arith.constant 0 : i32
    %eq3A_135 = arith.cmpi eq, %jit3A_134, %eq3A : i32
    %jit3A_136 = arith.constant 1 : i32
    %select_n3A_137 = arith.select %eq3A_135, %jit3A_136, %jit3A_134 : i32
    %rem3A_138 = vector.broadcast %select_n3A_137 : i32 to vector<16xi32>
    %rem3A_139 = arith.remsi %add3A_5, %rem3A_138 : vector<16xi32>
    %ne3A_140 = arith.constant 0 : i32
    %ne3A_141 = vector.broadcast %ne3A_140 : i32 to vector<16xi32>
    %ne3A_142 = arith.cmpi ne, %rem3A_139, %ne3A_141 : vector<16xi32>
    %lt3A = arith.constant 0 : i32
    %lt3A_143 = vector.broadcast %lt3A : i32 to vector<16xi32>
    %lt3A_144 = arith.cmpi slt, %rem3A_139, %lt3A_143 : vector<16xi32>
    %lt3A_145 = arith.constant 0 : i32
    %lt3A_146 = arith.cmpi slt, %select_n3A_137, %lt3A_145 : i32
    %ne3A_147 = vector.broadcast %lt3A_146 : i1 to vector<16xi1>
    %ne3A_148 = vector.broadcast %ne3A_147 : vector<16xi1> to vector<16xi1>
    %ne3A_149 = arith.xori %lt3A_144, %ne3A_148 : vector<16xi1>
    %and3A_150 = arith.andi %ne3A_149, %ne3A_142 : vector<16xi1>
    %add3A_151 = vector.broadcast %select_n3A_137 : i32 to vector<16xi32>
    %add3A_152 = arith.addi %rem3A_139, %add3A_151 : vector<16xi32>
    %select_n3A_153 = arith.select %and3A_150, %add3A_152, %rem3A_139 : vector<16xi1>, vector<16xi32>
    %jit3A_154 = arith.constant 8 : i32
    %eq3A_155 = arith.constant 0 : i32
    %eq3A_156 = arith.cmpi eq, %jit3A_154, %eq3A_155 : i32
    %jit3A_157 = arith.constant 1 : i32
    %select_n3A_158 = arith.select %eq3A_156, %jit3A_157, %jit3A_154 : i32
    %rem3A_159 = vector.broadcast %select_n3A_158 : i32 to vector<16xi32>
    %rem3A_160 = arith.remsi %add3A_9, %rem3A_159 : vector<16xi32>
    %ne3A_161 = arith.constant 0 : i32
    %ne3A_162 = vector.broadcast %ne3A_161 : i32 to vector<16xi32>
    %ne3A_163 = arith.cmpi ne, %rem3A_160, %ne3A_162 : vector<16xi32>
    %lt3A_164 = arith.constant 0 : i32
    %lt3A_165 = vector.broadcast %lt3A_164 : i32 to vector<16xi32>
    %lt3A_166 = arith.cmpi slt, %rem3A_160, %lt3A_165 : vector<16xi32>
    %lt3A_167 = arith.constant 0 : i32
    %lt3A_168 = arith.cmpi slt, %select_n3A_158, %lt3A_167 : i32
    %ne3A_169 = vector.broadcast %lt3A_168 : i1 to vector<16xi1>
    %ne3A_170 = vector.broadcast %ne3A_169 : vector<16xi1> to vector<16xi1>
    %ne3A_171 = arith.xori %lt3A_166, %ne3A_170 : vector<16xi1>
    %and3A_172 = arith.andi %ne3A_171, %ne3A_163 : vector<16xi1>
    %add3A_173 = vector.broadcast %select_n3A_158 : i32 to vector<16xi32>
    %add3A_174 = arith.addi %rem3A_160, %add3A_173 : vector<16xi32>
    %select_n3A_175 = arith.select %and3A_172, %add3A_174, %rem3A_160 : vector<16xi1>, vector<16xi32>
    %jit3A_176 = arith.constant 8 : i32
    %eq3A_177 = arith.constant 0 : i32
    %eq3A_178 = arith.cmpi eq, %jit3A_176, %eq3A_177 : i32
    %jit3A_179 = arith.constant 1 : i32
    %select_n3A_180 = arith.select %eq3A_178, %jit3A_179, %jit3A_176 : i32
    %rem3A_181 = vector.broadcast %select_n3A_180 : i32 to vector<16xi32>
    %rem3A_182 = arith.remsi %add3A_13, %rem3A_181 : vector<16xi32>
    %ne3A_183 = arith.constant 0 : i32
    %ne3A_184 = vector.broadcast %ne3A_183 : i32 to vector<16xi32>
    %ne3A_185 = arith.cmpi ne, %rem3A_182, %ne3A_184 : vector<16xi32>
    %lt3A_186 = arith.constant 0 : i32
    %lt3A_187 = vector.broadcast %lt3A_186 : i32 to vector<16xi32>
    %lt3A_188 = arith.cmpi slt, %rem3A_182, %lt3A_187 : vector<16xi32>
    %lt3A_189 = arith.constant 0 : i32
    %lt3A_190 = arith.cmpi slt, %select_n3A_180, %lt3A_189 : i32
    %ne3A_191 = vector.broadcast %lt3A_190 : i1 to vector<16xi1>
    %ne3A_192 = vector.broadcast %ne3A_191 : vector<16xi1> to vector<16xi1>
    %ne3A_193 = arith.xori %lt3A_188, %ne3A_192 : vector<16xi1>
    %and3A_194 = arith.andi %ne3A_193, %ne3A_185 : vector<16xi1>
    %add3A_195 = vector.broadcast %select_n3A_180 : i32 to vector<16xi32>
    %add3A_196 = arith.addi %rem3A_182, %add3A_195 : vector<16xi32>
    %select_n3A_197 = arith.select %and3A_194, %add3A_196, %rem3A_182 : vector<16xi1>, vector<16xi32>
    %jit3A_198 = arith.constant 8 : i32
    %eq3A_199 = arith.constant 0 : i32
    %eq3A_200 = arith.cmpi eq, %jit3A_198, %eq3A_199 : i32
    %jit3A_201 = arith.constant 1 : i32
    %select_n3A_202 = arith.select %eq3A_200, %jit3A_201, %jit3A_198 : i32
    %rem3A_203 = vector.broadcast %select_n3A_202 : i32 to vector<16xi32>
    %rem3A_204 = arith.remsi %add3A_17, %rem3A_203 : vector<16xi32>
    %ne3A_205 = arith.constant 0 : i32
    %ne3A_206 = vector.broadcast %ne3A_205 : i32 to vector<16xi32>
    %ne3A_207 = arith.cmpi ne, %rem3A_204, %ne3A_206 : vector<16xi32>
    %lt3A_208 = arith.constant 0 : i32
    %lt3A_209 = vector.broadcast %lt3A_208 : i32 to vector<16xi32>
    %lt3A_210 = arith.cmpi slt, %rem3A_204, %lt3A_209 : vector<16xi32>
    %lt3A_211 = arith.constant 0 : i32
    %lt3A_212 = arith.cmpi slt, %select_n3A_202, %lt3A_211 : i32
    %ne3A_213 = vector.broadcast %lt3A_212 : i1 to vector<16xi1>
    %ne3A_214 = vector.broadcast %ne3A_213 : vector<16xi1> to vector<16xi1>
    %ne3A_215 = arith.xori %lt3A_210, %ne3A_214 : vector<16xi1>
    %and3A_216 = arith.andi %ne3A_215, %ne3A_207 : vector<16xi1>
    %add3A_217 = vector.broadcast %select_n3A_202 : i32 to vector<16xi32>
    %add3A_218 = arith.addi %rem3A_204, %add3A_217 : vector<16xi32>
    %select_n3A_219 = arith.select %and3A_216, %add3A_218, %rem3A_204 : vector<16xi1>, vector<16xi32>
    %add3A_220 = arith.constant 0 : i32
    %add3A_221 = arith.addi %mul3A_2, %add3A_220 : i32
    %dma_start3A = arith.constant 0 : i32
    %dma_start3A_222 = arith.constant 0 : i32
    %dma_start3A_223 = arith.constant 0 : i32
    %dma_start3A_224 = tpu.memref_slice %arg5[%dma_start3A, %dma_start3A_222, %dma_start3A_223] : memref<3x2x128xi32, #tpu.memory_space<vmem>> -> memref<1x2x128xi32, #tpu.memory_space<vmem>>
    %dma_start3A_225 = tpu.memref_squeeze %dma_start3A_224 : memref<1x2x128xi32, #tpu.memory_space<vmem>> -> memref<2x128xi32, #tpu.memory_space<vmem>>
    %dma_start3A_226 = arith.constant 0 : i32
    %dma_start3A_227 = tpu.memref_slice %arg2[%add3A_221, %dma_start3A_226] : memref<6400x128xi32, #tpu.memory_space<hbm>> -> memref<2x128xi32, #tpu.memory_space<hbm>>
    %dma_start3A_228 = arith.constant 0 : i32
    %dma_start3A_229 = arith.constant 0 : i32
    %dma_start3A_230 = tpu.memref_slice %arg5[%dma_start3A, %dma_start3A_228, %dma_start3A_229] : memref<3x2x128xi32, #tpu.memory_space<vmem>> -> memref<1x2x128xi32, #tpu.memory_space<vmem>>
    %dma_start3A_231 = tpu.memref_squeeze %dma_start3A_230 : memref<1x2x128xi32, #tpu.memory_space<vmem>> -> memref<2x128xi32, #tpu.memory_space<vmem>>
    %dma_start3A_232 = arith.constant 0 : i32
    %dma_start3A_233 = tpu.memref_slice %arg2[%add3A_221, %dma_start3A_232] : memref<6400x128xi32, #tpu.memory_space<hbm>> -> memref<2x128xi32, #tpu.memory_space<hbm>>
    tpu.enqueue_dma source(%dma_start3A_233 : memref<2x128xi32, #tpu.memory_space<hbm>>) target(%dma_start3A_231 : memref<2x128xi32, #tpu.memory_space<vmem>>) target_semaphore(%arg16 : memref<!tpu.dma_semaphore, #tpu.memory_space<semaphore_mem>>)
    %add3A_234 = arith.constant 2 : i32
    %add3A_235 = arith.addi %mul3A_2, %add3A_234 : i32
    %dma_start3A_236 = arith.constant 1 : i32
    %dma_start3A_237 = arith.constant 0 : i32
    %dma_start3A_238 = arith.constant 0 : i32
    %dma_start3A_239 = tpu.memref_slice %arg5[%dma_start3A_236, %dma_start3A_237, %dma_start3A_238] : memref<3x2x128xi32, #tpu.memory_space<vmem>> -> memref<1x2x128xi32, #tpu.memory_space<vmem>>
    %dma_start3A_240 = tpu.memref_squeeze %dma_start3A_239 : memref<1x2x128xi32, #tpu.memory_space<vmem>> -> memref<2x128xi32, #tpu.memory_space<vmem>>
    %dma_start3A_241 = arith.constant 0 : i32
    %dma_start3A_242 = tpu.memref_slice %arg2[%add3A_235, %dma_start3A_241] : memref<6400x128xi32, #tpu.memory_space<hbm>> -> memref<2x128xi32, #tpu.memory_space<hbm>>
    %dma_start3A_243 = arith.constant 0 : i32
    %dma_start3A_244 = arith.constant 0 : i32
    %dma_start3A_245 = tpu.memref_slice %arg5[%dma_start3A_236, %dma_start3A_243, %dma_start3A_244] : memref<3x2x128xi32, #tpu.memory_space<vmem>> -> memref<1x2x128xi32, #tpu.memory_space<vmem>>
    %dma_start3A_246 = tpu.memref_squeeze %dma_start3A_245 : memref<1x2x128xi32, #tpu.memory_space<vmem>> -> memref<2x128xi32, #tpu.memory_space<vmem>>
    %dma_start3A_247 = arith.constant 0 : i32
    %dma_start3A_248 = tpu.memref_slice %arg2[%add3A_235, %dma_start3A_247] : memref<6400x128xi32, #tpu.memory_space<hbm>> -> memref<2x128xi32, #tpu.memory_space<hbm>>
    tpu.enqueue_dma source(%dma_start3A_248 : memref<2x128xi32, #tpu.memory_space<hbm>>) target(%dma_start3A_246 : memref<2x128xi32, #tpu.memory_space<vmem>>) target_semaphore(%arg17 : memref<!tpu.dma_semaphore, #tpu.memory_space<semaphore_mem>>)
    %add3A_249 = arith.constant 4 : i32
    %add3A_250 = arith.addi %mul3A_2, %add3A_249 : i32
    %dma_start3A_251 = arith.constant 2 : i32
    %dma_start3A_252 = arith.constant 0 : i32
    %dma_start3A_253 = arith.constant 0 : i32
    %dma_start3A_254 = tpu.memref_slice %arg5[%dma_start3A_251, %dma_start3A_252, %dma_start3A_253] : memref<3x2x128xi32, #tpu.memory_space<vmem>> -> memref<1x2x128xi32, #tpu.memory_space<vmem>>
    %dma_start3A_255 = tpu.memref_squeeze %dma_start3A_254 : memref<1x2x128xi32, #tpu.memory_space<vmem>> -> memref<2x128xi32, #tpu.memory_space<vmem>>
    %dma_start3A_256 = arith.constant 0 : i32
    %dma_start3A_257 = tpu.memref_slice %arg2[%add3A_250, %dma_start3A_256] : memref<6400x128xi32, #tpu.memory_space<hbm>> -> memref<2x128xi32, #tpu.memory_space<hbm>>
    %dma_start3A_258 = arith.constant 0 : i32
    %dma_start3A_259 = arith.constant 0 : i32
    %dma_start3A_260 = tpu.memref_slice %arg5[%dma_start3A_251, %dma_start3A_258, %dma_start3A_259] : memref<3x2x128xi32, #tpu.memory_space<vmem>> -> memref<1x2x128xi32, #tpu.memory_space<vmem>>
    %dma_start3A_261 = tpu.memref_squeeze %dma_start3A_260 : memref<1x2x128xi32, #tpu.memory_space<vmem>> -> memref<2x128xi32, #tpu.memory_space<vmem>>
    %dma_start3A_262 = arith.constant 0 : i32
    %dma_start3A_263 = tpu.memref_slice %arg2[%add3A_250, %dma_start3A_262] : memref<6400x128xi32, #tpu.memory_space<hbm>> -> memref<2x128xi32, #tpu.memory_space<hbm>>
    tpu.enqueue_dma source(%dma_start3A_263 : memref<2x128xi32, #tpu.memory_space<hbm>>) target(%dma_start3A_261 : memref<2x128xi32, #tpu.memory_space<vmem>>) target_semaphore(%arg18 : memref<!tpu.dma_semaphore, #tpu.memory_space<semaphore_mem>>)
    %add3A_264 = arith.constant 0 : i32
    %add3A_265 = arith.addi %mul3A_2, %add3A_264 : i32
    %dma_wait3A = arith.constant 0 : i32
    %dma_wait3A_266 = arith.constant 0 : i32
    %dma_wait3A_267 = arith.constant 0 : i32
    %dma_wait3A_268 = tpu.memref_slice %arg5[%dma_wait3A, %dma_wait3A_266, %dma_wait3A_267] : memref<3x2x128xi32, #tpu.memory_space<vmem>> -> memref<1x2x128xi32, #tpu.memory_space<vmem>>
    %dma_wait3A_269 = tpu.memref_squeeze %dma_wait3A_268 : memref<1x2x128xi32, #tpu.memory_space<vmem>> -> memref<2x128xi32, #tpu.memory_space<vmem>>
    %dma_wait3A_270 = arith.constant 0 : i32
    %dma_wait3A_271 = tpu.memref_slice %arg2[%add3A_265, %dma_wait3A_270] : memref<6400x128xi32, #tpu.memory_space<hbm>> -> memref<2x128xi32, #tpu.memory_space<hbm>>
    %dma_wait3A_272 = arith.constant 0 : i32
    %dma_wait3A_273 = arith.constant 0 : i32
    %dma_wait3A_274 = tpu.memref_slice %arg5[%dma_wait3A, %dma_wait3A_272, %dma_wait3A_273] : memref<3x2x128xi32, #tpu.memory_space<vmem>> -> memref<1x2x128xi32, #tpu.memory_space<vmem>>
    %dma_wait3A_275 = tpu.memref_squeeze %dma_wait3A_274 : memref<1x2x128xi32, #tpu.memory_space<vmem>> -> memref<2x128xi32, #tpu.memory_space<vmem>>
    %dma_wait3A_276 = arith.constant 0 : i32
    %dma_wait3A_277 = tpu.memref_slice %arg2[%add3A_265, %dma_wait3A_276] : memref<6400x128xi32, #tpu.memory_space<hbm>> -> memref<2x128xi32, #tpu.memory_space<hbm>>
    tpu.wait_dma2 semaphore(%arg16 : memref<!tpu.dma_semaphore, #tpu.memory_space<semaphore_mem>>) src(%dma_wait3A_277 : memref<2x128xi32, #tpu.memory_space<hbm>>) dst(%dma_wait3A_275 : memref<2x128xi32, #tpu.memory_space<vmem>>)
    %dma_start3A_278 = arith.constant 0 : i32
    %dma_start3A_279 = arith.constant 0 : i32
    %dma_start3A_280 = arith.constant 0 : i32
    %dma_start3A_281 = arith.constant 0 : i32
    %dma_start3A_282 = arith.constant 0 : i32
    %dma_start3A_283 = arith.constant 0 : i32
    %dma_start3A_284 = tpu.memref_slice %arg6[%dma_start3A_280, %dma_start3A_281, %dma_start3A_282, %dma_start3A_283] : memref<3x2x128x64xf32, #tpu.memory_space<vmem>> -> memref<1x1x128x64xf32, #tpu.memory_space<vmem>>
    %dma_start3A_285 = tpu.memref_squeeze %dma_start3A_284 : memref<1x1x128x64xf32, #tpu.memory_space<vmem>> -> memref<128x64xf32, #tpu.memory_space<vmem>>
    %dma_start3A_286 = arith.constant 0 : i32
    %dma_start3A_287 = tpu.memref_slice %arg5[%dma_start3A_278, %dma_start3A_279, %dma_start3A_286] : memref<3x2x128xi32, #tpu.memory_space<vmem>> -> memref<1x1x128xi32, #tpu.memory_space<vmem>>
    %dma_start3A_288 = tpu.memref_squeeze %dma_start3A_287 : memref<1x1x128xi32, #tpu.memory_space<vmem>> -> memref<128xi32, #tpu.memory_space<vmem>>
    %dma_start3A_289 = arith.constant 0 : i32
    %dma_start3A_290 = arith.constant 0 : i32
    %dma_start3A_291 = tpu.memref_slice %arg3[%dma_start3A_289, %dma_start3A_290] : memref<100000x64xf32, #tpu.memory_space<hbm>> -> memref<100000x64xf32, #tpu.memory_space<hbm>>
    tpu.enqueue_indirect_dma source(%dma_start3A_291 : memref<100000x64xf32, #tpu.memory_space<hbm>>) target(%dma_start3A_285 : memref<128x64xf32, #tpu.memory_space<vmem>>) offsets(%dma_start3A_288 : memref<128xi32, #tpu.memory_space<vmem>>) semaphore(%arg13 : memref<!tpu.dma_semaphore, #tpu.memory_space<semaphore_mem>>)
    %dma_start3A_292 = arith.constant 0 : i32
    %dma_start3A_293 = arith.constant 1 : i32
    %dma_start3A_294 = arith.constant 0 : i32
    %dma_start3A_295 = arith.constant 1 : i32
    %dma_start3A_296 = arith.constant 0 : i32
    %dma_start3A_297 = arith.constant 0 : i32
    %dma_start3A_298 = tpu.memref_slice %arg6[%dma_start3A_294, %dma_start3A_295, %dma_start3A_296, %dma_start3A_297] : memref<3x2x128x64xf32, #tpu.memory_space<vmem>> -> memref<1x1x128x64xf32, #tpu.memory_space<vmem>>
    %dma_start3A_299 = tpu.memref_squeeze %dma_start3A_298 : memref<1x1x128x64xf32, #tpu.memory_space<vmem>> -> memref<128x64xf32, #tpu.memory_space<vmem>>
    %dma_start3A_300 = arith.constant 0 : i32
    %dma_start3A_301 = tpu.memref_slice %arg5[%dma_start3A_292, %dma_start3A_293, %dma_start3A_300] : memref<3x2x128xi32, #tpu.memory_space<vmem>> -> memref<1x1x128xi32, #tpu.memory_space<vmem>>
    %dma_start3A_302 = tpu.memref_squeeze %dma_start3A_301 : memref<1x1x128xi32, #tpu.memory_space<vmem>> -> memref<128xi32, #tpu.memory_space<vmem>>
    %dma_start3A_303 = arith.constant 0 : i32
    %dma_start3A_304 = arith.constant 0 : i32
    %dma_start3A_305 = tpu.memref_slice %arg3[%dma_start3A_303, %dma_start3A_304] : memref<100000x64xf32, #tpu.memory_space<hbm>> -> memref<100000x64xf32, #tpu.memory_space<hbm>>
    tpu.enqueue_indirect_dma source(%dma_start3A_305 : memref<100000x64xf32, #tpu.memory_space<hbm>>) target(%dma_start3A_299 : memref<128x64xf32, #tpu.memory_space<vmem>>) offsets(%dma_start3A_302 : memref<128xi32, #tpu.memory_space<vmem>>) semaphore(%arg13 : memref<!tpu.dma_semaphore, #tpu.memory_space<semaphore_mem>>)
    %add3A_306 = arith.constant 2 : i32
    %add3A_307 = arith.addi %mul3A_2, %add3A_306 : i32
    %dma_wait3A_308 = arith.constant 1 : i32
    %dma_wait3A_309 = arith.constant 0 : i32
    %dma_wait3A_310 = arith.constant 0 : i32
    %dma_wait3A_311 = tpu.memref_slice %arg5[%dma_wait3A_308, %dma_wait3A_309, %dma_wait3A_310] : memref<3x2x128xi32, #tpu.memory_space<vmem>> -> memref<1x2x128xi32, #tpu.memory_space<vmem>>
    %dma_wait3A_312 = tpu.memref_squeeze %dma_wait3A_311 : memref<1x2x128xi32, #tpu.memory_space<vmem>> -> memref<2x128xi32, #tpu.memory_space<vmem>>
    %dma_wait3A_313 = arith.constant 0 : i32
    %dma_wait3A_314 = tpu.memref_slice %arg2[%add3A_307, %dma_wait3A_313] : memref<6400x128xi32, #tpu.memory_space<hbm>> -> memref<2x128xi32, #tpu.memory_space<hbm>>
    %dma_wait3A_315 = arith.constant 0 : i32
    %dma_wait3A_316 = arith.constant 0 : i32
    %dma_wait3A_317 = tpu.memref_slice %arg5[%dma_wait3A_308, %dma_wait3A_315, %dma_wait3A_316] : memref<3x2x128xi32, #tpu.memory_space<vmem>> -> memref<1x2x128xi32, #tpu.memory_space<vmem>>
    %dma_wait3A_318 = tpu.memref_squeeze %dma_wait3A_317 : memref<1x2x128xi32, #tpu.memory_space<vmem>> -> memref<2x128xi32, #tpu.memory_space<vmem>>
    %dma_wait3A_319 = arith.constant 0 : i32
    %dma_wait3A_320 = tpu.memref_slice %arg2[%add3A_307, %dma_wait3A_319] : memref<6400x128xi32, #tpu.memory_space<hbm>> -> memref<2x128xi32, #tpu.memory_space<hbm>>
    tpu.wait_dma2 semaphore(%arg17 : memref<!tpu.dma_semaphore, #tpu.memory_space<semaphore_mem>>) src(%dma_wait3A_320 : memref<2x128xi32, #tpu.memory_space<hbm>>) dst(%dma_wait3A_318 : memref<2x128xi32, #tpu.memory_space<vmem>>)
    %dma_start3A_321 = arith.constant 1 : i32
    %dma_start3A_322 = arith.constant 0 : i32
    %dma_start3A_323 = arith.constant 1 : i32
    %dma_start3A_324 = arith.constant 0 : i32
    %dma_start3A_325 = arith.constant 0 : i32
    %dma_start3A_326 = arith.constant 0 : i32
    %dma_start3A_327 = tpu.memref_slice %arg6[%dma_start3A_323, %dma_start3A_324, %dma_start3A_325, %dma_start3A_326] : memref<3x2x128x64xf32, #tpu.memory_space<vmem>> -> memref<1x1x128x64xf32, #tpu.memory_space<vmem>>
    %dma_start3A_328 = tpu.memref_squeeze %dma_start3A_327 : memref<1x1x128x64xf32, #tpu.memory_space<vmem>> -> memref<128x64xf32, #tpu.memory_space<vmem>>
    %dma_start3A_329 = arith.constant 0 : i32
    %dma_start3A_330 = tpu.memref_slice %arg5[%dma_start3A_321, %dma_start3A_322, %dma_start3A_329] : memref<3x2x128xi32, #tpu.memory_space<vmem>> -> memref<1x1x128xi32, #tpu.memory_space<vmem>>
    %dma_start3A_331 = tpu.memref_squeeze %dma_start3A_330 : memref<1x1x128xi32, #tpu.memory_space<vmem>> -> memref<128xi32, #tpu.memory_space<vmem>>
    %dma_start3A_332 = arith.constant 0 : i32
    %dma_start3A_333 = arith.constant 0 : i32
    %dma_start3A_334 = tpu.memref_slice %arg3[%dma_start3A_332, %dma_start3A_333] : memref<100000x64xf32, #tpu.memory_space<hbm>> -> memref<100000x64xf32, #tpu.memory_space<hbm>>
    tpu.enqueue_indirect_dma source(%dma_start3A_334 : memref<100000x64xf32, #tpu.memory_space<hbm>>) target(%dma_start3A_328 : memref<128x64xf32, #tpu.memory_space<vmem>>) offsets(%dma_start3A_331 : memref<128xi32, #tpu.memory_space<vmem>>) semaphore(%arg14 : memref<!tpu.dma_semaphore, #tpu.memory_space<semaphore_mem>>)
    %dma_start3A_335 = arith.constant 1 : i32
    %dma_start3A_336 = arith.constant 1 : i32
    %dma_start3A_337 = arith.constant 1 : i32
    %dma_start3A_338 = arith.constant 1 : i32
    %dma_start3A_339 = arith.constant 0 : i32
    %dma_start3A_340 = arith.constant 0 : i32
    %dma_start3A_341 = tpu.memref_slice %arg6[%dma_start3A_337, %dma_start3A_338, %dma_start3A_339, %dma_start3A_340] : memref<3x2x128x64xf32, #tpu.memory_space<vmem>> -> memref<1x1x128x64xf32, #tpu.memory_space<vmem>>
    %dma_start3A_342 = tpu.memref_squeeze %dma_start3A_341 : memref<1x1x128x64xf32, #tpu.memory_space<vmem>> -> memref<128x64xf32, #tpu.memory_space<vmem>>
    %dma_start3A_343 = arith.constant 0 : i32
    %dma_start3A_344 = tpu.memref_slice %arg5[%dma_start3A_335, %dma_start3A_336, %dma_start3A_343] : memref<3x2x128xi32, #tpu.memory_space<vmem>> -> memref<1x1x128xi32, #tpu.memory_space<vmem>>
    %dma_start3A_345 = tpu.memref_squeeze %dma_start3A_344 : memref<1x1x128xi32, #tpu.memory_space<vmem>> -> memref<128xi32, #tpu.memory_space<vmem>>
    %dma_start3A_346 = arith.constant 0 : i32
    %dma_start3A_347 = arith.constant 0 : i32
    %dma_start3A_348 = tpu.memref_slice %arg3[%dma_start3A_346, %dma_start3A_347] : memref<100000x64xf32, #tpu.memory_space<hbm>> -> memref<100000x64xf32, #tpu.memory_space<hbm>>
    tpu.enqueue_indirect_dma source(%dma_start3A_348 : memref<100000x64xf32, #tpu.memory_space<hbm>>) target(%dma_start3A_342 : memref<128x64xf32, #tpu.memory_space<vmem>>) offsets(%dma_start3A_345 : memref<128xi32, #tpu.memory_space<vmem>>) semaphore(%arg14 : memref<!tpu.dma_semaphore, #tpu.memory_space<semaphore_mem>>)
    %scan3A = arith.constant 0 : i32
    %scan3A_349 = arith.constant 0 : i32
    %scan3A_350 = arith.constant 33 : i32
    %scan3A_351 = arith.addi %scan3A_349, %scan3A_350 : i32
    %scan3A_352 = arith.constant 1 : i32
    scf.for %scan3A_1011 = %scan3A_349 to %scan3A_351 step %scan3A_352  : i32 {
      %mul3A_1012 = arith.constant 3 : i32
      %mul3A_1013 = arith.muli %mul3A_1012, %scan3A_1011 : i32
      %add3A_1014 = arith.constant 0 : i32
      %add3A_1015 = arith.addi %mul3A_1013, %add3A_1014 : i32
      %dma_wait3A_1016 = arith.constant 0 : i32
      %dma_wait3A_1017 = arith.constant 0 : i32
      %dma_wait3A_1018 = arith.constant 0 : i32
      %dma_wait3A_1019 = arith.constant 0 : i32
      %dma_wait3A_1020 = arith.constant 0 : i32
      %dma_wait3A_1021 = arith.constant 0 : i32
      %dma_wait3A_1022 = tpu.memref_slice %arg6[%dma_wait3A_1018, %dma_wait3A_1019, %dma_wait3A_1020, %dma_wait3A_1021] : memref<3x2x128x64xf32, #tpu.memory_space<vmem>> -> memref<1x1x128x64xf32, #tpu.memory_space<vmem>>
      %dma_wait3A_1023 = tpu.memref_squeeze %dma_wait3A_1022 : memref<1x1x128x64xf32, #tpu.memory_space<vmem>> -> memref<128x64xf32, #tpu.memory_space<vmem>>
      %dma_wait3A_1024 = arith.constant 0 : i32
      %dma_wait3A_1025 = tpu.memref_slice %arg5[%dma_wait3A_1016, %dma_wait3A_1017, %dma_wait3A_1024] : memref<3x2x128xi32, #tpu.memory_space<vmem>> -> memref<1x1x128xi32, #tpu.memory_space<vmem>>
      %dma_wait3A_1026 = tpu.memref_squeeze %dma_wait3A_1025 : memref<1x1x128xi32, #tpu.memory_space<vmem>> -> memref<128xi32, #tpu.memory_space<vmem>>
      %dma_wait3A_1027 = arith.constant 0 : i32
      %dma_wait3A_1028 = arith.constant 0 : i32
      %dma_wait3A_1029 = tpu.memref_slice %arg3[%dma_wait3A_1027, %dma_wait3A_1028] : memref<100000x64xf32, #tpu.memory_space<hbm>> -> memref<100000x64xf32, #tpu.memory_space<hbm>>
      tpu.wait_indirect_dma semaphore(%arg13 : memref<!tpu.dma_semaphore, #tpu.memory_space<semaphore_mem>>) src(%dma_wait3A_1029 : memref<100000x64xf32, #tpu.memory_space<hbm>>) dst(%dma_wait3A_1023 : memref<128x64xf32, #tpu.memory_space<vmem>>)
      %dma_wait3A_1030 = arith.constant 0 : i32
      %dma_wait3A_1031 = arith.constant 1 : i32
      %dma_wait3A_1032 = arith.constant 0 : i32
      %dma_wait3A_1033 = arith.constant 1 : i32
      %dma_wait3A_1034 = arith.constant 0 : i32
      %dma_wait3A_1035 = arith.constant 0 : i32
      %dma_wait3A_1036 = tpu.memref_slice %arg6[%dma_wait3A_1032, %dma_wait3A_1033, %dma_wait3A_1034, %dma_wait3A_1035] : memref<3x2x128x64xf32, #tpu.memory_space<vmem>> -> memref<1x1x128x64xf32, #tpu.memory_space<vmem>>
      %dma_wait3A_1037 = tpu.memref_squeeze %dma_wait3A_1036 : memref<1x1x128x64xf32, #tpu.memory_space<vmem>> -> memref<128x64xf32, #tpu.memory_space<vmem>>
      %dma_wait3A_1038 = arith.constant 0 : i32
      %dma_wait3A_1039 = tpu.memref_slice %arg5[%dma_wait3A_1030, %dma_wait3A_1031, %dma_wait3A_1038] : memref<3x2x128xi32, #tpu.memory_space<vmem>> -> memref<1x1x128xi32, #tpu.memory_space<vmem>>
      %dma_wait3A_1040 = tpu.memref_squeeze %dma_wait3A_1039 : memref<1x1x128xi32, #tpu.memory_space<vmem>> -> memref<128xi32, #tpu.memory_space<vmem>>
      %dma_wait3A_1041 = arith.constant 0 : i32
      %dma_wait3A_1042 = arith.constant 0 : i32
      %dma_wait3A_1043 = tpu.memref_slice %arg3[%dma_wait3A_1041, %dma_wait3A_1042] : memref<100000x64xf32, #tpu.memory_space<hbm>> -> memref<100000x64xf32, #tpu.memory_space<hbm>>
      tpu.wait_indirect_dma semaphore(%arg13 : memref<!tpu.dma_semaphore, #tpu.memory_space<semaphore_mem>>) src(%dma_wait3A_1043 : memref<100000x64xf32, #tpu.memory_space<hbm>>) dst(%dma_wait3A_1037 : memref<128x64xf32, #tpu.memory_space<vmem>>)
      %add3A_1044 = arith.constant 3 : i32
      %add3A_1045 = arith.addi %add3A_1015, %add3A_1044 : i32
      %lt3A_1046 = arith.constant 100 : i32
      %lt3A_1047 = arith.cmpi slt, %add3A_1045, %lt3A_1046 : i32
      %convert_element_type3A = arith.extui %lt3A_1047 : i1 to i32
      %cond3A = arith.constant 0 : i32
      %cond3A_1048 = arith.cmpi ne, %convert_element_type3A, %cond3A : i32
      scf.if %cond3A_1048 {
        %add3A_1570 = arith.constant 3 : i32
        %add3A_1571 = arith.addi %add3A_1015, %add3A_1570 : i32
        %mul3A_1572 = arith.constant 2 : i32
        %mul3A_1573 = arith.muli %add3A_1571, %mul3A_1572 : i32
        %add3A_1574 = arith.addi %mul3A_2, %mul3A_1573 : i32
        %dma_start3A_1575 = arith.constant 0 : i32
        %dma_start3A_1576 = arith.constant 0 : i32
        %dma_start3A_1577 = arith.constant 0 : i32
        %dma_start3A_1578 = tpu.memref_slice %arg5[%dma_start3A_1575, %dma_start3A_1576, %dma_start3A_1577] : memref<3x2x128xi32, #tpu.memory_space<vmem>> -> memref<1x2x128xi32, #tpu.memory_space<vmem>>
        %dma_start3A_1579 = tpu.memref_squeeze %dma_start3A_1578 : memref<1x2x128xi32, #tpu.memory_space<vmem>> -> memref<2x128xi32, #tpu.memory_space<vmem>>
        %dma_start3A_1580 = arith.constant 0 : i32
        %dma_start3A_1581 = tpu.memref_slice %arg2[%add3A_1574, %dma_start3A_1580] : memref<6400x128xi32, #tpu.memory_space<hbm>> -> memref<2x128xi32, #tpu.memory_space<hbm>>
        %dma_start3A_1582 = arith.constant 0 : i32
        %dma_start3A_1583 = arith.constant 0 : i32
        %dma_start3A_1584 = tpu.memref_slice %arg5[%dma_start3A_1575, %dma_start3A_1582, %dma_start3A_1583] : memref<3x2x128xi32, #tpu.memory_space<vmem>> -> memref<1x2x128xi32, #tpu.memory_space<vmem>>
        %dma_start3A_1585 = tpu.memref_squeeze %dma_start3A_1584 : memref<1x2x128xi32, #tpu.memory_space<vmem>> -> memref<2x128xi32, #tpu.memory_space<vmem>>
        %dma_start3A_1586 = arith.constant 0 : i32
        %dma_start3A_1587 = tpu.memref_slice %arg2[%add3A_1574, %dma_start3A_1586] : memref<6400x128xi32, #tpu.memory_space<hbm>> -> memref<2x128xi32, #tpu.memory_space<hbm>>
        tpu.enqueue_dma source(%dma_start3A_1587 : memref<2x128xi32, #tpu.memory_space<hbm>>) target(%dma_start3A_1585 : memref<2x128xi32, #tpu.memory_space<vmem>>) target_semaphore(%arg16 : memref<!tpu.dma_semaphore, #tpu.memory_space<semaphore_mem>>)
      } else {
      }
      %add3A_1049 = arith.constant 2 : i32
      %add3A_1050 = arith.addi %add3A_1015, %add3A_1049 : i32
      %lt3A_1051 = arith.constant 100 : i32
      %lt3A_1052 = arith.cmpi slt, %add3A_1050, %lt3A_1051 : i32
      %convert_element_type3A_1053 = arith.extui %lt3A_1052 : i1 to i32
      %cond3A_1054 = arith.constant 0 : i32
      %cond3A_1055 = arith.cmpi ne, %convert_element_type3A_1053, %cond3A_1054 : i32
      scf.if %cond3A_1055 {
        %add3A_1570 = arith.constant 2 : i32
        %add3A_1571 = arith.addi %add3A_1015, %add3A_1570 : i32
        %mul3A_1572 = arith.constant 2 : i32
        %mul3A_1573 = arith.muli %add3A_1571, %mul3A_1572 : i32
        %add3A_1574 = arith.addi %mul3A_2, %mul3A_1573 : i32
        %dma_wait3A_1575 = arith.constant 2 : i32
        %dma_wait3A_1576 = arith.constant 0 : i32
        %dma_wait3A_1577 = arith.constant 0 : i32
        %dma_wait3A_1578 = tpu.memref_slice %arg5[%dma_wait3A_1575, %dma_wait3A_1576, %dma_wait3A_1577] : memref<3x2x128xi32, #tpu.memory_space<vmem>> -> memref<1x2x128xi32, #tpu.memory_space<vmem>>
        %dma_wait3A_1579 = tpu.memref_squeeze %dma_wait3A_1578 : memref<1x2x128xi32, #tpu.memory_space<vmem>> -> memref<2x128xi32, #tpu.memory_space<vmem>>
        %dma_wait3A_1580 = arith.constant 0 : i32
        %dma_wait3A_1581 = tpu.memref_slice %arg2[%add3A_1574, %dma_wait3A_1580] : memref<6400x128xi32, #tpu.memory_space<hbm>> -> memref<2x128xi32, #tpu.memory_space<hbm>>
        %dma_wait3A_1582 = arith.constant 0 : i32
        %dma_wait3A_1583 = arith.constant 0 : i32
        %dma_wait3A_1584 = tpu.memref_slice %arg5[%dma_wait3A_1575, %dma_wait3A_1582, %dma_wait3A_1583] : memref<3x2x128xi32, #tpu.memory_space<vmem>> -> memref<1x2x128xi32, #tpu.memory_space<vmem>>
        %dma_wait3A_1585 = tpu.memref_squeeze %dma_wait3A_1584 : memref<1x2x128xi32, #tpu.memory_space<vmem>> -> memref<2x128xi32, #tpu.memory_space<vmem>>
        %dma_wait3A_1586 = arith.constant 0 : i32
        %dma_wait3A_1587 = tpu.memref_slice %arg2[%add3A_1574, %dma_wait3A_1586] : memref<6400x128xi32, #tpu.memory_space<hbm>> -> memref<2x128xi32, #tpu.memory_space<hbm>>
        tpu.wait_dma2 semaphore(%arg18 : memref<!tpu.dma_semaphore, #tpu.memory_space<semaphore_mem>>) src(%dma_wait3A_1587 : memref<2x128xi32, #tpu.memory_space<hbm>>) dst(%dma_wait3A_1585 : memref<2x128xi32, #tpu.memory_space<vmem>>)
        %dma_start3A_1588 = arith.constant 2 : i32
        %dma_start3A_1589 = arith.constant 0 : i32
        %dma_start3A_1590 = arith.constant 2 : i32
        %dma_start3A_1591 = arith.constant 0 : i32
        %dma_start3A_1592 = arith.constant 0 : i32
        %dma_start3A_1593 = arith.constant 0 : i32
        %dma_start3A_1594 = tpu.memref_slice %arg6[%dma_start3A_1590, %dma_start3A_1591, %dma_start3A_1592, %dma_start3A_1593] : memref<3x2x128x64xf32, #tpu.memory_space<vmem>> -> memref<1x1x128x64xf32, #tpu.memory_space<vmem>>
        %dma_start3A_1595 = tpu.memref_squeeze %dma_start3A_1594 : memref<1x1x128x64xf32, #tpu.memory_space<vmem>> -> memref<128x64xf32, #tpu.memory_space<vmem>>
        %dma_start3A_1596 = arith.constant 0 : i32
        %dma_start3A_1597 = tpu.memref_slice %arg5[%dma_start3A_1588, %dma_start3A_1589, %dma_start3A_1596] : memref<3x2x128xi32, #tpu.memory_space<vmem>> -> memref<1x1x128xi32, #tpu.memory_space<vmem>>
        %dma_start3A_1598 = tpu.memref_squeeze %dma_start3A_1597 : memref<1x1x128xi32, #tpu.memory_space<vmem>> -> memref<128xi32, #tpu.memory_space<vmem>>
        %dma_start3A_1599 = arith.constant 0 : i32
        %dma_start3A_1600 = arith.constant 0 : i32
        %dma_start3A_1601 = tpu.memref_slice %arg3[%dma_start3A_1599, %dma_start3A_1600] : memref<100000x64xf32, #tpu.memory_space<hbm>> -> memref<100000x64xf32, #tpu.memory_space<hbm>>
        tpu.enqueue_indirect_dma source(%dma_start3A_1601 : memref<100000x64xf32, #tpu.memory_space<hbm>>) target(%dma_start3A_1595 : memref<128x64xf32, #tpu.memory_space<vmem>>) offsets(%dma_start3A_1598 : memref<128xi32, #tpu.memory_space<vmem>>) semaphore(%arg15 : memref<!tpu.dma_semaphore, #tpu.memory_space<semaphore_mem>>)
        %dma_start3A_1602 = arith.constant 2 : i32
        %dma_start3A_1603 = arith.constant 1 : i32
        %dma_start3A_1604 = arith.constant 2 : i32
        %dma_start3A_1605 = arith.constant 1 : i32
        %dma_start3A_1606 = arith.constant 0 : i32
        %dma_start3A_1607 = arith.constant 0 : i32
        %dma_start3A_1608 = tpu.memref_slice %arg6[%dma_start3A_1604, %dma_start3A_1605, %dma_start3A_1606, %dma_start3A_1607] : memref<3x2x128x64xf32, #tpu.memory_space<vmem>> -> memref<1x1x128x64xf32, #tpu.memory_space<vmem>>
        %dma_start3A_1609 = tpu.memref_squeeze %dma_start3A_1608 : memref<1x1x128x64xf32, #tpu.memory_space<vmem>> -> memref<128x64xf32, #tpu.memory_space<vmem>>
        %dma_start3A_1610 = arith.constant 0 : i32
        %dma_start3A_1611 = tpu.memref_slice %arg5[%dma_start3A_1602, %dma_start3A_1603, %dma_start3A_1610] : memref<3x2x128xi32, #tpu.memory_space<vmem>> -> memref<1x1x128xi32, #tpu.memory_space<vmem>>
        %dma_start3A_1612 = tpu.memref_squeeze %dma_start3A_1611 : memref<1x1x128xi32, #tpu.memory_space<vmem>> -> memref<128xi32, #tpu.memory_space<vmem>>
        %dma_start3A_1613 = arith.constant 0 : i32
        %dma_start3A_1614 = arith.constant 0 : i32
        %dma_start3A_1615 = tpu.memref_slice %arg3[%dma_start3A_1613, %dma_start3A_1614] : memref<100000x64xf32, #tpu.memory_space<hbm>> -> memref<100000x64xf32, #tpu.memory_space<hbm>>
        tpu.enqueue_indirect_dma source(%dma_start3A_1615 : memref<100000x64xf32, #tpu.memory_space<hbm>>) target(%dma_start3A_1609 : memref<128x64xf32, #tpu.memory_space<vmem>>) offsets(%dma_start3A_1612 : memref<128xi32, #tpu.memory_space<vmem>>) semaphore(%arg15 : memref<!tpu.dma_semaphore, #tpu.memory_space<semaphore_mem>>)
      } else {
      }
      %ge3A = arith.constant 3 : i32
      %ge3A_1056 = arith.cmpi sge, %add3A_1015, %ge3A : i32
      %convert_element_type3A_1057 = arith.extui %ge3A_1056 : i1 to i32
      %cond3A_1058 = arith.constant 0 : i32
      %cond3A_1059 = arith.cmpi ne, %convert_element_type3A_1057, %cond3A_1058 : i32
      scf.if %cond3A_1059 {
        %sub3A_1570 = arith.constant 3 : i32
        %sub3A_1571 = arith.subi %add3A_1015, %sub3A_1570 : i32
        %mul3A_1572 = arith.constant 2 : i32
        %mul3A_1573 = arith.muli %sub3A_1571, %mul3A_1572 : i32
        %add3A_1574 = arith.addi %mul3A_2, %mul3A_1573 : i32
        %add3A_1575 = arith.constant 0 : i32
        %add3A_1576 = arith.addi %add3A_1574, %add3A_1575 : i32
        %jit3A_1577 = arith.constant 32 : i32
        %div3A_1578 = arith.divsi %add3A_1576, %jit3A_1577 : i32
        %sign3A_1579 = arith.constant 0 : i32
        %sign3A_1580 = arith.cmpi sgt, %add3A_1576, %sign3A_1579 : i32
        %sign3A_1581 = arith.extui %sign3A_1580 : i1 to i32
        %sign3A_1582 = arith.constant 0 : i32
        %sign3A_1583 = arith.cmpi slt, %add3A_1576, %sign3A_1582 : i32
        %sign3A_1584 = arith.extui %sign3A_1583 : i1 to i32
        %sign3A_1585 = arith.subi %sign3A_1581, %sign3A_1584 : i32
        %sign3A_1586 = arith.constant 0 : i32
        %sign3A_1587 = arith.cmpi sgt, %jit3A_1577, %sign3A_1586 : i32
        %sign3A_1588 = arith.extui %sign3A_1587 : i1 to i32
        %sign3A_1589 = arith.constant 0 : i32
        %sign3A_1590 = arith.cmpi slt, %jit3A_1577, %sign3A_1589 : i32
        %sign3A_1591 = arith.extui %sign3A_1590 : i1 to i32
        %sign3A_1592 = arith.subi %sign3A_1588, %sign3A_1591 : i32
        %ne3A_1593 = arith.cmpi ne, %sign3A_1585, %sign3A_1592 : i32
        %rem3A_1594 = arith.remsi %add3A_1576, %jit3A_1577 : i32
        %ne3A_1595 = arith.constant 0 : i32
        %ne3A_1596 = arith.cmpi ne, %rem3A_1594, %ne3A_1595 : i32
        %and3A_1597 = arith.andi %ne3A_1593, %ne3A_1596 : i1
        %sub3A_1598 = arith.constant 1 : i32
        %sub3A_1599 = arith.subi %div3A_1578, %sub3A_1598 : i32
        %select_n3A_1600 = arith.select %and3A_1597, %sub3A_1599, %div3A_1578 : i32
        %jit3A_1601 = arith.constant 32 : i32
        %eq3A_1602 = arith.constant 0 : i32
        %eq3A_1603 = arith.cmpi eq, %jit3A_1601, %eq3A_1602 : i32
        %jit3A_1604 = arith.constant 1 : i32
        %select_n3A_1605 = arith.select %eq3A_1603, %jit3A_1604, %jit3A_1601 : i32
        %rem3A_1606 = arith.remsi %add3A_1576, %select_n3A_1605 : i32
        %ne3A_1607 = arith.constant 0 : i32
        %ne3A_1608 = arith.cmpi ne, %rem3A_1606, %ne3A_1607 : i32
        %lt3A_1609 = arith.constant 0 : i32
        %lt3A_1610 = arith.cmpi slt, %rem3A_1606, %lt3A_1609 : i32
        %lt3A_1611 = arith.constant 0 : i32
        %lt3A_1612 = arith.cmpi slt, %select_n3A_1605, %lt3A_1611 : i32
        %ne3A_1613 = arith.xori %lt3A_1610, %lt3A_1612 : i1
        %and3A_1614 = arith.andi %ne3A_1613, %ne3A_1608 : i1
        %add3A_1615 = arith.addi %rem3A_1606, %select_n3A_1605 : i32
        %select_n3A_1616 = arith.select %and3A_1614, %add3A_1615, %rem3A_1606 : i32
        %dma_wait3A_1617 = arith.constant 0 : i32
        %dma_wait3A_1618 = arith.constant 0 : i32
        %dma_wait3A_1619 = arith.constant 0 : i32
        %dma_wait3A_1620 = tpu.memref_slice %arg7[%dma_wait3A_1617, %dma_wait3A_1618, %dma_wait3A_1619] : memref<8x8x129xf32, #tpu.memory_space<vmem>> -> memref<8x8x128xf32, #tpu.memory_space<vmem>>
        %dma_wait3A_1621 = arith.constant 0 : i32
        %dma_wait3A_1622 = arith.constant 0 : i32
        %dma_wait3A_1623 = arith.constant 0 : i32
        %dma_wait3A_1624 = tpu.memref_slice %arg4[%select_n3A_1600, %dma_wait3A_1621, %select_n3A_1616, %dma_wait3A_1622, %dma_wait3A_1623] : memref<200x8x32x8x128xf32, #tpu.memory_space<hbm>> -> memref<1x8x1x8x128xf32, #tpu.memory_space<hbm>>
        %dma_wait3A_1625 = tpu.memref_squeeze %dma_wait3A_1624 : memref<1x8x1x8x128xf32, #tpu.memory_space<hbm>> -> memref<8x8x128xf32, #tpu.memory_space<hbm>>
        %dma_wait3A_1626 = arith.constant 0 : i32
        %dma_wait3A_1627 = arith.constant 0 : i32
        %dma_wait3A_1628 = arith.constant 0 : i32
        %dma_wait3A_1629 = tpu.memref_slice %arg4[%select_n3A_1600, %dma_wait3A_1626, %select_n3A_1616, %dma_wait3A_1627, %dma_wait3A_1628] : memref<200x8x32x8x128xf32, #tpu.memory_space<hbm>> -> memref<1x8x1x8x128xf32, #tpu.memory_space<hbm>>
        %dma_wait3A_1630 = tpu.memref_squeeze %dma_wait3A_1629 : memref<1x8x1x8x128xf32, #tpu.memory_space<hbm>> -> memref<8x8x128xf32, #tpu.memory_space<hbm>>
        %dma_wait3A_1631 = arith.constant 0 : i32
        %dma_wait3A_1632 = arith.constant 0 : i32
        %dma_wait3A_1633 = arith.constant 0 : i32
        %dma_wait3A_1634 = tpu.memref_slice %arg7[%dma_wait3A_1631, %dma_wait3A_1632, %dma_wait3A_1633] : memref<8x8x129xf32, #tpu.memory_space<vmem>> -> memref<8x8x128xf32, #tpu.memory_space<vmem>>
        tpu.wait_dma2 semaphore(%arg19 : memref<!tpu.dma_semaphore, #tpu.memory_space<semaphore_mem>>) src(%dma_wait3A_1634 : memref<8x8x128xf32, #tpu.memory_space<vmem>>) dst(%dma_wait3A_1630 : memref<8x8x128xf32, #tpu.memory_space<hbm>>)
        %mul3A_1635 = arith.constant 2 : i32
        %mul3A_1636 = arith.muli %sub3A_1571, %mul3A_1635 : i32
        %add3A_1637 = arith.addi %mul3A_2, %mul3A_1636 : i32
        %add3A_1638 = arith.constant 1 : i32
        %add3A_1639 = arith.addi %add3A_1637, %add3A_1638 : i32
        %jit3A_1640 = arith.constant 32 : i32
        %div3A_1641 = arith.divsi %add3A_1639, %jit3A_1640 : i32
        %sign3A_1642 = arith.constant 0 : i32
        %sign3A_1643 = arith.cmpi sgt, %add3A_1639, %sign3A_1642 : i32
        %sign3A_1644 = arith.extui %sign3A_1643 : i1 to i32
        %sign3A_1645 = arith.constant 0 : i32
        %sign3A_1646 = arith.cmpi slt, %add3A_1639, %sign3A_1645 : i32
        %sign3A_1647 = arith.extui %sign3A_1646 : i1 to i32
        %sign3A_1648 = arith.subi %sign3A_1644, %sign3A_1647 : i32
        %sign3A_1649 = arith.constant 0 : i32
        %sign3A_1650 = arith.cmpi sgt, %jit3A_1640, %sign3A_1649 : i32
        %sign3A_1651 = arith.extui %sign3A_1650 : i1 to i32
        %sign3A_1652 = arith.constant 0 : i32
        %sign3A_1653 = arith.cmpi slt, %jit3A_1640, %sign3A_1652 : i32
        %sign3A_1654 = arith.extui %sign3A_1653 : i1 to i32
        %sign3A_1655 = arith.subi %sign3A_1651, %sign3A_1654 : i32
        %ne3A_1656 = arith.cmpi ne, %sign3A_1648, %sign3A_1655 : i32
        %rem3A_1657 = arith.remsi %add3A_1639, %jit3A_1640 : i32
        %ne3A_1658 = arith.constant 0 : i32
        %ne3A_1659 = arith.cmpi ne, %rem3A_1657, %ne3A_1658 : i32
        %and3A_1660 = arith.andi %ne3A_1656, %ne3A_1659 : i1
        %sub3A_1661 = arith.constant 1 : i32
        %sub3A_1662 = arith.subi %div3A_1641, %sub3A_1661 : i32
        %select_n3A_1663 = arith.select %and3A_1660, %sub3A_1662, %div3A_1641 : i32
        %jit3A_1664 = arith.constant 32 : i32
        %eq3A_1665 = arith.constant 0 : i32
        %eq3A_1666 = arith.cmpi eq, %jit3A_1664, %eq3A_1665 : i32
        %jit3A_1667 = arith.constant 1 : i32
        %select_n3A_1668 = arith.select %eq3A_1666, %jit3A_1667, %jit3A_1664 : i32
        %rem3A_1669 = arith.remsi %add3A_1639, %select_n3A_1668 : i32
        %ne3A_1670 = arith.constant 0 : i32
        %ne3A_1671 = arith.cmpi ne, %rem3A_1669, %ne3A_1670 : i32
        %lt3A_1672 = arith.constant 0 : i32
        %lt3A_1673 = arith.cmpi slt, %rem3A_1669, %lt3A_1672 : i32
        %lt3A_1674 = arith.constant 0 : i32
        %lt3A_1675 = arith.cmpi slt, %select_n3A_1668, %lt3A_1674 : i32
        %ne3A_1676 = arith.xori %lt3A_1673, %lt3A_1675 : i1
        %and3A_1677 = arith.andi %ne3A_1676, %ne3A_1671 : i1
        %add3A_1678 = arith.addi %rem3A_1669, %select_n3A_1668 : i32
        %select_n3A_1679 = arith.select %and3A_1677, %add3A_1678, %rem3A_1669 : i32
        %dma_wait3A_1680 = arith.constant 0 : i32
        %dma_wait3A_1681 = arith.constant 0 : i32
        %dma_wait3A_1682 = arith.constant 0 : i32
        %dma_wait3A_1683 = tpu.memref_slice %arg8[%dma_wait3A_1680, %dma_wait3A_1681, %dma_wait3A_1682] : memref<8x8x129xf32, #tpu.memory_space<vmem>> -> memref<8x8x128xf32, #tpu.memory_space<vmem>>
        %dma_wait3A_1684 = arith.constant 0 : i32
        %dma_wait3A_1685 = arith.constant 0 : i32
        %dma_wait3A_1686 = arith.constant 0 : i32
        %dma_wait3A_1687 = tpu.memref_slice %arg4[%select_n3A_1663, %dma_wait3A_1684, %select_n3A_1679, %dma_wait3A_1685, %dma_wait3A_1686] : memref<200x8x32x8x128xf32, #tpu.memory_space<hbm>> -> memref<1x8x1x8x128xf32, #tpu.memory_space<hbm>>
        %dma_wait3A_1688 = tpu.memref_squeeze %dma_wait3A_1687 : memref<1x8x1x8x128xf32, #tpu.memory_space<hbm>> -> memref<8x8x128xf32, #tpu.memory_space<hbm>>
        %dma_wait3A_1689 = arith.constant 0 : i32
        %dma_wait3A_1690 = arith.constant 0 : i32
        %dma_wait3A_1691 = arith.constant 0 : i32
        %dma_wait3A_1692 = tpu.memref_slice %arg4[%select_n3A_1663, %dma_wait3A_1689, %select_n3A_1679, %dma_wait3A_1690, %dma_wait3A_1691] : memref<200x8x32x8x128xf32, #tpu.memory_space<hbm>> -> memref<1x8x1x8x128xf32, #tpu.memory_space<hbm>>
        %dma_wait3A_1693 = tpu.memref_squeeze %dma_wait3A_1692 : memref<1x8x1x8x128xf32, #tpu.memory_space<hbm>> -> memref<8x8x128xf32, #tpu.memory_space<hbm>>
        %dma_wait3A_1694 = arith.constant 0 : i32
        %dma_wait3A_1695 = arith.constant 0 : i32
        %dma_wait3A_1696 = arith.constant 0 : i32
        %dma_wait3A_1697 = tpu.memref_slice %arg8[%dma_wait3A_1694, %dma_wait3A_1695, %dma_wait3A_1696] : memref<8x8x129xf32, #tpu.memory_space<vmem>> -> memref<8x8x128xf32, #tpu.memory_space<vmem>>
        tpu.wait_dma2 semaphore(%arg19 : memref<!tpu.dma_semaphore, #tpu.memory_space<semaphore_mem>>) src(%dma_wait3A_1697 : memref<8x8x128xf32, #tpu.memory_space<vmem>>) dst(%dma_wait3A_1693 : memref<8x8x128xf32, #tpu.memory_space<hbm>>)
      } else {
      }
      %parallel_loop3A_1060 = arith.constant 0 : i32
      %parallel_loop3A_1061 = arith.constant 128 : i32
      %parallel_loop3A_1062 = arith.constant 1 : i32
      %parallel_loop3A_1063 = arith.constant 0 : i32
      %parallel_loop3A_1064 = arith.constant 0 : i32
      scf.for %parallel_loop3A_1570 = %parallel_loop3A_1060 to %parallel_loop3A_1061 step %parallel_loop3A_1062  : i32 {
        %parallel_loop3A_1571 = vector.broadcast %parallel_loop3A_1570 : i32 to vector<16xi32>
        %parallel_loop3A_1572 = arith.constant 0 : i32
        %parallel_loop3A_1573 = arith.constant 0 : i32
        %parallel_loop3A_1574 = tpu.memref_slice %arg6[%parallel_loop3A_1063, %parallel_loop3A_1064, %parallel_loop3A_1572, %parallel_loop3A_1573] : memref<3x2x128x64xf32, #tpu.memory_space<vmem>> -> memref<1x1x128x64xf32, #tpu.memory_space<vmem>>
        %parallel_loop3A_1575 = tpu.memref_squeeze %parallel_loop3A_1574 : memref<1x1x128x64xf32, #tpu.memory_space<vmem>> -> memref<128x64xf32, #tpu.memory_space<vmem>>
        %parallel_loop3A_1576 = arith.index_cast %parallel_loop3A_1570 : i32 to index
        %parallel_loop3A_1577 = arith.constant 0 : index
        %parallel_loop3A_1578 = tpu.vector_load %parallel_loop3A_1575[%parallel_loop3A_1576, %parallel_loop3A_1577] {strides = array<i32>} : memref<128x64xf32, #tpu.memory_space<vmem>>, vector<16xf32>,
        %parallel_loop3A_1579 = arith.constant 8.000000e+00 : f32
        %parallel_loop3A_1580 = vector.broadcast %parallel_loop3A_1579 : f32 to vector<16xf32>
        %parallel_loop3A_1581 = arith.mulf %parallel_loop3A_1578, %parallel_loop3A_1580 : vector<16xf32>
        tpu.vector_store_idx %arg7[%select_n3A, %select_n3A_153, %parallel_loop3A_1571], %parallel_loop3A_1581 : memref<8x8x129xf32, #tpu.memory_space<vmem>>[vector<16xi32>, vector<16xi32>, vector<16xi32>], vector<16xf32>,
        %parallel_loop3A_1582 = arith.constant 0 : i32
        %parallel_loop3A_1583 = arith.constant 0 : i32
        %parallel_loop3A_1584 = tpu.memref_slice %arg6[%parallel_loop3A_1063, %parallel_loop3A_1064, %parallel_loop3A_1582, %parallel_loop3A_1583] : memref<3x2x128x64xf32, #tpu.memory_space<vmem>> -> memref<1x1x128x64xf32, #tpu.memory_space<vmem>>
        %parallel_loop3A_1585 = tpu.memref_squeeze %parallel_loop3A_1584 : memref<1x1x128x64xf32, #tpu.memory_space<vmem>> -> memref<128x64xf32, #tpu.memory_space<vmem>>
        %parallel_loop3A_1586 = arith.index_cast %parallel_loop3A_1570 : i32 to index
        %parallel_loop3A_1587 = arith.constant 16 : index
        %parallel_loop3A_1588 = tpu.vector_load %parallel_loop3A_1585[%parallel_loop3A_1586, %parallel_loop3A_1587] {strides = array<i32>} : memref<128x64xf32, #tpu.memory_space<vmem>>, vector<16xf32>,
        %parallel_loop3A_1589 = arith.constant 8.000000e+00 : f32
        %parallel_loop3A_1590 = vector.broadcast %parallel_loop3A_1589 : f32 to vector<16xf32>
        %parallel_loop3A_1591 = arith.mulf %parallel_loop3A_1588, %parallel_loop3A_1590 : vector<16xf32>
        tpu.vector_store_idx %arg7[%select_n3A_71, %select_n3A_175, %parallel_loop3A_1571], %parallel_loop3A_1591 : memref<8x8x129xf32, #tpu.memory_space<vmem>>[vector<16xi32>, vector<16xi32>, vector<16xi32>], vector<16xf32>,
        %parallel_loop3A_1592 = arith.constant 0 : i32
        %parallel_loop3A_1593 = arith.constant 0 : i32
        %parallel_loop3A_1594 = tpu.memref_slice %arg6[%parallel_loop3A_1063, %parallel_loop3A_1064, %parallel_loop3A_1592, %parallel_loop3A_1593] : memref<3x2x128x64xf32, #tpu.memory_space<vmem>> -> memref<1x1x128x64xf32, #tpu.memory_space<vmem>>
        %parallel_loop3A_1595 = tpu.memref_squeeze %parallel_loop3A_1594 : memref<1x1x128x64xf32, #tpu.memory_space<vmem>> -> memref<128x64xf32, #tpu.memory_space<vmem>>
        %parallel_loop3A_1596 = arith.index_cast %parallel_loop3A_1570 : i32 to index
        %parallel_loop3A_1597 = arith.constant 32 : index
        %parallel_loop3A_1598 = tpu.vector_load %parallel_loop3A_1595[%parallel_loop3A_1596, %parallel_loop3A_1597] {strides = array<i32>} : memref<128x64xf32, #tpu.memory_space<vmem>>, vector<16xf32>,
        %parallel_loop3A_1599 = arith.constant 8.000000e+00 : f32
        %parallel_loop3A_1600 = vector.broadcast %parallel_loop3A_1599 : f32 to vector<16xf32>
        %parallel_loop3A_1601 = arith.mulf %parallel_loop3A_1598, %parallel_loop3A_1600 : vector<16xf32>
        tpu.vector_store_idx %arg7[%select_n3A_102, %select_n3A_197, %parallel_loop3A_1571], %parallel_loop3A_1601 : memref<8x8x129xf32, #tpu.memory_space<vmem>>[vector<16xi32>, vector<16xi32>, vector<16xi32>], vector<16xf32>,
        %parallel_loop3A_1602 = arith.constant 0 : i32
        %parallel_loop3A_1603 = arith.constant 0 : i32
        %parallel_loop3A_1604 = tpu.memref_slice %arg6[%parallel_loop3A_1063, %parallel_loop3A_1064, %parallel_loop3A_1602, %parallel_loop3A_1603] : memref<3x2x128x64xf32, #tpu.memory_space<vmem>> -> memref<1x1x128x64xf32, #tpu.memory_space<vmem>>
        %parallel_loop3A_1605 = tpu.memref_squeeze %parallel_loop3A_1604 : memref<1x1x128x64xf32, #tpu.memory_space<vmem>> -> memref<128x64xf32, #tpu.memory_space<vmem>>
        %parallel_loop3A_1606 = arith.index_cast %parallel_loop3A_1570 : i32 to index
        %parallel_loop3A_1607 = arith.constant 48 : index
        %parallel_loop3A_1608 = tpu.vector_load %parallel_loop3A_1605[%parallel_loop3A_1606, %parallel_loop3A_1607] {strides = array<i32>} : memref<128x64xf32, #tpu.memory_space<vmem>>, vector<16xf32>,
        %parallel_loop3A_1609 = arith.constant 8.000000e+00 : f32
        %parallel_loop3A_1610 = vector.broadcast %parallel_loop3A_1609 : f32 to vector<16xf32>
        %parallel_loop3A_1611 = arith.mulf %parallel_loop3A_1608, %parallel_loop3A_1610 : vector<16xf32>
        tpu.vector_store_idx %arg7[%select_n3A_133, %select_n3A_219, %parallel_loop3A_1571], %parallel_loop3A_1611 : memref<8x8x129xf32, #tpu.memory_space<vmem>>[vector<16xi32>, vector<16xi32>, vector<16xi32>], vector<16xf32>,
      } {sc.loop_unroll_factor = 4 : i64, sc.parallel_access}
      %parallel_loop3A_1065 = arith.constant 0 : i32
      %parallel_loop3A_1066 = arith.constant 128 : i32
      %parallel_loop3A_1067 = arith.constant 1 : i32
      %parallel_loop3A_1068 = arith.constant 0 : i32
      %parallel_loop3A_1069 = arith.constant 1 : i32
      scf.for %parallel_loop3A_1570 = %parallel_loop3A_1065 to %parallel_loop3A_1066 step %parallel_loop3A_1067  : i32 {
        %parallel_loop3A_1571 = vector.broadcast %parallel_loop3A_1570 : i32 to vector<16xi32>
        %parallel_loop3A_1572 = arith.constant 0 : i32
        %parallel_loop3A_1573 = arith.constant 0 : i32
        %parallel_loop3A_1574 = tpu.memref_slice %arg6[%parallel_loop3A_1068, %parallel_loop3A_1069, %parallel_loop3A_1572, %parallel_loop3A_1573] : memref<3x2x128x64xf32, #tpu.memory_space<vmem>> -> memref<1x1x128x64xf32, #tpu.memory_space<vmem>>
        %parallel_loop3A_1575 = tpu.memref_squeeze %parallel_loop3A_1574 : memref<1x1x128x64xf32, #tpu.memory_space<vmem>> -> memref<128x64xf32, #tpu.memory_space<vmem>>
        %parallel_loop3A_1576 = arith.index_cast %parallel_loop3A_1570 : i32 to index
        %parallel_loop3A_1577 = arith.constant 0 : index
        %parallel_loop3A_1578 = tpu.vector_load %parallel_loop3A_1575[%parallel_loop3A_1576, %parallel_loop3A_1577] {strides = array<i32>} : memref<128x64xf32, #tpu.memory_space<vmem>>, vector<16xf32>,
        %parallel_loop3A_1579 = arith.constant 8.000000e+00 : f32
        %parallel_loop3A_1580 = vector.broadcast %parallel_loop3A_1579 : f32 to vector<16xf32>
        %parallel_loop3A_1581 = arith.mulf %parallel_loop3A_1578, %parallel_loop3A_1580 : vector<16xf32>
        tpu.vector_store_idx %arg8[%select_n3A, %select_n3A_153, %parallel_loop3A_1571], %parallel_loop3A_1581 : memref<8x8x129xf32, #tpu.memory_space<vmem>>[vector<16xi32>, vector<16xi32>, vector<16xi32>], vector<16xf32>,
        %parallel_loop3A_1582 = arith.constant 0 : i32
        %parallel_loop3A_1583 = arith.constant 0 : i32
        %parallel_loop3A_1584 = tpu.memref_slice %arg6[%parallel_loop3A_1068, %parallel_loop3A_1069, %parallel_loop3A_1582, %parallel_loop3A_1583] : memref<3x2x128x64xf32, #tpu.memory_space<vmem>> -> memref<1x1x128x64xf32, #tpu.memory_space<vmem>>
        %parallel_loop3A_1585 = tpu.memref_squeeze %parallel_loop3A_1584 : memref<1x1x128x64xf32, #tpu.memory_space<vmem>> -> memref<128x64xf32, #tpu.memory_space<vmem>>
        %parallel_loop3A_1586 = arith.index_cast %parallel_loop3A_1570 : i32 to index
        %parallel_loop3A_1587 = arith.constant 16 : index
        %parallel_loop3A_1588 = tpu.vector_load %parallel_loop3A_1585[%parallel_loop3A_1586, %parallel_loop3A_1587] {strides = array<i32>} : memref<128x64xf32, #tpu.memory_space<vmem>>, vector<16xf32>,
        %parallel_loop3A_1589 = arith.constant 8.000000e+00 : f32
        %parallel_loop3A_1590 = vector.broadcast %parallel_loop3A_1589 : f32 to vector<16xf32>
        %parallel_loop3A_1591 = arith.mulf %parallel_loop3A_1588, %parallel_loop3A_1590 : vector<16xf32>
        tpu.vector_store_idx %arg8[%select_n3A_71, %select_n3A_175, %parallel_loop3A_1571], %parallel_loop3A_1591 : memref<8x8x129xf32, #tpu.memory_space<vmem>>[vector<16xi32>, vector<16xi32>, vector<16xi32>], vector<16xf32>,
        %parallel_loop3A_1592 = arith.constant 0 : i32
        %parallel_loop3A_1593 = arith.constant 0 : i32
        %parallel_loop3A_1594 = tpu.memref_slice %arg6[%parallel_loop3A_1068, %parallel_loop3A_1069, %parallel_loop3A_1592, %parallel_loop3A_1593] : memref<3x2x128x64xf32, #tpu.memory_space<vmem>> -> memref<1x1x128x64xf32, #tpu.memory_space<vmem>>
        %parallel_loop3A_1595 = tpu.memref_squeeze %parallel_loop3A_1594 : memref<1x1x128x64xf32, #tpu.memory_space<vmem>> -> memref<128x64xf32, #tpu.memory_space<vmem>>
        %parallel_loop3A_1596 = arith.index_cast %parallel_loop3A_1570 : i32 to index
        %parallel_loop3A_1597 = arith.constant 32 : index
        %parallel_loop3A_1598 = tpu.vector_load %parallel_loop3A_1595[%parallel_loop3A_1596, %parallel_loop3A_1597] {strides = array<i32>} : memref<128x64xf32, #tpu.memory_space<vmem>>, vector<16xf32>,
        %parallel_loop3A_1599 = arith.constant 8.000000e+00 : f32
        %parallel_loop3A_1600 = vector.broadcast %parallel_loop3A_1599 : f32 to vector<16xf32>
        %parallel_loop3A_1601 = arith.mulf %parallel_loop3A_1598, %parallel_loop3A_1600 : vector<16xf32>
        tpu.vector_store_idx %arg8[%select_n3A_102, %select_n3A_197, %parallel_loop3A_1571], %parallel_loop3A_1601 : memref<8x8x129xf32, #tpu.memory_space<vmem>>[vector<16xi32>, vector<16xi32>, vector<16xi32>], vector<16xf32>,
        %parallel_loop3A_1602 = arith.constant 0 : i32
        %parallel_loop3A_1603 = arith.constant 0 : i32
        %parallel_loop3A_1604 = tpu.memref_slice %arg6[%parallel_loop3A_1068, %parallel_loop3A_1069, %parallel_loop3A_1602, %parallel_loop3A_1603] : memref<3x2x128x64xf32, #tpu.memory_space<vmem>> -> memref<1x1x128x64xf32, #tpu.memory_space<vmem>>
        %parallel_loop3A_1605 = tpu.memref_squeeze %parallel_loop3A_1604 : memref<1x1x128x64xf32, #tpu.memory_space<vmem>> -> memref<128x64xf32, #tpu.memory_space<vmem>>
        %parallel_loop3A_1606 = arith.index_cast %parallel_loop3A_1570 : i32 to index
        %parallel_loop3A_1607 = arith.constant 48 : index
        %parallel_loop3A_1608 = tpu.vector_load %parallel_loop3A_1605[%parallel_loop3A_1606, %parallel_loop3A_1607] {strides = array<i32>} : memref<128x64xf32, #tpu.memory_space<vmem>>, vector<16xf32>,
        %parallel_loop3A_1609 = arith.constant 8.000000e+00 : f32
        %parallel_loop3A_1610 = vector.broadcast %parallel_loop3A_1609 : f32 to vector<16xf32>
        %parallel_loop3A_1611 = arith.mulf %parallel_loop3A_1608, %parallel_loop3A_1610 : vector<16xf32>
        tpu.vector_store_idx %arg8[%select_n3A_133, %select_n3A_219, %parallel_loop3A_1571], %parallel_loop3A_1611 : memref<8x8x129xf32, #tpu.memory_space<vmem>>[vector<16xi32>, vector<16xi32>, vector<16xi32>], vector<16xf32>,
      } {sc.loop_unroll_factor = 4 : i64, sc.parallel_access}
      %mul3A_1070 = arith.constant 2 : i32
      %mul3A_1071 = arith.muli %add3A_1015, %mul3A_1070 : i32
      %add3A_1072 = arith.addi %mul3A_2, %mul3A_1071 : i32
      %add3A_1073 = arith.constant 0 : i32
      %add3A_1074 = arith.addi %add3A_1072, %add3A_1073 : i32
      %jit3A_1075 = arith.constant 32 : i32
      %div3A_1076 = arith.divsi %add3A_1074, %jit3A_1075 : i32
      %sign3A_1077 = arith.constant 0 : i32
      %sign3A_1078 = arith.cmpi sgt, %add3A_1074, %sign3A_1077 : i32
      %sign3A_1079 = arith.extui %sign3A_1078 : i1 to i32
      %sign3A_1080 = arith.constant 0 : i32
      %sign3A_1081 = arith.cmpi slt, %add3A_1074, %sign3A_1080 : i32
      %sign3A_1082 = arith.extui %sign3A_1081 : i1 to i32
      %sign3A_1083 = arith.subi %sign3A_1079, %sign3A_1082 : i32
      %sign3A_1084 = arith.constant 0 : i32
      %sign3A_1085 = arith.cmpi sgt, %jit3A_1075, %sign3A_1084 : i32
      %sign3A_1086 = arith.extui %sign3A_1085 : i1 to i32
      %sign3A_1087 = arith.constant 0 : i32
      %sign3A_1088 = arith.cmpi slt, %jit3A_1075, %sign3A_1087 : i32
      %sign3A_1089 = arith.extui %sign3A_1088 : i1 to i32
      %sign3A_1090 = arith.subi %sign3A_1086, %sign3A_1089 : i32
      %ne3A_1091 = arith.cmpi ne, %sign3A_1083, %sign3A_1090 : i32
      %rem3A_1092 = arith.remsi %add3A_1074, %jit3A_1075 : i32
      %ne3A_1093 = arith.constant 0 : i32
      %ne3A_1094 = arith.cmpi ne, %rem3A_1092, %ne3A_1093 : i32
      %and3A_1095 = arith.andi %ne3A_1091, %ne3A_1094 : i1
      %sub3A_1096 = arith.constant 1 : i32
      %sub3A_1097 = arith.subi %div3A_1076, %sub3A_1096 : i32
      %select_n3A_1098 = arith.select %and3A_1095, %sub3A_1097, %div3A_1076 : i32
      %jit3A_1099 = arith.constant 32 : i32
      %eq3A_1100 = arith.constant 0 : i32
      %eq3A_1101 = arith.cmpi eq, %jit3A_1099, %eq3A_1100 : i32
      %jit3A_1102 = arith.constant 1 : i32
      %select_n3A_1103 = arith.select %eq3A_1101, %jit3A_1102, %jit3A_1099 : i32
      %rem3A_1104 = arith.remsi %add3A_1074, %select_n3A_1103 : i32
      %ne3A_1105 = arith.constant 0 : i32
      %ne3A_1106 = arith.cmpi ne, %rem3A_1104, %ne3A_1105 : i32
      %lt3A_1107 = arith.constant 0 : i32
      %lt3A_1108 = arith.cmpi slt, %rem3A_1104, %lt3A_1107 : i32
      %lt3A_1109 = arith.constant 0 : i32
      %lt3A_1110 = arith.cmpi slt, %select_n3A_1103, %lt3A_1109 : i32
      %ne3A_1111 = arith.xori %lt3A_1108, %lt3A_1110 : i1
      %and3A_1112 = arith.andi %ne3A_1111, %ne3A_1106 : i1
      %add3A_1113 = arith.addi %rem3A_1104, %select_n3A_1103 : i32
      %select_n3A_1114 = arith.select %and3A_1112, %add3A_1113, %rem3A_1104 : i32
      %dma_start3A_1115 = arith.constant 0 : i32
      %dma_start3A_1116 = arith.constant 0 : i32
      %dma_start3A_1117 = arith.constant 0 : i32
      %dma_start3A_1118 = tpu.memref_slice %arg7[%dma_start3A_1115, %dma_start3A_1116, %dma_start3A_1117] : memref<8x8x129xf32, #tpu.memory_space<vmem>> -> memref<8x8x128xf32, #tpu.memory_space<vmem>>
      %dma_start3A_1119 = arith.constant 0 : i32
      %dma_start3A_1120 = arith.constant 0 : i32
      %dma_start3A_1121 = arith.constant 0 : i32
      %dma_start3A_1122 = tpu.memref_slice %arg4[%select_n3A_1098, %dma_start3A_1119, %select_n3A_1114, %dma_start3A_1120, %dma_start3A_1121] : memref<200x8x32x8x128xf32, #tpu.memory_space<hbm>> -> memref<1x8x1x8x128xf32, #tpu.memory_space<hbm>>
      %dma_start3A_1123 = tpu.memref_squeeze %dma_start3A_1122 : memref<1x8x1x8x128xf32, #tpu.memory_space<hbm>> -> memref<8x8x128xf32, #tpu.memory_space<hbm>>
      %dma_start3A_1124 = arith.constant 0 : i32
      %dma_start3A_1125 = arith.constant 0 : i32
      %dma_start3A_1126 = arith.constant 0 : i32
      %dma_start3A_1127 = tpu.memref_slice %arg4[%select_n3A_1098, %dma_start3A_1124, %select_n3A_1114, %dma_start3A_1125, %dma_start3A_1126] : memref<200x8x32x8x128xf32, #tpu.memory_space<hbm>> -> memref<1x8x1x8x128xf32, #tpu.memory_space<hbm>>
      %dma_start3A_1128 = tpu.memref_squeeze %dma_start3A_1127 : memref<1x8x1x8x128xf32, #tpu.memory_space<hbm>> -> memref<8x8x128xf32, #tpu.memory_space<hbm>>
      %dma_start3A_1129 = arith.constant 0 : i32
      %dma_start3A_1130 = arith.constant 0 : i32
      %dma_start3A_1131 = arith.constant 0 : i32
      %dma_start3A_1132 = tpu.memref_slice %arg7[%dma_start3A_1129, %dma_start3A_1130, %dma_start3A_1131] : memref<8x8x129xf32, #tpu.memory_space<vmem>> -> memref<8x8x128xf32, #tpu.memory_space<vmem>>
      tpu.enqueue_dma source(%dma_start3A_1132 : memref<8x8x128xf32, #tpu.memory_space<vmem>>) target(%dma_start3A_1128 : memref<8x8x128xf32, #tpu.memory_space<hbm>>) target_semaphore(%arg19 : memref<!tpu.dma_semaphore, #tpu.memory_space<semaphore_mem>>)
      %mul3A_1133 = arith.constant 2 : i32
      %mul3A_1134 = arith.muli %add3A_1015, %mul3A_1133 : i32
      %add3A_1135 = arith.addi %mul3A_2, %mul3A_1134 : i32
      %add3A_1136 = arith.constant 1 : i32
      %add3A_1137 = arith.addi %add3A_1135, %add3A_1136 : i32
      %jit3A_1138 = arith.constant 32 : i32
      %div3A_1139 = arith.divsi %add3A_1137, %jit3A_1138 : i32
      %sign3A_1140 = arith.constant 0 : i32
      %sign3A_1141 = arith.cmpi sgt, %add3A_1137, %sign3A_1140 : i32
      %sign3A_1142 = arith.extui %sign3A_1141 : i1 to i32
      %sign3A_1143 = arith.constant 0 : i32
      %sign3A_1144 = arith.cmpi slt, %add3A_1137, %sign3A_1143 : i32
      %sign3A_1145 = arith.extui %sign3A_1144 : i1 to i32
      %sign3A_1146 = arith.subi %sign3A_1142, %sign3A_1145 : i32
      %sign3A_1147 = arith.constant 0 : i32
      %sign3A_1148 = arith.cmpi sgt, %jit3A_1138, %sign3A_1147 : i32
      %sign3A_1149 = arith.extui %sign3A_1148 : i1 to i32
      %sign3A_1150 = arith.constant 0 : i32
      %sign3A_1151 = arith.cmpi slt, %jit3A_1138, %sign3A_1150 : i32
      %sign3A_1152 = arith.extui %sign3A_1151 : i1 to i32
      %sign3A_1153 = arith.subi %sign3A_1149, %sign3A_1152 : i32
      %ne3A_1154 = arith.cmpi ne, %sign3A_1146, %sign3A_1153 : i32
      %rem3A_1155 = arith.remsi %add3A_1137, %jit3A_1138 : i32
      %ne3A_1156 = arith.constant 0 : i32
      %ne3A_1157 = arith.cmpi ne, %rem3A_1155, %ne3A_1156 : i32
      %and3A_1158 = arith.andi %ne3A_1154, %ne3A_1157 : i1
      %sub3A_1159 = arith.constant 1 : i32
      %sub3A_1160 = arith.subi %div3A_1139, %sub3A_1159 : i32
      %select_n3A_1161 = arith.select %and3A_1158, %sub3A_1160, %div3A_1139 : i32
      %jit3A_1162 = arith.constant 32 : i32
      %eq3A_1163 = arith.constant 0 : i32
      %eq3A_1164 = arith.cmpi eq, %jit3A_1162, %eq3A_1163 : i32
      %jit3A_1165 = arith.constant 1 : i32
      %select_n3A_1166 = arith.select %eq3A_1164, %jit3A_1165, %jit3A_1162 : i32
      %rem3A_1167 = arith.remsi %add3A_1137, %select_n3A_1166 : i32
      %ne3A_1168 = arith.constant 0 : i32
      %ne3A_1169 = arith.cmpi ne, %rem3A_1167, %ne3A_1168 : i32
      %lt3A_1170 = arith.constant 0 : i32
      %lt3A_1171 = arith.cmpi slt, %rem3A_1167, %lt3A_1170 : i32
      %lt3A_1172 = arith.constant 0 : i32
      %lt3A_1173 = arith.cmpi slt, %select_n3A_1166, %lt3A_1172 : i32
      %ne3A_1174 = arith.xori %lt3A_1171, %lt3A_1173 : i1
      %and3A_1175 = arith.andi %ne3A_1174, %ne3A_1169 : i1
      %add3A_1176 = arith.addi %rem3A_1167, %select_n3A_1166 : i32
      %select_n3A_1177 = arith.select %and3A_1175, %add3A_1176, %rem3A_1167 : i32
      %dma_start3A_1178 = arith.constant 0 : i32
      %dma_start3A_1179 = arith.constant 0 : i32
      %dma_start3A_1180 = arith.constant 0 : i32
      %dma_start3A_1181 = tpu.memref_slice %arg8[%dma_start3A_1178, %dma_start3A_1179, %dma_start3A_1180] : memref<8x8x129xf32, #tpu.memory_space<vmem>> -> memref<8x8x128xf32, #tpu.memory_space<vmem>>
      %dma_start3A_1182 = arith.constant 0 : i32
      %dma_start3A_1183 = arith.constant 0 : i32
      %dma_start3A_1184 = arith.constant 0 : i32
      %dma_start3A_1185 = tpu.memref_slice %arg4[%select_n3A_1161, %dma_start3A_1182, %select_n3A_1177, %dma_start3A_1183, %dma_start3A_1184] : memref<200x8x32x8x128xf32, #tpu.memory_space<hbm>> -> memref<1x8x1x8x128xf32, #tpu.memory_space<hbm>>
      %dma_start3A_1186 = tpu.memref_squeeze %dma_start3A_1185 : memref<1x8x1x8x128xf32, #tpu.memory_space<hbm>> -> memref<8x8x128xf32, #tpu.memory_space<hbm>>
      %dma_start3A_1187 = arith.constant 0 : i32
      %dma_start3A_1188 = arith.constant 0 : i32
      %dma_start3A_1189 = arith.constant 0 : i32
      %dma_start3A_1190 = tpu.memref_slice %arg4[%select_n3A_1161, %dma_start3A_1187, %select_n3A_1177, %dma_start3A_1188, %dma_start3A_1189] : memref<200x8x32x8x128xf32, #tpu.memory_space<hbm>> -> memref<1x8x1x8x128xf32, #tpu.memory_space<hbm>>
      %dma_start3A_1191 = tpu.memref_squeeze %dma_start3A_1190 : memref<1x8x1x8x128xf32, #tpu.memory_space<hbm>> -> memref<8x8x128xf32, #tpu.memory_space<hbm>>
      %dma_start3A_1192 = arith.constant 0 : i32
      %dma_start3A_1193 = arith.constant 0 : i32
      %dma_start3A_1194 = arith.constant 0 : i32
      %dma_start3A_1195 = tpu.memref_slice %arg8[%dma_start3A_1192, %dma_start3A_1193, %dma_start3A_1194] : memref<8x8x129xf32, #tpu.memory_space<vmem>> -> memref<8x8x128xf32, #tpu.memory_space<vmem>>
      tpu.enqueue_dma source(%dma_start3A_1195 : memref<8x8x128xf32, #tpu.memory_space<vmem>>) target(%dma_start3A_1191 : memref<8x8x128xf32, #tpu.memory_space<hbm>>) target_semaphore(%arg19 : memref<!tpu.dma_semaphore, #tpu.memory_space<semaphore_mem>>)
      %mul3A_1196 = arith.constant 3 : i32
      %mul3A_1197 = arith.muli %mul3A_1196, %scan3A_1011 : i32
      %add3A_1198 = arith.constant 1 : i32
      %add3A_1199 = arith.addi %mul3A_1197, %add3A_1198 : i32
      %dma_wait3A_1200 = arith.constant 1 : i32
      %dma_wait3A_1201 = arith.constant 0 : i32
      %dma_wait3A_1202 = arith.constant 1 : i32
      %dma_wait3A_1203 = arith.constant 0 : i32
      %dma_wait3A_1204 = arith.constant 0 : i32
      %dma_wait3A_1205 = arith.constant 0 : i32
      %dma_wait3A_1206 = tpu.memref_slice %arg6[%dma_wait3A_1202, %dma_wait3A_1203, %dma_wait3A_1204, %dma_wait3A_1205] : memref<3x2x128x64xf32, #tpu.memory_space<vmem>> -> memref<1x1x128x64xf32, #tpu.memory_space<vmem>>
      %dma_wait3A_1207 = tpu.memref_squeeze %dma_wait3A_1206 : memref<1x1x128x64xf32, #tpu.memory_space<vmem>> -> memref<128x64xf32, #tpu.memory_space<vmem>>
      %dma_wait3A_1208 = arith.constant 0 : i32
      %dma_wait3A_1209 = tpu.memref_slice %arg5[%dma_wait3A_1200, %dma_wait3A_1201, %dma_wait3A_1208] : memref<3x2x128xi32, #tpu.memory_space<vmem>> -> memref<1x1x128xi32, #tpu.memory_space<vmem>>
      %dma_wait3A_1210 = tpu.memref_squeeze %dma_wait3A_1209 : memref<1x1x128xi32, #tpu.memory_space<vmem>> -> memref<128xi32, #tpu.memory_space<vmem>>
      %dma_wait3A_1211 = arith.constant 0 : i32
      %dma_wait3A_1212 = arith.constant 0 : i32
      %dma_wait3A_1213 = tpu.memref_slice %arg3[%dma_wait3A_1211, %dma_wait3A_1212] : memref<100000x64xf32, #tpu.memory_space<hbm>> -> memref<100000x64xf32, #tpu.memory_space<hbm>>
      tpu.wait_indirect_dma semaphore(%arg14 : memref<!tpu.dma_semaphore, #tpu.memory_space<semaphore_mem>>) src(%dma_wait3A_1213 : memref<100000x64xf32, #tpu.memory_space<hbm>>) dst(%dma_wait3A_1207 : memref<128x64xf32, #tpu.memory_space<vmem>>)
      %dma_wait3A_1214 = arith.constant 1 : i32
      %dma_wait3A_1215 = arith.constant 1 : i32
      %dma_wait3A_1216 = arith.constant 1 : i32
      %dma_wait3A_1217 = arith.constant 1 : i32
      %dma_wait3A_1218 = arith.constant 0 : i32
      %dma_wait3A_1219 = arith.constant 0 : i32
      %dma_wait3A_1220 = tpu.memref_slice %arg6[%dma_wait3A_1216, %dma_wait3A_1217, %dma_wait3A_1218, %dma_wait3A_1219] : memref<3x2x128x64xf32, #tpu.memory_space<vmem>> -> memref<1x1x128x64xf32, #tpu.memory_space<vmem>>
      %dma_wait3A_1221 = tpu.memref_squeeze %dma_wait3A_1220 : memref<1x1x128x64xf32, #tpu.memory_space<vmem>> -> memref<128x64xf32, #tpu.memory_space<vmem>>
      %dma_wait3A_1222 = arith.constant 0 : i32
      %dma_wait3A_1223 = tpu.memref_slice %arg5[%dma_wait3A_1214, %dma_wait3A_1215, %dma_wait3A_1222] : memref<3x2x128xi32, #tpu.memory_space<vmem>> -> memref<1x1x128xi32, #tpu.memory_space<vmem>>
      %dma_wait3A_1224 = tpu.memref_squeeze %dma_wait3A_1223 : memref<1x1x128xi32, #tpu.memory_space<vmem>> -> memref<128xi32, #tpu.memory_space<vmem>>
      %dma_wait3A_1225 = arith.constant 0 : i32
      %dma_wait3A_1226 = arith.constant 0 : i32
      %dma_wait3A_1227 = tpu.memref_slice %arg3[%dma_wait3A_1225, %dma_wait3A_1226] : memref<100000x64xf32, #tpu.memory_space<hbm>> -> memref<100000x64xf32, #tpu.memory_space<hbm>>
      tpu.wait_indirect_dma semaphore(%arg14 : memref<!tpu.dma_semaphore, #tpu.memory_space<semaphore_mem>>) src(%dma_wait3A_1227 : memref<100000x64xf32, #tpu.memory_space<hbm>>) dst(%dma_wait3A_1221 : memref<128x64xf32, #tpu.memory_space<vmem>>)
      %add3A_1228 = arith.constant 3 : i32
      %add3A_1229 = arith.addi %add3A_1199, %add3A_1228 : i32
      %lt3A_1230 = arith.constant 100 : i32
      %lt3A_1231 = arith.cmpi slt, %add3A_1229, %lt3A_1230 : i32
      %convert_element_type3A_1232 = arith.extui %lt3A_1231 : i1 to i32
      %cond3A_1233 = arith.constant 0 : i32
      %cond3A_1234 = arith.cmpi ne, %convert_element_type3A_1232, %cond3A_1233 : i32
      scf.if %cond3A_1234 {
        %add3A_1570 = arith.constant 3 : i32
        %add3A_1571 = arith.addi %add3A_1199, %add3A_1570 : i32
        %mul3A_1572 = arith.constant 2 : i32
        %mul3A_1573 = arith.muli %add3A_1571, %mul3A_1572 : i32
        %add3A_1574 = arith.addi %mul3A_2, %mul3A_1573 : i32
        %dma_start3A_1575 = arith.constant 1 : i32
        %dma_start3A_1576 = arith.constant 0 : i32
        %dma_start3A_1577 = arith.constant 0 : i32
        %dma_start3A_1578 = tpu.memref_slice %arg5[%dma_start3A_1575, %dma_start3A_1576, %dma_start3A_1577] : memref<3x2x128xi32, #tpu.memory_space<vmem>> -> memref<1x2x128xi32, #tpu.memory_space<vmem>>
        %dma_start3A_1579 = tpu.memref_squeeze %dma_start3A_1578 : memref<1x2x128xi32, #tpu.memory_space<vmem>> -> memref<2x128xi32, #tpu.memory_space<vmem>>
        %dma_start3A_1580 = arith.constant 0 : i32
        %dma_start3A_1581 = tpu.memref_slice %arg2[%add3A_1574, %dma_start3A_1580] : memref<6400x128xi32, #tpu.memory_space<hbm>> -> memref<2x128xi32, #tpu.memory_space<hbm>>
        %dma_start3A_1582 = arith.constant 0 : i32
        %dma_start3A_1583 = arith.constant 0 : i32
        %dma_start3A_1584 = tpu.memref_slice %arg5[%dma_start3A_1575, %dma_start3A_1582, %dma_start3A_1583] : memref<3x2x128xi32, #tpu.memory_space<vmem>> -> memref<1x2x128xi32, #tpu.memory_space<vmem>>
        %dma_start3A_1585 = tpu.memref_squeeze %dma_start3A_1584 : memref<1x2x128xi32, #tpu.memory_space<vmem>> -> memref<2x128xi32, #tpu.memory_space<vmem>>
        %dma_start3A_1586 = arith.constant 0 : i32
        %dma_start3A_1587 = tpu.memref_slice %arg2[%add3A_1574, %dma_start3A_1586] : memref<6400x128xi32, #tpu.memory_space<hbm>> -> memref<2x128xi32, #tpu.memory_space<hbm>>
        tpu.enqueue_dma source(%dma_start3A_1587 : memref<2x128xi32, #tpu.memory_space<hbm>>) target(%dma_start3A_1585 : memref<2x128xi32, #tpu.memory_space<vmem>>) target_semaphore(%arg17 : memref<!tpu.dma_semaphore, #tpu.memory_space<semaphore_mem>>)
      } else {
      }
      %add3A_1235 = arith.constant 2 : i32
      %add3A_1236 = arith.addi %add3A_1199, %add3A_1235 : i32
      %lt3A_1237 = arith.constant 100 : i32
      %lt3A_1238 = arith.cmpi slt, %add3A_1236, %lt3A_1237 : i32
      %convert_element_type3A_1239 = arith.extui %lt3A_1238 : i1 to i32
      %cond3A_1240 = arith.constant 0 : i32
      %cond3A_1241 = arith.cmpi ne, %convert_element_type3A_1239, %cond3A_1240 : i32
      scf.if %cond3A_1241 {
        %add3A_1570 = arith.constant 2 : i32
        %add3A_1571 = arith.addi %add3A_1199, %add3A_1570 : i32
        %mul3A_1572 = arith.constant 2 : i32
        %mul3A_1573 = arith.muli %add3A_1571, %mul3A_1572 : i32
        %add3A_1574 = arith.addi %mul3A_2, %mul3A_1573 : i32
        %dma_wait3A_1575 = arith.constant 0 : i32
        %dma_wait3A_1576 = arith.constant 0 : i32
        %dma_wait3A_1577 = arith.constant 0 : i32
        %dma_wait3A_1578 = tpu.memref_slice %arg5[%dma_wait3A_1575, %dma_wait3A_1576, %dma_wait3A_1577] : memref<3x2x128xi32, #tpu.memory_space<vmem>> -> memref<1x2x128xi32, #tpu.memory_space<vmem>>
        %dma_wait3A_1579 = tpu.memref_squeeze %dma_wait3A_1578 : memref<1x2x128xi32, #tpu.memory_space<vmem>> -> memref<2x128xi32, #tpu.memory_space<vmem>>
        %dma_wait3A_1580 = arith.constant 0 : i32
        %dma_wait3A_1581 = tpu.memref_slice %arg2[%add3A_1574, %dma_wait3A_1580] : memref<6400x128xi32, #tpu.memory_space<hbm>> -> memref<2x128xi32, #tpu.memory_space<hbm>>
        %dma_wait3A_1582 = arith.constant 0 : i32
        %dma_wait3A_1583 = arith.constant 0 : i32
        %dma_wait3A_1584 = tpu.memref_slice %arg5[%dma_wait3A_1575, %dma_wait3A_1582, %dma_wait3A_1583] : memref<3x2x128xi32, #tpu.memory_space<vmem>> -> memref<1x2x128xi32, #tpu.memory_space<vmem>>
        %dma_wait3A_1585 = tpu.memref_squeeze %dma_wait3A_1584 : memref<1x2x128xi32, #tpu.memory_space<vmem>> -> memref<2x128xi32, #tpu.memory_space<vmem>>
        %dma_wait3A_1586 = arith.constant 0 : i32
        %dma_wait3A_1587 = tpu.memref_slice %arg2[%add3A_1574, %dma_wait3A_1586] : memref<6400x128xi32, #tpu.memory_space<hbm>> -> memref<2x128xi32, #tpu.memory_space<hbm>>
        tpu.wait_dma2 semaphore(%arg16 : memref<!tpu.dma_semaphore, #tpu.memory_space<semaphore_mem>>) src(%dma_wait3A_1587 : memref<2x128xi32, #tpu.memory_space<hbm>>) dst(%dma_wait3A_1585 : memref<2x128xi32, #tpu.memory_space<vmem>>)
        %dma_start3A_1588 = arith.constant 0 : i32
        %dma_start3A_1589 = arith.constant 0 : i32
        %dma_start3A_1590 = arith.constant 0 : i32
        %dma_start3A_1591 = arith.constant 0 : i32
        %dma_start3A_1592 = arith.constant 0 : i32
        %dma_start3A_1593 = arith.constant 0 : i32
        %dma_start3A_1594 = tpu.memref_slice %arg6[%dma_start3A_1590, %dma_start3A_1591, %dma_start3A_1592, %dma_start3A_1593] : memref<3x2x128x64xf32, #tpu.memory_space<vmem>> -> memref<1x1x128x64xf32, #tpu.memory_space<vmem>>
        %dma_start3A_1595 = tpu.memref_squeeze %dma_start3A_1594 : memref<1x1x128x64xf32, #tpu.memory_space<vmem>> -> memref<128x64xf32, #tpu.memory_space<vmem>>
        %dma_start3A_1596 = arith.constant 0 : i32
        %dma_start3A_1597 = tpu.memref_slice %arg5[%dma_start3A_1588, %dma_start3A_1589, %dma_start3A_1596] : memref<3x2x128xi32, #tpu.memory_space<vmem>> -> memref<1x1x128xi32, #tpu.memory_space<vmem>>
        %dma_start3A_1598 = tpu.memref_squeeze %dma_start3A_1597 : memref<1x1x128xi32, #tpu.memory_space<vmem>> -> memref<128xi32, #tpu.memory_space<vmem>>
        %dma_start3A_1599 = arith.constant 0 : i32
        %dma_start3A_1600 = arith.constant 0 : i32
        %dma_start3A_1601 = tpu.memref_slice %arg3[%dma_start3A_1599, %dma_start3A_1600] : memref<100000x64xf32, #tpu.memory_space<hbm>> -> memref<100000x64xf32, #tpu.memory_space<hbm>>
        tpu.enqueue_indirect_dma source(%dma_start3A_1601 : memref<100000x64xf32, #tpu.memory_space<hbm>>) target(%dma_start3A_1595 : memref<128x64xf32, #tpu.memory_space<vmem>>) offsets(%dma_start3A_1598 : memref<128xi32, #tpu.memory_space<vmem>>) semaphore(%arg13 : memref<!tpu.dma_semaphore, #tpu.memory_space<semaphore_mem>>)
        %dma_start3A_1602 = arith.constant 0 : i32
        %dma_start3A_1603 = arith.constant 1 : i32
        %dma_start3A_1604 = arith.constant 0 : i32
        %dma_start3A_1605 = arith.constant 1 : i32
        %dma_start3A_1606 = arith.constant 0 : i32
        %dma_start3A_1607 = arith.constant 0 : i32
        %dma_start3A_1608 = tpu.memref_slice %arg6[%dma_start3A_1604, %dma_start3A_1605, %dma_start3A_1606, %dma_start3A_1607] : memref<3x2x128x64xf32, #tpu.memory_space<vmem>> -> memref<1x1x128x64xf32, #tpu.memory_space<vmem>>
        %dma_start3A_1609 = tpu.memref_squeeze %dma_start3A_1608 : memref<1x1x128x64xf32, #tpu.memory_space<vmem>> -> memref<128x64xf32, #tpu.memory_space<vmem>>
        %dma_start3A_1610 = arith.constant 0 : i32
        %dma_start3A_1611 = tpu.memref_slice %arg5[%dma_start3A_1602, %dma_start3A_1603, %dma_start3A_1610] : memref<3x2x128xi32, #tpu.memory_space<vmem>> -> memref<1x1x128xi32, #tpu.memory_space<vmem>>
        %dma_start3A_1612 = tpu.memref_squeeze %dma_start3A_1611 : memref<1x1x128xi32, #tpu.memory_space<vmem>> -> memref<128xi32, #tpu.memory_space<vmem>>
        %dma_start3A_1613 = arith.constant 0 : i32
        %dma_start3A_1614 = arith.constant 0 : i32
        %dma_start3A_1615 = tpu.memref_slice %arg3[%dma_start3A_1613, %dma_start3A_1614] : memref<100000x64xf32, #tpu.memory_space<hbm>> -> memref<100000x64xf32, #tpu.memory_space<hbm>>
        tpu.enqueue_indirect_dma source(%dma_start3A_1615 : memref<100000x64xf32, #tpu.memory_space<hbm>>) target(%dma_start3A_1609 : memref<128x64xf32, #tpu.memory_space<vmem>>) offsets(%dma_start3A_1612 : memref<128xi32, #tpu.memory_space<vmem>>) semaphore(%arg13 : memref<!tpu.dma_semaphore, #tpu.memory_space<semaphore_mem>>)
      } else {
      }
      %ge3A_1242 = arith.constant 3 : i32
      %ge3A_1243 = arith.cmpi sge, %add3A_1199, %ge3A_1242 : i32
      %convert_element_type3A_1244 = arith.extui %ge3A_1243 : i1 to i32
      %cond3A_1245 = arith.constant 0 : i32
      %cond3A_1246 = arith.cmpi ne, %convert_element_type3A_1244, %cond3A_1245 : i32
      scf.if %cond3A_1246 {
        %sub3A_1570 = arith.constant 3 : i32
        %sub3A_1571 = arith.subi %add3A_1199, %sub3A_1570 : i32
        %mul3A_1572 = arith.constant 2 : i32
        %mul3A_1573 = arith.muli %sub3A_1571, %mul3A_1572 : i32
        %add3A_1574 = arith.addi %mul3A_2, %mul3A_1573 : i32
        %add3A_1575 = arith.constant 0 : i32
        %add3A_1576 = arith.addi %add3A_1574, %add3A_1575 : i32
        %jit3A_1577 = arith.constant 32 : i32
        %div3A_1578 = arith.divsi %add3A_1576, %jit3A_1577 : i32
        %sign3A_1579 = arith.constant 0 : i32
        %sign3A_1580 = arith.cmpi sgt, %add3A_1576, %sign3A_1579 : i32
        %sign3A_1581 = arith.extui %sign3A_1580 : i1 to i32
        %sign3A_1582 = arith.constant 0 : i32
        %sign3A_1583 = arith.cmpi slt, %add3A_1576, %sign3A_1582 : i32
        %sign3A_1584 = arith.extui %sign3A_1583 : i1 to i32
        %sign3A_1585 = arith.subi %sign3A_1581, %sign3A_1584 : i32
        %sign3A_1586 = arith.constant 0 : i32
        %sign3A_1587 = arith.cmpi sgt, %jit3A_1577, %sign3A_1586 : i32
        %sign3A_1588 = arith.extui %sign3A_1587 : i1 to i32
        %sign3A_1589 = arith.constant 0 : i32
        %sign3A_1590 = arith.cmpi slt, %jit3A_1577, %sign3A_1589 : i32
        %sign3A_1591 = arith.extui %sign3A_1590 : i1 to i32
        %sign3A_1592 = arith.subi %sign3A_1588, %sign3A_1591 : i32
        %ne3A_1593 = arith.cmpi ne, %sign3A_1585, %sign3A_1592 : i32
        %rem3A_1594 = arith.remsi %add3A_1576, %jit3A_1577 : i32
        %ne3A_1595 = arith.constant 0 : i32
        %ne3A_1596 = arith.cmpi ne, %rem3A_1594, %ne3A_1595 : i32
        %and3A_1597 = arith.andi %ne3A_1593, %ne3A_1596 : i1
        %sub3A_1598 = arith.constant 1 : i32
        %sub3A_1599 = arith.subi %div3A_1578, %sub3A_1598 : i32
        %select_n3A_1600 = arith.select %and3A_1597, %sub3A_1599, %div3A_1578 : i32
        %jit3A_1601 = arith.constant 32 : i32
        %eq3A_1602 = arith.constant 0 : i32
        %eq3A_1603 = arith.cmpi eq, %jit3A_1601, %eq3A_1602 : i32
        %jit3A_1604 = arith.constant 1 : i32
        %select_n3A_1605 = arith.select %eq3A_1603, %jit3A_1604, %jit3A_1601 : i32
        %rem3A_1606 = arith.remsi %add3A_1576, %select_n3A_1605 : i32
        %ne3A_1607 = arith.constant 0 : i32
        %ne3A_1608 = arith.cmpi ne, %rem3A_1606, %ne3A_1607 : i32
        %lt3A_1609 = arith.constant 0 : i32
        %lt3A_1610 = arith.cmpi slt, %rem3A_1606, %lt3A_1609 : i32
        %lt3A_1611 = arith.constant 0 : i32
        %lt3A_1612 = arith.cmpi slt, %select_n3A_1605, %lt3A_1611 : i32
        %ne3A_1613 = arith.xori %lt3A_1610, %lt3A_1612 : i1
        %and3A_1614 = arith.andi %ne3A_1613, %ne3A_1608 : i1
        %add3A_1615 = arith.addi %rem3A_1606, %select_n3A_1605 : i32
        %select_n3A_1616 = arith.select %and3A_1614, %add3A_1615, %rem3A_1606 : i32
        %dma_wait3A_1617 = arith.constant 0 : i32
        %dma_wait3A_1618 = arith.constant 0 : i32
        %dma_wait3A_1619 = arith.constant 0 : i32
        %dma_wait3A_1620 = tpu.memref_slice %arg9[%dma_wait3A_1617, %dma_wait3A_1618, %dma_wait3A_1619] : memref<8x8x129xf32, #tpu.memory_space<vmem>> -> memref<8x8x128xf32, #tpu.memory_space<vmem>>
        %dma_wait3A_1621 = arith.constant 0 : i32
        %dma_wait3A_1622 = arith.constant 0 : i32
        %dma_wait3A_1623 = arith.constant 0 : i32
        %dma_wait3A_1624 = tpu.memref_slice %arg4[%select_n3A_1600, %dma_wait3A_1621, %select_n3A_1616, %dma_wait3A_1622, %dma_wait3A_1623] : memref<200x8x32x8x128xf32, #tpu.memory_space<hbm>> -> memref<1x8x1x8x128xf32, #tpu.memory_space<hbm>>
        %dma_wait3A_1625 = tpu.memref_squeeze %dma_wait3A_1624 : memref<1x8x1x8x128xf32, #tpu.memory_space<hbm>> -> memref<8x8x128xf32, #tpu.memory_space<hbm>>
        %dma_wait3A_1626 = arith.constant 0 : i32
        %dma_wait3A_1627 = arith.constant 0 : i32
        %dma_wait3A_1628 = arith.constant 0 : i32
        %dma_wait3A_1629 = tpu.memref_slice %arg4[%select_n3A_1600, %dma_wait3A_1626, %select_n3A_1616, %dma_wait3A_1627, %dma_wait3A_1628] : memref<200x8x32x8x128xf32, #tpu.memory_space<hbm>> -> memref<1x8x1x8x128xf32, #tpu.memory_space<hbm>>
        %dma_wait3A_1630 = tpu.memref_squeeze %dma_wait3A_1629 : memref<1x8x1x8x128xf32, #tpu.memory_space<hbm>> -> memref<8x8x128xf32, #tpu.memory_space<hbm>>
        %dma_wait3A_1631 = arith.constant 0 : i32
        %dma_wait3A_1632 = arith.constant 0 : i32
        %dma_wait3A_1633 = arith.constant 0 : i32
        %dma_wait3A_1634 = tpu.memref_slice %arg9[%dma_wait3A_1631, %dma_wait3A_1632, %dma_wait3A_1633] : memref<8x8x129xf32, #tpu.memory_space<vmem>> -> memref<8x8x128xf32, #tpu.memory_space<vmem>>
        tpu.wait_dma2 semaphore(%arg20 : memref<!tpu.dma_semaphore, #tpu.memory_space<semaphore_mem>>) src(%dma_wait3A_1634 : memref<8x8x128xf32, #tpu.memory_space<vmem>>) dst(%dma_wait3A_1630 : memref<8x8x128xf32, #tpu.memory_space<hbm>>)
        %mul3A_1635 = arith.constant 2 : i32
        %mul3A_1636 = arith.muli %sub3A_1571, %mul3A_1635 : i32
        %add3A_1637 = arith.addi %mul3A_2, %mul3A_1636 : i32
        %add3A_1638 = arith.constant 1 : i32
        %add3A_1639 = arith.addi %add3A_1637, %add3A_1638 : i32
        %jit3A_1640 = arith.constant 32 : i32
        %div3A_1641 = arith.divsi %add3A_1639, %jit3A_1640 : i32
        %sign3A_1642 = arith.constant 0 : i32
        %sign3A_1643 = arith.cmpi sgt, %add3A_1639, %sign3A_1642 : i32
        %sign3A_1644 = arith.extui %sign3A_1643 : i1 to i32
        %sign3A_1645 = arith.constant 0 : i32
        %sign3A_1646 = arith.cmpi slt, %add3A_1639, %sign3A_1645 : i32
        %sign3A_1647 = arith.extui %sign3A_1646 : i1 to i32
        %sign3A_1648 = arith.subi %sign3A_1644, %sign3A_1647 : i32
        %sign3A_1649 = arith.constant 0 : i32
        %sign3A_1650 = arith.cmpi sgt, %jit3A_1640, %sign3A_1649 : i32
        %sign3A_1651 = arith.extui %sign3A_1650 : i1 to i32
        %sign3A_1652 = arith.constant 0 : i32
        %sign3A_1653 = arith.cmpi slt, %jit3A_1640, %sign3A_1652 : i32
        %sign3A_1654 = arith.extui %sign3A_1653 : i1 to i32
        %sign3A_1655 = arith.subi %sign3A_1651, %sign3A_1654 : i32
        %ne3A_1656 = arith.cmpi ne, %sign3A_1648, %sign3A_1655 : i32
        %rem3A_1657 = arith.remsi %add3A_1639, %jit3A_1640 : i32
        %ne3A_1658 = arith.constant 0 : i32
        %ne3A_1659 = arith.cmpi ne, %rem3A_1657, %ne3A_1658 : i32
        %and3A_1660 = arith.andi %ne3A_1656, %ne3A_1659 : i1
        %sub3A_1661 = arith.constant 1 : i32
        %sub3A_1662 = arith.subi %div3A_1641, %sub3A_1661 : i32
        %select_n3A_1663 = arith.select %and3A_1660, %sub3A_1662, %div3A_1641 : i32
        %jit3A_1664 = arith.constant 32 : i32
        %eq3A_1665 = arith.constant 0 : i32
        %eq3A_1666 = arith.cmpi eq, %jit3A_1664, %eq3A_1665 : i32
        %jit3A_1667 = arith.constant 1 : i32
        %select_n3A_1668 = arith.select %eq3A_1666, %jit3A_1667, %jit3A_1664 : i32
        %rem3A_1669 = arith.remsi %add3A_1639, %select_n3A_1668 : i32
        %ne3A_1670 = arith.constant 0 : i32
        %ne3A_1671 = arith.cmpi ne, %rem3A_1669, %ne3A_1670 : i32
        %lt3A_1672 = arith.constant 0 : i32
        %lt3A_1673 = arith.cmpi slt, %rem3A_1669, %lt3A_1672 : i32
        %lt3A_1674 = arith.constant 0 : i32
        %lt3A_1675 = arith.cmpi slt, %select_n3A_1668, %lt3A_1674 : i32
        %ne3A_1676 = arith.xori %lt3A_1673, %lt3A_1675 : i1
        %and3A_1677 = arith.andi %ne3A_1676, %ne3A_1671 : i1
        %add3A_1678 = arith.addi %rem3A_1669, %select_n3A_1668 : i32
        %select_n3A_1679 = arith.select %and3A_1677, %add3A_1678, %rem3A_1669 : i32
        %dma_wait3A_1680 = arith.constant 0 : i32
        %dma_wait3A_1681 = arith.constant 0 : i32
        %dma_wait3A_1682 = arith.constant 0 : i32
        %dma_wait3A_1683 = tpu.memref_slice %arg10[%dma_wait3A_1680, %dma_wait3A_1681, %dma_wait3A_1682] : memref<8x8x129xf32, #tpu.memory_space<vmem>> -> memref<8x8x128xf32, #tpu.memory_space<vmem>>
        %dma_wait3A_1684 = arith.constant 0 : i32
        %dma_wait3A_1685 = arith.constant 0 : i32
        %dma_wait3A_1686 = arith.constant 0 : i32
        %dma_wait3A_1687 = tpu.memref_slice %arg4[%select_n3A_1663, %dma_wait3A_1684, %select_n3A_1679, %dma_wait3A_1685, %dma_wait3A_1686] : memref<200x8x32x8x128xf32, #tpu.memory_space<hbm>> -> memref<1x8x1x8x128xf32, #tpu.memory_space<hbm>>
        %dma_wait3A_1688 = tpu.memref_squeeze %dma_wait3A_1687 : memref<1x8x1x8x128xf32, #tpu.memory_space<hbm>> -> memref<8x8x128xf32, #tpu.memory_space<hbm>>
        %dma_wait3A_1689 = arith.constant 0 : i32
        %dma_wait3A_1690 = arith.constant 0 : i32
        %dma_wait3A_1691 = arith.constant 0 : i32
        %dma_wait3A_1692 = tpu.memref_slice %arg4[%select_n3A_1663, %dma_wait3A_1689, %select_n3A_1679, %dma_wait3A_1690, %dma_wait3A_1691] : memref<200x8x32x8x128xf32, #tpu.memory_space<hbm>> -> memref<1x8x1x8x128xf32, #tpu.memory_space<hbm>>
        %dma_wait3A_1693 = tpu.memref_squeeze %dma_wait3A_1692 : memref<1x8x1x8x128xf32, #tpu.memory_space<hbm>> -> memref<8x8x128xf32, #tpu.memory_space<hbm>>
        %dma_wait3A_1694 = arith.constant 0 : i32
        %dma_wait3A_1695 = arith.constant 0 : i32
        %dma_wait3A_1696 = arith.constant 0 : i32
        %dma_wait3A_1697 = tpu.memref_slice %arg10[%dma_wait3A_1694, %dma_wait3A_1695, %dma_wait3A_1696] : memref<8x8x129xf32, #tpu.memory_space<vmem>> -> memref<8x8x128xf32, #tpu.memory_space<vmem>>
        tpu.wait_dma2 semaphore(%arg20 : memref<!tpu.dma_semaphore, #tpu.memory_space<semaphore_mem>>) src(%dma_wait3A_1697 : memref<8x8x128xf32, #tpu.memory_space<vmem>>) dst(%dma_wait3A_1693 : memref<8x8x128xf32, #tpu.memory_space<hbm>>)
      } else {
      }
      %parallel_loop3A_1247 = arith.constant 0 : i32
      %parallel_loop3A_1248 = arith.constant 128 : i32
      %parallel_loop3A_1249 = arith.constant 1 : i32
      %parallel_loop3A_1250 = arith.constant 1 : i32
      %parallel_loop3A_1251 = arith.constant 0 : i32
      scf.for %parallel_loop3A_1570 = %parallel_loop3A_1247 to %parallel_loop3A_1248 step %parallel_loop3A_1249  : i32 {
        %parallel_loop3A_1571 = vector.broadcast %parallel_loop3A_1570 : i32 to vector<16xi32>
        %parallel_loop3A_1572 = arith.constant 0 : i32
        %parallel_loop3A_1573 = arith.constant 0 : i32
        %parallel_loop3A_1574 = tpu.memref_slice %arg6[%parallel_loop3A_1250, %parallel_loop3A_1251, %parallel_loop3A_1572, %parallel_loop3A_1573] : memref<3x2x128x64xf32, #tpu.memory_space<vmem>> -> memref<1x1x128x64xf32, #tpu.memory_space<vmem>>
        %parallel_loop3A_1575 = tpu.memref_squeeze %parallel_loop3A_1574 : memref<1x1x128x64xf32, #tpu.memory_space<vmem>> -> memref<128x64xf32, #tpu.memory_space<vmem>>
        %parallel_loop3A_1576 = arith.index_cast %parallel_loop3A_1570 : i32 to index
        %parallel_loop3A_1577 = arith.constant 0 : index
        %parallel_loop3A_1578 = tpu.vector_load %parallel_loop3A_1575[%parallel_loop3A_1576, %parallel_loop3A_1577] {strides = array<i32>} : memref<128x64xf32, #tpu.memory_space<vmem>>, vector<16xf32>,
        %parallel_loop3A_1579 = arith.constant 8.000000e+00 : f32
        %parallel_loop3A_1580 = vector.broadcast %parallel_loop3A_1579 : f32 to vector<16xf32>
        %parallel_loop3A_1581 = arith.mulf %parallel_loop3A_1578, %parallel_loop3A_1580 : vector<16xf32>
        tpu.vector_store_idx %arg9[%select_n3A, %select_n3A_153, %parallel_loop3A_1571], %parallel_loop3A_1581 : memref<8x8x129xf32, #tpu.memory_space<vmem>>[vector<16xi32>, vector<16xi32>, vector<16xi32>], vector<16xf32>,
        %parallel_loop3A_1582 = arith.constant 0 : i32
        %parallel_loop3A_1583 = arith.constant 0 : i32
        %parallel_loop3A_1584 = tpu.memref_slice %arg6[%parallel_loop3A_1250, %parallel_loop3A_1251, %parallel_loop3A_1582, %parallel_loop3A_1583] : memref<3x2x128x64xf32, #tpu.memory_space<vmem>> -> memref<1x1x128x64xf32, #tpu.memory_space<vmem>>
        %parallel_loop3A_1585 = tpu.memref_squeeze %parallel_loop3A_1584 : memref<1x1x128x64xf32, #tpu.memory_space<vmem>> -> memref<128x64xf32, #tpu.memory_space<vmem>>
        %parallel_loop3A_1586 = arith.index_cast %parallel_loop3A_1570 : i32 to index
        %parallel_loop3A_1587 = arith.constant 16 : index
        %parallel_loop3A_1588 = tpu.vector_load %parallel_loop3A_1585[%parallel_loop3A_1586, %parallel_loop3A_1587] {strides = array<i32>} : memref<128x64xf32, #tpu.memory_space<vmem>>, vector<16xf32>,
        %parallel_loop3A_1589 = arith.constant 8.000000e+00 : f32
        %parallel_loop3A_1590 = vector.broadcast %parallel_loop3A_1589 : f32 to vector<16xf32>
        %parallel_loop3A_1591 = arith.mulf %parallel_loop3A_1588, %parallel_loop3A_1590 : vector<16xf32>
        tpu.vector_store_idx %arg9[%select_n3A_71, %select_n3A_175, %parallel_loop3A_1571], %parallel_loop3A_1591 : memref<8x8x129xf32, #tpu.memory_space<vmem>>[vector<16xi32>, vector<16xi32>, vector<16xi32>], vector<16xf32>,
        %parallel_loop3A_1592 = arith.constant 0 : i32
        %parallel_loop3A_1593 = arith.constant 0 : i32
        %parallel_loop3A_1594 = tpu.memref_slice %arg6[%parallel_loop3A_1250, %parallel_loop3A_1251, %parallel_loop3A_1592, %parallel_loop3A_1593] : memref<3x2x128x64xf32, #tpu.memory_space<vmem>> -> memref<1x1x128x64xf32, #tpu.memory_space<vmem>>
        %parallel_loop3A_1595 = tpu.memref_squeeze %parallel_loop3A_1594 : memref<1x1x128x64xf32, #tpu.memory_space<vmem>> -> memref<128x64xf32, #tpu.memory_space<vmem>>
        %parallel_loop3A_1596 = arith.index_cast %parallel_loop3A_1570 : i32 to index
        %parallel_loop3A_1597 = arith.constant 32 : index
        %parallel_loop3A_1598 = tpu.vector_load %parallel_loop3A_1595[%parallel_loop3A_1596, %parallel_loop3A_1597] {strides = array<i32>} : memref<128x64xf32, #tpu.memory_space<vmem>>, vector<16xf32>,
        %parallel_loop3A_1599 = arith.constant 8.000000e+00 : f32
        %parallel_loop3A_1600 = vector.broadcast %parallel_loop3A_1599 : f32 to vector<16xf32>
        %parallel_loop3A_1601 = arith.mulf %parallel_loop3A_1598, %parallel_loop3A_1600 : vector<16xf32>
        tpu.vector_store_idx %arg9[%select_n3A_102, %select_n3A_197, %parallel_loop3A_1571], %parallel_loop3A_1601 : memref<8x8x129xf32, #tpu.memory_space<vmem>>[vector<16xi32>, vector<16xi32>, vector<16xi32>], vector<16xf32>,
        %parallel_loop3A_1602 = arith.constant 0 : i32
        %parallel_loop3A_1603 = arith.constant 0 : i32
        %parallel_loop3A_1604 = tpu.memref_slice %arg6[%parallel_loop3A_1250, %parallel_loop3A_1251, %parallel_loop3A_1602, %parallel_loop3A_1603] : memref<3x2x128x64xf32, #tpu.memory_space<vmem>> -> memref<1x1x128x64xf32, #tpu.memory_space<vmem>>
        %parallel_loop3A_1605 = tpu.memref_squeeze %parallel_loop3A_1604 : memref<1x1x128x64xf32, #tpu.memory_space<vmem>> -> memref<128x64xf32, #tpu.memory_space<vmem>>
        %parallel_loop3A_1606 = arith.index_cast %parallel_loop3A_1570 : i32 to index
        %parallel_loop3A_1607 = arith.constant 48 : index
        %parallel_loop3A_1608 = tpu.vector_load %parallel_loop3A_1605[%parallel_loop3A_1606, %parallel_loop3A_1607] {strides = array<i32>} : memref<128x64xf32, #tpu.memory_space<vmem>>, vector<16xf32>,
        %parallel_loop3A_1609 = arith.constant 8.000000e+00 : f32
        %parallel_loop3A_1610 = vector.broadcast %parallel_loop3A_1609 : f32 to vector<16xf32>
        %parallel_loop3A_1611 = arith.mulf %parallel_loop3A_1608, %parallel_loop3A_1610 : vector<16xf32>
        tpu.vector_store_idx %arg9[%select_n3A_133, %select_n3A_219, %parallel_loop3A_1571], %parallel_loop3A_1611 : memref<8x8x129xf32, #tpu.memory_space<vmem>>[vector<16xi32>, vector<16xi32>, vector<16xi32>], vector<16xf32>,
      } {sc.loop_unroll_factor = 4 : i64, sc.parallel_access}
      %parallel_loop3A_1252 = arith.constant 0 : i32
      %parallel_loop3A_1253 = arith.constant 128 : i32
      %parallel_loop3A_1254 = arith.constant 1 : i32
      %parallel_loop3A_1255 = arith.constant 1 : i32
      %parallel_loop3A_1256 = arith.constant 1 : i32
      scf.for %parallel_loop3A_1570 = %parallel_loop3A_1252 to %parallel_loop3A_1253 step %parallel_loop3A_1254  : i32 {
        %parallel_loop3A_1571 = vector.broadcast %parallel_loop3A_1570 : i32 to vector<16xi32>
        %parallel_loop3A_1572 = arith.constant 0 : i32
        %parallel_loop3A_1573 = arith.constant 0 : i32
        %parallel_loop3A_1574 = tpu.memref_slice %arg6[%parallel_loop3A_1255, %parallel_loop3A_1256, %parallel_loop3A_1572, %parallel_loop3A_1573] : memref<3x2x128x64xf32, #tpu.memory_space<vmem>> -> memref<1x1x128x64xf32, #tpu.memory_space<vmem>>
        %parallel_loop3A_1575 = tpu.memref_squeeze %parallel_loop3A_1574 : memref<1x1x128x64xf32, #tpu.memory_space<vmem>> -> memref<128x64xf32, #tpu.memory_space<vmem>>
        %parallel_loop3A_1576 = arith.index_cast %parallel_loop3A_1570 : i32 to index
        %parallel_loop3A_1577 = arith.constant 0 : index
        %parallel_loop3A_1578 = tpu.vector_load %parallel_loop3A_1575[%parallel_loop3A_1576, %parallel_loop3A_1577] {strides = array<i32>} : memref<128x64xf32, #tpu.memory_space<vmem>>, vector<16xf32>,
        %parallel_loop3A_1579 = arith.constant 8.000000e+00 : f32
        %parallel_loop3A_1580 = vector.broadcast %parallel_loop3A_1579 : f32 to vector<16xf32>
        %parallel_loop3A_1581 = arith.mulf %parallel_loop3A_1578, %parallel_loop3A_1580 : vector<16xf32>
        tpu.vector_store_idx %arg10[%select_n3A, %select_n3A_153, %parallel_loop3A_1571], %parallel_loop3A_1581 : memref<8x8x129xf32, #tpu.memory_space<vmem>>[vector<16xi32>, vector<16xi32>, vector<16xi32>], vector<16xf32>,
        %parallel_loop3A_1582 = arith.constant 0 : i32
        %parallel_loop3A_1583 = arith.constant 0 : i32
        %parallel_loop3A_1584 = tpu.memref_slice %arg6[%parallel_loop3A_1255, %parallel_loop3A_1256, %parallel_loop3A_1582, %parallel_loop3A_1583] : memref<3x2x128x64xf32, #tpu.memory_space<vmem>> -> memref<1x1x128x64xf32, #tpu.memory_space<vmem>>
        %parallel_loop3A_1585 = tpu.memref_squeeze %parallel_loop3A_1584 : memref<1x1x128x64xf32, #tpu.memory_space<vmem>> -> memref<128x64xf32, #tpu.memory_space<vmem>>
        %parallel_loop3A_1586 = arith.index_cast %parallel_loop3A_1570 : i32 to index
        %parallel_loop3A_1587 = arith.constant 16 : index
        %parallel_loop3A_1588 = tpu.vector_load %parallel_loop3A_1585[%parallel_loop3A_1586, %parallel_loop3A_1587] {strides = array<i32>} : memref<128x64xf32, #tpu.memory_space<vmem>>, vector<16xf32>,
        %parallel_loop3A_1589 = arith.constant 8.000000e+00 : f32
        %parallel_loop3A_1590 = vector.broadcast %parallel_loop3A_1589 : f32 to vector<16xf32>
        %parallel_loop3A_1591 = arith.mulf %parallel_loop3A_1588, %parallel_loop3A_1590 : vector<16xf32>
        tpu.vector_store_idx %arg10[%select_n3A_71, %select_n3A_175, %parallel_loop3A_1571], %parallel_loop3A_1591 : memref<8x8x129xf32, #tpu.memory_space<vmem>>[vector<16xi32>, vector<16xi32>, vector<16xi32>], vector<16xf32>,
        %parallel_loop3A_1592 = arith.constant 0 : i32
        %parallel_loop3A_1593 = arith.constant 0 : i32
        %parallel_loop3A_1594 = tpu.memref_slice %arg6[%parallel_loop3A_1255, %parallel_loop3A_1256, %parallel_loop3A_1592, %parallel_loop3A_1593] : memref<3x2x128x64xf32, #tpu.memory_space<vmem>> -> memref<1x1x128x64xf32, #tpu.memory_space<vmem>>
        %parallel_loop3A_1595 = tpu.memref_squeeze %parallel_loop3A_1594 : memref<1x1x128x64xf32, #tpu.memory_space<vmem>> -> memref<128x64xf32, #tpu.memory_space<vmem>>
        %parallel_loop3A_1596 = arith.index_cast %parallel_loop3A_1570 : i32 to index
        %parallel_loop3A_1597 = arith.constant 32 : index
        %parallel_loop3A_1598 = tpu.vector_load %parallel_loop3A_1595[%parallel_loop3A_1596, %parallel_loop3A_1597] {strides = array<i32>} : memref<128x64xf32, #tpu.memory_space<vmem>>, vector<16xf32>,
        %parallel_loop3A_1599 = arith.constant 8.000000e+00 : f32
        %parallel_loop3A_1600 = vector.broadcast %parallel_loop3A_1599 : f32 to vector<16xf32>
        %parallel_loop3A_1601 = arith.mulf %parallel_loop3A_1598, %parallel_loop3A_1600 : vector<16xf32>
        tpu.vector_store_idx %arg10[%select_n3A_102, %select_n3A_197, %parallel_loop3A_1571], %parallel_loop3A_1601 : memref<8x8x129xf32, #tpu.memory_space<vmem>>[vector<16xi32>, vector<16xi32>, vector<16xi32>], vector<16xf32>,
        %parallel_loop3A_1602 = arith.constant 0 : i32
        %parallel_loop3A_1603 = arith.constant 0 : i32
        %parallel_loop3A_1604 = tpu.memref_slice %arg6[%parallel_loop3A_1255, %parallel_loop3A_1256, %parallel_loop3A_1602, %parallel_loop3A_1603] : memref<3x2x128x64xf32, #tpu.memory_space<vmem>> -> memref<1x1x128x64xf32, #tpu.memory_space<vmem>>
        %parallel_loop3A_1605 = tpu.memref_squeeze %parallel_loop3A_1604 : memref<1x1x128x64xf32, #tpu.memory_space<vmem>> -> memref<128x64xf32, #tpu.memory_space<vmem>>
        %parallel_loop3A_1606 = arith.index_cast %parallel_loop3A_1570 : i32 to index
        %parallel_loop3A_1607 = arith.constant 48 : index
        %parallel_loop3A_1608 = tpu.vector_load %parallel_loop3A_1605[%parallel_loop3A_1606, %parallel_loop3A_1607] {strides = array<i32>} : memref<128x64xf32, #tpu.memory_space<vmem>>, vector<16xf32>,
        %parallel_loop3A_1609 = arith.constant 8.000000e+00 : f32
        %parallel_loop3A_1610 = vector.broadcast %parallel_loop3A_1609 : f32 to vector<16xf32>
        %parallel_loop3A_1611 = arith.mulf %parallel_loop3A_1608, %parallel_loop3A_1610 : vector<16xf32>
        tpu.vector_store_idx %arg10[%select_n3A_133, %select_n3A_219, %parallel_loop3A_1571], %parallel_loop3A_1611 : memref<8x8x129xf32, #tpu.memory_space<vmem>>[vector<16xi32>, vector<16xi32>, vector<16xi32>], vector<16xf32>,
      } {sc.loop_unroll_factor = 4 : i64, sc.parallel_access}
      %mul3A_1257 = arith.constant 2 : i32
      %mul3A_1258 = arith.muli %add3A_1199, %mul3A_1257 : i32
      %add3A_1259 = arith.addi %mul3A_2, %mul3A_1258 : i32
      %add3A_1260 = arith.constant 0 : i32
      %add3A_1261 = arith.addi %add3A_1259, %add3A_1260 : i32
      %jit3A_1262 = arith.constant 32 : i32
      %div3A_1263 = arith.divsi %add3A_1261, %jit3A_1262 : i32
      %sign3A_1264 = arith.constant 0 : i32
      %sign3A_1265 = arith.cmpi sgt, %add3A_1261, %sign3A_1264 : i32
      %sign3A_1266 = arith.extui %sign3A_1265 : i1 to i32
      %sign3A_1267 = arith.constant 0 : i32
      %sign3A_1268 = arith.cmpi slt, %add3A_1261, %sign3A_1267 : i32
      %sign3A_1269 = arith.extui %sign3A_1268 : i1 to i32
      %sign3A_1270 = arith.subi %sign3A_1266, %sign3A_1269 : i32
      %sign3A_1271 = arith.constant 0 : i32
      %sign3A_1272 = arith.cmpi sgt, %jit3A_1262, %sign3A_1271 : i32
      %sign3A_1273 = arith.extui %sign3A_1272 : i1 to i32
      %sign3A_1274 = arith.constant 0 : i32
      %sign3A_1275 = arith.cmpi slt, %jit3A_1262, %sign3A_1274 : i32
      %sign3A_1276 = arith.extui %sign3A_1275 : i1 to i32
      %sign3A_1277 = arith.subi %sign3A_1273, %sign3A_1276 : i32
      %ne3A_1278 = arith.cmpi ne, %sign3A_1270, %sign3A_1277 : i32
      %rem3A_1279 = arith.remsi %add3A_1261, %jit3A_1262 : i32
      %ne3A_1280 = arith.constant 0 : i32
      %ne3A_1281 = arith.cmpi ne, %rem3A_1279, %ne3A_1280 : i32
      %and3A_1282 = arith.andi %ne3A_1278, %ne3A_1281 : i1
      %sub3A_1283 = arith.constant 1 : i32
      %sub3A_1284 = arith.subi %div3A_1263, %sub3A_1283 : i32
      %select_n3A_1285 = arith.select %and3A_1282, %sub3A_1284, %div3A_1263 : i32
      %jit3A_1286 = arith.constant 32 : i32
      %eq3A_1287 = arith.constant 0 : i32
      %eq3A_1288 = arith.cmpi eq, %jit3A_1286, %eq3A_1287 : i32
      %jit3A_1289 = arith.constant 1 : i32
      %select_n3A_1290 = arith.select %eq3A_1288, %jit3A_1289, %jit3A_1286 : i32
      %rem3A_1291 = arith.remsi %add3A_1261, %select_n3A_1290 : i32
      %ne3A_1292 = arith.constant 0 : i32
      %ne3A_1293 = arith.cmpi ne, %rem3A_1291, %ne3A_1292 : i32
      %lt3A_1294 = arith.constant 0 : i32
      %lt3A_1295 = arith.cmpi slt, %rem3A_1291, %lt3A_1294 : i32
      %lt3A_1296 = arith.constant 0 : i32
      %lt3A_1297 = arith.cmpi slt, %select_n3A_1290, %lt3A_1296 : i32
      %ne3A_1298 = arith.xori %lt3A_1295, %lt3A_1297 : i1
      %and3A_1299 = arith.andi %ne3A_1298, %ne3A_1293 : i1
      %add3A_1300 = arith.addi %rem3A_1291, %select_n3A_1290 : i32
      %select_n3A_1301 = arith.select %and3A_1299, %add3A_1300, %rem3A_1291 : i32
      %dma_start3A_1302 = arith.constant 0 : i32
      %dma_start3A_1303 = arith.constant 0 : i32
      %dma_start3A_1304 = arith.constant 0 : i32
      %dma_start3A_1305 = tpu.memref_slice %arg9[%dma_start3A_1302, %dma_start3A_1303, %dma_start3A_1304] : memref<8x8x129xf32, #tpu.memory_space<vmem>> -> memref<8x8x128xf32, #tpu.memory_space<vmem>>
      %dma_start3A_1306 = arith.constant 0 : i32
      %dma_start3A_1307 = arith.constant 0 : i32
      %dma_start3A_1308 = arith.constant 0 : i32
      %dma_start3A_1309 = tpu.memref_slice %arg4[%select_n3A_1285, %dma_start3A_1306, %select_n3A_1301, %dma_start3A_1307, %dma_start3A_1308] : memref<200x8x32x8x128xf32, #tpu.memory_space<hbm>> -> memref<1x8x1x8x128xf32, #tpu.memory_space<hbm>>
      %dma_start3A_1310 = tpu.memref_squeeze %dma_start3A_1309 : memref<1x8x1x8x128xf32, #tpu.memory_space<hbm>> -> memref<8x8x128xf32, #tpu.memory_space<hbm>>
      %dma_start3A_1311 = arith.constant 0 : i32
      %dma_start3A_1312 = arith.constant 0 : i32
      %dma_start3A_1313 = arith.constant 0 : i32
      %dma_start3A_1314 = tpu.memref_slice %arg4[%select_n3A_1285, %dma_start3A_1311, %select_n3A_1301, %dma_start3A_1312, %dma_start3A_1313] : memref<200x8x32x8x128xf32, #tpu.memory_space<hbm>> -> memref<1x8x1x8x128xf32, #tpu.memory_space<hbm>>
      %dma_start3A_1315 = tpu.memref_squeeze %dma_start3A_1314 : memref<1x8x1x8x128xf32, #tpu.memory_space<hbm>> -> memref<8x8x128xf32, #tpu.memory_space<hbm>>
      %dma_start3A_1316 = arith.constant 0 : i32
      %dma_start3A_1317 = arith.constant 0 : i32
      %dma_start3A_1318 = arith.constant 0 : i32
      %dma_start3A_1319 = tpu.memref_slice %arg9[%dma_start3A_1316, %dma_start3A_1317, %dma_start3A_1318] : memref<8x8x129xf32, #tpu.memory_space<vmem>> -> memref<8x8x128xf32, #tpu.memory_space<vmem>>
      tpu.enqueue_dma source(%dma_start3A_1319 : memref<8x8x128xf32, #tpu.memory_space<vmem>>) target(%dma_start3A_1315 : memref<8x8x128xf32, #tpu.memory_space<hbm>>) target_semaphore(%arg20 : memref<!tpu.dma_semaphore, #tpu.memory_space<semaphore_mem>>)
      %mul3A_1320 = arith.constant 2 : i32
      %mul3A_1321 = arith.muli %add3A_1199, %mul3A_1320 : i32
      %add3A_1322 = arith.addi %mul3A_2, %mul3A_1321 : i32
      %add3A_1323 = arith.constant 1 : i32
      %add3A_1324 = arith.addi %add3A_1322, %add3A_1323 : i32
      %jit3A_1325 = arith.constant 32 : i32
      %div3A_1326 = arith.divsi %add3A_1324, %jit3A_1325 : i32
      %sign3A_1327 = arith.constant 0 : i32
      %sign3A_1328 = arith.cmpi sgt, %add3A_1324, %sign3A_1327 : i32
      %sign3A_1329 = arith.extui %sign3A_1328 : i1 to i32
      %sign3A_1330 = arith.constant 0 : i32
      %sign3A_1331 = arith.cmpi slt, %add3A_1324, %sign3A_1330 : i32
      %sign3A_1332 = arith.extui %sign3A_1331 : i1 to i32
      %sign3A_1333 = arith.subi %sign3A_1329, %sign3A_1332 : i32
      %sign3A_1334 = arith.constant 0 : i32
      %sign3A_1335 = arith.cmpi sgt, %jit3A_1325, %sign3A_1334 : i32
      %sign3A_1336 = arith.extui %sign3A_1335 : i1 to i32
      %sign3A_1337 = arith.constant 0 : i32
      %sign3A_1338 = arith.cmpi slt, %jit3A_1325, %sign3A_1337 : i32
      %sign3A_1339 = arith.extui %sign3A_1338 : i1 to i32
      %sign3A_1340 = arith.subi %sign3A_1336, %sign3A_1339 : i32
      %ne3A_1341 = arith.cmpi ne, %sign3A_1333, %sign3A_1340 : i32
      %rem3A_1342 = arith.remsi %add3A_1324, %jit3A_1325 : i32
      %ne3A_1343 = arith.constant 0 : i32
      %ne3A_1344 = arith.cmpi ne, %rem3A_1342, %ne3A_1343 : i32
      %and3A_1345 = arith.andi %ne3A_1341, %ne3A_1344 : i1
      %sub3A_1346 = arith.constant 1 : i32
      %sub3A_1347 = arith.subi %div3A_1326, %sub3A_1346 : i32
      %select_n3A_1348 = arith.select %and3A_1345, %sub3A_1347, %div3A_1326 : i32
      %jit3A_1349 = arith.constant 32 : i32
      %eq3A_1350 = arith.constant 0 : i32
      %eq3A_1351 = arith.cmpi eq, %jit3A_1349, %eq3A_1350 : i32
      %jit3A_1352 = arith.constant 1 : i32
      %select_n3A_1353 = arith.select %eq3A_1351, %jit3A_1352, %jit3A_1349 : i32
      %rem3A_1354 = arith.remsi %add3A_1324, %select_n3A_1353 : i32
      %ne3A_1355 = arith.constant 0 : i32
      %ne3A_1356 = arith.cmpi ne, %rem3A_1354, %ne3A_1355 : i32
      %lt3A_1357 = arith.constant 0 : i32
      %lt3A_1358 = arith.cmpi slt, %rem3A_1354, %lt3A_1357 : i32
      %lt3A_1359 = arith.constant 0 : i32
      %lt3A_1360 = arith.cmpi slt, %select_n3A_1353, %lt3A_1359 : i32
      %ne3A_1361 = arith.xori %lt3A_1358, %lt3A_1360 : i1
      %and3A_1362 = arith.andi %ne3A_1361, %ne3A_1356 : i1
      %add3A_1363 = arith.addi %rem3A_1354, %select_n3A_1353 : i32
      %select_n3A_1364 = arith.select %and3A_1362, %add3A_1363, %rem3A_1354 : i32
      %dma_start3A_1365 = arith.constant 0 : i32
      %dma_start3A_1366 = arith.constant 0 : i32
      %dma_start3A_1367 = arith.constant 0 : i32
      %dma_start3A_1368 = tpu.memref_slice %arg10[%dma_start3A_1365, %dma_start3A_1366, %dma_start3A_1367] : memref<8x8x129xf32, #tpu.memory_space<vmem>> -> memref<8x8x128xf32, #tpu.memory_space<vmem>>
      %dma_start3A_1369 = arith.constant 0 : i32
      %dma_start3A_1370 = arith.constant 0 : i32
      %dma_start3A_1371 = arith.constant 0 : i32
      %dma_start3A_1372 = tpu.memref_slice %arg4[%select_n3A_1348, %dma_start3A_1369, %select_n3A_1364, %dma_start3A_1370, %dma_start3A_1371] : memref<200x8x32x8x128xf32, #tpu.memory_space<hbm>> -> memref<1x8x1x8x128xf32, #tpu.memory_space<hbm>>
      %dma_start3A_1373 = tpu.memref_squeeze %dma_start3A_1372 : memref<1x8x1x8x128xf32, #tpu.memory_space<hbm>> -> memref<8x8x128xf32, #tpu.memory_space<hbm>>
      %dma_start3A_1374 = arith.constant 0 : i32
      %dma_start3A_1375 = arith.constant 0 : i32
      %dma_start3A_1376 = arith.constant 0 : i32
      %dma_start3A_1377 = tpu.memref_slice %arg4[%select_n3A_1348, %dma_start3A_1374, %select_n3A_1364, %dma_start3A_1375, %dma_start3A_1376] : memref<200x8x32x8x128xf32, #tpu.memory_space<hbm>> -> memref<1x8x1x8x128xf32, #tpu.memory_space<hbm>>
      %dma_start3A_1378 = tpu.memref_squeeze %dma_start3A_1377 : memref<1x8x1x8x128xf32, #tpu.memory_space<hbm>> -> memref<8x8x128xf32, #tpu.memory_space<hbm>>
      %dma_start3A_1379 = arith.constant 0 : i32
      %dma_start3A_1380 = arith.constant 0 : i32
      %dma_start3A_1381 = arith.constant 0 : i32
      %dma_start3A_1382 = tpu.memref_slice %arg10[%dma_start3A_1379, %dma_start3A_1380, %dma_start3A_1381] : memref<8x8x129xf32, #tpu.memory_space<vmem>> -> memref<8x8x128xf32, #tpu.memory_space<vmem>>
      tpu.enqueue_dma source(%dma_start3A_1382 : memref<8x8x128xf32, #tpu.memory_space<vmem>>) target(%dma_start3A_1378 : memref<8x8x128xf32, #tpu.memory_space<hbm>>) target_semaphore(%arg20 : memref<!tpu.dma_semaphore, #tpu.memory_space<semaphore_mem>>)
      %mul3A_1383 = arith.constant 3 : i32
      %mul3A_1384 = arith.muli %mul3A_1383, %scan3A_1011 : i32
      %add3A_1385 = arith.constant 2 : i32
      %add3A_1386 = arith.addi %mul3A_1384, %add3A_1385 : i32
      %dma_wait3A_1387 = arith.constant 2 : i32
      %dma_wait3A_1388 = arith.constant 0 : i32
      %dma_wait3A_1389 = arith.constant 2 : i32
      %dma_wait3A_1390 = arith.constant 0 : i32
      %dma_wait3A_1391 = arith.constant 0 : i32
      %dma_wait3A_1392 = arith.constant 0 : i32
      %dma_wait3A_1393 = tpu.memref_slice %arg6[%dma_wait3A_1389, %dma_wait3A_1390, %dma_wait3A_1391, %dma_wait3A_1392] : memref<3x2x128x64xf32, #tpu.memory_space<vmem>> -> memref<1x1x128x64xf32, #tpu.memory_space<vmem>>
      %dma_wait3A_1394 = tpu.memref_squeeze %dma_wait3A_1393 : memref<1x1x128x64xf32, #tpu.memory_space<vmem>> -> memref<128x64xf32, #tpu.memory_space<vmem>>
      %dma_wait3A_1395 = arith.constant 0 : i32
      %dma_wait3A_1396 = tpu.memref_slice %arg5[%dma_wait3A_1387, %dma_wait3A_1388, %dma_wait3A_1395] : memref<3x2x128xi32, #tpu.memory_space<vmem>> -> memref<1x1x128xi32, #tpu.memory_space<vmem>>
      %dma_wait3A_1397 = tpu.memref_squeeze %dma_wait3A_1396 : memref<1x1x128xi32, #tpu.memory_space<vmem>> -> memref<128xi32, #tpu.memory_space<vmem>>
      %dma_wait3A_1398 = arith.constant 0 : i32
      %dma_wait3A_1399 = arith.constant 0 : i32
      %dma_wait3A_1400 = tpu.memref_slice %arg3[%dma_wait3A_1398, %dma_wait3A_1399] : memref<100000x64xf32, #tpu.memory_space<hbm>> -> memref<100000x64xf32, #tpu.memory_space<hbm>>
      tpu.wait_indirect_dma semaphore(%arg15 : memref<!tpu.dma_semaphore, #tpu.memory_space<semaphore_mem>>) src(%dma_wait3A_1400 : memref<100000x64xf32, #tpu.memory_space<hbm>>) dst(%dma_wait3A_1394 : memref<128x64xf32, #tpu.memory_space<vmem>>)
      %dma_wait3A_1401 = arith.constant 2 : i32
      %dma_wait3A_1402 = arith.constant 1 : i32
      %dma_wait3A_1403 = arith.constant 2 : i32
      %dma_wait3A_1404 = arith.constant 1 : i32
      %dma_wait3A_1405 = arith.constant 0 : i32
      %dma_wait3A_1406 = arith.constant 0 : i32
      %dma_wait3A_1407 = tpu.memref_slice %arg6[%dma_wait3A_1403, %dma_wait3A_1404, %dma_wait3A_1405, %dma_wait3A_1406] : memref<3x2x128x64xf32, #tpu.memory_space<vmem>> -> memref<1x1x128x64xf32, #tpu.memory_space<vmem>>
      %dma_wait3A_1408 = tpu.memref_squeeze %dma_wait3A_1407 : memref<1x1x128x64xf32, #tpu.memory_space<vmem>> -> memref<128x64xf32, #tpu.memory_space<vmem>>
      %dma_wait3A_1409 = arith.constant 0 : i32
      %dma_wait3A_1410 = tpu.memref_slice %arg5[%dma_wait3A_1401, %dma_wait3A_1402, %dma_wait3A_1409] : memref<3x2x128xi32, #tpu.memory_space<vmem>> -> memref<1x1x128xi32, #tpu.memory_space<vmem>>
      %dma_wait3A_1411 = tpu.memref_squeeze %dma_wait3A_1410 : memref<1x1x128xi32, #tpu.memory_space<vmem>> -> memref<128xi32, #tpu.memory_space<vmem>>
      %dma_wait3A_1412 = arith.constant 0 : i32
      %dma_wait3A_1413 = arith.constant 0 : i32
      %dma_wait3A_1414 = tpu.memref_slice %arg3[%dma_wait3A_1412, %dma_wait3A_1413] : memref<100000x64xf32, #tpu.memory_space<hbm>> -> memref<100000x64xf32, #tpu.memory_space<hbm>>
      tpu.wait_indirect_dma semaphore(%arg15 : memref<!tpu.dma_semaphore, #tpu.memory_space<semaphore_mem>>) src(%dma_wait3A_1414 : memref<100000x64xf32, #tpu.memory_space<hbm>>) dst(%dma_wait3A_1408 : memref<128x64xf32, #tpu.memory_space<vmem>>)
      %add3A_1415 = arith.constant 3 : i32
      %add3A_1416 = arith.addi %add3A_1386, %add3A_1415 : i32
      %lt3A_1417 = arith.constant 100 : i32
      %lt3A_1418 = arith.cmpi slt, %add3A_1416, %lt3A_1417 : i32
      %convert_element_type3A_1419 = arith.extui %lt3A_1418 : i1 to i32
      %cond3A_1420 = arith.constant 0 : i32
      %cond3A_1421 = arith.cmpi ne, %convert_element_type3A_1419, %cond3A_1420 : i32
      scf.if %cond3A_1421 {
        %add3A_1570 = arith.constant 3 : i32
        %add3A_1571 = arith.addi %add3A_1386, %add3A_1570 : i32
        %mul3A_1572 = arith.constant 2 : i32
        %mul3A_1573 = arith.muli %add3A_1571, %mul3A_1572 : i32
        %add3A_1574 = arith.addi %mul3A_2, %mul3A_1573 : i32
        %dma_start3A_1575 = arith.constant 2 : i32
        %dma_start3A_1576 = arith.constant 0 : i32
        %dma_start3A_1577 = arith.constant 0 : i32
        %dma_start3A_1578 = tpu.memref_slice %arg5[%dma_start3A_1575, %dma_start3A_1576, %dma_start3A_1577] : memref<3x2x128xi32, #tpu.memory_space<vmem>> -> memref<1x2x128xi32, #tpu.memory_space<vmem>>
        %dma_start3A_1579 = tpu.memref_squeeze %dma_start3A_1578 : memref<1x2x128xi32, #tpu.memory_space<vmem>> -> memref<2x128xi32, #tpu.memory_space<vmem>>
        %dma_start3A_1580 = arith.constant 0 : i32
        %dma_start3A_1581 = tpu.memref_slice %arg2[%add3A_1574, %dma_start3A_1580] : memref<6400x128xi32, #tpu.memory_space<hbm>> -> memref<2x128xi32, #tpu.memory_space<hbm>>
        %dma_start3A_1582 = arith.constant 0 : i32
        %dma_start3A_1583 = arith.constant 0 : i32
        %dma_start3A_1584 = tpu.memref_slice %arg5[%dma_start3A_1575, %dma_start3A_1582, %dma_start3A_1583] : memref<3x2x128xi32, #tpu.memory_space<vmem>> -> memref<1x2x128xi32, #tpu.memory_space<vmem>>
        %dma_start3A_1585 = tpu.memref_squeeze %dma_start3A_1584 : memref<1x2x128xi32, #tpu.memory_space<vmem>> -> memref<2x128xi32, #tpu.memory_space<vmem>>
        %dma_start3A_1586 = arith.constant 0 : i32
        %dma_start3A_1587 = tpu.memref_slice %arg2[%add3A_1574, %dma_start3A_1586] : memref<6400x128xi32, #tpu.memory_space<hbm>> -> memref<2x128xi32, #tpu.memory_space<hbm>>
        tpu.enqueue_dma source(%dma_start3A_1587 : memref<2x128xi32, #tpu.memory_space<hbm>>) target(%dma_start3A_1585 : memref<2x128xi32, #tpu.memory_space<vmem>>) target_semaphore(%arg18 : memref<!tpu.dma_semaphore, #tpu.memory_space<semaphore_mem>>)
      } else {
      }
      %add3A_1422 = arith.constant 2 : i32
      %add3A_1423 = arith.addi %add3A_1386, %add3A_1422 : i32
      %lt3A_1424 = arith.constant 100 : i32
      %lt3A_1425 = arith.cmpi slt, %add3A_1423, %lt3A_1424 : i32
      %convert_element_type3A_1426 = arith.extui %lt3A_1425 : i1 to i32
      %cond3A_1427 = arith.constant 0 : i32
      %cond3A_1428 = arith.cmpi ne, %convert_element_type3A_1426, %cond3A_1427 : i32
      scf.if %cond3A_1428 {
        %add3A_1570 = arith.constant 2 : i32
        %add3A_1571 = arith.addi %add3A_1386, %add3A_1570 : i32
        %mul3A_1572 = arith.constant 2 : i32
        %mul3A_1573 = arith.muli %add3A_1571, %mul3A_1572 : i32
        %add3A_1574 = arith.addi %mul3A_2, %mul3A_1573 : i32
        %dma_wait3A_1575 = arith.constant 1 : i32
        %dma_wait3A_1576 = arith.constant 0 : i32
        %dma_wait3A_1577 = arith.constant 0 : i32
        %dma_wait3A_1578 = tpu.memref_slice %arg5[%dma_wait3A_1575, %dma_wait3A_1576, %dma_wait3A_1577] : memref<3x2x128xi32, #tpu.memory_space<vmem>> -> memref<1x2x128xi32, #tpu.memory_space<vmem>>
        %dma_wait3A_1579 = tpu.memref_squeeze %dma_wait3A_1578 : memref<1x2x128xi32, #tpu.memory_space<vmem>> -> memref<2x128xi32, #tpu.memory_space<vmem>>
        %dma_wait3A_1580 = arith.constant 0 : i32
        %dma_wait3A_1581 = tpu.memref_slice %arg2[%add3A_1574, %dma_wait3A_1580] : memref<6400x128xi32, #tpu.memory_space<hbm>> -> memref<2x128xi32, #tpu.memory_space<hbm>>
        %dma_wait3A_1582 = arith.constant 0 : i32
        %dma_wait3A_1583 = arith.constant 0 : i32
        %dma_wait3A_1584 = tpu.memref_slice %arg5[%dma_wait3A_1575, %dma_wait3A_1582, %dma_wait3A_1583] : memref<3x2x128xi32, #tpu.memory_space<vmem>> -> memref<1x2x128xi32, #tpu.memory_space<vmem>>
        %dma_wait3A_1585 = tpu.memref_squeeze %dma_wait3A_1584 : memref<1x2x128xi32, #tpu.memory_space<vmem>> -> memref<2x128xi32, #tpu.memory_space<vmem>>
        %dma_wait3A_1586 = arith.constant 0 : i32
        %dma_wait3A_1587 = tpu.memref_slice %arg2[%add3A_1574, %dma_wait3A_1586] : memref<6400x128xi32, #tpu.memory_space<hbm>> -> memref<2x128xi32, #tpu.memory_space<hbm>>
        tpu.wait_dma2 semaphore(%arg17 : memref<!tpu.dma_semaphore, #tpu.memory_space<semaphore_mem>>) src(%dma_wait3A_1587 : memref<2x128xi32, #tpu.memory_space<hbm>>) dst(%dma_wait3A_1585 : memref<2x128xi32, #tpu.memory_space<vmem>>)
        %dma_start3A_1588 = arith.constant 1 : i32
        %dma_start3A_1589 = arith.constant 0 : i32
        %dma_start3A_1590 = arith.constant 1 : i32
        %dma_start3A_1591 = arith.constant 0 : i32
        %dma_start3A_1592 = arith.constant 0 : i32
        %dma_start3A_1593 = arith.constant 0 : i32
        %dma_start3A_1594 = tpu.memref_slice %arg6[%dma_start3A_1590, %dma_start3A_1591, %dma_start3A_1592, %dma_start3A_1593] : memref<3x2x128x64xf32, #tpu.memory_space<vmem>> -> memref<1x1x128x64xf32, #tpu.memory_space<vmem>>
        %dma_start3A_1595 = tpu.memref_squeeze %dma_start3A_1594 : memref<1x1x128x64xf32, #tpu.memory_space<vmem>> -> memref<128x64xf32, #tpu.memory_space<vmem>>
        %dma_start3A_1596 = arith.constant 0 : i32
        %dma_start3A_1597 = tpu.memref_slice %arg5[%dma_start3A_1588, %dma_start3A_1589, %dma_start3A_1596] : memref<3x2x128xi32, #tpu.memory_space<vmem>> -> memref<1x1x128xi32, #tpu.memory_space<vmem>>
        %dma_start3A_1598 = tpu.memref_squeeze %dma_start3A_1597 : memref<1x1x128xi32, #tpu.memory_space<vmem>> -> memref<128xi32, #tpu.memory_space<vmem>>
        %dma_start3A_1599 = arith.constant 0 : i32
        %dma_start3A_1600 = arith.constant 0 : i32
        %dma_start3A_1601 = tpu.memref_slice %arg3[%dma_start3A_1599, %dma_start3A_1600] : memref<100000x64xf32, #tpu.memory_space<hbm>> -> memref<100000x64xf32, #tpu.memory_space<hbm>>
        tpu.enqueue_indirect_dma source(%dma_start3A_1601 : memref<100000x64xf32, #tpu.memory_space<hbm>>) target(%dma_start3A_1595 : memref<128x64xf32, #tpu.memory_space<vmem>>) offsets(%dma_start3A_1598 : memref<128xi32, #tpu.memory_space<vmem>>) semaphore(%arg14 : memref<!tpu.dma_semaphore, #tpu.memory_space<semaphore_mem>>)
        %dma_start3A_1602 = arith.constant 1 : i32
        %dma_start3A_1603 = arith.constant 1 : i32
        %dma_start3A_1604 = arith.constant 1 : i32
        %dma_start3A_1605 = arith.constant 1 : i32
        %dma_start3A_1606 = arith.constant 0 : i32
        %dma_start3A_1607 = arith.constant 0 : i32
        %dma_start3A_1608 = tpu.memref_slice %arg6[%dma_start3A_1604, %dma_start3A_1605, %dma_start3A_1606, %dma_start3A_1607] : memref<3x2x128x64xf32, #tpu.memory_space<vmem>> -> memref<1x1x128x64xf32, #tpu.memory_space<vmem>>
        %dma_start3A_1609 = tpu.memref_squeeze %dma_start3A_1608 : memref<1x1x128x64xf32, #tpu.memory_space<vmem>> -> memref<128x64xf32, #tpu.memory_space<vmem>>
        %dma_start3A_1610 = arith.constant 0 : i32
        %dma_start3A_1611 = tpu.memref_slice %arg5[%dma_start3A_1602, %dma_start3A_1603, %dma_start3A_1610] : memref<3x2x128xi32, #tpu.memory_space<vmem>> -> memref<1x1x128xi32, #tpu.memory_space<vmem>>
        %dma_start3A_1612 = tpu.memref_squeeze %dma_start3A_1611 : memref<1x1x128xi32, #tpu.memory_space<vmem>> -> memref<128xi32, #tpu.memory_space<vmem>>
        %dma_start3A_1613 = arith.constant 0 : i32
        %dma_start3A_1614 = arith.constant 0 : i32
        %dma_start3A_1615 = tpu.memref_slice %arg3[%dma_start3A_1613, %dma_start3A_1614] : memref<100000x64xf32, #tpu.memory_space<hbm>> -> memref<100000x64xf32, #tpu.memory_space<hbm>>
        tpu.enqueue_indirect_dma source(%dma_start3A_1615 : memref<100000x64xf32, #tpu.memory_space<hbm>>) target(%dma_start3A_1609 : memref<128x64xf32, #tpu.memory_space<vmem>>) offsets(%dma_start3A_1612 : memref<128xi32, #tpu.memory_space<vmem>>) semaphore(%arg14 : memref<!tpu.dma_semaphore, #tpu.memory_space<semaphore_mem>>)
      } else {
      }
      %ge3A_1429 = arith.constant 3 : i32
      %ge3A_1430 = arith.cmpi sge, %add3A_1386, %ge3A_1429 : i32
      %convert_element_type3A_1431 = arith.extui %ge3A_1430 : i1 to i32
      %cond3A_1432 = arith.constant 0 : i32
      %cond3A_1433 = arith.cmpi ne, %convert_element_type3A_1431, %cond3A_1432 : i32
      scf.if %cond3A_1433 {
        %sub3A_1570 = arith.constant 3 : i32
        %sub3A_1571 = arith.subi %add3A_1386, %sub3A_1570 : i32
        %mul3A_1572 = arith.constant 2 : i32
        %mul3A_1573 = arith.muli %sub3A_1571, %mul3A_1572 : i32
        %add3A_1574 = arith.addi %mul3A_2, %mul3A_1573 : i32
        %add3A_1575 = arith.constant 0 : i32
        %add3A_1576 = arith.addi %add3A_1574, %add3A_1575 : i32
        %jit3A_1577 = arith.constant 32 : i32
        %div3A_1578 = arith.divsi %add3A_1576, %jit3A_1577 : i32
        %sign3A_1579 = arith.constant 0 : i32
        %sign3A_1580 = arith.cmpi sgt, %add3A_1576, %sign3A_1579 : i32
        %sign3A_1581 = arith.extui %sign3A_1580 : i1 to i32
        %sign3A_1582 = arith.constant 0 : i32
        %sign3A_1583 = arith.cmpi slt, %add3A_1576, %sign3A_1582 : i32
        %sign3A_1584 = arith.extui %sign3A_1583 : i1 to i32
        %sign3A_1585 = arith.subi %sign3A_1581, %sign3A_1584 : i32
        %sign3A_1586 = arith.constant 0 : i32
        %sign3A_1587 = arith.cmpi sgt, %jit3A_1577, %sign3A_1586 : i32
        %sign3A_1588 = arith.extui %sign3A_1587 : i1 to i32
        %sign3A_1589 = arith.constant 0 : i32
        %sign3A_1590 = arith.cmpi slt, %jit3A_1577, %sign3A_1589 : i32
        %sign3A_1591 = arith.extui %sign3A_1590 : i1 to i32
        %sign3A_1592 = arith.subi %sign3A_1588, %sign3A_1591 : i32
        %ne3A_1593 = arith.cmpi ne, %sign3A_1585, %sign3A_1592 : i32
        %rem3A_1594 = arith.remsi %add3A_1576, %jit3A_1577 : i32
        %ne3A_1595 = arith.constant 0 : i32
        %ne3A_1596 = arith.cmpi ne, %rem3A_1594, %ne3A_1595 : i32
        %and3A_1597 = arith.andi %ne3A_1593, %ne3A_1596 : i1
        %sub3A_1598 = arith.constant 1 : i32
        %sub3A_1599 = arith.subi %div3A_1578, %sub3A_1598 : i32
        %select_n3A_1600 = arith.select %and3A_1597, %sub3A_1599, %div3A_1578 : i32
        %jit3A_1601 = arith.constant 32 : i32
        %eq3A_1602 = arith.constant 0 : i32
        %eq3A_1603 = arith.cmpi eq, %jit3A_1601, %eq3A_1602 : i32
        %jit3A_1604 = arith.constant 1 : i32
        %select_n3A_1605 = arith.select %eq3A_1603, %jit3A_1604, %jit3A_1601 : i32
        %rem3A_1606 = arith.remsi %add3A_1576, %select_n3A_1605 : i32
        %ne3A_1607 = arith.constant 0 : i32
        %ne3A_1608 = arith.cmpi ne, %rem3A_1606, %ne3A_1607 : i32
        %lt3A_1609 = arith.constant 0 : i32
        %lt3A_1610 = arith.cmpi slt, %rem3A_1606, %lt3A_1609 : i32
        %lt3A_1611 = arith.constant 0 : i32
        %lt3A_1612 = arith.cmpi slt, %select_n3A_1605, %lt3A_1611 : i32
        %ne3A_1613 = arith.xori %lt3A_1610, %lt3A_1612 : i1
        %and3A_1614 = arith.andi %ne3A_1613, %ne3A_1608 : i1
        %add3A_1615 = arith.addi %rem3A_1606, %select_n3A_1605 : i32
        %select_n3A_1616 = arith.select %and3A_1614, %add3A_1615, %rem3A_1606 : i32
        %dma_wait3A_1617 = arith.constant 0 : i32
        %dma_wait3A_1618 = arith.constant 0 : i32
        %dma_wait3A_1619 = arith.constant 0 : i32
        %dma_wait3A_1620 = tpu.memref_slice %arg11[%dma_wait3A_1617, %dma_wait3A_1618, %dma_wait3A_1619] : memref<8x8x129xf32, #tpu.memory_space<vmem>> -> memref<8x8x128xf32, #tpu.memory_space<vmem>>
        %dma_wait3A_1621 = arith.constant 0 : i32
        %dma_wait3A_1622 = arith.constant 0 : i32
        %dma_wait3A_1623 = arith.constant 0 : i32
        %dma_wait3A_1624 = tpu.memref_slice %arg4[%select_n3A_1600, %dma_wait3A_1621, %select_n3A_1616, %dma_wait3A_1622, %dma_wait3A_1623] : memref<200x8x32x8x128xf32, #tpu.memory_space<hbm>> -> memref<1x8x1x8x128xf32, #tpu.memory_space<hbm>>
        %dma_wait3A_1625 = tpu.memref_squeeze %dma_wait3A_1624 : memref<1x8x1x8x128xf32, #tpu.memory_space<hbm>> -> memref<8x8x128xf32, #tpu.memory_space<hbm>>
        %dma_wait3A_1626 = arith.constant 0 : i32
        %dma_wait3A_1627 = arith.constant 0 : i32
        %dma_wait3A_1628 = arith.constant 0 : i32
        %dma_wait3A_1629 = tpu.memref_slice %arg4[%select_n3A_1600, %dma_wait3A_1626, %select_n3A_1616, %dma_wait3A_1627, %dma_wait3A_1628] : memref<200x8x32x8x128xf32, #tpu.memory_space<hbm>> -> memref<1x8x1x8x128xf32, #tpu.memory_space<hbm>>
        %dma_wait3A_1630 = tpu.memref_squeeze %dma_wait3A_1629 : memref<1x8x1x8x128xf32, #tpu.memory_space<hbm>> -> memref<8x8x128xf32, #tpu.memory_space<hbm>>
        %dma_wait3A_1631 = arith.constant 0 : i32
        %dma_wait3A_1632 = arith.constant 0 : i32
        %dma_wait3A_1633 = arith.constant 0 : i32
        %dma_wait3A_1634 = tpu.memref_slice %arg11[%dma_wait3A_1631, %dma_wait3A_1632, %dma_wait3A_1633] : memref<8x8x129xf32, #tpu.memory_space<vmem>> -> memref<8x8x128xf32, #tpu.memory_space<vmem>>
        tpu.wait_dma2 semaphore(%arg21 : memref<!tpu.dma_semaphore, #tpu.memory_space<semaphore_mem>>) src(%dma_wait3A_1634 : memref<8x8x128xf32, #tpu.memory_space<vmem>>) dst(%dma_wait3A_1630 : memref<8x8x128xf32, #tpu.memory_space<hbm>>)
        %mul3A_1635 = arith.constant 2 : i32
        %mul3A_1636 = arith.muli %sub3A_1571, %mul3A_1635 : i32
        %add3A_1637 = arith.addi %mul3A_2, %mul3A_1636 : i32
        %add3A_1638 = arith.constant 1 : i32
        %add3A_1639 = arith.addi %add3A_1637, %add3A_1638 : i32
        %jit3A_1640 = arith.constant 32 : i32
        %div3A_1641 = arith.divsi %add3A_1639, %jit3A_1640 : i32
        %sign3A_1642 = arith.constant 0 : i32
        %sign3A_1643 = arith.cmpi sgt, %add3A_1639, %sign3A_1642 : i32
        %sign3A_1644 = arith.extui %sign3A_1643 : i1 to i32
        %sign3A_1645 = arith.constant 0 : i32
        %sign3A_1646 = arith.cmpi slt, %add3A_1639, %sign3A_1645 : i32
        %sign3A_1647 = arith.extui %sign3A_1646 : i1 to i32
        %sign3A_1648 = arith.subi %sign3A_1644, %sign3A_1647 : i32
        %sign3A_1649 = arith.constant 0 : i32
        %sign3A_1650 = arith.cmpi sgt, %jit3A_1640, %sign3A_1649 : i32
        %sign3A_1651 = arith.extui %sign3A_1650 : i1 to i32
        %sign3A_1652 = arith.constant 0 : i32
        %sign3A_1653 = arith.cmpi slt, %jit3A_1640, %sign3A_1652 : i32
        %sign3A_1654 = arith.extui %sign3A_1653 : i1 to i32
        %sign3A_1655 = arith.subi %sign3A_1651, %sign3A_1654 : i32
        %ne3A_1656 = arith.cmpi ne, %sign3A_1648, %sign3A_1655 : i32
        %rem3A_1657 = arith.remsi %add3A_1639, %jit3A_1640 : i32
        %ne3A_1658 = arith.constant 0 : i32
        %ne3A_1659 = arith.cmpi ne, %rem3A_1657, %ne3A_1658 : i32
        %and3A_1660 = arith.andi %ne3A_1656, %ne3A_1659 : i1
        %sub3A_1661 = arith.constant 1 : i32
        %sub3A_1662 = arith.subi %div3A_1641, %sub3A_1661 : i32
        %select_n3A_1663 = arith.select %and3A_1660, %sub3A_1662, %div3A_1641 : i32
        %jit3A_1664 = arith.constant 32 : i32
        %eq3A_1665 = arith.constant 0 : i32
        %eq3A_1666 = arith.cmpi eq, %jit3A_1664, %eq3A_1665 : i32
        %jit3A_1667 = arith.constant 1 : i32
        %select_n3A_1668 = arith.select %eq3A_1666, %jit3A_1667, %jit3A_1664 : i32
        %rem3A_1669 = arith.remsi %add3A_1639, %select_n3A_1668 : i32
        %ne3A_1670 = arith.constant 0 : i32
        %ne3A_1671 = arith.cmpi ne, %rem3A_1669, %ne3A_1670 : i32
        %lt3A_1672 = arith.constant 0 : i32
        %lt3A_1673 = arith.cmpi slt, %rem3A_1669, %lt3A_1672 : i32
        %lt3A_1674 = arith.constant 0 : i32
        %lt3A_1675 = arith.cmpi slt, %select_n3A_1668, %lt3A_1674 : i32
        %ne3A_1676 = arith.xori %lt3A_1673, %lt3A_1675 : i1
        %and3A_1677 = arith.andi %ne3A_1676, %ne3A_1671 : i1
        %add3A_1678 = arith.addi %rem3A_1669, %select_n3A_1668 : i32
        %select_n3A_1679 = arith.select %and3A_1677, %add3A_1678, %rem3A_1669 : i32
        %dma_wait3A_1680 = arith.constant 0 : i32
        %dma_wait3A_1681 = arith.constant 0 : i32
        %dma_wait3A_1682 = arith.constant 0 : i32
        %dma_wait3A_1683 = tpu.memref_slice %arg12[%dma_wait3A_1680, %dma_wait3A_1681, %dma_wait3A_1682] : memref<8x8x129xf32, #tpu.memory_space<vmem>> -> memref<8x8x128xf32, #tpu.memory_space<vmem>>
        %dma_wait3A_1684 = arith.constant 0 : i32
        %dma_wait3A_1685 = arith.constant 0 : i32
        %dma_wait3A_1686 = arith.constant 0 : i32
        %dma_wait3A_1687 = tpu.memref_slice %arg4[%select_n3A_1663, %dma_wait3A_1684, %select_n3A_1679, %dma_wait3A_1685, %dma_wait3A_1686] : memref<200x8x32x8x128xf32, #tpu.memory_space<hbm>> -> memref<1x8x1x8x128xf32, #tpu.memory_space<hbm>>
        %dma_wait3A_1688 = tpu.memref_squeeze %dma_wait3A_1687 : memref<1x8x1x8x128xf32, #tpu.memory_space<hbm>> -> memref<8x8x128xf32, #tpu.memory_space<hbm>>
        %dma_wait3A_1689 = arith.constant 0 : i32
        %dma_wait3A_1690 = arith.constant 0 : i32
        %dma_wait3A_1691 = arith.constant 0 : i32
        %dma_wait3A_1692 = tpu.memref_slice %arg4[%select_n3A_1663, %dma_wait3A_1689, %select_n3A_1679, %dma_wait3A_1690, %dma_wait3A_1691] : memref<200x8x32x8x128xf32, #tpu.memory_space<hbm>> -> memref<1x8x1x8x128xf32, #tpu.memory_space<hbm>>
        %dma_wait3A_1693 = tpu.memref_squeeze %dma_wait3A_1692 : memref<1x8x1x8x128xf32, #tpu.memory_space<hbm>> -> memref<8x8x128xf32, #tpu.memory_space<hbm>>
        %dma_wait3A_1694 = arith.constant 0 : i32
        %dma_wait3A_1695 = arith.constant 0 : i32
        %dma_wait3A_1696 = arith.constant 0 : i32
        %dma_wait3A_1697 = tpu.memref_slice %arg12[%dma_wait3A_1694, %dma_wait3A_1695, %dma_wait3A_1696] : memref<8x8x129xf32, #tpu.memory_space<vmem>> -> memref<8x8x128xf32, #tpu.memory_space<vmem>>
        tpu.wait_dma2 semaphore(%arg21 : memref<!tpu.dma_semaphore, #tpu.memory_space<semaphore_mem>>) src(%dma_wait3A_1697 : memref<8x8x128xf32, #tpu.memory_space<vmem>>) dst(%dma_wait3A_1693 : memref<8x8x128xf32, #tpu.memory_space<hbm>>)
      } else {
      }
      %parallel_loop3A_1434 = arith.constant 0 : i32
      %parallel_loop3A_1435 = arith.constant 128 : i32
      %parallel_loop3A_1436 = arith.constant 1 : i32
      %parallel_loop3A_1437 = arith.constant 2 : i32
      %parallel_loop3A_1438 = arith.constant 0 : i32
      scf.for %parallel_loop3A_1570 = %parallel_loop3A_1434 to %parallel_loop3A_1435 step %parallel_loop3A_1436  : i32 {
        %parallel_loop3A_1571 = vector.broadcast %parallel_loop3A_1570 : i32 to vector<16xi32>
        %parallel_loop3A_1572 = arith.constant 0 : i32
        %parallel_loop3A_1573 = arith.constant 0 : i32
        %parallel_loop3A_1574 = tpu.memref_slice %arg6[%parallel_loop3A_1437, %parallel_loop3A_1438, %parallel_loop3A_1572, %parallel_loop3A_1573] : memref<3x2x128x64xf32, #tpu.memory_space<vmem>> -> memref<1x1x128x64xf32, #tpu.memory_space<vmem>>
        %parallel_loop3A_1575 = tpu.memref_squeeze %parallel_loop3A_1574 : memref<1x1x128x64xf32, #tpu.memory_space<vmem>> -> memref<128x64xf32, #tpu.memory_space<vmem>>
        %parallel_loop3A_1576 = arith.index_cast %parallel_loop3A_1570 : i32 to index
        %parallel_loop3A_1577 = arith.constant 0 : index
        %parallel_loop3A_1578 = tpu.vector_load %parallel_loop3A_1575[%parallel_loop3A_1576, %parallel_loop3A_1577] {strides = array<i32>} : memref<128x64xf32, #tpu.memory_space<vmem>>, vector<16xf32>,
        %parallel_loop3A_1579 = arith.constant 8.000000e+00 : f32
        %parallel_loop3A_1580 = vector.broadcast %parallel_loop3A_1579 : f32 to vector<16xf32>
        %parallel_loop3A_1581 = arith.mulf %parallel_loop3A_1578, %parallel_loop3A_1580 : vector<16xf32>
        tpu.vector_store_idx %arg11[%select_n3A, %select_n3A_153, %parallel_loop3A_1571], %parallel_loop3A_1581 : memref<8x8x129xf32, #tpu.memory_space<vmem>>[vector<16xi32>, vector<16xi32>, vector<16xi32>], vector<16xf32>,
        %parallel_loop3A_1582 = arith.constant 0 : i32
        %parallel_loop3A_1583 = arith.constant 0 : i32
        %parallel_loop3A_1584 = tpu.memref_slice %arg6[%parallel_loop3A_1437, %parallel_loop3A_1438, %parallel_loop3A_1582, %parallel_loop3A_1583] : memref<3x2x128x64xf32, #tpu.memory_space<vmem>> -> memref<1x1x128x64xf32, #tpu.memory_space<vmem>>
        %parallel_loop3A_1585 = tpu.memref_squeeze %parallel_loop3A_1584 : memref<1x1x128x64xf32, #tpu.memory_space<vmem>> -> memref<128x64xf32, #tpu.memory_space<vmem>>
        %parallel_loop3A_1586 = arith.index_cast %parallel_loop3A_1570 : i32 to index
        %parallel_loop3A_1587 = arith.constant 16 : index
        %parallel_loop3A_1588 = tpu.vector_load %parallel_loop3A_1585[%parallel_loop3A_1586, %parallel_loop3A_1587] {strides = array<i32>} : memref<128x64xf32, #tpu.memory_space<vmem>>, vector<16xf32>,
        %parallel_loop3A_1589 = arith.constant 8.000000e+00 : f32
        %parallel_loop3A_1590 = vector.broadcast %parallel_loop3A_1589 : f32 to vector<16xf32>
        %parallel_loop3A_1591 = arith.mulf %parallel_loop3A_1588, %parallel_loop3A_1590 : vector<16xf32>
        tpu.vector_store_idx %arg11[%select_n3A_71, %select_n3A_175, %parallel_loop3A_1571], %parallel_loop3A_1591 : memref<8x8x129xf32, #tpu.memory_space<vmem>>[vector<16xi32>, vector<16xi32>, vector<16xi32>], vector<16xf32>,
        %parallel_loop3A_1592 = arith.constant 0 : i32
        %parallel_loop3A_1593 = arith.constant 0 : i32
        %parallel_loop3A_1594 = tpu.memref_slice %arg6[%parallel_loop3A_1437, %parallel_loop3A_1438, %parallel_loop3A_1592, %parallel_loop3A_1593] : memref<3x2x128x64xf32, #tpu.memory_space<vmem>> -> memref<1x1x128x64xf32, #tpu.memory_space<vmem>>
        %parallel_loop3A_1595 = tpu.memref_squeeze %parallel_loop3A_1594 : memref<1x1x128x64xf32, #tpu.memory_space<vmem>> -> memref<128x64xf32, #tpu.memory_space<vmem>>
        %parallel_loop3A_1596 = arith.index_cast %parallel_loop3A_1570 : i32 to index
        %parallel_loop3A_1597 = arith.constant 32 : index
        %parallel_loop3A_1598 = tpu.vector_load %parallel_loop3A_1595[%parallel_loop3A_1596, %parallel_loop3A_1597] {strides = array<i32>} : memref<128x64xf32, #tpu.memory_space<vmem>>, vector<16xf32>,
        %parallel_loop3A_1599 = arith.constant 8.000000e+00 : f32
        %parallel_loop3A_1600 = vector.broadcast %parallel_loop3A_1599 : f32 to vector<16xf32>
        %parallel_loop3A_1601 = arith.mulf %parallel_loop3A_1598, %parallel_loop3A_1600 : vector<16xf32>
        tpu.vector_store_idx %arg11[%select_n3A_102, %select_n3A_197, %parallel_loop3A_1571], %parallel_loop3A_1601 : memref<8x8x129xf32, #tpu.memory_space<vmem>>[vector<16xi32>, vector<16xi32>, vector<16xi32>], vector<16xf32>,
        %parallel_loop3A_1602 = arith.constant 0 : i32
        %parallel_loop3A_1603 = arith.constant 0 : i32
        %parallel_loop3A_1604 = tpu.memref_slice %arg6[%parallel_loop3A_1437, %parallel_loop3A_1438, %parallel_loop3A_1602, %parallel_loop3A_1603] : memref<3x2x128x64xf32, #tpu.memory_space<vmem>> -> memref<1x1x128x64xf32, #tpu.memory_space<vmem>>
        %parallel_loop3A_1605 = tpu.memref_squeeze %parallel_loop3A_1604 : memref<1x1x128x64xf32, #tpu.memory_space<vmem>> -> memref<128x64xf32, #tpu.memory_space<vmem>>
        %parallel_loop3A_1606 = arith.index_cast %parallel_loop3A_1570 : i32 to index
        %parallel_loop3A_1607 = arith.constant 48 : index
        %parallel_loop3A_1608 = tpu.vector_load %parallel_loop3A_1605[%parallel_loop3A_1606, %parallel_loop3A_1607] {strides = array<i32>} : memref<128x64xf32, #tpu.memory_space<vmem>>, vector<16xf32>,
        %parallel_loop3A_1609 = arith.constant 8.000000e+00 : f32
        %parallel_loop3A_1610 = vector.broadcast %parallel_loop3A_1609 : f32 to vector<16xf32>
        %parallel_loop3A_1611 = arith.mulf %parallel_loop3A_1608, %parallel_loop3A_1610 : vector<16xf32>
        tpu.vector_store_idx %arg11[%select_n3A_133, %select_n3A_219, %parallel_loop3A_1571], %parallel_loop3A_1611 : memref<8x8x129xf32, #tpu.memory_space<vmem>>[vector<16xi32>, vector<16xi32>, vector<16xi32>], vector<16xf32>,
      } {sc.loop_unroll_factor = 4 : i64, sc.parallel_access}
      %parallel_loop3A_1439 = arith.constant 0 : i32
      %parallel_loop3A_1440 = arith.constant 128 : i32
      %parallel_loop3A_1441 = arith.constant 1 : i32
      %parallel_loop3A_1442 = arith.constant 2 : i32
      %parallel_loop3A_1443 = arith.constant 1 : i32
      scf.for %parallel_loop3A_1570 = %parallel_loop3A_1439 to %parallel_loop3A_1440 step %parallel_loop3A_1441  : i32 {
        %parallel_loop3A_1571 = vector.broadcast %parallel_loop3A_1570 : i32 to vector<16xi32>
        %parallel_loop3A_1572 = arith.constant 0 : i32
        %parallel_loop3A_1573 = arith.constant 0 : i32
        %parallel_loop3A_1574 = tpu.memref_slice %arg6[%parallel_loop3A_1442, %parallel_loop3A_1443, %parallel_loop3A_1572, %parallel_loop3A_1573] : memref<3x2x128x64xf32, #tpu.memory_space<vmem>> -> memref<1x1x128x64xf32, #tpu.memory_space<vmem>>
        %parallel_loop3A_1575 = tpu.memref_squeeze %parallel_loop3A_1574 : memref<1x1x128x64xf32, #tpu.memory_space<vmem>> -> memref<128x64xf32, #tpu.memory_space<vmem>>
        %parallel_loop3A_1576 = arith.index_cast %parallel_loop3A_1570 : i32 to index
        %parallel_loop3A_1577 = arith.constant 0 : index
        %parallel_loop3A_1578 = tpu.vector_load %parallel_loop3A_1575[%parallel_loop3A_1576, %parallel_loop3A_1577] {strides = array<i32>} : memref<128x64xf32, #tpu.memory_space<vmem>>, vector<16xf32>,
        %parallel_loop3A_1579 = arith.constant 8.000000e+00 : f32
        %parallel_loop3A_1580 = vector.broadcast %parallel_loop3A_1579 : f32 to vector<16xf32>
        %parallel_loop3A_1581 = arith.mulf %parallel_loop3A_1578, %parallel_loop3A_1580 : vector<16xf32>
        tpu.vector_store_idx %arg12[%select_n3A, %select_n3A_153, %parallel_loop3A_1571], %parallel_loop3A_1581 : memref<8x8x129xf32, #tpu.memory_space<vmem>>[vector<16xi32>, vector<16xi32>, vector<16xi32>], vector<16xf32>,
        %parallel_loop3A_1582 = arith.constant 0 : i32
        %parallel_loop3A_1583 = arith.constant 0 : i32
        %parallel_loop3A_1584 = tpu.memref_slice %arg6[%parallel_loop3A_1442, %parallel_loop3A_1443, %parallel_loop3A_1582, %parallel_loop3A_1583] : memref<3x2x128x64xf32, #tpu.memory_space<vmem>> -> memref<1x1x128x64xf32, #tpu.memory_space<vmem>>
        %parallel_loop3A_1585 = tpu.memref_squeeze %parallel_loop3A_1584 : memref<1x1x128x64xf32, #tpu.memory_space<vmem>> -> memref<128x64xf32, #tpu.memory_space<vmem>>
        %parallel_loop3A_1586 = arith.index_cast %parallel_loop3A_1570 : i32 to index
        %parallel_loop3A_1587 = arith.constant 16 : index
        %parallel_loop3A_1588 = tpu.vector_load %parallel_loop3A_1585[%parallel_loop3A_1586, %parallel_loop3A_1587] {strides = array<i32>} : memref<128x64xf32, #tpu.memory_space<vmem>>, vector<16xf32>,
        %parallel_loop3A_1589 = arith.constant 8.000000e+00 : f32
        %parallel_loop3A_1590 = vector.broadcast %parallel_loop3A_1589 : f32 to vector<16xf32>
        %parallel_loop3A_1591 = arith.mulf %parallel_loop3A_1588, %parallel_loop3A_1590 : vector<16xf32>
        tpu.vector_store_idx %arg12[%select_n3A_71, %select_n3A_175, %parallel_loop3A_1571], %parallel_loop3A_1591 : memref<8x8x129xf32, #tpu.memory_space<vmem>>[vector<16xi32>, vector<16xi32>, vector<16xi32>], vector<16xf32>,
        %parallel_loop3A_1592 = arith.constant 0 : i32
        %parallel_loop3A_1593 = arith.constant 0 : i32
        %parallel_loop3A_1594 = tpu.memref_slice %arg6[%parallel_loop3A_1442, %parallel_loop3A_1443, %parallel_loop3A_1592, %parallel_loop3A_1593] : memref<3x2x128x64xf32, #tpu.memory_space<vmem>> -> memref<1x1x128x64xf32, #tpu.memory_space<vmem>>
        %parallel_loop3A_1595 = tpu.memref_squeeze %parallel_loop3A_1594 : memref<1x1x128x64xf32, #tpu.memory_space<vmem>> -> memref<128x64xf32, #tpu.memory_space<vmem>>
        %parallel_loop3A_1596 = arith.index_cast %parallel_loop3A_1570 : i32 to index
        %parallel_loop3A_1597 = arith.constant 32 : index
        %parallel_loop3A_1598 = tpu.vector_load %parallel_loop3A_1595[%parallel_loop3A_1596, %parallel_loop3A_1597] {strides = array<i32>} : memref<128x64xf32, #tpu.memory_space<vmem>>, vector<16xf32>,
        %parallel_loop3A_1599 = arith.constant 8.000000e+00 : f32
        %parallel_loop3A_1600 = vector.broadcast %parallel_loop3A_1599 : f32 to vector<16xf32>
        %parallel_loop3A_1601 = arith.mulf %parallel_loop3A_1598, %parallel_loop3A_1600 : vector<16xf32>
        tpu.vector_store_idx %arg12[%select_n3A_102, %select_n3A_197, %parallel_loop3A_1571], %parallel_loop3A_1601 : memref<8x8x129xf32, #tpu.memory_space<vmem>>[vector<16xi32>, vector<16xi32>, vector<16xi32>], vector<16xf32>,
        %parallel_loop3A_1602 = arith.constant 0 : i32
        %parallel_loop3A_1603 = arith.constant 0 : i32
        %parallel_loop3A_1604 = tpu.memref_slice %arg6[%parallel_loop3A_1442, %parallel_loop3A_1443, %parallel_loop3A_1602, %parallel_loop3A_1603] : memref<3x2x128x64xf32, #tpu.memory_space<vmem>> -> memref<1x1x128x64xf32, #tpu.memory_space<vmem>>
        %parallel_loop3A_1605 = tpu.memref_squeeze %parallel_loop3A_1604 : memref<1x1x128x64xf32, #tpu.memory_space<vmem>> -> memref<128x64xf32, #tpu.memory_space<vmem>>
        %parallel_loop3A_1606 = arith.index_cast %parallel_loop3A_1570 : i32 to index
        %parallel_loop3A_1607 = arith.constant 48 : index
        %parallel_loop3A_1608 = tpu.vector_load %parallel_loop3A_1605[%parallel_loop3A_1606, %parallel_loop3A_1607] {strides = array<i32>} : memref<128x64xf32, #tpu.memory_space<vmem>>, vector<16xf32>,
        %parallel_loop3A_1609 = arith.constant 8.000000e+00 : f32
        %parallel_loop3A_1610 = vector.broadcast %parallel_loop3A_1609 : f32 to vector<16xf32>
        %parallel_loop3A_1611 = arith.mulf %parallel_loop3A_1608, %parallel_loop3A_1610 : vector<16xf32>
        tpu.vector_store_idx %arg12[%select_n3A_133, %select_n3A_219, %parallel_loop3A_1571], %parallel_loop3A_1611 : memref<8x8x129xf32, #tpu.memory_space<vmem>>[vector<16xi32>, vector<16xi32>, vector<16xi32>], vector<16xf32>,
      } {sc.loop_unroll_factor = 4 : i64, sc.parallel_access}
      %mul3A_1444 = arith.constant 2 : i32
      %mul3A_1445 = arith.muli %add3A_1386, %mul3A_1444 : i32
      %add3A_1446 = arith.addi %mul3A_2, %mul3A_1445 : i32
      %add3A_1447 = arith.constant 0 : i32
      %add3A_1448 = arith.addi %add3A_1446, %add3A_1447 : i32
      %jit3A_1449 = arith.constant 32 : i32
      %div3A_1450 = arith.divsi %add3A_1448, %jit3A_1449 : i32
      %sign3A_1451 = arith.constant 0 : i32
      %sign3A_1452 = arith.cmpi sgt, %add3A_1448, %sign3A_1451 : i32
      %sign3A_1453 = arith.extui %sign3A_1452 : i1 to i32
      %sign3A_1454 = arith.constant 0 : i32
      %sign3A_1455 = arith.cmpi slt, %add3A_1448, %sign3A_1454 : i32
      %sign3A_1456 = arith.extui %sign3A_1455 : i1 to i32
      %sign3A_1457 = arith.subi %sign3A_1453, %sign3A_1456 : i32
      %sign3A_1458 = arith.constant 0 : i32
      %sign3A_1459 = arith.cmpi sgt, %jit3A_1449, %sign3A_1458 : i32
      %sign3A_1460 = arith.extui %sign3A_1459 : i1 to i32
      %sign3A_1461 = arith.constant 0 : i32
      %sign3A_1462 = arith.cmpi slt, %jit3A_1449, %sign3A_1461 : i32
      %sign3A_1463 = arith.extui %sign3A_1462 : i1 to i32
      %sign3A_1464 = arith.subi %sign3A_1460, %sign3A_1463 : i32
      %ne3A_1465 = arith.cmpi ne, %sign3A_1457, %sign3A_1464 : i32
      %rem3A_1466 = arith.remsi %add3A_1448, %jit3A_1449 : i32
      %ne3A_1467 = arith.constant 0 : i32
      %ne3A_1468 = arith.cmpi ne, %rem3A_1466, %ne3A_1467 : i32
      %and3A_1469 = arith.andi %ne3A_1465, %ne3A_1468 : i1
      %sub3A_1470 = arith.constant 1 : i32
      %sub3A_1471 = arith.subi %div3A_1450, %sub3A_1470 : i32
      %select_n3A_1472 = arith.select %and3A_1469, %sub3A_1471, %div3A_1450 : i32
      %jit3A_1473 = arith.constant 32 : i32
      %eq3A_1474 = arith.constant 0 : i32
      %eq3A_1475 = arith.cmpi eq, %jit3A_1473, %eq3A_1474 : i32
      %jit3A_1476 = arith.constant 1 : i32
      %select_n3A_1477 = arith.select %eq3A_1475, %jit3A_1476, %jit3A_1473 : i32
      %rem3A_1478 = arith.remsi %add3A_1448, %select_n3A_1477 : i32
      %ne3A_1479 = arith.constant 0 : i32
      %ne3A_1480 = arith.cmpi ne, %rem3A_1478, %ne3A_1479 : i32
      %lt3A_1481 = arith.constant 0 : i32
      %lt3A_1482 = arith.cmpi slt, %rem3A_1478, %lt3A_1481 : i32
      %lt3A_1483 = arith.constant 0 : i32
      %lt3A_1484 = arith.cmpi slt, %select_n3A_1477, %lt3A_1483 : i32
      %ne3A_1485 = arith.xori %lt3A_1482, %lt3A_1484 : i1
      %and3A_1486 = arith.andi %ne3A_1485, %ne3A_1480 : i1
      %add3A_1487 = arith.addi %rem3A_1478, %select_n3A_1477 : i32
      %select_n3A_1488 = arith.select %and3A_1486, %add3A_1487, %rem3A_1478 : i32
      %dma_start3A_1489 = arith.constant 0 : i32
      %dma_start3A_1490 = arith.constant 0 : i32
      %dma_start3A_1491 = arith.constant 0 : i32
      %dma_start3A_1492 = tpu.memref_slice %arg11[%dma_start3A_1489, %dma_start3A_1490, %dma_start3A_1491] : memref<8x8x129xf32, #tpu.memory_space<vmem>> -> memref<8x8x128xf32, #tpu.memory_space<vmem>>
      %dma_start3A_1493 = arith.constant 0 : i32
      %dma_start3A_1494 = arith.constant 0 : i32
      %dma_start3A_1495 = arith.constant 0 : i32
      %dma_start3A_1496 = tpu.memref_slice %arg4[%select_n3A_1472, %dma_start3A_1493, %select_n3A_1488, %dma_start3A_1494, %dma_start3A_1495] : memref<200x8x32x8x128xf32, #tpu.memory_space<hbm>> -> memref<1x8x1x8x128xf32, #tpu.memory_space<hbm>>
      %dma_start3A_1497 = tpu.memref_squeeze %dma_start3A_1496 : memref<1x8x1x8x128xf32, #tpu.memory_space<hbm>> -> memref<8x8x128xf32, #tpu.memory_space<hbm>>
      %dma_start3A_1498 = arith.constant 0 : i32
      %dma_start3A_1499 = arith.constant 0 : i32
      %dma_start3A_1500 = arith.constant 0 : i32
      %dma_start3A_1501 = tpu.memref_slice %arg4[%select_n3A_1472, %dma_start3A_1498, %select_n3A_1488, %dma_start3A_1499, %dma_start3A_1500] : memref<200x8x32x8x128xf32, #tpu.memory_space<hbm>> -> memref<1x8x1x8x128xf32, #tpu.memory_space<hbm>>
      %dma_start3A_1502 = tpu.memref_squeeze %dma_start3A_1501 : memref<1x8x1x8x128xf32, #tpu.memory_space<hbm>> -> memref<8x8x128xf32, #tpu.memory_space<hbm>>
      %dma_start3A_1503 = arith.constant 0 : i32
      %dma_start3A_1504 = arith.constant 0 : i32
      %dma_start3A_1505 = arith.constant 0 : i32
      %dma_start3A_1506 = tpu.memref_slice %arg11[%dma_start3A_1503, %dma_start3A_1504, %dma_start3A_1505] : memref<8x8x129xf32, #tpu.memory_space<vmem>> -> memref<8x8x128xf32, #tpu.memory_space<vmem>>
      tpu.enqueue_dma source(%dma_start3A_1506 : memref<8x8x128xf32, #tpu.memory_space<vmem>>) target(%dma_start3A_1502 : memref<8x8x128xf32, #tpu.memory_space<hbm>>) target_semaphore(%arg21 : memref<!tpu.dma_semaphore, #tpu.memory_space<semaphore_mem>>)
      %mul3A_1507 = arith.constant 2 : i32
      %mul3A_1508 = arith.muli %add3A_1386, %mul3A_1507 : i32
      %add3A_1509 = arith.addi %mul3A_2, %mul3A_1508 : i32
      %add3A_1510 = arith.constant 1 : i32
      %add3A_1511 = arith.addi %add3A_1509, %add3A_1510 : i32
      %jit3A_1512 = arith.constant 32 : i32
      %div3A_1513 = arith.divsi %add3A_1511, %jit3A_1512 : i32
      %sign3A_1514 = arith.constant 0 : i32
      %sign3A_1515 = arith.cmpi sgt, %add3A_1511, %sign3A_1514 : i32
      %sign3A_1516 = arith.extui %sign3A_1515 : i1 to i32
      %sign3A_1517 = arith.constant 0 : i32
      %sign3A_1518 = arith.cmpi slt, %add3A_1511, %sign3A_1517 : i32
      %sign3A_1519 = arith.extui %sign3A_1518 : i1 to i32
      %sign3A_1520 = arith.subi %sign3A_1516, %sign3A_1519 : i32
      %sign3A_1521 = arith.constant 0 : i32
      %sign3A_1522 = arith.cmpi sgt, %jit3A_1512, %sign3A_1521 : i32
      %sign3A_1523 = arith.extui %sign3A_1522 : i1 to i32
      %sign3A_1524 = arith.constant 0 : i32
      %sign3A_1525 = arith.cmpi slt, %jit3A_1512, %sign3A_1524 : i32
      %sign3A_1526 = arith.extui %sign3A_1525 : i1 to i32
      %sign3A_1527 = arith.subi %sign3A_1523, %sign3A_1526 : i32
      %ne3A_1528 = arith.cmpi ne, %sign3A_1520, %sign3A_1527 : i32
      %rem3A_1529 = arith.remsi %add3A_1511, %jit3A_1512 : i32
      %ne3A_1530 = arith.constant 0 : i32
      %ne3A_1531 = arith.cmpi ne, %rem3A_1529, %ne3A_1530 : i32
      %and3A_1532 = arith.andi %ne3A_1528, %ne3A_1531 : i1
      %sub3A_1533 = arith.constant 1 : i32
      %sub3A_1534 = arith.subi %div3A_1513, %sub3A_1533 : i32
      %select_n3A_1535 = arith.select %and3A_1532, %sub3A_1534, %div3A_1513 : i32
      %jit3A_1536 = arith.constant 32 : i32
      %eq3A_1537 = arith.constant 0 : i32
      %eq3A_1538 = arith.cmpi eq, %jit3A_1536, %eq3A_1537 : i32
      %jit3A_1539 = arith.constant 1 : i32
      %select_n3A_1540 = arith.select %eq3A_1538, %jit3A_1539, %jit3A_1536 : i32
      %rem3A_1541 = arith.remsi %add3A_1511, %select_n3A_1540 : i32
      %ne3A_1542 = arith.constant 0 : i32
      %ne3A_1543 = arith.cmpi ne, %rem3A_1541, %ne3A_1542 : i32
      %lt3A_1544 = arith.constant 0 : i32
      %lt3A_1545 = arith.cmpi slt, %rem3A_1541, %lt3A_1544 : i32
      %lt3A_1546 = arith.constant 0 : i32
      %lt3A_1547 = arith.cmpi slt, %select_n3A_1540, %lt3A_1546 : i32
      %ne3A_1548 = arith.xori %lt3A_1545, %lt3A_1547 : i1
      %and3A_1549 = arith.andi %ne3A_1548, %ne3A_1543 : i1
      %add3A_1550 = arith.addi %rem3A_1541, %select_n3A_1540 : i32
      %select_n3A_1551 = arith.select %and3A_1549, %add3A_1550, %rem3A_1541 : i32
      %dma_start3A_1552 = arith.constant 0 : i32
      %dma_start3A_1553 = arith.constant 0 : i32
      %dma_start3A_1554 = arith.constant 0 : i32
      %dma_start3A_1555 = tpu.memref_slice %arg12[%dma_start3A_1552, %dma_start3A_1553, %dma_start3A_1554] : memref<8x8x129xf32, #tpu.memory_space<vmem>> -> memref<8x8x128xf32, #tpu.memory_space<vmem>>
      %dma_start3A_1556 = arith.constant 0 : i32
      %dma_start3A_1557 = arith.constant 0 : i32
      %dma_start3A_1558 = arith.constant 0 : i32
      %dma_start3A_1559 = tpu.memref_slice %arg4[%select_n3A_1535, %dma_start3A_1556, %select_n3A_1551, %dma_start3A_1557, %dma_start3A_1558] : memref<200x8x32x8x128xf32, #tpu.memory_space<hbm>> -> memref<1x8x1x8x128xf32, #tpu.memory_space<hbm>>
      %dma_start3A_1560 = tpu.memref_squeeze %dma_start3A_1559 : memref<1x8x1x8x128xf32, #tpu.memory_space<hbm>> -> memref<8x8x128xf32, #tpu.memory_space<hbm>>
      %dma_start3A_1561 = arith.constant 0 : i32
      %dma_start3A_1562 = arith.constant 0 : i32
      %dma_start3A_1563 = arith.constant 0 : i32
      %dma_start3A_1564 = tpu.memref_slice %arg4[%select_n3A_1535, %dma_start3A_1561, %select_n3A_1551, %dma_start3A_1562, %dma_start3A_1563] : memref<200x8x32x8x128xf32, #tpu.memory_space<hbm>> -> memref<1x8x1x8x128xf32, #tpu.memory_space<hbm>>
      %dma_start3A_1565 = tpu.memref_squeeze %dma_start3A_1564 : memref<1x8x1x8x128xf32, #tpu.memory_space<hbm>> -> memref<8x8x128xf32, #tpu.memory_space<hbm>>
      %dma_start3A_1566 = arith.constant 0 : i32
      %dma_start3A_1567 = arith.constant 0 : i32
      %dma_start3A_1568 = arith.constant 0 : i32
      %dma_start3A_1569 = tpu.memref_slice %arg12[%dma_start3A_1566, %dma_start3A_1567, %dma_start3A_1568] : memref<8x8x129xf32, #tpu.memory_space<vmem>> -> memref<8x8x128xf32, #tpu.memory_space<vmem>>
      tpu.enqueue_dma source(%dma_start3A_1569 : memref<8x8x128xf32, #tpu.memory_space<vmem>>) target(%dma_start3A_1565 : memref<8x8x128xf32, #tpu.memory_space<hbm>>) target_semaphore(%arg21 : memref<!tpu.dma_semaphore, #tpu.memory_space<semaphore_mem>>)
    }
    %scan3A_353 = arith.constant 33 : i32
    %dma_wait3A_354 = arith.constant 0 : i32
    %dma_wait3A_355 = arith.constant 0 : i32
    %dma_wait3A_356 = arith.constant 0 : i32
    %dma_wait3A_357 = arith.constant 0 : i32
    %dma_wait3A_358 = arith.constant 0 : i32
    %dma_wait3A_359 = arith.constant 0 : i32
    %dma_wait3A_360 = tpu.memref_slice %arg6[%dma_wait3A_356, %dma_wait3A_357, %dma_wait3A_358, %dma_wait3A_359] : memref<3x2x128x64xf32, #tpu.memory_space<vmem>> -> memref<1x1x128x64xf32, #tpu.memory_space<vmem>>
    %dma_wait3A_361 = tpu.memref_squeeze %dma_wait3A_360 : memref<1x1x128x64xf32, #tpu.memory_space<vmem>> -> memref<128x64xf32, #tpu.memory_space<vmem>>
    %dma_wait3A_362 = arith.constant 0 : i32
    %dma_wait3A_363 = tpu.memref_slice %arg5[%dma_wait3A_354, %dma_wait3A_355, %dma_wait3A_362] : memref<3x2x128xi32, #tpu.memory_space<vmem>> -> memref<1x1x128xi32, #tpu.memory_space<vmem>>
    %dma_wait3A_364 = tpu.memref_squeeze %dma_wait3A_363 : memref<1x1x128xi32, #tpu.memory_space<vmem>> -> memref<128xi32, #tpu.memory_space<vmem>>
    %dma_wait3A_365 = arith.constant 0 : i32
    %dma_wait3A_366 = arith.constant 0 : i32
    %dma_wait3A_367 = tpu.memref_slice %arg3[%dma_wait3A_365, %dma_wait3A_366] : memref<100000x64xf32, #tpu.memory_space<hbm>> -> memref<100000x64xf32, #tpu.memory_space<hbm>>
    tpu.wait_indirect_dma semaphore(%arg13 : memref<!tpu.dma_semaphore, #tpu.memory_space<semaphore_mem>>) src(%dma_wait3A_367 : memref<100000x64xf32, #tpu.memory_space<hbm>>) dst(%dma_wait3A_361 : memref<128x64xf32, #tpu.memory_space<vmem>>)
    %dma_wait3A_368 = arith.constant 0 : i32
    %dma_wait3A_369 = arith.constant 1 : i32
    %dma_wait3A_370 = arith.constant 0 : i32
    %dma_wait3A_371 = arith.constant 1 : i32
    %dma_wait3A_372 = arith.constant 0 : i32
    %dma_wait3A_373 = arith.constant 0 : i32
    %dma_wait3A_374 = tpu.memref_slice %arg6[%dma_wait3A_370, %dma_wait3A_371, %dma_wait3A_372, %dma_wait3A_373] : memref<3x2x128x64xf32, #tpu.memory_space<vmem>> -> memref<1x1x128x64xf32, #tpu.memory_space<vmem>>
    %dma_wait3A_375 = tpu.memref_squeeze %dma_wait3A_374 : memref<1x1x128x64xf32, #tpu.memory_space<vmem>> -> memref<128x64xf32, #tpu.memory_space<vmem>>
    %dma_wait3A_376 = arith.constant 0 : i32
    %dma_wait3A_377 = tpu.memref_slice %arg5[%dma_wait3A_368, %dma_wait3A_369, %dma_wait3A_376] : memref<3x2x128xi32, #tpu.memory_space<vmem>> -> memref<1x1x128xi32, #tpu.memory_space<vmem>>
    %dma_wait3A_378 = tpu.memref_squeeze %dma_wait3A_377 : memref<1x1x128xi32, #tpu.memory_space<vmem>> -> memref<128xi32, #tpu.memory_space<vmem>>
    %dma_wait3A_379 = arith.constant 0 : i32
    %dma_wait3A_380 = arith.constant 0 : i32
    %dma_wait3A_381 = tpu.memref_slice %arg3[%dma_wait3A_379, %dma_wait3A_380] : memref<100000x64xf32, #tpu.memory_space<hbm>> -> memref<100000x64xf32, #tpu.memory_space<hbm>>
    tpu.wait_indirect_dma semaphore(%arg13 : memref<!tpu.dma_semaphore, #tpu.memory_space<semaphore_mem>>) src(%dma_wait3A_381 : memref<100000x64xf32, #tpu.memory_space<hbm>>) dst(%dma_wait3A_375 : memref<128x64xf32, #tpu.memory_space<vmem>>)
    %add3A_382 = arith.constant 192 : i32
    %add3A_383 = arith.addi %mul3A_2, %add3A_382 : i32
    %add3A_384 = arith.constant 0 : i32
    %add3A_385 = arith.addi %add3A_383, %add3A_384 : i32
    %jit3A_386 = arith.constant 32 : i32
    %div3A_387 = arith.divsi %add3A_385, %jit3A_386 : i32
    %sign3A_388 = arith.constant 0 : i32
    %sign3A_389 = arith.cmpi sgt, %add3A_385, %sign3A_388 : i32
    %sign3A_390 = arith.extui %sign3A_389 : i1 to i32
    %sign3A_391 = arith.constant 0 : i32
    %sign3A_392 = arith.cmpi slt, %add3A_385, %sign3A_391 : i32
    %sign3A_393 = arith.extui %sign3A_392 : i1 to i32
    %sign3A_394 = arith.subi %sign3A_390, %sign3A_393 : i32
    %sign3A_395 = arith.constant 0 : i32
    %sign3A_396 = arith.cmpi sgt, %jit3A_386, %sign3A_395 : i32
    %sign3A_397 = arith.extui %sign3A_396 : i1 to i32
    %sign3A_398 = arith.constant 0 : i32
    %sign3A_399 = arith.cmpi slt, %jit3A_386, %sign3A_398 : i32
    %sign3A_400 = arith.extui %sign3A_399 : i1 to i32
    %sign3A_401 = arith.subi %sign3A_397, %sign3A_400 : i32
    %ne3A_402 = arith.cmpi ne, %sign3A_394, %sign3A_401 : i32
    %rem3A_403 = arith.remsi %add3A_385, %jit3A_386 : i32
    %ne3A_404 = arith.constant 0 : i32
    %ne3A_405 = arith.cmpi ne, %rem3A_403, %ne3A_404 : i32
    %and3A_406 = arith.andi %ne3A_402, %ne3A_405 : i1
    %sub3A_407 = arith.constant 1 : i32
    %sub3A_408 = arith.subi %div3A_387, %sub3A_407 : i32
    %select_n3A_409 = arith.select %and3A_406, %sub3A_408, %div3A_387 : i32
    %jit3A_410 = arith.constant 32 : i32
    %eq3A_411 = arith.constant 0 : i32
    %eq3A_412 = arith.cmpi eq, %jit3A_410, %eq3A_411 : i32
    %jit3A_413 = arith.constant 1 : i32
    %select_n3A_414 = arith.select %eq3A_412, %jit3A_413, %jit3A_410 : i32
    %rem3A_415 = arith.remsi %add3A_385, %select_n3A_414 : i32
    %ne3A_416 = arith.constant 0 : i32
    %ne3A_417 = arith.cmpi ne, %rem3A_415, %ne3A_416 : i32
    %lt3A_418 = arith.constant 0 : i32
    %lt3A_419 = arith.cmpi slt, %rem3A_415, %lt3A_418 : i32
    %lt3A_420 = arith.constant 0 : i32
    %lt3A_421 = arith.cmpi slt, %select_n3A_414, %lt3A_420 : i32
    %ne3A_422 = arith.xori %lt3A_419, %lt3A_421 : i1
    %and3A_423 = arith.andi %ne3A_422, %ne3A_417 : i1
    %add3A_424 = arith.addi %rem3A_415, %select_n3A_414 : i32
    %select_n3A_425 = arith.select %and3A_423, %add3A_424, %rem3A_415 : i32
    %dma_wait3A_426 = arith.constant 0 : i32
    %dma_wait3A_427 = arith.constant 0 : i32
    %dma_wait3A_428 = arith.constant 0 : i32
    %dma_wait3A_429 = tpu.memref_slice %arg7[%dma_wait3A_426, %dma_wait3A_427, %dma_wait3A_428] : memref<8x8x129xf32, #tpu.memory_space<vmem>> -> memref<8x8x128xf32, #tpu.memory_space<vmem>>
    %dma_wait3A_430 = arith.constant 0 : i32
    %dma_wait3A_431 = arith.constant 0 : i32
    %dma_wait3A_432 = arith.constant 0 : i32
    %dma_wait3A_433 = tpu.memref_slice %arg4[%select_n3A_409, %dma_wait3A_430, %select_n3A_425, %dma_wait3A_431, %dma_wait3A_432] : memref<200x8x32x8x128xf32, #tpu.memory_space<hbm>> -> memref<1x8x1x8x128xf32, #tpu.memory_space<hbm>>
    %dma_wait3A_434 = tpu.memref_squeeze %dma_wait3A_433 : memref<1x8x1x8x128xf32, #tpu.memory_space<hbm>> -> memref<8x8x128xf32, #tpu.memory_space<hbm>>
    %dma_wait3A_435 = arith.constant 0 : i32
    %dma_wait3A_436 = arith.constant 0 : i32
    %dma_wait3A_437 = arith.constant 0 : i32
    %dma_wait3A_438 = tpu.memref_slice %arg4[%select_n3A_409, %dma_wait3A_435, %select_n3A_425, %dma_wait3A_436, %dma_wait3A_437] : memref<200x8x32x8x128xf32, #tpu.memory_space<hbm>> -> memref<1x8x1x8x128xf32, #tpu.memory_space<hbm>>
    %dma_wait3A_439 = tpu.memref_squeeze %dma_wait3A_438 : memref<1x8x1x8x128xf32, #tpu.memory_space<hbm>> -> memref<8x8x128xf32, #tpu.memory_space<hbm>>
    %dma_wait3A_440 = arith.constant 0 : i32
    %dma_wait3A_441 = arith.constant 0 : i32
    %dma_wait3A_442 = arith.constant 0 : i32
    %dma_wait3A_443 = tpu.memref_slice %arg7[%dma_wait3A_440, %dma_wait3A_441, %dma_wait3A_442] : memref<8x8x129xf32, #tpu.memory_space<vmem>> -> memref<8x8x128xf32, #tpu.memory_space<vmem>>
    tpu.wait_dma2 semaphore(%arg19 : memref<!tpu.dma_semaphore, #tpu.memory_space<semaphore_mem>>) src(%dma_wait3A_443 : memref<8x8x128xf32, #tpu.memory_space<vmem>>) dst(%dma_wait3A_439 : memref<8x8x128xf32, #tpu.memory_space<hbm>>)
    %add3A_444 = arith.constant 192 : i32
    %add3A_445 = arith.addi %mul3A_2, %add3A_444 : i32
    %add3A_446 = arith.constant 1 : i32
    %add3A_447 = arith.addi %add3A_445, %add3A_446 : i32
    %jit3A_448 = arith.constant 32 : i32
    %div3A_449 = arith.divsi %add3A_447, %jit3A_448 : i32
    %sign3A_450 = arith.constant 0 : i32
    %sign3A_451 = arith.cmpi sgt, %add3A_447, %sign3A_450 : i32
    %sign3A_452 = arith.extui %sign3A_451 : i1 to i32
    %sign3A_453 = arith.constant 0 : i32
    %sign3A_454 = arith.cmpi slt, %add3A_447, %sign3A_453 : i32
    %sign3A_455 = arith.extui %sign3A_454 : i1 to i32
    %sign3A_456 = arith.subi %sign3A_452, %sign3A_455 : i32
    %sign3A_457 = arith.constant 0 : i32
    %sign3A_458 = arith.cmpi sgt, %jit3A_448, %sign3A_457 : i32
    %sign3A_459 = arith.extui %sign3A_458 : i1 to i32
    %sign3A_460 = arith.constant 0 : i32
    %sign3A_461 = arith.cmpi slt, %jit3A_448, %sign3A_460 : i32
    %sign3A_462 = arith.extui %sign3A_461 : i1 to i32
    %sign3A_463 = arith.subi %sign3A_459, %sign3A_462 : i32
    %ne3A_464 = arith.cmpi ne, %sign3A_456, %sign3A_463 : i32
    %rem3A_465 = arith.remsi %add3A_447, %jit3A_448 : i32
    %ne3A_466 = arith.constant 0 : i32
    %ne3A_467 = arith.cmpi ne, %rem3A_465, %ne3A_466 : i32
    %and3A_468 = arith.andi %ne3A_464, %ne3A_467 : i1
    %sub3A_469 = arith.constant 1 : i32
    %sub3A_470 = arith.subi %div3A_449, %sub3A_469 : i32
    %select_n3A_471 = arith.select %and3A_468, %sub3A_470, %div3A_449 : i32
    %jit3A_472 = arith.constant 32 : i32
    %eq3A_473 = arith.constant 0 : i32
    %eq3A_474 = arith.cmpi eq, %jit3A_472, %eq3A_473 : i32
    %jit3A_475 = arith.constant 1 : i32
    %select_n3A_476 = arith.select %eq3A_474, %jit3A_475, %jit3A_472 : i32
    %rem3A_477 = arith.remsi %add3A_447, %select_n3A_476 : i32
    %ne3A_478 = arith.constant 0 : i32
    %ne3A_479 = arith.cmpi ne, %rem3A_477, %ne3A_478 : i32
    %lt3A_480 = arith.constant 0 : i32
    %lt3A_481 = arith.cmpi slt, %rem3A_477, %lt3A_480 : i32
    %lt3A_482 = arith.constant 0 : i32
    %lt3A_483 = arith.cmpi slt, %select_n3A_476, %lt3A_482 : i32
    %ne3A_484 = arith.xori %lt3A_481, %lt3A_483 : i1
    %and3A_485 = arith.andi %ne3A_484, %ne3A_479 : i1
    %add3A_486 = arith.addi %rem3A_477, %select_n3A_476 : i32
    %select_n3A_487 = arith.select %and3A_485, %add3A_486, %rem3A_477 : i32
    %dma_wait3A_488 = arith.constant 0 : i32
    %dma_wait3A_489 = arith.constant 0 : i32
    %dma_wait3A_490 = arith.constant 0 : i32
    %dma_wait3A_491 = tpu.memref_slice %arg8[%dma_wait3A_488, %dma_wait3A_489, %dma_wait3A_490] : memref<8x8x129xf32, #tpu.memory_space<vmem>> -> memref<8x8x128xf32, #tpu.memory_space<vmem>>
    %dma_wait3A_492 = arith.constant 0 : i32
    %dma_wait3A_493 = arith.constant 0 : i32
    %dma_wait3A_494 = arith.constant 0 : i32
    %dma_wait3A_495 = tpu.memref_slice %arg4[%select_n3A_471, %dma_wait3A_492, %select_n3A_487, %dma_wait3A_493, %dma_wait3A_494] : memref<200x8x32x8x128xf32, #tpu.memory_space<hbm>> -> memref<1x8x1x8x128xf32, #tpu.memory_space<hbm>>
    %dma_wait3A_496 = tpu.memref_squeeze %dma_wait3A_495 : memref<1x8x1x8x128xf32, #tpu.memory_space<hbm>> -> memref<8x8x128xf32, #tpu.memory_space<hbm>>
    %dma_wait3A_497 = arith.constant 0 : i32
    %dma_wait3A_498 = arith.constant 0 : i32
    %dma_wait3A_499 = arith.constant 0 : i32
    %dma_wait3A_500 = tpu.memref_slice %arg4[%select_n3A_471, %dma_wait3A_497, %select_n3A_487, %dma_wait3A_498, %dma_wait3A_499] : memref<200x8x32x8x128xf32, #tpu.memory_space<hbm>> -> memref<1x8x1x8x128xf32, #tpu.memory_space<hbm>>
    %dma_wait3A_501 = tpu.memref_squeeze %dma_wait3A_500 : memref<1x8x1x8x128xf32, #tpu.memory_space<hbm>> -> memref<8x8x128xf32, #tpu.memory_space<hbm>>
    %dma_wait3A_502 = arith.constant 0 : i32
    %dma_wait3A_503 = arith.constant 0 : i32
    %dma_wait3A_504 = arith.constant 0 : i32
    %dma_wait3A_505 = tpu.memref_slice %arg8[%dma_wait3A_502, %dma_wait3A_503, %dma_wait3A_504] : memref<8x8x129xf32, #tpu.memory_space<vmem>> -> memref<8x8x128xf32, #tpu.memory_space<vmem>>
    tpu.wait_dma2 semaphore(%arg19 : memref<!tpu.dma_semaphore, #tpu.memory_space<semaphore_mem>>) src(%dma_wait3A_505 : memref<8x8x128xf32, #tpu.memory_space<vmem>>) dst(%dma_wait3A_501 : memref<8x8x128xf32, #tpu.memory_space<hbm>>)
    %parallel_loop3A = arith.constant 0 : i32
    %parallel_loop3A_506 = arith.constant 128 : i32
    %parallel_loop3A_507 = arith.constant 1 : i32
    %parallel_loop3A_508 = arith.constant 0 : i32
    %parallel_loop3A_509 = arith.constant 0 : i32
    scf.for %parallel_loop3A_1011 = %parallel_loop3A to %parallel_loop3A_506 step %parallel_loop3A_507  : i32 {
      %parallel_loop3A_1012 = vector.broadcast %parallel_loop3A_1011 : i32 to vector<16xi32>
      %parallel_loop3A_1013 = arith.constant 0 : i32
      %parallel_loop3A_1014 = arith.constant 0 : i32
      %parallel_loop3A_1015 = tpu.memref_slice %arg6[%parallel_loop3A_508, %parallel_loop3A_509, %parallel_loop3A_1013, %parallel_loop3A_1014] : memref<3x2x128x64xf32, #tpu.memory_space<vmem>> -> memref<1x1x128x64xf32, #tpu.memory_space<vmem>>
      %parallel_loop3A_1016 = tpu.memref_squeeze %parallel_loop3A_1015 : memref<1x1x128x64xf32, #tpu.memory_space<vmem>> -> memref<128x64xf32, #tpu.memory_space<vmem>>
      %parallel_loop3A_1017 = arith.index_cast %parallel_loop3A_1011 : i32 to index
      %parallel_loop3A_1018 = arith.constant 0 : index
      %parallel_loop3A_1019 = tpu.vector_load %parallel_loop3A_1016[%parallel_loop3A_1017, %parallel_loop3A_1018] {strides = array<i32>} : memref<128x64xf32, #tpu.memory_space<vmem>>, vector<16xf32>,
      %parallel_loop3A_1020 = arith.constant 8.000000e+00 : f32
      %parallel_loop3A_1021 = vector.broadcast %parallel_loop3A_1020 : f32 to vector<16xf32>
      %parallel_loop3A_1022 = arith.mulf %parallel_loop3A_1019, %parallel_loop3A_1021 : vector<16xf32>
      tpu.vector_store_idx %arg7[%select_n3A, %select_n3A_153, %parallel_loop3A_1012], %parallel_loop3A_1022 : memref<8x8x129xf32, #tpu.memory_space<vmem>>[vector<16xi32>, vector<16xi32>, vector<16xi32>], vector<16xf32>,
      %parallel_loop3A_1023 = arith.constant 0 : i32
      %parallel_loop3A_1024 = arith.constant 0 : i32
      %parallel_loop3A_1025 = tpu.memref_slice %arg6[%parallel_loop3A_508, %parallel_loop3A_509, %parallel_loop3A_1023, %parallel_loop3A_1024] : memref<3x2x128x64xf32, #tpu.memory_space<vmem>> -> memref<1x1x128x64xf32, #tpu.memory_space<vmem>>
      %parallel_loop3A_1026 = tpu.memref_squeeze %parallel_loop3A_1025 : memref<1x1x128x64xf32, #tpu.memory_space<vmem>> -> memref<128x64xf32, #tpu.memory_space<vmem>>
      %parallel_loop3A_1027 = arith.index_cast %parallel_loop3A_1011 : i32 to index
      %parallel_loop3A_1028 = arith.constant 16 : index
      %parallel_loop3A_1029 = tpu.vector_load %parallel_loop3A_1026[%parallel_loop3A_1027, %parallel_loop3A_1028] {strides = array<i32>} : memref<128x64xf32, #tpu.memory_space<vmem>>, vector<16xf32>,
      %parallel_loop3A_1030 = arith.constant 8.000000e+00 : f32
      %parallel_loop3A_1031 = vector.broadcast %parallel_loop3A_1030 : f32 to vector<16xf32>
      %parallel_loop3A_1032 = arith.mulf %parallel_loop3A_1029, %parallel_loop3A_1031 : vector<16xf32>
      tpu.vector_store_idx %arg7[%select_n3A_71, %select_n3A_175, %parallel_loop3A_1012], %parallel_loop3A_1032 : memref<8x8x129xf32, #tpu.memory_space<vmem>>[vector<16xi32>, vector<16xi32>, vector<16xi32>], vector<16xf32>,
      %parallel_loop3A_1033 = arith.constant 0 : i32
      %parallel_loop3A_1034 = arith.constant 0 : i32
      %parallel_loop3A_1035 = tpu.memref_slice %arg6[%parallel_loop3A_508, %parallel_loop3A_509, %parallel_loop3A_1033, %parallel_loop3A_1034] : memref<3x2x128x64xf32, #tpu.memory_space<vmem>> -> memref<1x1x128x64xf32, #tpu.memory_space<vmem>>
      %parallel_loop3A_1036 = tpu.memref_squeeze %parallel_loop3A_1035 : memref<1x1x128x64xf32, #tpu.memory_space<vmem>> -> memref<128x64xf32, #tpu.memory_space<vmem>>
      %parallel_loop3A_1037 = arith.index_cast %parallel_loop3A_1011 : i32 to index
      %parallel_loop3A_1038 = arith.constant 32 : index
      %parallel_loop3A_1039 = tpu.vector_load %parallel_loop3A_1036[%parallel_loop3A_1037, %parallel_loop3A_1038] {strides = array<i32>} : memref<128x64xf32, #tpu.memory_space<vmem>>, vector<16xf32>,
      %parallel_loop3A_1040 = arith.constant 8.000000e+00 : f32
      %parallel_loop3A_1041 = vector.broadcast %parallel_loop3A_1040 : f32 to vector<16xf32>
      %parallel_loop3A_1042 = arith.mulf %parallel_loop3A_1039, %parallel_loop3A_1041 : vector<16xf32>
      tpu.vector_store_idx %arg7[%select_n3A_102, %select_n3A_197, %parallel_loop3A_1012], %parallel_loop3A_1042 : memref<8x8x129xf32, #tpu.memory_space<vmem>>[vector<16xi32>, vector<16xi32>, vector<16xi32>], vector<16xf32>,
      %parallel_loop3A_1043 = arith.constant 0 : i32
      %parallel_loop3A_1044 = arith.constant 0 : i32
      %parallel_loop3A_1045 = tpu.memref_slice %arg6[%parallel_loop3A_508, %parallel_loop3A_509, %parallel_loop3A_1043, %parallel_loop3A_1044] : memref<3x2x128x64xf32, #tpu.memory_space<vmem>> -> memref<1x1x128x64xf32, #tpu.memory_space<vmem>>
      %parallel_loop3A_1046 = tpu.memref_squeeze %parallel_loop3A_1045 : memref<1x1x128x64xf32, #tpu.memory_space<vmem>> -> memref<128x64xf32, #tpu.memory_space<vmem>>
      %parallel_loop3A_1047 = arith.index_cast %parallel_loop3A_1011 : i32 to index
      %parallel_loop3A_1048 = arith.constant 48 : index
      %parallel_loop3A_1049 = tpu.vector_load %parallel_loop3A_1046[%parallel_loop3A_1047, %parallel_loop3A_1048] {strides = array<i32>} : memref<128x64xf32, #tpu.memory_space<vmem>>, vector<16xf32>,
      %parallel_loop3A_1050 = arith.constant 8.000000e+00 : f32
      %parallel_loop3A_1051 = vector.broadcast %parallel_loop3A_1050 : f32 to vector<16xf32>
      %parallel_loop3A_1052 = arith.mulf %parallel_loop3A_1049, %parallel_loop3A_1051 : vector<16xf32>
      tpu.vector_store_idx %arg7[%select_n3A_133, %select_n3A_219, %parallel_loop3A_1012], %parallel_loop3A_1052 : memref<8x8x129xf32, #tpu.memory_space<vmem>>[vector<16xi32>, vector<16xi32>, vector<16xi32>], vector<16xf32>,
    } {sc.loop_unroll_factor = 4 : i64, sc.parallel_access}
    %parallel_loop3A_510 = arith.constant 0 : i32
    %parallel_loop3A_511 = arith.constant 128 : i32
    %parallel_loop3A_512 = arith.constant 1 : i32
    %parallel_loop3A_513 = arith.constant 0 : i32
    %parallel_loop3A_514 = arith.constant 1 : i32
    scf.for %parallel_loop3A_1011 = %parallel_loop3A_510 to %parallel_loop3A_511 step %parallel_loop3A_512  : i32 {
      %parallel_loop3A_1012 = vector.broadcast %parallel_loop3A_1011 : i32 to vector<16xi32>
      %parallel_loop3A_1013 = arith.constant 0 : i32
      %parallel_loop3A_1014 = arith.constant 0 : i32
      %parallel_loop3A_1015 = tpu.memref_slice %arg6[%parallel_loop3A_513, %parallel_loop3A_514, %parallel_loop3A_1013, %parallel_loop3A_1014] : memref<3x2x128x64xf32, #tpu.memory_space<vmem>> -> memref<1x1x128x64xf32, #tpu.memory_space<vmem>>
      %parallel_loop3A_1016 = tpu.memref_squeeze %parallel_loop3A_1015 : memref<1x1x128x64xf32, #tpu.memory_space<vmem>> -> memref<128x64xf32, #tpu.memory_space<vmem>>
      %parallel_loop3A_1017 = arith.index_cast %parallel_loop3A_1011 : i32 to index
      %parallel_loop3A_1018 = arith.constant 0 : index
      %parallel_loop3A_1019 = tpu.vector_load %parallel_loop3A_1016[%parallel_loop3A_1017, %parallel_loop3A_1018] {strides = array<i32>} : memref<128x64xf32, #tpu.memory_space<vmem>>, vector<16xf32>,
      %parallel_loop3A_1020 = arith.constant 8.000000e+00 : f32
      %parallel_loop3A_1021 = vector.broadcast %parallel_loop3A_1020 : f32 to vector<16xf32>
      %parallel_loop3A_1022 = arith.mulf %parallel_loop3A_1019, %parallel_loop3A_1021 : vector<16xf32>
      tpu.vector_store_idx %arg8[%select_n3A, %select_n3A_153, %parallel_loop3A_1012], %parallel_loop3A_1022 : memref<8x8x129xf32, #tpu.memory_space<vmem>>[vector<16xi32>, vector<16xi32>, vector<16xi32>], vector<16xf32>,
      %parallel_loop3A_1023 = arith.constant 0 : i32
      %parallel_loop3A_1024 = arith.constant 0 : i32
      %parallel_loop3A_1025 = tpu.memref_slice %arg6[%parallel_loop3A_513, %parallel_loop3A_514, %parallel_loop3A_1023, %parallel_loop3A_1024] : memref<3x2x128x64xf32, #tpu.memory_space<vmem>> -> memref<1x1x128x64xf32, #tpu.memory_space<vmem>>
      %parallel_loop3A_1026 = tpu.memref_squeeze %parallel_loop3A_1025 : memref<1x1x128x64xf32, #tpu.memory_space<vmem>> -> memref<128x64xf32, #tpu.memory_space<vmem>>
      %parallel_loop3A_1027 = arith.index_cast %parallel_loop3A_1011 : i32 to index
      %parallel_loop3A_1028 = arith.constant 16 : index
      %parallel_loop3A_1029 = tpu.vector_load %parallel_loop3A_1026[%parallel_loop3A_1027, %parallel_loop3A_1028] {strides = array<i32>} : memref<128x64xf32, #tpu.memory_space<vmem>>, vector<16xf32>,
      %parallel_loop3A_1030 = arith.constant 8.000000e+00 : f32
      %parallel_loop3A_1031 = vector.broadcast %parallel_loop3A_1030 : f32 to vector<16xf32>
      %parallel_loop3A_1032 = arith.mulf %parallel_loop3A_1029, %parallel_loop3A_1031 : vector<16xf32>
      tpu.vector_store_idx %arg8[%select_n3A_71, %select_n3A_175, %parallel_loop3A_1012], %parallel_loop3A_1032 : memref<8x8x129xf32, #tpu.memory_space<vmem>>[vector<16xi32>, vector<16xi32>, vector<16xi32>], vector<16xf32>,
      %parallel_loop3A_1033 = arith.constant 0 : i32
      %parallel_loop3A_1034 = arith.constant 0 : i32
      %parallel_loop3A_1035 = tpu.memref_slice %arg6[%parallel_loop3A_513, %parallel_loop3A_514, %parallel_loop3A_1033, %parallel_loop3A_1034] : memref<3x2x128x64xf32, #tpu.memory_space<vmem>> -> memref<1x1x128x64xf32, #tpu.memory_space<vmem>>
      %parallel_loop3A_1036 = tpu.memref_squeeze %parallel_loop3A_1035 : memref<1x1x128x64xf32, #tpu.memory_space<vmem>> -> memref<128x64xf32, #tpu.memory_space<vmem>>
      %parallel_loop3A_1037 = arith.index_cast %parallel_loop3A_1011 : i32 to index
      %parallel_loop3A_1038 = arith.constant 32 : index
      %parallel_loop3A_1039 = tpu.vector_load %parallel_loop3A_1036[%parallel_loop3A_1037, %parallel_loop3A_1038] {strides = array<i32>} : memref<128x64xf32, #tpu.memory_space<vmem>>, vector<16xf32>,
      %parallel_loop3A_1040 = arith.constant 8.000000e+00 : f32
      %parallel_loop3A_1041 = vector.broadcast %parallel_loop3A_1040 : f32 to vector<16xf32>
      %parallel_loop3A_1042 = arith.mulf %parallel_loop3A_1039, %parallel_loop3A_1041 : vector<16xf32>
      tpu.vector_store_idx %arg8[%select_n3A_102, %select_n3A_197, %parallel_loop3A_1012], %parallel_loop3A_1042 : memref<8x8x129xf32, #tpu.memory_space<vmem>>[vector<16xi32>, vector<16xi32>, vector<16xi32>], vector<16xf32>,
      %parallel_loop3A_1043 = arith.constant 0 : i32
      %parallel_loop3A_1044 = arith.constant 0 : i32
      %parallel_loop3A_1045 = tpu.memref_slice %arg6[%parallel_loop3A_513, %parallel_loop3A_514, %parallel_loop3A_1043, %parallel_loop3A_1044] : memref<3x2x128x64xf32, #tpu.memory_space<vmem>> -> memref<1x1x128x64xf32, #tpu.memory_space<vmem>>
      %parallel_loop3A_1046 = tpu.memref_squeeze %parallel_loop3A_1045 : memref<1x1x128x64xf32, #tpu.memory_space<vmem>> -> memref<128x64xf32, #tpu.memory_space<vmem>>
      %parallel_loop3A_1047 = arith.index_cast %parallel_loop3A_1011 : i32 to index
      %parallel_loop3A_1048 = arith.constant 48 : index
      %parallel_loop3A_1049 = tpu.vector_load %parallel_loop3A_1046[%parallel_loop3A_1047, %parallel_loop3A_1048] {strides = array<i32>} : memref<128x64xf32, #tpu.memory_space<vmem>>, vector<16xf32>,
      %parallel_loop3A_1050 = arith.constant 8.000000e+00 : f32
      %parallel_loop3A_1051 = vector.broadcast %parallel_loop3A_1050 : f32 to vector<16xf32>
      %parallel_loop3A_1052 = arith.mulf %parallel_loop3A_1049, %parallel_loop3A_1051 : vector<16xf32>
      tpu.vector_store_idx %arg8[%select_n3A_133, %select_n3A_219, %parallel_loop3A_1012], %parallel_loop3A_1052 : memref<8x8x129xf32, #tpu.memory_space<vmem>>[vector<16xi32>, vector<16xi32>, vector<16xi32>], vector<16xf32>,
    } {sc.loop_unroll_factor = 4 : i64, sc.parallel_access}
    %add3A_515 = arith.constant 198 : i32
    %add3A_516 = arith.addi %mul3A_2, %add3A_515 : i32
    %add3A_517 = arith.constant 0 : i32
    %add3A_518 = arith.addi %add3A_516, %add3A_517 : i32
    %jit3A_519 = arith.constant 32 : i32
    %div3A_520 = arith.divsi %add3A_518, %jit3A_519 : i32
    %sign3A_521 = arith.constant 0 : i32
    %sign3A_522 = arith.cmpi sgt, %add3A_518, %sign3A_521 : i32
    %sign3A_523 = arith.extui %sign3A_522 : i1 to i32
    %sign3A_524 = arith.constant 0 : i32
    %sign3A_525 = arith.cmpi slt, %add3A_518, %sign3A_524 : i32
    %sign3A_526 = arith.extui %sign3A_525 : i1 to i32
    %sign3A_527 = arith.subi %sign3A_523, %sign3A_526 : i32
    %sign3A_528 = arith.constant 0 : i32
    %sign3A_529 = arith.cmpi sgt, %jit3A_519, %sign3A_528 : i32
    %sign3A_530 = arith.extui %sign3A_529 : i1 to i32
    %sign3A_531 = arith.constant 0 : i32
    %sign3A_532 = arith.cmpi slt, %jit3A_519, %sign3A_531 : i32
    %sign3A_533 = arith.extui %sign3A_532 : i1 to i32
    %sign3A_534 = arith.subi %sign3A_530, %sign3A_533 : i32
    %ne3A_535 = arith.cmpi ne, %sign3A_527, %sign3A_534 : i32
    %rem3A_536 = arith.remsi %add3A_518, %jit3A_519 : i32
    %ne3A_537 = arith.constant 0 : i32
    %ne3A_538 = arith.cmpi ne, %rem3A_536, %ne3A_537 : i32
    %and3A_539 = arith.andi %ne3A_535, %ne3A_538 : i1
    %sub3A_540 = arith.constant 1 : i32
    %sub3A_541 = arith.subi %div3A_520, %sub3A_540 : i32
    %select_n3A_542 = arith.select %and3A_539, %sub3A_541, %div3A_520 : i32
    %jit3A_543 = arith.constant 32 : i32
    %eq3A_544 = arith.constant 0 : i32
    %eq3A_545 = arith.cmpi eq, %jit3A_543, %eq3A_544 : i32
    %jit3A_546 = arith.constant 1 : i32
    %select_n3A_547 = arith.select %eq3A_545, %jit3A_546, %jit3A_543 : i32
    %rem3A_548 = arith.remsi %add3A_518, %select_n3A_547 : i32
    %ne3A_549 = arith.constant 0 : i32
    %ne3A_550 = arith.cmpi ne, %rem3A_548, %ne3A_549 : i32
    %lt3A_551 = arith.constant 0 : i32
    %lt3A_552 = arith.cmpi slt, %rem3A_548, %lt3A_551 : i32
    %lt3A_553 = arith.constant 0 : i32
    %lt3A_554 = arith.cmpi slt, %select_n3A_547, %lt3A_553 : i32
    %ne3A_555 = arith.xori %lt3A_552, %lt3A_554 : i1
    %and3A_556 = arith.andi %ne3A_555, %ne3A_550 : i1
    %add3A_557 = arith.addi %rem3A_548, %select_n3A_547 : i32
    %select_n3A_558 = arith.select %and3A_556, %add3A_557, %rem3A_548 : i32
    %dma_start3A_559 = arith.constant 0 : i32
    %dma_start3A_560 = arith.constant 0 : i32
    %dma_start3A_561 = arith.constant 0 : i32
    %dma_start3A_562 = tpu.memref_slice %arg7[%dma_start3A_559, %dma_start3A_560, %dma_start3A_561] : memref<8x8x129xf32, #tpu.memory_space<vmem>> -> memref<8x8x128xf32, #tpu.memory_space<vmem>>
    %dma_start3A_563 = arith.constant 0 : i32
    %dma_start3A_564 = arith.constant 0 : i32
    %dma_start3A_565 = arith.constant 0 : i32
    %dma_start3A_566 = tpu.memref_slice %arg4[%select_n3A_542, %dma_start3A_563, %select_n3A_558, %dma_start3A_564, %dma_start3A_565] : memref<200x8x32x8x128xf32, #tpu.memory_space<hbm>> -> memref<1x8x1x8x128xf32, #tpu.memory_space<hbm>>
    %dma_start3A_567 = tpu.memref_squeeze %dma_start3A_566 : memref<1x8x1x8x128xf32, #tpu.memory_space<hbm>> -> memref<8x8x128xf32, #tpu.memory_space<hbm>>
    %dma_start3A_568 = arith.constant 0 : i32
    %dma_start3A_569 = arith.constant 0 : i32
    %dma_start3A_570 = arith.constant 0 : i32
    %dma_start3A_571 = tpu.memref_slice %arg4[%select_n3A_542, %dma_start3A_568, %select_n3A_558, %dma_start3A_569, %dma_start3A_570] : memref<200x8x32x8x128xf32, #tpu.memory_space<hbm>> -> memref<1x8x1x8x128xf32, #tpu.memory_space<hbm>>
    %dma_start3A_572 = tpu.memref_squeeze %dma_start3A_571 : memref<1x8x1x8x128xf32, #tpu.memory_space<hbm>> -> memref<8x8x128xf32, #tpu.memory_space<hbm>>
    %dma_start3A_573 = arith.constant 0 : i32
    %dma_start3A_574 = arith.constant 0 : i32
    %dma_start3A_575 = arith.constant 0 : i32
    %dma_start3A_576 = tpu.memref_slice %arg7[%dma_start3A_573, %dma_start3A_574, %dma_start3A_575] : memref<8x8x129xf32, #tpu.memory_space<vmem>> -> memref<8x8x128xf32, #tpu.memory_space<vmem>>
    tpu.enqueue_dma source(%dma_start3A_576 : memref<8x8x128xf32, #tpu.memory_space<vmem>>) target(%dma_start3A_572 : memref<8x8x128xf32, #tpu.memory_space<hbm>>) target_semaphore(%arg19 : memref<!tpu.dma_semaphore, #tpu.memory_space<semaphore_mem>>)
    %add3A_577 = arith.constant 198 : i32
    %add3A_578 = arith.addi %mul3A_2, %add3A_577 : i32
    %add3A_579 = arith.constant 1 : i32
    %add3A_580 = arith.addi %add3A_578, %add3A_579 : i32
    %jit3A_581 = arith.constant 32 : i32
    %div3A_582 = arith.divsi %add3A_580, %jit3A_581 : i32
    %sign3A_583 = arith.constant 0 : i32
    %sign3A_584 = arith.cmpi sgt, %add3A_580, %sign3A_583 : i32
    %sign3A_585 = arith.extui %sign3A_584 : i1 to i32
    %sign3A_586 = arith.constant 0 : i32
    %sign3A_587 = arith.cmpi slt, %add3A_580, %sign3A_586 : i32
    %sign3A_588 = arith.extui %sign3A_587 : i1 to i32
    %sign3A_589 = arith.subi %sign3A_585, %sign3A_588 : i32
    %sign3A_590 = arith.constant 0 : i32
    %sign3A_591 = arith.cmpi sgt, %jit3A_581, %sign3A_590 : i32
    %sign3A_592 = arith.extui %sign3A_591 : i1 to i32
    %sign3A_593 = arith.constant 0 : i32
    %sign3A_594 = arith.cmpi slt, %jit3A_581, %sign3A_593 : i32
    %sign3A_595 = arith.extui %sign3A_594 : i1 to i32
    %sign3A_596 = arith.subi %sign3A_592, %sign3A_595 : i32
    %ne3A_597 = arith.cmpi ne, %sign3A_589, %sign3A_596 : i32
    %rem3A_598 = arith.remsi %add3A_580, %jit3A_581 : i32
    %ne3A_599 = arith.constant 0 : i32
    %ne3A_600 = arith.cmpi ne, %rem3A_598, %ne3A_599 : i32
    %and3A_601 = arith.andi %ne3A_597, %ne3A_600 : i1
    %sub3A_602 = arith.constant 1 : i32
    %sub3A_603 = arith.subi %div3A_582, %sub3A_602 : i32
    %select_n3A_604 = arith.select %and3A_601, %sub3A_603, %div3A_582 : i32
    %jit3A_605 = arith.constant 32 : i32
    %eq3A_606 = arith.constant 0 : i32
    %eq3A_607 = arith.cmpi eq, %jit3A_605, %eq3A_606 : i32
    %jit3A_608 = arith.constant 1 : i32
    %select_n3A_609 = arith.select %eq3A_607, %jit3A_608, %jit3A_605 : i32
    %rem3A_610 = arith.remsi %add3A_580, %select_n3A_609 : i32
    %ne3A_611 = arith.constant 0 : i32
    %ne3A_612 = arith.cmpi ne, %rem3A_610, %ne3A_611 : i32
    %lt3A_613 = arith.constant 0 : i32
    %lt3A_614 = arith.cmpi slt, %rem3A_610, %lt3A_613 : i32
    %lt3A_615 = arith.constant 0 : i32
    %lt3A_616 = arith.cmpi slt, %select_n3A_609, %lt3A_615 : i32
    %ne3A_617 = arith.xori %lt3A_614, %lt3A_616 : i1
    %and3A_618 = arith.andi %ne3A_617, %ne3A_612 : i1
    %add3A_619 = arith.addi %rem3A_610, %select_n3A_609 : i32
    %select_n3A_620 = arith.select %and3A_618, %add3A_619, %rem3A_610 : i32
    %dma_start3A_621 = arith.constant 0 : i32
    %dma_start3A_622 = arith.constant 0 : i32
    %dma_start3A_623 = arith.constant 0 : i32
    %dma_start3A_624 = tpu.memref_slice %arg8[%dma_start3A_621, %dma_start3A_622, %dma_start3A_623] : memref<8x8x129xf32, #tpu.memory_space<vmem>> -> memref<8x8x128xf32, #tpu.memory_space<vmem>>
    %dma_start3A_625 = arith.constant 0 : i32
    %dma_start3A_626 = arith.constant 0 : i32
    %dma_start3A_627 = arith.constant 0 : i32
    %dma_start3A_628 = tpu.memref_slice %arg4[%select_n3A_604, %dma_start3A_625, %select_n3A_620, %dma_start3A_626, %dma_start3A_627] : memref<200x8x32x8x128xf32, #tpu.memory_space<hbm>> -> memref<1x8x1x8x128xf32, #tpu.memory_space<hbm>>
    %dma_start3A_629 = tpu.memref_squeeze %dma_start3A_628 : memref<1x8x1x8x128xf32, #tpu.memory_space<hbm>> -> memref<8x8x128xf32, #tpu.memory_space<hbm>>
    %dma_start3A_630 = arith.constant 0 : i32
    %dma_start3A_631 = arith.constant 0 : i32
    %dma_start3A_632 = arith.constant 0 : i32
    %dma_start3A_633 = tpu.memref_slice %arg4[%select_n3A_604, %dma_start3A_630, %select_n3A_620, %dma_start3A_631, %dma_start3A_632] : memref<200x8x32x8x128xf32, #tpu.memory_space<hbm>> -> memref<1x8x1x8x128xf32, #tpu.memory_space<hbm>>
    %dma_start3A_634 = tpu.memref_squeeze %dma_start3A_633 : memref<1x8x1x8x128xf32, #tpu.memory_space<hbm>> -> memref<8x8x128xf32, #tpu.memory_space<hbm>>
    %dma_start3A_635 = arith.constant 0 : i32
    %dma_start3A_636 = arith.constant 0 : i32
    %dma_start3A_637 = arith.constant 0 : i32
    %dma_start3A_638 = tpu.memref_slice %arg8[%dma_start3A_635, %dma_start3A_636, %dma_start3A_637] : memref<8x8x129xf32, #tpu.memory_space<vmem>> -> memref<8x8x128xf32, #tpu.memory_space<vmem>>
    tpu.enqueue_dma source(%dma_start3A_638 : memref<8x8x128xf32, #tpu.memory_space<vmem>>) target(%dma_start3A_634 : memref<8x8x128xf32, #tpu.memory_space<hbm>>) target_semaphore(%arg19 : memref<!tpu.dma_semaphore, #tpu.memory_space<semaphore_mem>>)
    %add3A_639 = arith.constant 194 : i32
    %add3A_640 = arith.addi %mul3A_2, %add3A_639 : i32
    %add3A_641 = arith.constant 0 : i32
    %add3A_642 = arith.addi %add3A_640, %add3A_641 : i32
    %jit3A_643 = arith.constant 32 : i32
    %div3A_644 = arith.divsi %add3A_642, %jit3A_643 : i32
    %sign3A_645 = arith.constant 0 : i32
    %sign3A_646 = arith.cmpi sgt, %add3A_642, %sign3A_645 : i32
    %sign3A_647 = arith.extui %sign3A_646 : i1 to i32
    %sign3A_648 = arith.constant 0 : i32
    %sign3A_649 = arith.cmpi slt, %add3A_642, %sign3A_648 : i32
    %sign3A_650 = arith.extui %sign3A_649 : i1 to i32
    %sign3A_651 = arith.subi %sign3A_647, %sign3A_650 : i32
    %sign3A_652 = arith.constant 0 : i32
    %sign3A_653 = arith.cmpi sgt, %jit3A_643, %sign3A_652 : i32
    %sign3A_654 = arith.extui %sign3A_653 : i1 to i32
    %sign3A_655 = arith.constant 0 : i32
    %sign3A_656 = arith.cmpi slt, %jit3A_643, %sign3A_655 : i32
    %sign3A_657 = arith.extui %sign3A_656 : i1 to i32
    %sign3A_658 = arith.subi %sign3A_654, %sign3A_657 : i32
    %ne3A_659 = arith.cmpi ne, %sign3A_651, %sign3A_658 : i32
    %rem3A_660 = arith.remsi %add3A_642, %jit3A_643 : i32
    %ne3A_661 = arith.constant 0 : i32
    %ne3A_662 = arith.cmpi ne, %rem3A_660, %ne3A_661 : i32
    %and3A_663 = arith.andi %ne3A_659, %ne3A_662 : i1
    %sub3A_664 = arith.constant 1 : i32
    %sub3A_665 = arith.subi %div3A_644, %sub3A_664 : i32
    %select_n3A_666 = arith.select %and3A_663, %sub3A_665, %div3A_644 : i32
    %jit3A_667 = arith.constant 32 : i32
    %eq3A_668 = arith.constant 0 : i32
    %eq3A_669 = arith.cmpi eq, %jit3A_667, %eq3A_668 : i32
    %jit3A_670 = arith.constant 1 : i32
    %select_n3A_671 = arith.select %eq3A_669, %jit3A_670, %jit3A_667 : i32
    %rem3A_672 = arith.remsi %add3A_642, %select_n3A_671 : i32
    %ne3A_673 = arith.constant 0 : i32
    %ne3A_674 = arith.cmpi ne, %rem3A_672, %ne3A_673 : i32
    %lt3A_675 = arith.constant 0 : i32
    %lt3A_676 = arith.cmpi slt, %rem3A_672, %lt3A_675 : i32
    %lt3A_677 = arith.constant 0 : i32
    %lt3A_678 = arith.cmpi slt, %select_n3A_671, %lt3A_677 : i32
    %ne3A_679 = arith.xori %lt3A_676, %lt3A_678 : i1
    %and3A_680 = arith.andi %ne3A_679, %ne3A_674 : i1
    %add3A_681 = arith.addi %rem3A_672, %select_n3A_671 : i32
    %select_n3A_682 = arith.select %and3A_680, %add3A_681, %rem3A_672 : i32
    %dma_wait3A_683 = arith.constant 0 : i32
    %dma_wait3A_684 = arith.constant 0 : i32
    %dma_wait3A_685 = arith.constant 0 : i32
    %dma_wait3A_686 = tpu.memref_slice %arg9[%dma_wait3A_683, %dma_wait3A_684, %dma_wait3A_685] : memref<8x8x129xf32, #tpu.memory_space<vmem>> -> memref<8x8x128xf32, #tpu.memory_space<vmem>>
    %dma_wait3A_687 = arith.constant 0 : i32
    %dma_wait3A_688 = arith.constant 0 : i32
    %dma_wait3A_689 = arith.constant 0 : i32
    %dma_wait3A_690 = tpu.memref_slice %arg4[%select_n3A_666, %dma_wait3A_687, %select_n3A_682, %dma_wait3A_688, %dma_wait3A_689] : memref<200x8x32x8x128xf32, #tpu.memory_space<hbm>> -> memref<1x8x1x8x128xf32, #tpu.memory_space<hbm>>
    %dma_wait3A_691 = tpu.memref_squeeze %dma_wait3A_690 : memref<1x8x1x8x128xf32, #tpu.memory_space<hbm>> -> memref<8x8x128xf32, #tpu.memory_space<hbm>>
    %dma_wait3A_692 = arith.constant 0 : i32
    %dma_wait3A_693 = arith.constant 0 : i32
    %dma_wait3A_694 = arith.constant 0 : i32
    %dma_wait3A_695 = tpu.memref_slice %arg4[%select_n3A_666, %dma_wait3A_692, %select_n3A_682, %dma_wait3A_693, %dma_wait3A_694] : memref<200x8x32x8x128xf32, #tpu.memory_space<hbm>> -> memref<1x8x1x8x128xf32, #tpu.memory_space<hbm>>
    %dma_wait3A_696 = tpu.memref_squeeze %dma_wait3A_695 : memref<1x8x1x8x128xf32, #tpu.memory_space<hbm>> -> memref<8x8x128xf32, #tpu.memory_space<hbm>>
    %dma_wait3A_697 = arith.constant 0 : i32
    %dma_wait3A_698 = arith.constant 0 : i32
    %dma_wait3A_699 = arith.constant 0 : i32
    %dma_wait3A_700 = tpu.memref_slice %arg9[%dma_wait3A_697, %dma_wait3A_698, %dma_wait3A_699] : memref<8x8x129xf32, #tpu.memory_space<vmem>> -> memref<8x8x128xf32, #tpu.memory_space<vmem>>
    tpu.wait_dma2 semaphore(%arg20 : memref<!tpu.dma_semaphore, #tpu.memory_space<semaphore_mem>>) src(%dma_wait3A_700 : memref<8x8x128xf32, #tpu.memory_space<vmem>>) dst(%dma_wait3A_696 : memref<8x8x128xf32, #tpu.memory_space<hbm>>)
    %add3A_701 = arith.constant 194 : i32
    %add3A_702 = arith.addi %mul3A_2, %add3A_701 : i32
    %add3A_703 = arith.constant 1 : i32
    %add3A_704 = arith.addi %add3A_702, %add3A_703 : i32
    %jit3A_705 = arith.constant 32 : i32
    %div3A_706 = arith.divsi %add3A_704, %jit3A_705 : i32
    %sign3A_707 = arith.constant 0 : i32
    %sign3A_708 = arith.cmpi sgt, %add3A_704, %sign3A_707 : i32
    %sign3A_709 = arith.extui %sign3A_708 : i1 to i32
    %sign3A_710 = arith.constant 0 : i32
    %sign3A_711 = arith.cmpi slt, %add3A_704, %sign3A_710 : i32
    %sign3A_712 = arith.extui %sign3A_711 : i1 to i32
    %sign3A_713 = arith.subi %sign3A_709, %sign3A_712 : i32
    %sign3A_714 = arith.constant 0 : i32
    %sign3A_715 = arith.cmpi sgt, %jit3A_705, %sign3A_714 : i32
    %sign3A_716 = arith.extui %sign3A_715 : i1 to i32
    %sign3A_717 = arith.constant 0 : i32
    %sign3A_718 = arith.cmpi slt, %jit3A_705, %sign3A_717 : i32
    %sign3A_719 = arith.extui %sign3A_718 : i1 to i32
    %sign3A_720 = arith.subi %sign3A_716, %sign3A_719 : i32
    %ne3A_721 = arith.cmpi ne, %sign3A_713, %sign3A_720 : i32
    %rem3A_722 = arith.remsi %add3A_704, %jit3A_705 : i32
    %ne3A_723 = arith.constant 0 : i32
    %ne3A_724 = arith.cmpi ne, %rem3A_722, %ne3A_723 : i32
    %and3A_725 = arith.andi %ne3A_721, %ne3A_724 : i1
    %sub3A_726 = arith.constant 1 : i32
    %sub3A_727 = arith.subi %div3A_706, %sub3A_726 : i32
    %select_n3A_728 = arith.select %and3A_725, %sub3A_727, %div3A_706 : i32
    %jit3A_729 = arith.constant 32 : i32
    %eq3A_730 = arith.constant 0 : i32
    %eq3A_731 = arith.cmpi eq, %jit3A_729, %eq3A_730 : i32
    %jit3A_732 = arith.constant 1 : i32
    %select_n3A_733 = arith.select %eq3A_731, %jit3A_732, %jit3A_729 : i32
    %rem3A_734 = arith.remsi %add3A_704, %select_n3A_733 : i32
    %ne3A_735 = arith.constant 0 : i32
    %ne3A_736 = arith.cmpi ne, %rem3A_734, %ne3A_735 : i32
    %lt3A_737 = arith.constant 0 : i32
    %lt3A_738 = arith.cmpi slt, %rem3A_734, %lt3A_737 : i32
    %lt3A_739 = arith.constant 0 : i32
    %lt3A_740 = arith.cmpi slt, %select_n3A_733, %lt3A_739 : i32
    %ne3A_741 = arith.xori %lt3A_738, %lt3A_740 : i1
    %and3A_742 = arith.andi %ne3A_741, %ne3A_736 : i1
    %add3A_743 = arith.addi %rem3A_734, %select_n3A_733 : i32
    %select_n3A_744 = arith.select %and3A_742, %add3A_743, %rem3A_734 : i32
    %dma_wait3A_745 = arith.constant 0 : i32
    %dma_wait3A_746 = arith.constant 0 : i32
    %dma_wait3A_747 = arith.constant 0 : i32
    %dma_wait3A_748 = tpu.memref_slice %arg10[%dma_wait3A_745, %dma_wait3A_746, %dma_wait3A_747] : memref<8x8x129xf32, #tpu.memory_space<vmem>> -> memref<8x8x128xf32, #tpu.memory_space<vmem>>
    %dma_wait3A_749 = arith.constant 0 : i32
    %dma_wait3A_750 = arith.constant 0 : i32
    %dma_wait3A_751 = arith.constant 0 : i32
    %dma_wait3A_752 = tpu.memref_slice %arg4[%select_n3A_728, %dma_wait3A_749, %select_n3A_744, %dma_wait3A_750, %dma_wait3A_751] : memref<200x8x32x8x128xf32, #tpu.memory_space<hbm>> -> memref<1x8x1x8x128xf32, #tpu.memory_space<hbm>>
    %dma_wait3A_753 = tpu.memref_squeeze %dma_wait3A_752 : memref<1x8x1x8x128xf32, #tpu.memory_space<hbm>> -> memref<8x8x128xf32, #tpu.memory_space<hbm>>
    %dma_wait3A_754 = arith.constant 0 : i32
    %dma_wait3A_755 = arith.constant 0 : i32
    %dma_wait3A_756 = arith.constant 0 : i32
    %dma_wait3A_757 = tpu.memref_slice %arg4[%select_n3A_728, %dma_wait3A_754, %select_n3A_744, %dma_wait3A_755, %dma_wait3A_756] : memref<200x8x32x8x128xf32, #tpu.memory_space<hbm>> -> memref<1x8x1x8x128xf32, #tpu.memory_space<hbm>>
    %dma_wait3A_758 = tpu.memref_squeeze %dma_wait3A_757 : memref<1x8x1x8x128xf32, #tpu.memory_space<hbm>> -> memref<8x8x128xf32, #tpu.memory_space<hbm>>
    %dma_wait3A_759 = arith.constant 0 : i32
    %dma_wait3A_760 = arith.constant 0 : i32
    %dma_wait3A_761 = arith.constant 0 : i32
    %dma_wait3A_762 = tpu.memref_slice %arg10[%dma_wait3A_759, %dma_wait3A_760, %dma_wait3A_761] : memref<8x8x129xf32, #tpu.memory_space<vmem>> -> memref<8x8x128xf32, #tpu.memory_space<vmem>>
    tpu.wait_dma2 semaphore(%arg20 : memref<!tpu.dma_semaphore, #tpu.memory_space<semaphore_mem>>) src(%dma_wait3A_762 : memref<8x8x128xf32, #tpu.memory_space<vmem>>) dst(%dma_wait3A_758 : memref<8x8x128xf32, #tpu.memory_space<hbm>>)
    %add3A_763 = arith.constant 196 : i32
    %add3A_764 = arith.addi %mul3A_2, %add3A_763 : i32
    %add3A_765 = arith.constant 0 : i32
    %add3A_766 = arith.addi %add3A_764, %add3A_765 : i32
    %jit3A_767 = arith.constant 32 : i32
    %div3A_768 = arith.divsi %add3A_766, %jit3A_767 : i32
    %sign3A_769 = arith.constant 0 : i32
    %sign3A_770 = arith.cmpi sgt, %add3A_766, %sign3A_769 : i32
    %sign3A_771 = arith.extui %sign3A_770 : i1 to i32
    %sign3A_772 = arith.constant 0 : i32
    %sign3A_773 = arith.cmpi slt, %add3A_766, %sign3A_772 : i32
    %sign3A_774 = arith.extui %sign3A_773 : i1 to i32
    %sign3A_775 = arith.subi %sign3A_771, %sign3A_774 : i32
    %sign3A_776 = arith.constant 0 : i32
    %sign3A_777 = arith.cmpi sgt, %jit3A_767, %sign3A_776 : i32
    %sign3A_778 = arith.extui %sign3A_777 : i1 to i32
    %sign3A_779 = arith.constant 0 : i32
    %sign3A_780 = arith.cmpi slt, %jit3A_767, %sign3A_779 : i32
    %sign3A_781 = arith.extui %sign3A_780 : i1 to i32
    %sign3A_782 = arith.subi %sign3A_778, %sign3A_781 : i32
    %ne3A_783 = arith.cmpi ne, %sign3A_775, %sign3A_782 : i32
    %rem3A_784 = arith.remsi %add3A_766, %jit3A_767 : i32
    %ne3A_785 = arith.constant 0 : i32
    %ne3A_786 = arith.cmpi ne, %rem3A_784, %ne3A_785 : i32
    %and3A_787 = arith.andi %ne3A_783, %ne3A_786 : i1
    %sub3A_788 = arith.constant 1 : i32
    %sub3A_789 = arith.subi %div3A_768, %sub3A_788 : i32
    %select_n3A_790 = arith.select %and3A_787, %sub3A_789, %div3A_768 : i32
    %jit3A_791 = arith.constant 32 : i32
    %eq3A_792 = arith.constant 0 : i32
    %eq3A_793 = arith.cmpi eq, %jit3A_791, %eq3A_792 : i32
    %jit3A_794 = arith.constant 1 : i32
    %select_n3A_795 = arith.select %eq3A_793, %jit3A_794, %jit3A_791 : i32
    %rem3A_796 = arith.remsi %add3A_766, %select_n3A_795 : i32
    %ne3A_797 = arith.constant 0 : i32
    %ne3A_798 = arith.cmpi ne, %rem3A_796, %ne3A_797 : i32
    %lt3A_799 = arith.constant 0 : i32
    %lt3A_800 = arith.cmpi slt, %rem3A_796, %lt3A_799 : i32
    %lt3A_801 = arith.constant 0 : i32
    %lt3A_802 = arith.cmpi slt, %select_n3A_795, %lt3A_801 : i32
    %ne3A_803 = arith.xori %lt3A_800, %lt3A_802 : i1
    %and3A_804 = arith.andi %ne3A_803, %ne3A_798 : i1
    %add3A_805 = arith.addi %rem3A_796, %select_n3A_795 : i32
    %select_n3A_806 = arith.select %and3A_804, %add3A_805, %rem3A_796 : i32
    %dma_wait3A_807 = arith.constant 0 : i32
    %dma_wait3A_808 = arith.constant 0 : i32
    %dma_wait3A_809 = arith.constant 0 : i32
    %dma_wait3A_810 = tpu.memref_slice %arg11[%dma_wait3A_807, %dma_wait3A_808, %dma_wait3A_809] : memref<8x8x129xf32, #tpu.memory_space<vmem>> -> memref<8x8x128xf32, #tpu.memory_space<vmem>>
    %dma_wait3A_811 = arith.constant 0 : i32
    %dma_wait3A_812 = arith.constant 0 : i32
    %dma_wait3A_813 = arith.constant 0 : i32
    %dma_wait3A_814 = tpu.memref_slice %arg4[%select_n3A_790, %dma_wait3A_811, %select_n3A_806, %dma_wait3A_812, %dma_wait3A_813] : memref<200x8x32x8x128xf32, #tpu.memory_space<hbm>> -> memref<1x8x1x8x128xf32, #tpu.memory_space<hbm>>
    %dma_wait3A_815 = tpu.memref_squeeze %dma_wait3A_814 : memref<1x8x1x8x128xf32, #tpu.memory_space<hbm>> -> memref<8x8x128xf32, #tpu.memory_space<hbm>>
    %dma_wait3A_816 = arith.constant 0 : i32
    %dma_wait3A_817 = arith.constant 0 : i32
    %dma_wait3A_818 = arith.constant 0 : i32
    %dma_wait3A_819 = tpu.memref_slice %arg4[%select_n3A_790, %dma_wait3A_816, %select_n3A_806, %dma_wait3A_817, %dma_wait3A_818] : memref<200x8x32x8x128xf32, #tpu.memory_space<hbm>> -> memref<1x8x1x8x128xf32, #tpu.memory_space<hbm>>
    %dma_wait3A_820 = tpu.memref_squeeze %dma_wait3A_819 : memref<1x8x1x8x128xf32, #tpu.memory_space<hbm>> -> memref<8x8x128xf32, #tpu.memory_space<hbm>>
    %dma_wait3A_821 = arith.constant 0 : i32
    %dma_wait3A_822 = arith.constant 0 : i32
    %dma_wait3A_823 = arith.constant 0 : i32
    %dma_wait3A_824 = tpu.memref_slice %arg11[%dma_wait3A_821, %dma_wait3A_822, %dma_wait3A_823] : memref<8x8x129xf32, #tpu.memory_space<vmem>> -> memref<8x8x128xf32, #tpu.memory_space<vmem>>
    tpu.wait_dma2 semaphore(%arg21 : memref<!tpu.dma_semaphore, #tpu.memory_space<semaphore_mem>>) src(%dma_wait3A_824 : memref<8x8x128xf32, #tpu.memory_space<vmem>>) dst(%dma_wait3A_820 : memref<8x8x128xf32, #tpu.memory_space<hbm>>)
    %add3A_825 = arith.constant 196 : i32
    %add3A_826 = arith.addi %mul3A_2, %add3A_825 : i32
    %add3A_827 = arith.constant 1 : i32
    %add3A_828 = arith.addi %add3A_826, %add3A_827 : i32
    %jit3A_829 = arith.constant 32 : i32
    %div3A_830 = arith.divsi %add3A_828, %jit3A_829 : i32
    %sign3A_831 = arith.constant 0 : i32
    %sign3A_832 = arith.cmpi sgt, %add3A_828, %sign3A_831 : i32
    %sign3A_833 = arith.extui %sign3A_832 : i1 to i32
    %sign3A_834 = arith.constant 0 : i32
    %sign3A_835 = arith.cmpi slt, %add3A_828, %sign3A_834 : i32
    %sign3A_836 = arith.extui %sign3A_835 : i1 to i32
    %sign3A_837 = arith.subi %sign3A_833, %sign3A_836 : i32
    %sign3A_838 = arith.constant 0 : i32
    %sign3A_839 = arith.cmpi sgt, %jit3A_829, %sign3A_838 : i32
    %sign3A_840 = arith.extui %sign3A_839 : i1 to i32
    %sign3A_841 = arith.constant 0 : i32
    %sign3A_842 = arith.cmpi slt, %jit3A_829, %sign3A_841 : i32
    %sign3A_843 = arith.extui %sign3A_842 : i1 to i32
    %sign3A_844 = arith.subi %sign3A_840, %sign3A_843 : i32
    %ne3A_845 = arith.cmpi ne, %sign3A_837, %sign3A_844 : i32
    %rem3A_846 = arith.remsi %add3A_828, %jit3A_829 : i32
    %ne3A_847 = arith.constant 0 : i32
    %ne3A_848 = arith.cmpi ne, %rem3A_846, %ne3A_847 : i32
    %and3A_849 = arith.andi %ne3A_845, %ne3A_848 : i1
    %sub3A_850 = arith.constant 1 : i32
    %sub3A_851 = arith.subi %div3A_830, %sub3A_850 : i32
    %select_n3A_852 = arith.select %and3A_849, %sub3A_851, %div3A_830 : i32
    %jit3A_853 = arith.constant 32 : i32
    %eq3A_854 = arith.constant 0 : i32
    %eq3A_855 = arith.cmpi eq, %jit3A_853, %eq3A_854 : i32
    %jit3A_856 = arith.constant 1 : i32
    %select_n3A_857 = arith.select %eq3A_855, %jit3A_856, %jit3A_853 : i32
    %rem3A_858 = arith.remsi %add3A_828, %select_n3A_857 : i32
    %ne3A_859 = arith.constant 0 : i32
    %ne3A_860 = arith.cmpi ne, %rem3A_858, %ne3A_859 : i32
    %lt3A_861 = arith.constant 0 : i32
    %lt3A_862 = arith.cmpi slt, %rem3A_858, %lt3A_861 : i32
    %lt3A_863 = arith.constant 0 : i32
    %lt3A_864 = arith.cmpi slt, %select_n3A_857, %lt3A_863 : i32
    %ne3A_865 = arith.xori %lt3A_862, %lt3A_864 : i1
    %and3A_866 = arith.andi %ne3A_865, %ne3A_860 : i1
    %add3A_867 = arith.addi %rem3A_858, %select_n3A_857 : i32
    %select_n3A_868 = arith.select %and3A_866, %add3A_867, %rem3A_858 : i32
    %dma_wait3A_869 = arith.constant 0 : i32
    %dma_wait3A_870 = arith.constant 0 : i32
    %dma_wait3A_871 = arith.constant 0 : i32
    %dma_wait3A_872 = tpu.memref_slice %arg12[%dma_wait3A_869, %dma_wait3A_870, %dma_wait3A_871] : memref<8x8x129xf32, #tpu.memory_space<vmem>> -> memref<8x8x128xf32, #tpu.memory_space<vmem>>
    %dma_wait3A_873 = arith.constant 0 : i32
    %dma_wait3A_874 = arith.constant 0 : i32
    %dma_wait3A_875 = arith.constant 0 : i32
    %dma_wait3A_876 = tpu.memref_slice %arg4[%select_n3A_852, %dma_wait3A_873, %select_n3A_868, %dma_wait3A_874, %dma_wait3A_875] : memref<200x8x32x8x128xf32, #tpu.memory_space<hbm>> -> memref<1x8x1x8x128xf32, #tpu.memory_space<hbm>>
    %dma_wait3A_877 = tpu.memref_squeeze %dma_wait3A_876 : memref<1x8x1x8x128xf32, #tpu.memory_space<hbm>> -> memref<8x8x128xf32, #tpu.memory_space<hbm>>
    %dma_wait3A_878 = arith.constant 0 : i32
    %dma_wait3A_879 = arith.constant 0 : i32
    %dma_wait3A_880 = arith.constant 0 : i32
    %dma_wait3A_881 = tpu.memref_slice %arg4[%select_n3A_852, %dma_wait3A_878, %select_n3A_868, %dma_wait3A_879, %dma_wait3A_880] : memref<200x8x32x8x128xf32, #tpu.memory_space<hbm>> -> memref<1x8x1x8x128xf32, #tpu.memory_space<hbm>>
    %dma_wait3A_882 = tpu.memref_squeeze %dma_wait3A_881 : memref<1x8x1x8x128xf32, #tpu.memory_space<hbm>> -> memref<8x8x128xf32, #tpu.memory_space<hbm>>
    %dma_wait3A_883 = arith.constant 0 : i32
    %dma_wait3A_884 = arith.constant 0 : i32
    %dma_wait3A_885 = arith.constant 0 : i32
    %dma_wait3A_886 = tpu.memref_slice %arg12[%dma_wait3A_883, %dma_wait3A_884, %dma_wait3A_885] : memref<8x8x129xf32, #tpu.memory_space<vmem>> -> memref<8x8x128xf32, #tpu.memory_space<vmem>>
    tpu.wait_dma2 semaphore(%arg21 : memref<!tpu.dma_semaphore, #tpu.memory_space<semaphore_mem>>) src(%dma_wait3A_886 : memref<8x8x128xf32, #tpu.memory_space<vmem>>) dst(%dma_wait3A_882 : memref<8x8x128xf32, #tpu.memory_space<hbm>>)
    %add3A_887 = arith.constant 198 : i32
    %add3A_888 = arith.addi %mul3A_2, %add3A_887 : i32
    %add3A_889 = arith.constant 0 : i32
    %add3A_890 = arith.addi %add3A_888, %add3A_889 : i32
    %jit3A_891 = arith.constant 32 : i32
    %div3A_892 = arith.divsi %add3A_890, %jit3A_891 : i32
    %sign3A_893 = arith.constant 0 : i32
    %sign3A_894 = arith.cmpi sgt, %add3A_890, %sign3A_893 : i32
    %sign3A_895 = arith.extui %sign3A_894 : i1 to i32
    %sign3A_896 = arith.constant 0 : i32
    %sign3A_897 = arith.cmpi slt, %add3A_890, %sign3A_896 : i32
    %sign3A_898 = arith.extui %sign3A_897 : i1 to i32
    %sign3A_899 = arith.subi %sign3A_895, %sign3A_898 : i32
    %sign3A_900 = arith.constant 0 : i32
    %sign3A_901 = arith.cmpi sgt, %jit3A_891, %sign3A_900 : i32
    %sign3A_902 = arith.extui %sign3A_901 : i1 to i32
    %sign3A_903 = arith.constant 0 : i32
    %sign3A_904 = arith.cmpi slt, %jit3A_891, %sign3A_903 : i32
    %sign3A_905 = arith.extui %sign3A_904 : i1 to i32
    %sign3A_906 = arith.subi %sign3A_902, %sign3A_905 : i32
    %ne3A_907 = arith.cmpi ne, %sign3A_899, %sign3A_906 : i32
    %rem3A_908 = arith.remsi %add3A_890, %jit3A_891 : i32
    %ne3A_909 = arith.constant 0 : i32
    %ne3A_910 = arith.cmpi ne, %rem3A_908, %ne3A_909 : i32
    %and3A_911 = arith.andi %ne3A_907, %ne3A_910 : i1
    %sub3A_912 = arith.constant 1 : i32
    %sub3A_913 = arith.subi %div3A_892, %sub3A_912 : i32
    %select_n3A_914 = arith.select %and3A_911, %sub3A_913, %div3A_892 : i32
    %jit3A_915 = arith.constant 32 : i32
    %eq3A_916 = arith.constant 0 : i32
    %eq3A_917 = arith.cmpi eq, %jit3A_915, %eq3A_916 : i32
    %jit3A_918 = arith.constant 1 : i32
    %select_n3A_919 = arith.select %eq3A_917, %jit3A_918, %jit3A_915 : i32
    %rem3A_920 = arith.remsi %add3A_890, %select_n3A_919 : i32
    %ne3A_921 = arith.constant 0 : i32
    %ne3A_922 = arith.cmpi ne, %rem3A_920, %ne3A_921 : i32
    %lt3A_923 = arith.constant 0 : i32
    %lt3A_924 = arith.cmpi slt, %rem3A_920, %lt3A_923 : i32
    %lt3A_925 = arith.constant 0 : i32
    %lt3A_926 = arith.cmpi slt, %select_n3A_919, %lt3A_925 : i32
    %ne3A_927 = arith.xori %lt3A_924, %lt3A_926 : i1
    %and3A_928 = arith.andi %ne3A_927, %ne3A_922 : i1
    %add3A_929 = arith.addi %rem3A_920, %select_n3A_919 : i32
    %select_n3A_930 = arith.select %and3A_928, %add3A_929, %rem3A_920 : i32
    %dma_wait3A_931 = arith.constant 0 : i32
    %dma_wait3A_932 = arith.constant 0 : i32
    %dma_wait3A_933 = arith.constant 0 : i32
    %dma_wait3A_934 = tpu.memref_slice %arg7[%dma_wait3A_931, %dma_wait3A_932, %dma_wait3A_933] : memref<8x8x129xf32, #tpu.memory_space<vmem>> -> memref<8x8x128xf32, #tpu.memory_space<vmem>>
    %dma_wait3A_935 = arith.constant 0 : i32
    %dma_wait3A_936 = arith.constant 0 : i32
    %dma_wait3A_937 = arith.constant 0 : i32
    %dma_wait3A_938 = tpu.memref_slice %arg4[%select_n3A_914, %dma_wait3A_935, %select_n3A_930, %dma_wait3A_936, %dma_wait3A_937] : memref<200x8x32x8x128xf32, #tpu.memory_space<hbm>> -> memref<1x8x1x8x128xf32, #tpu.memory_space<hbm>>
    %dma_wait3A_939 = tpu.memref_squeeze %dma_wait3A_938 : memref<1x8x1x8x128xf32, #tpu.memory_space<hbm>> -> memref<8x8x128xf32, #tpu.memory_space<hbm>>
    %dma_wait3A_940 = arith.constant 0 : i32
    %dma_wait3A_941 = arith.constant 0 : i32
    %dma_wait3A_942 = arith.constant 0 : i32
    %dma_wait3A_943 = tpu.memref_slice %arg4[%select_n3A_914, %dma_wait3A_940, %select_n3A_930, %dma_wait3A_941, %dma_wait3A_942] : memref<200x8x32x8x128xf32, #tpu.memory_space<hbm>> -> memref<1x8x1x8x128xf32, #tpu.memory_space<hbm>>
    %dma_wait3A_944 = tpu.memref_squeeze %dma_wait3A_943 : memref<1x8x1x8x128xf32, #tpu.memory_space<hbm>> -> memref<8x8x128xf32, #tpu.memory_space<hbm>>
    %dma_wait3A_945 = arith.constant 0 : i32
    %dma_wait3A_946 = arith.constant 0 : i32
    %dma_wait3A_947 = arith.constant 0 : i32
    %dma_wait3A_948 = tpu.memref_slice %arg7[%dma_wait3A_945, %dma_wait3A_946, %dma_wait3A_947] : memref<8x8x129xf32, #tpu.memory_space<vmem>> -> memref<8x8x128xf32, #tpu.memory_space<vmem>>
    tpu.wait_dma2 semaphore(%arg19 : memref<!tpu.dma_semaphore, #tpu.memory_space<semaphore_mem>>) src(%dma_wait3A_948 : memref<8x8x128xf32, #tpu.memory_space<vmem>>) dst(%dma_wait3A_944 : memref<8x8x128xf32, #tpu.memory_space<hbm>>)
    %add3A_949 = arith.constant 198 : i32
    %add3A_950 = arith.addi %mul3A_2, %add3A_949 : i32
    %add3A_951 = arith.constant 1 : i32
    %add3A_952 = arith.addi %add3A_950, %add3A_951 : i32
    %jit3A_953 = arith.constant 32 : i32
    %div3A_954 = arith.divsi %add3A_952, %jit3A_953 : i32
    %sign3A_955 = arith.constant 0 : i32
    %sign3A_956 = arith.cmpi sgt, %add3A_952, %sign3A_955 : i32
    %sign3A_957 = arith.extui %sign3A_956 : i1 to i32
    %sign3A_958 = arith.constant 0 : i32
    %sign3A_959 = arith.cmpi slt, %add3A_952, %sign3A_958 : i32
    %sign3A_960 = arith.extui %sign3A_959 : i1 to i32
    %sign3A_961 = arith.subi %sign3A_957, %sign3A_960 : i32
    %sign3A_962 = arith.constant 0 : i32
    %sign3A_963 = arith.cmpi sgt, %jit3A_953, %sign3A_962 : i32
    %sign3A_964 = arith.extui %sign3A_963 : i1 to i32
    %sign3A_965 = arith.constant 0 : i32
    %sign3A_966 = arith.cmpi slt, %jit3A_953, %sign3A_965 : i32
    %sign3A_967 = arith.extui %sign3A_966 : i1 to i32
    %sign3A_968 = arith.subi %sign3A_964, %sign3A_967 : i32
    %ne3A_969 = arith.cmpi ne, %sign3A_961, %sign3A_968 : i32
    %rem3A_970 = arith.remsi %add3A_952, %jit3A_953 : i32
    %ne3A_971 = arith.constant 0 : i32
    %ne3A_972 = arith.cmpi ne, %rem3A_970, %ne3A_971 : i32
    %and3A_973 = arith.andi %ne3A_969, %ne3A_972 : i1
    %sub3A_974 = arith.constant 1 : i32
    %sub3A_975 = arith.subi %div3A_954, %sub3A_974 : i32
    %select_n3A_976 = arith.select %and3A_973, %sub3A_975, %div3A_954 : i32
    %jit3A_977 = arith.constant 32 : i32
    %eq3A_978 = arith.constant 0 : i32
    %eq3A_979 = arith.cmpi eq, %jit3A_977, %eq3A_978 : i32
    %jit3A_980 = arith.constant 1 : i32
    %select_n3A_981 = arith.select %eq3A_979, %jit3A_980, %jit3A_977 : i32
    %rem3A_982 = arith.remsi %add3A_952, %select_n3A_981 : i32
    %ne3A_983 = arith.constant 0 : i32
    %ne3A_984 = arith.cmpi ne, %rem3A_982, %ne3A_983 : i32
    %lt3A_985 = arith.constant 0 : i32
    %lt3A_986 = arith.cmpi slt, %rem3A_982, %lt3A_985 : i32
    %lt3A_987 = arith.constant 0 : i32
    %lt3A_988 = arith.cmpi slt, %select_n3A_981, %lt3A_987 : i32
    %ne3A_989 = arith.xori %lt3A_986, %lt3A_988 : i1
    %and3A_990 = arith.andi %ne3A_989, %ne3A_984 : i1
    %add3A_991 = arith.addi %rem3A_982, %select_n3A_981 : i32
    %select_n3A_992 = arith.select %and3A_990, %add3A_991, %rem3A_982 : i32
    %dma_wait3A_993 = arith.constant 0 : i32
    %dma_wait3A_994 = arith.constant 0 : i32
    %dma_wait3A_995 = arith.constant 0 : i32
    %dma_wait3A_996 = tpu.memref_slice %arg8[%dma_wait3A_993, %dma_wait3A_994, %dma_wait3A_995] : memref<8x8x129xf32, #tpu.memory_space<vmem>> -> memref<8x8x128xf32, #tpu.memory_space<vmem>>
    %dma_wait3A_997 = arith.constant 0 : i32
    %dma_wait3A_998 = arith.constant 0 : i32
    %dma_wait3A_999 = arith.constant 0 : i32
    %dma_wait3A_1000 = tpu.memref_slice %arg4[%select_n3A_976, %dma_wait3A_997, %select_n3A_992, %dma_wait3A_998, %dma_wait3A_999] : memref<200x8x32x8x128xf32, #tpu.memory_space<hbm>> -> memref<1x8x1x8x128xf32, #tpu.memory_space<hbm>>
    %dma_wait3A_1001 = tpu.memref_squeeze %dma_wait3A_1000 : memref<1x8x1x8x128xf32, #tpu.memory_space<hbm>> -> memref<8x8x128xf32, #tpu.memory_space<hbm>>
    %dma_wait3A_1002 = arith.constant 0 : i32
    %dma_wait3A_1003 = arith.constant 0 : i32
    %dma_wait3A_1004 = arith.constant 0 : i32
    %dma_wait3A_1005 = tpu.memref_slice %arg4[%select_n3A_976, %dma_wait3A_1002, %select_n3A_992, %dma_wait3A_1003, %dma_wait3A_1004] : memref<200x8x32x8x128xf32, #tpu.memory_space<hbm>> -> memref<1x8x1x8x128xf32, #tpu.memory_space<hbm>>
    %dma_wait3A_1006 = tpu.memref_squeeze %dma_wait3A_1005 : memref<1x8x1x8x128xf32, #tpu.memory_space<hbm>> -> memref<8x8x128xf32, #tpu.memory_space<hbm>>
    %dma_wait3A_1007 = arith.constant 0 : i32
    %dma_wait3A_1008 = arith.constant 0 : i32
    %dma_wait3A_1009 = arith.constant 0 : i32
    %dma_wait3A_1010 = tpu.memref_slice %arg8[%dma_wait3A_1007, %dma_wait3A_1008, %dma_wait3A_1009] : memref<8x8x129xf32, #tpu.memory_space<vmem>> -> memref<8x8x128xf32, #tpu.memory_space<vmem>>
    tpu.wait_dma2 semaphore(%arg19 : memref<!tpu.dma_semaphore, #tpu.memory_space<semaphore_mem>>) src(%dma_wait3A_1010 : memref<8x8x128xf32, #tpu.memory_space<vmem>>) dst(%dma_wait3A_1006 : memref<8x8x128xf32, #tpu.memory_space<hbm>>)
    return
  }
}

</mosaic_0001>

<sc_bundles>
// kernel: kernel.3.cloned.1.call-start
scs
__scs_entry_jumppad:
0x0: {  	(pc) =	sbr.rel $0x88, $3  }
0x1: {  	(tag) =	ssettag $0x0;
	lr =	simm.s32 $0x1  }
0x2: {  	[smem:$0x3F9F] =	sst lr;
	_ =	strace $0xD0000000  }
0x3: {  	_ = 	snop  }
0x4: {  	_ = 	snop  }
0x5: {  	_ = 	snop  }
0x6: {  	_ = 	snop  }
0x7: {  	_ = 	snop  }
__scs_overlays_trampoline_lowered:
0x8: {  	[smem:$0x3FAE] =	sst s0  }
0x9: {  	[smem:$0x3FAF] =	sst s1  }
0xa: {  	[smem:$0x3FB0] =	sst s2  }
0xb: {  	[smem:$0x3FB1] =	sst s3  }
0xc: {  	[smem:$0x3FB2] =	sst s4  }
0xd: {  	[smem:$0x3FB3] =	sst s5  }
0xe: {  	[smem:$0x3FB4] =	sst s6  }
0xf: {  	[smem:$0x3FB5] =	sst s7  }
0x10: {  	[smem:$0x3FB6] =	sst s8  }
0x11: {  	[smem:$0x3FB7] =	sst s9;
	s0 =	simm.s32 @!p0 $0x0  }
0x12: {  	s1 =	sld [smem:$0x3F9D];
	s0 =	simm.s32 @p0 $0x1  }
0x13: {  	[smem:$0x3FB8] =	sst s0;
	s0 =	simm.s32 @!p1 $0x0  }
0x14: {  	s2 =	sld [smem:$0x3F9C];
	s0 =	simm.s32 @p1 $0x1  }
0x15: {  	[smem:$0x3FB9] =	sst s0;
	s0 =	simm.s32 @!p2 $0x0  }
0x16: {  	s3 =	sld [smem:$0x3FDB];
	s0 =	simm.s32 @p2 $0x1  }
0x17: {  	s4 =	simm.s32 $0x1BF5;
	[smem:$0x3FBB] =	sst s0  }
0x18: {  	s0 =	sld [smem:$0x3F9E];
	_ =	swait.ge [sflag:s4], $0x0  }
0x19: {  	s7 =	sld [smem:$0x3F9F]  }
0x1a: {  	s8 =	sadd.s32 $0xFFFFE003, lr  }
0x1b: {  	s9 =	sadd.s32 $0xFFFFFEF7, lr;
	s5 =	simm.s32 $0xFFFFFFFF;
	p2 =	slt.u32 s8, $0xFFFFF086  }
0x1c: {  	p1 =	slt.u32 s9, $0xF7A;
	s5 =	simm.s32 @!p2 $0x0  }
0x1d: {  	s5 =	simm.s32 @p1 $0x1;
	p0 =	seq.s32 s7, s2  }
0x1e: {  	s7 =	smul.u32 @!p0 $0xF7A, s2;
	p2 =	seq.s32 @!p0 s5, $0x0  }
0x1f: {  	s9 =	smul.u32 $0xF7A, s1;
	s8 =	simm.s32 @!p0 $0x1BF5;
	p2 =	por !p2, p0  }
0x20: {  	[sflag:s8] =	ssyncset.s32 @!p0 $0xFFFFF086;
	s6 =	sadd.s32 @!p0 s3, s7;
	s7 =	simm.s32 @!p0 $0x108  }
0x21: {  	s3 =	sadd.s32 s3, s9;
	s6 =	sadd.s32 @!p0 $0x88, s6;
	s7 =	simm.s32 @p2 $0x1082  }
0x22: {  	[simem:s7], [sflag:s8] =	dma.local @!p0 [hbm:s6], $0xF7A  }
0x23: {  	s9 =	sor.u32 $0xD0000000, s2;
	s6 =	simm.s32 $0x108;
	_ =	swait.ge @!p0 [sflag:s8], $0x0  }
0x24: {  	s3 =	sadd.s32 $0x88, s3;
	s6 =	simm.s32 @!p1 $0x1082;
	[sflag:s4] =	ssyncset.s32 $0xFFFFF086  }
0x25: {  	[simem:s6], [sflag:s4] =	dma.local [hbm:s3], $0xF7A  }
0x26: {  	[smem:$0x3F9F] =	sst s1;
	(tag) =	ssettag s2;
	_ =	strace s9  }
0x27: {  	s1 =	sld [smem:$0x3FAF]  }
0x28: {  	s2 =	sld [smem:$0x3FB0]  }
0x29: {  	s4 =	sld [smem:$0x3FB2]  }
0x2a: {  	p0 =	seq.s32 s5, $0x0;
	s5 =	sld [smem:$0x3FB3]  }
0x2b: {  	s6 =	sld [smem:$0x3FB4]  }
0x2c: {  	s7 =	sld [smem:$0x3FB5]  }
0x2d: {  	s3 =	simm.s32 $0x108;
	s8 =	sld [smem:$0x3FB6]  }
0x2e: {  	s3 =	simm.s32 @!p0 $0x1082;
	s9 =	sld [smem:$0x3FB7]  }
0x2f: {  	lr =	sadd.s32 s0, s3;
	s0 =	sld [smem:$0x3FAE]  }
0x30: {  	s3 =	sld [smem:$0x3FB1]  }
0x31: {  	[smem:$0x3FBA] =	sst s10  }
0x32: {  	s10 =	sld [smem:$0x3FB8];
	_ =	sdelay $0x3  }
0x33: {  	p0 =	seq.s32 s10, $0x1;
	s10 =	sld [smem:$0x3FBA];
	_ =	sdelay $0x3  }
0x34: {  	[smem:$0x3FBA] =	sst s10  }
0x35: {  	s10 =	sld [smem:$0x3FB9];
	_ =	sdelay $0x3  }
0x36: {  	p1 =	seq.s32 s10, $0x1;
	s10 =	sld [smem:$0x3FBA];
	_ =	sdelay $0x3  }
0x37: {  	[smem:$0x3FBA] =	sst s10  }
0x38: {  	s10 =	sld [smem:$0x3FBB]  }
0x39: {  	_ = 	snop;
	(pc) =	sbr.ind lr, $3  }
0x3a: {  	_ = 	snop  }
0x3b: {  	_ = 	snop  }
0x3c: {  	p2 =	seq.s32 s10, $0x1;
	s10 =	sld [smem:$0x3FBA]  }
0x3d: {  	_ =	shalt  }
0x3e: {  	_ =	shalt  }
0x3f: {  	_ =	shalt  }
0x40: {  	_ =	shalt  }
0x41: {  	_ =	shalt  }
0x42: {  	_ =	shalt  }
0x43: {  	_ =	shalt  }
0x44: {  	_ =	shalt  }
0x45: {  	_ =	shalt  }
0x46: {  	_ =	shalt  }
0x47: {  	_ =	shalt  }
0x48: {  	_ =	shalt  }
0x49: {  	_ =	shalt  }
0x4a: {  	_ =	shalt  }
0x4b: {  	_ =	shalt  }
0x4c: {  	_ =	shalt  }
0x4d: {  	_ =	shalt  }
0x4e: {  	_ =	shalt  }
0x4f: {  	_ =	shalt  }
0x50: {  	_ =	shalt  }
0x51: {  	_ =	shalt  }
0x52: {  	_ =	shalt  }
0x53: {  	_ =	shalt  }
0x54: {  	_ =	shalt  }
0x55: {  	_ =	shalt  }
0x56: {  	_ =	shalt  }
0x57: {  	_ =	shalt  }
0x58: {  	_ =	shalt  }
0x59: {  	_ =	shalt  }
0x5a: {  	_ =	shalt  }
0x5b: {  	_ =	shalt  }
0x5c: {  	_ =	shalt  }
0x5d: {  	_ =	shalt  }
0x5e: {  	_ =	shalt  }
0x5f: {  	_ =	shalt  }
0x60: {  	_ =	shalt  }
0x61: {  	_ =	shalt  }
0x62: {  	_ =	shalt  }
0x63: {  	_ =	shalt  }
0x64: {  	_ =	shalt  }
0x65: {  	_ =	shalt  }
0x66: {  	_ =	shalt  }
0x67: {  	_ =	shalt  }
0x68: {  	_ =	shalt  }
0x69: {  	_ =	shalt  }
0x6a: {  	_ =	shalt  }
0x6b: {  	_ =	shalt  }
0x6c: {  	_ =	shalt  }
0x6d: {  	_ =	shalt  }
0x6e: {  	_ =	shalt  }
0x6f: {  	_ =	shalt  }
0x70: {  	_ =	shalt  }
0x71: {  	_ =	shalt  }
0x72: {  	_ =	shalt  }
0x73: {  	_ =	shalt  }
0x74: {  	_ =	shalt  }
0x75: {  	_ =	shalt  }
0x76: {  	_ =	shalt  }
0x77: {  	_ =	shalt  }
0x78: {  	_ =	shalt  }
0x79: {  	_ =	shalt  }
0x7a: {  	_ =	shalt  }
0x7b: {  	_ =	shalt  }
0x7c: {  	_ =	shalt  }
0x7d: {  	_ =	shalt  }
0x7e: {  	_ =	shalt  }
0x7f: {  	_ =	shalt  }
0x80: {  	_ =	shalt  }
0x81: {  	_ =	shalt  }
0x82: {  	_ =	shalt  }
0x83: {  	_ =	shalt  }
0x84: {  	_ =	shalt  }
0x85: {  	_ =	shalt  }
0x86: {  	_ =	shalt  }
0x87: {  	_ =	shalt  }
.Lfunc_end0:
.L_simem_size_0:
called_computation_lowered:
.L_overlay_start_0:
0x88: {  	s2 =	sld [smem:$0x3FD9]  }
0x89: {  	s3 =	sld [smem:$0x3FFE];
	_ =	sdelay $0x1  }
0x8a: {  	s1 =	srdreg.scid  }
0x8b: {  	s0 =	sand.u32 $0x1, s1  }
0x8c: {  	s17 =	sshll.u32 s0, $0xA;
	s2 =	sadd.s32 s3, s2  }
0x8d: {  	s2 =	sadd.s32 s2, s17  }
0x8e: {  	[smem:$0x3FC6] =	sst s2  }
0x8f: {  	_ = 	snop  }
0x90: {  	s2 =	sld [smem:$0x3FD0];
	(tm) =	ssettm $0x1  }
0x91: {  	s18 =	sld [smem:$0x3FFB];
	_ =	sdelay $0x3  }
0x92: {  	_ =	strace s18  }
0x93: {  	s3 =	sld [smem:$0x3FFC];
	_ =	sdelay $0x3  }
0x94: {  	_ =	strace s3  }
0x95: {  	s3 =	sld [smem:$0x3FFD];
	_ =	sdelay $0x3  }
0x96: {  	_ =	strace s3  }
0x97: {  	_ =	strace $0x8FFFFFFF  }
0x98: {  	s19 =	sld [smem:$0x3FDB];
	_ =	sdelay $0x1  }
0x99: {  	s4 =	simm.s32 $_scs_section_size  }
0x9a: {  	s5 =	simm.s32 $_size__tile_overlayer_lowered;
	s6 =	simm.s32 $_tile_overlayer_lowered  }
0x9b: {  	s22 =	simm.s32 $0x1BFF;
	s21 =	sshll.u32 s6, $0x1;
	s3 =	sadd.s32 s4, s19  }
0x9c: {  	s7 =	simm.s32 $0x0;
	s20 =	sshll.u32 s5, $0x1;
	s5 =	sadd.s32 s21, s3  }
0x9d: {  	[timem:s7], [sflag:s22] =	dma.local [hbm:s5], s20  }
0x9e: {  	_ =	swait.ge [sflag:s22], s20  }
0x9f: {  	s4 =	ssub.s32 $0x0, s20;
	[sflag:s22] =	ssyncset.done $0x0  }
0xa0: {  	[sflag:s22] =	ssyncadd.s32 s4;
	_ =	sdelay $0x1  }
0xa1: {  	s23 =	simm.s32 $0x1B8B  }
0xa2: {  	_ =	swait.ge [sflag:s23], $0x1  }
0xa3: {  	[sflag:s23] =	ssyncset.done $0x0  }
0xa4: {  	s25 =	simm.s32 $0x1B8E;
	s24 =	sld [smem:$0x3FFE];
	[sflag:s23] =	ssyncadd.s32 $0xFFFFFFFF  }
0xa5: {  	s26 =	simm.s32 $execute0_lowered;
	[smem:$0x3FD2] =	sst s25  }
0xa6: {  	s5 =	sshll.u32 s26, $0x1;
	_ =	strace $0x80000046;
	[dreg:$0x1] =	wrdreg $0xFFFFFFFF  }
0xa7: {  	s28 =	simm.s32 $_size_execute0_lowered;
	s3 =	sadd.s32 s3, s5;
	[dreg:$0x0] =	wrdreg $0x0  }
0xa8: {  	s5 =	sshll.u32 s28, $0x1;
	[dreg:$0x2] =	wrdreg s3  }
0xa9: {  	[dreg:$0x3] =	wrdreg s5  }
0xaa: {  	[dreg:$0x4] =	wrdreg $0xC0  }
0xab: {  	_ =	task [dreg:s7], $0x5FFFF  }
0xac: {  	[dreg:$0x1] =	wrdreg $0xFFFFFFFF  }
0xad: {  	[dreg:$0x0] =	wrdreg $0x60  }
0xae: {  	[dreg:$0x2] =	wrdreg s24  }
0xaf: {  	[dreg:$0x3] =	wrdreg s2  }
0xb0: {  	[dreg:$0x4] =	wrdreg $0x9  }
0xb1: {  	_ =	task.clear_ibuf [dreg:s7], $0x5FFFF;
	_ =	strace $0x90000046  }
0xb2: {  	s29 =	simm.s32 $0x9;
	_ =	strace $0x80000048  }
0xb3: {  	_ =	swait.ge [sflag:s29], $0x1  }
0xb4: {  	[sflag:s29] =	ssyncadd.s32 $0xFFFFFFFF  }
0xb5: {  	_ =	strace $0x90000048  }
0xb6: {  	_ =	sfence  }
0xb7: {  	s30 =	sld [smem:$0x0];
	_ =	sdelay $0x2  }
0xb8: {  	s31 =	sshll.u32 s1, $0xD;
	s1 =	sshrl.u32 s1, $0x2  }
0xb9: {  	s3 =	sand.u32 $0x4000, s31;
	s1 =	sadd.s32 s1, s30  }
0xba: {  	s0 =	sor.u32 s3, s0;
	s1 =	sshll.u32 s1, $0x11  }
0xbb: {  	s0 =	sor.u32 s1, s0  }
0xbc: {  	s0 =	sadd.s32 $0x8F2B, s0  }
0xbd: {  	[sflag:s0] =	ssyncadd.remote.s32 $0x1  }
0xbe: {  	_ =	sfence.sel $0xFFFF  }
0xbf: {  	[dreg:$0x0] =	wrdreg $0xFFFFFFFF;
	(pc) =	sbr.abs _section_cstart, $3  }
0xc0: {  	[dreg:$0x1] =	wrdreg $0xFFFFFFFF  }
0xc1: {  	_ =	task.clear_ibuf [dreg:s7], $0x2FFFF;
	_ =	strace $0x9FFFFFFF  }
0xc2: {  	(tm) =	ssettm $0x7FFFFFFF  }
0xc3: {  	_ =	shalt  }
tec
execute0_lowered:
.L_overlay_start_1:
0x0: {  	(tag) =	ssettag $0x1  }
0x1: {  	s0 =	rddreg [dreg:$0x0]  }
0x2: {  	s2 =	rddreg [dreg:$0x1]  }
0x3: {  	s1 =	srdreg.scid;
	s4 =	stileid.u32  }
0x4: {  	s3 =	simm.s32 $0x0;
	s1 =	sand.u32 $0x1, s1;
	s4 =	sshll.u32 s4, $0x1  }
0x5: {  	s29 =	simm.s32 $0x1;
	s30 =	simm.s32 $0x6;
	s6 =	sor.u32 s1, s4  }
0x6: {  	s28 =	simm.s32 $0x2;
	[smem:$0x7FF] =	sst s3;
	s7 =	smul.u32 $0xC80, s6  }
0x7: {  	s5 =	sadd.s32 $0x19400, s0;
	s4 =	sadd.s32 $0x400, s0;
	s8 =	smul.u32 $0x6400, s6  }
0x8: {  	_ =	strace $0x80000047;
	s17 =	ssub.s32 $0x2, s1;
	s9 =	sadd.s32 s4, s7  }
0x9: {  	s1 =	sshrl.u32 s17, $0x1;
	s20 =	sor.u32 $0x300, s8;
	[dreg:$0x3] =	wrdreg s9  }
0xa: {  	s0 =	ssub.s32 s17, s1;
	s21 =	sadd.s32 $0x400, s8;
	[dreg:$0x6] =	wrdreg s20  }
0xb: {  	s17 =	simm.s32 $0x14B00;
	s0 =	smax.u32 s0, $0x1;
	[dreg:$0x7] =	wrdreg s21  }
0xc: {  	s7 =	smul.u32 $0xC8, s6;
	s18 =	sadd.s32 $0x20, s9;
	[dreg:$0xb] =	wrdreg s0  }
0xd: {  	s13 =	sadd.s32 $0x500, s8;
	s19 =	sadd.s32 $0x40, s9;
	[dreg:$0x4] =	wrdreg s18  }
0xe: {  	s20 =	simm.s32 $0x4;
	s21 =	simm.s32 $0x80;
	[dreg:$0x5] =	wrdreg s19  }
0xf: {  	s22 =	sor.u32 $0x2, s7;
	s23 =	sadd.s32 $0xC6, s7;
	s14 =	sor.u32 $0x4, s7  }
0x10: {  	s25 =	sadd.s32 $0xC7, s7;
	s18 =	simm.s32 $0x10700;
	[dreg:$0x8] =	wrdreg s22  }
0x11: {  	s24 =	sshll.u32 s23, $0xA;
	s1 =	sshll.u32 s23, $0x7;
	s26 =	sshll.u32 s25, $0x7  }
0x12: {  	s8 =	sshll.u32 s25, $0xA;
	s25 =	simm.s32 $0xC300;
	s6 =	sand.u32 $0xFF8000, s24  }
0x13: {  	s1 =	sand.u32 $0xF00, s1;
	s9 =	sand.u32 $0xF80, s26;
	s8 =	sand.u32 $0xFF8000, s8  }
0x14: {  	v0 =	vlaneseq.u32;
	s26 =	simm.s32 $0xE500;
	s1 =	sadd.s32 s2, s1;
	s9 =	sadd.s32 s2, s9  }
0x15: {  	v0 =	vmul.u32 $0x88, v0;
	s24 =	simm.s32 $0x9;
	s1 =	sadd.s32 s6, s1;
	s31 =	sadd.s32 s8, s9  }
0x16: {  	s8 =	simm.s32 $0x12900;
	s9 =	simm.s32 $0x3;
	[dreg:$0x9] =	wrdreg s1  }
0x17: {  	v1 =	vadd.s32 $0x880, v0;
	v2 =	vadd.s32 $0x1100, v0;
	v3 =	vadd.s32 $0x1980, v0;
	s6 =	simm.s32 $0x16D00;
	[dreg:$0xa] =	wrdreg s31;
	s1 =	simm.s32 $0x0  }
.LBB2_1:
0x18: {  	[dreg:$0xc] =	wrdreg s1  }
0x19: {  	s0 =	rddreg [dreg:$0x3]  }
0x1a: {  	[tilespmem:s3], [sflag:$0x4] =	stream.linear.gather [hbm4b:s0+s3], $0x100, $0x38;
	[tilespmem:$0x18F00] =	vst v63  }
0x1b: {  	s10 =	rddreg [dreg:$0x4];
	s11 =	simm.s32 $0x100  }
0x1c: {  	[tilespmem:s11], [sflag:$0x5] =	stream.linear.gather [hbm4b:s10+s3], $0x100, $0x38;
	[tilespmem:$0x18F00] =	vst v63  }
0x1d: {  	s12 =	rddreg [dreg:$0x5];
	s10 =	simm.s32 $0x200  }
0x1e: {  	[tilespmem:s10], [sflag:$0x6] =	stream.linear.gather [hbm4b:s12+s3], $0x100, $0x38;
	[tilespmem:$0x18F00] =	vst v63  }
0x1f: {  	_ =	swait.ge [sflag:s20], $0x100  }
0x20: {  	[sflag:s20] =	ssyncset.done $0x0  }
0x21: {  	s15 =	simm.s32 $0x300;
	[sflag:s20] =	ssyncadd.s32 $0xFFFFFF00  }
0x22: {  	[tilespmem:s15], [sflag:$0x1] =	stream.indirect.gather [hbm4b:s5+s21], $0x40, s3, s21, $0xb8;
	[tilespmem:$0x18F00] =	vst v63  }
0x23: {  	s16 =	simm.s32 $0x2300;
	s19 =	simm.s32 $0x5  }
0x24: {  	[tilespmem:s16], [sflag:$0x1] =	stream.indirect.gather [hbm4b:s5+s21], $0x40, s21, s21, $0xb8;
	[tilespmem:$0x18F00] =	vst v63  }
0x25: {  	_ =	swait.ge [sflag:s19], $0x100  }
0x26: {  	[sflag:s19] =	ssyncset.done $0x0  }
0x27: {  	s22 =	simm.s32 $0x4300;
	[sflag:s19] =	ssyncadd.s32 $0xFFFFFF00  }
0x28: {  	[tilespmem:s22], [sflag:$0x2] =	stream.indirect.gather [hbm4b:s5+s21], $0x40, s11, s21, $0xb8;
	[tilespmem:$0x18F00] =	vst v63  }
0x29: {  	s23 =	simm.s32 $0x180;
	s31 =	simm.s32 $0x6300;
	s15 =	simm.s32 $0x0  }
0x2a: {  	[tilespmem:s31], [sflag:$0x2] =	stream.indirect.gather [hbm4b:s5+s21], $0x40, s23, s21, $0xb8;
	[tilespmem:$0x18F00] =	vst v63  }
.LBB2_2:
0x2b: {  	_ =	swait.ge [sflag:s29], $0x2000  }
0x2c: {  	[sflag:s29] =	ssyncset.done $0x0  }
0x2d: {  	[sflag:s29] =	ssyncadd.s32 $0xFFFFE000  }
0x2e: {  	s31 =	smul.u32 $0x300, s15;
	_ =	swait.ge [sflag:s29], $0x2000  }
0x2f: {  	s0 =	rddreg [dreg:$0x6]  }
0x30: {  	s0 =	sadd.s32 s0, s31  }
0x31: {  	[sflag:s29] =	ssyncset.done $0x0;
	s0 =	sshrl.u32 s0, $0x3  }
0x32: {  	[sflag:s29] =	ssyncadd.s32 $0xFFFFE000;
	s0 =	sadd.s32 s4, s0  }
0x33: {  	[tilespmem:s3], [sflag:$0x4] =	stream.linear.gather [hbm4b:s0+s3], $0x100, $0x38;
	[tilespmem:$0x18F00] =	vst v63  }
0x34: {  	_ =	swait.ge [sflag:s30], $0x100  }
0x35: {  	s19 =	simm.s32 $0x200;
	[sflag:s30] =	ssyncset.done $0x0  }
0x36: {  	s1 =	simm.s32 $0x8300;
	p1 =	seq.s32 s15, $0x0;
	[sflag:s30] =	ssyncadd.s32 $0xFFFFFF00  }
0x37: {  	[tilespmem:s1], [sflag:$0x3] =	stream.indirect.gather [hbm4b:s5+s21], $0x40, s19, s21, $0xb8;
	[tilespmem:$0x18F00] =	vst v63  }
0x38: {  	s22 =	simm.s32 $0x280;
	s23 =	simm.s32 $0xA300;
	s0 =	simm.s32 @!p1 $0x7  }
0x39: {  	[tilespmem:s23], [sflag:$0x3] =	stream.indirect.gather [hbm4b:s5+s21], $0x40, s22, s21, $0xb8;
	[tilespmem:$0x18F00] =	vst v63  }
0x3a: {  	_ =	swait.ge @!p1 [sflag:s0], $0x2000  }
0x3b: {  	[sflag:s0] =	ssyncset.done @!p1 $0x0  }
0x3c: {  	[sflag:s0] =	ssyncadd.s32 @!p1 $0xFFFFE000  }
0x3d: {  	_ =	swait.ge @!p1 [sflag:s0], $0x2000  }
0x3e: {  	[sflag:s0] =	ssyncset.done @!p1 $0x0  }
0x3f: {  	s1 =	simm.s32 $0x3;
	s22 =	simm.s32 $0x380;
	[sflag:s0] =	ssyncadd.s32 @!p1 $0xFFFFE000  }
0x40: {  	v4 =	vmov s1;
	v5 =	vld [tilespmem:s22+$0x40]  }
0x41: {  	s10 =	simm.s32 $0x0;
	v21 =	vand.u32 $0x7F, v4  }
0x42: {  	s11 =	simm.s32 $0x1;
	v4 =	vmov s10;
	v11 =	vadd.s32 v0, v21;
	v6 =	vld [tilespmem:s22+$0xFFFFFF80]  }
0x43: {  	v8 =	vand.u32 $0x7C, v4;
	v4 =	vmov s11;
	v7 =	vld [tilespmem:s22+$0xFFFFFFC0]  }
0x44: {  	s12 =	simm.s32 $0x2;
	v10 =	vand.u32 $0x7D, v4  }
0x45: {  	v9 =	vmov s12;
	v13 =	vadd.s32 v0, v10;
	v4 =	vld [tilespmem:s22+$0x0];
	v5 =	vmul.f32 $8.000000000e+00, v5  }
0x46: {  	v9 =	vand.u32 $0x7E, v9;
	v12 =	vadd.s32 v0, v8  }
0x47: {  	v14 =	vadd.s32 v0, v9;
	[tilespmem:v11+s25+$0x0] =	vst.idx.msk $0xffff, v5  }
0x48: {  	v7 =	vmul.f32 $8.000000000e+00, v7;
	v5 =	vmul.f32 $8.000000000e+00, v6;
	v6 =	vld [tilespmem:s22+$0x50];
	_ =	sdelay $0x1  }
0x49: {  	v15 =	vadd.s32 v1, v21;
	v4 =	vmul.f32 $8.000000000e+00, v4;
	[tilespmem:v13+s25+$0x0] =	vst.idx.msk $0xffff, v7  }
0x4a: {  	v7 =	vld [tilespmem:s22+$0xFFFFFFD0];
	[tilespmem:v12+s25+$0x0] =	vst.idx.msk $0xffff, v5  }
0x4b: {  	[tilespmem:v14+s25+$0x0] =	vst.idx.msk $0xffff, v4;
	v19 =	vld [tilespmem:s22+$0xFFFFFF90]  }
0x4c: {  	v20 =	vld [tilespmem:s22+$0x10];
	v4 =	vmul.f32 $8.000000000e+00, v6  }
0x4d: {  	s16 =	simm.s32 $0x4;
	s1 =	simm.s32 $0x480;
	s10 =	simm.s32 $0x7;
	v16 =	vadd.s32 v1, v10  }
0x4e: {  	v17 =	vadd.s32 v1, v9;
	v23 =	vld [tilespmem:s1+$0x40];
	v5 =	vmov s16;
	v6 =	vmov s10;
	[tilespmem:v15+s25+$0x0] =	vst.idx.msk $0xffff, v4  }
0x4f: {  	v18 =	vadd.s32 v1, v8;
	v4 =	vand.u32 $0x7C, v5;
	v5 =	vand.u32 $0x7F, v6;
	v24 =	vld [tilespmem:s22+$0x60]  }
0x50: {  	v26 =	vld [tilespmem:s1+$0xFFFFFF80];
	v25 =	vmul.f32 $8.000000000e+00, v19;
	v6 =	vmul.f32 $8.000000000e+00, v7;
	v19 =	vadd.s32 v0, v5  }
0x51: {  	s19 =	simm.s32 $0x5;
	s23 =	simm.s32 $0x6;
	v27 =	vld [tilespmem:s1+$0xFFFFFFC0];
	v7 =	vmul.f32 $8.000000000e+00, v20;
	v20 =	vadd.s32 v2, v21  }
0x52: {  	v22 =	vmov s19;
	v28 =	vmov s23;
	v30 =	vld [tilespmem:s1+$0x0];
	v29 =	vadd.s32 v0, v4;
	[tilespmem:v16+s25+$0x0] =	vst.idx.msk $0xffff, v6  }
0x53: {  	v6 =	vand.u32 $0x7D, v22;
	[tilespmem:v17+s25+$0x0] =	vst.idx.msk $0xffff, v7;
	v7 =	vand.u32 $0x7E, v28;
	v28 =	vmul.f32 $8.000000000e+00, v23  }
0x54: {  	[tilespmem:v18+s25+$0x0] =	vst.idx.msk $0xffff, v25;
	v22 =	vadd.s32 v0, v6;
	v31 =	vld [tilespmem:s22+$0xFFFFFFE0];
	v25 =	vmul.f32 $8.000000000e+00, v24  }
0x55: {  	v33 =	vmul.f32 $8.000000000e+00, v26;
	v23 =	vadd.s32 v0, v7;
	[tilespmem:v19+s25+$0x0] =	vst.idx.msk $0xffff, v28;
	v28 =	vld [tilespmem:s22+$0xFFFFFFA0]  }
0x56: {  	v26 =	vadd.s32 v2, v10;
	v32 =	vld [tilespmem:s22+$0x20];
	[tilespmem:v20+s25+$0x0] =	vst.idx.msk $0xffff, v25  }
0x57: {  	v27 =	vmul.f32 $8.000000000e+00, v27;
	[tilespmem:v29+s25+$0x0] =	vst.idx.msk $0xffff, v33;
	v29 =	vmul.f32 $8.000000000e+00, v30;
	v30 =	vadd.s32 v2, v8;
	v63 =	vld [tilespmem:s22+$0x70]  }
0x58: {  	v24 =	vadd.s32 v2, v9;
	v34 =	vld [tilespmem:s1+$0x50]  }
0x59: {  	[tilespmem:v22+s25+$0x0] =	vst.idx.msk $0xffff, v27;
	v27 =	vmul.f32 $8.000000000e+00, v31  }
0x5a: {  	v38 =	vld [tilespmem:s1+$0xFFFFFF90];
	v25 =	vadd.s32 v1, v5;
	[tilespmem:v23+s25+$0x0] =	vst.idx.msk $0xffff, v29;
	v28 =	vmul.f32 $8.000000000e+00, v28  }
0x5b: {  	v21 =	vadd.s32 v3, v21;
	v29 =	vmul.f32 $8.000000000e+00, v32;
	v31 =	vld [tilespmem:s1+$0xFFFFFFD0];
	[tilespmem:v26+s25+$0x0] =	vst.idx.msk $0xffff, v27  }
0x5c: {  	v42 =	vadd.s32 v1, v4;
	v37 =	vld [tilespmem:s1+$0x10];
	[tilespmem:v30+s25+$0x0] =	vst.idx.msk $0xffff, v28;
	v28 =	vmul.f32 $8.000000000e+00, v63  }
0x5d: {  	v41 =	vadd.s32 v3, v9;
	s0 =	simm.s32 $0xB;
	s16 =	simm.s32 $0x8;
	v40 =	vadd.s32 v1, v6;
	v36 =	vld [tilespmem:s22+$0xFFFFFFF0];
	[tilespmem:v24+s25+$0x0] =	vst.idx.msk $0xffff, v29;
	v39 =	vmul.f32 $8.000000000e+00, v34  }
0x5e: {  	v46 =	vmov s0;
	v27 =	vmov s16;
	v34 =	vadd.s32 v1, v7;
	v35 =	vld [tilespmem:s22+$0x30]  }
0x5f: {  	s19 =	simm.s32 $0x580;
	v33 =	vmovc v8;
	v32 =	vand.u32 $0x7C, v27;
	v44 =	vmul.f32 $8.000000000e+00, v38;
	[tilespmem:v25+s25+$0x0] =	vst.idx.msk $0xffff, v39;
	v38 =	vld [tilespmem:s22+$0xFFFFFFB0];
	v39 =	vadd.s32 v3, v10  }
0x60: {  	s23 =	simm.s32 $0x8;
	v43 =	vld [tilespmem:s19+$0x40];
	v29 =	vmovc v7;
	v30 =	vmovc v6;
	s22 =	simm.s32 $0xC;
	v45 =	vmul.f32 $8.000000000e+00, v31;
	v31 =	vmov v5;
	[tilespmem:v21+s25+$0x0] =	vst.idx.msk $0xffff, v28;
	v28 =	vmov v4  }
.LBB2_3:
0x61: {  	p0 =	slt.u32 s22, $0x7C;
	s10 =	sadd.s32 $0x1, s23;
	v46 =	vand.u32 $0x7F, v46;
	[tilespmem:v42+s25+$0x0] =	vst.idx.msk $0xffff, v44;
	v37 =	vmul.f32 $8.000000000e+00, v37;
	v42 =	vld [tilespmem:s1+$0x60];
	v44 =	vadd.s32 v3, v33;
	v33 =	vmovc v28  }
0x62: {  	v28 =	vmovc v32;
	v47 =	vld [tilespmem:s19+$0xFFFFFF80];
	v48 =	vmov s10;
	s10 =	sadd.s32 $0x2, s23;
	v49 =	vadd.s32 v0, v46;
	[tilespmem:v40+s25+$0x0] =	vst.idx.msk $0xffff, v45;
	v36 =	vmul.f32 $8.000000000e+00, v36;
	s23 =	smov.u32 s22  }
0x63: {  	v32 =	vld [tilespmem:s19+$0xFFFFFFC0];
	v40 =	vmov s10;
	[tilespmem:v34+s25+$0x0] =	vst.idx.msk $0xffff, v37;
	v34 =	vadd.s32 v2, v31;
	v35 =	vmul.f32 $8.000000000e+00, v35  }
0x64: {  	v37 =	vadd.s32 v0, v28;
	v45 =	vand.u32 $0x7D, v48;
	v48 =	vld [tilespmem:s19+$0x0];
	v38 =	vmul.f32 $8.000000000e+00, v38;
	[tilespmem:v39+s25+$0x0] =	vst.idx.msk $0xffff, v36  }
0x65: {  	v36 =	vadd.s32 v0, v45;
	v50 =	vand.u32 $0x7E, v40;
	v39 =	vmul.f32 $8.000000000e+00, v43;
	v40 =	vld [tilespmem:s1+$0xFFFFFFE0];
	[tilespmem:v41+s25+$0x0] =	vst.idx.msk $0xffff, v35  }
0x66: {  	v35 =	vadd.s32 v0, v50;
	v41 =	vld [tilespmem:s1+$0x20];
	v42 =	vmul.f32 $8.000000000e+00, v42;
	[tilespmem:v44+s25+$0x0] =	vst.idx.msk $0xffff, v38  }
0x67: {  	v43 =	vadd.s32 v2, v30;
	v38 =	vmul.f32 $8.000000000e+00, v47;
	[tilespmem:v49+s25+$0x0] =	vst.idx.msk $0xffff, v39;
	v39 =	vld [tilespmem:s1+$0xFFFFFFA0]  }
0x68: {  	v47 =	vadd.s32 v2, v29;
	v32 =	vmul.f32 $8.000000000e+00, v32;
	v44 =	vld [tilespmem:s19+$0x50];
	[tilespmem:v34+s25+$0x0] =	vst.idx.msk $0xffff, v42  }
0x69: {  	[tilespmem:v37+s25+$0x0] =	vst.idx.msk $0xffff, v38;
	v34 =	vmul.f32 $8.000000000e+00, v48;
	v38 =	vadd.s32 v2, v33;
	v48 =	vld [tilespmem:s1+$0x70]  }
0x6a: {  	v51 =	vadd.s32 v1, v46;
	v49 =	vld [tilespmem:s19+$0xFFFFFF90];
	[tilespmem:v36+s25+$0x0] =	vst.idx.msk $0xffff, v32;
	v32 =	vmul.f32 $8.000000000e+00, v40  }
0x6b: {  	v53 =	vadd.s32 v3, v31;
	v31 =	vmov v46;
	v52 =	vld [tilespmem:s19+$0xFFFFFFD0];
	[tilespmem:v35+s25+$0x0] =	vst.idx.msk $0xffff, v34;
	v34 =	vmul.f32 $8.000000000e+00, v41  }
.Ltmp0:
0x6c: {  	v42 =	vadd.s32 v1, v28;
	v37 =	vld [tilespmem:s19+$0x10];
	v35 =	vmul.f32 $8.000000000e+00, v39;
	[tilespmem:v43+s25+$0x0] =	vst.idx.msk $0xffff, v32;
	(pc) =	sbr.rel @p0 .LBB2_3-.Ltmp0, $4  }
0x6d: {  	v40 =	vadd.s32 v1, v45;
	v39 =	vmul.f32 $8.000000000e+00, v44;
	v36 =	vld [tilespmem:s1+$0xFFFFFFF0];
	[tilespmem:v47+s25+$0x0] =	vst.idx.msk $0xffff, v34  }
0x6e: {  	v32 =	vmov s22;
	v34 =	vadd.s32 v1, v50;
	[tilespmem:v38+s25+$0x0] =	vst.idx.msk $0xffff, v35;
	v35 =	vld [tilespmem:s1+$0x30];
	v47 =	vmul.f32 $8.000000000e+00, v48  }
0x6f: {  	s10 =	sadd.s32 $0x3, s22;
	v32 =	vand.u32 $0x7C, v32;
	v44 =	vmul.f32 $8.000000000e+00, v49;
	[tilespmem:v51+s25+$0x0] =	vst.idx.msk $0xffff, v39;
	v38 =	vld [tilespmem:s1+$0xFFFFFFB0];
	v39 =	vadd.s32 v3, v30;
	v30 =	vmovc v45;
	s1 =	smov.u32 s19;
	s19 =	sadd.s32 $0x100, s19  }
0x70: {  	v46 =	vmov s10;
	v41 =	vadd.s32 v3, v29;
	v29 =	vmovc v50;
	s22 =	sadd.s32 $0x4, s22;
	v43 =	vld [tilespmem:s19+$0x40];
	v45 =	vmul.f32 $8.000000000e+00, v52;
	[tilespmem:v53+s25+$0x0] =	vst.idx.msk $0xffff, v47  }
0x71: {  	s10 =	sadd.s32 $0x1, s23  }
0x72: {  	v46 =	vand.u32 $0x7F, v46;
	s22 =	sadd.s32 $0x2, s23;
	v48 =	vld [tilespmem:s19+$0xFFFFFFC0];
	v47 =	vmov s10  }
0x73: {  	v51 =	vld [tilespmem:s19+$0x0];
	v49 =	vadd.s32 v0, v46;
	v50 =	vmov s22;
	v47 =	vand.u32 $0x7D, v47  }
0x74: {  	v52 =	vld [tilespmem:s19+$0xFFFFFF80];
	v50 =	vand.u32 $0x7E, v50;
	v53 =	vadd.s32 v0, v47  }
0x75: {  	v54 =	vadd.s32 v0, v50  }
0x76: {  	[tilespmem:v42+s25+$0x0] =	vst.idx.msk $0xffff, v44;
	v63 =	vadd.s32 v0, v32;
	v43 =	vmul.f32 $8.000000000e+00, v43  }
0x77: {  	[tilespmem:v40+s25+$0x0] =	vst.idx.msk $0xffff, v45;
	v48 =	vmul.f32 $8.000000000e+00, v48  }
0x78: {  	v59 =	vld [tilespmem:s1+$0x60];
	[tilespmem:v49+s25+$0x0] =	vst.idx.msk $0xffff, v43;
	v49 =	vmul.f32 $8.000000000e+00, v51  }
0x79: {  	v51 =	vmul.f32 $8.000000000e+00, v52;
	v52 =	vld [tilespmem:s19+$0x50];
	[tilespmem:v53+s25+$0x0] =	vst.idx.msk $0xffff, v48  }
0x7a: {  	v37 =	vmul.f32 $8.000000000e+00, v37;
	v33 =	vadd.s32 v3, v33;
	[tilespmem:v54+s25+$0x0] =	vst.idx.msk $0xffff, v49;
	v53 =	vld [tilespmem:s19+$0xFFFFFFD0]  }
0x7b: {  	v36 =	vmul.f32 $8.000000000e+00, v36;
	v55 =	vadd.s32 v1, v46;
	[tilespmem:v63+s25+$0x0] =	vst.idx.msk $0xffff, v51;
	v43 =	vld [tilespmem:s19+$0x10]  }
0x7c: {  	[tilespmem:v34+s25+$0x0] =	vst.idx.msk $0xffff, v37;
	v56 =	vmul.f32 $8.000000000e+00, v35;
	v58 =	vadd.s32 v1, v47;
	v57 =	vld [tilespmem:s19+$0xFFFFFF90]  }
0x7d: {  	v61 =	vld [tilespmem:s1+$0xFFFFFFE0];
	v38 =	vmul.f32 $8.000000000e+00, v38;
	[tilespmem:v39+s25+$0x0] =	vst.idx.msk $0xffff, v36;
	v60 =	vadd.s32 v1, v50  }
0x7e: {  	v62 =	vadd.s32 v1, v32;
	[tilespmem:v41+s25+$0x0] =	vst.idx.msk $0xffff, v56;
	v40 =	vmul.f32 $8.000000000e+00, v52  }
0x7f: {  	[tilespmem:v33+s25+$0x0] =	vst.idx.msk $0xffff, v38;
	v63 =	vld [tilespmem:s1+$0x20];
	v54 =	vadd.s32 v2, v30;
	v52 =	vmul.f32 $8.000000000e+00, v53  }
0x80: {  	v41 =	vadd.s32 v2, v31;
	v53 =	vld [tilespmem:s1+$0xFFFFFFA0];
	[tilespmem:v55+s25+$0x0] =	vst.idx.msk $0xffff, v40;
	v55 =	vmul.f32 $8.000000000e+00, v43  }
0x81: {  	v56 =	vadd.s32 v2, v29;
	v35 =	vmul.f32 $8.000000000e+00, v57;
	v57 =	vld [tilespmem:s19+$0x60];
	[tilespmem:v58+s25+$0x0] =	vst.idx.msk $0xffff, v52  }
0x82: {  	v39 =	vmul.f32 $8.000000000e+00, v61;
	v58 =	vmul.f32 $8.000000000e+00, v59;
	v59 =	vadd.s32 v2, v28;
	[tilespmem:v60+s25+$0x0] =	vst.idx.msk $0xffff, v55;
	v60 =	vld [tilespmem:s19+$0xFFFFFFE0]  }
0x83: {  	v61 =	vadd.s32 v2, v46;
	[tilespmem:v62+s25+$0x0] =	vst.idx.msk $0xffff, v35;
	v62 =	vld [tilespmem:s19+$0x20]  }
0x84: {  	v49 =	vadd.s32 v2, v47;
	v63 =	vmul.f32 $8.000000000e+00, v63;
	[tilespmem:v54+s25+$0x0] =	vst.idx.msk $0xffff, v39;
	v48 =	vld [tilespmem:s19+$0xFFFFFFA0]  }
0x85: {  	v45 =	vld [tilespmem:s1+$0xFFFFFFF0];
	v52 =	vadd.s32 v2, v50;
	[tilespmem:v41+s25+$0x0] =	vst.idx.msk $0xffff, v58;
	v38 =	vmul.f32 $8.000000000e+00, v53  }
0x86: {  	v54 =	vadd.s32 v2, v32;
	[tilespmem:v56+s25+$0x0] =	vst.idx.msk $0xffff, v63;
	v51 =	vld [tilespmem:s1+$0x70];
	v53 =	vmul.f32 $8.000000000e+00, v57  }
0x87: {  	v56 =	vld [tilespmem:s1+$0x30];
	v57 =	vadd.s32 v3, v30;
	[tilespmem:v59+s25+$0x0] =	vst.idx.msk $0xffff, v38;
	v36 =	vmul.f32 $8.000000000e+00, v60  }
0x88: {  	v55 =	vadd.s32 v3, v31;
	v38 =	vld [tilespmem:s1+$0xFFFFFFB0];
	[tilespmem:v61+s25+$0x0] =	vst.idx.msk $0xffff, v53;
	v58 =	vmul.f32 $8.000000000e+00, v62  }
0x89: {  	v59 =	vadd.s32 v3, v29;
	v60 =	vmul.f32 $8.000000000e+00, v48;
	v34 =	vld [tilespmem:s19+$0x70];
	[tilespmem:v49+s25+$0x0] =	vst.idx.msk $0xffff, v36  }
0x8a: {  	v43 =	vmul.f32 $8.000000000e+00, v45;
	v62 =	vadd.s32 v3, v28;
	[tilespmem:v52+s25+$0x0] =	vst.idx.msk $0xffff, v58;
	v63 =	vld [tilespmem:s19+$0xFFFFFFF0]  }
0x8b: {  	v44 =	vadd.s32 v3, v46;
	v61 =	vmul.f32 $8.000000000e+00, v51;
	[tilespmem:v54+s25+$0x0] =	vst.idx.msk $0xffff, v60;
	v45 =	vld [tilespmem:s19+$0x30]  }
0x8c: {  	v46 =	vmul.f32 $8.000000000e+00, v56;
	v49 =	vadd.s32 v3, v47;
	v48 =	vld [tilespmem:s19+$0xFFFFFFB0];
	[tilespmem:v57+s25+$0x0] =	vst.idx.msk $0xffff, v43  }
0x8d: {  	v51 =	vadd.s32 v3, v50;
	[tilespmem:v55+s25+$0x0] =	vst.idx.msk $0xffff, v61;
	v38 =	vmul.f32 $8.000000000e+00, v38  }
0x8e: {  	v53 =	vadd.s32 v3, v32;
	[tilespmem:v59+s25+$0x0] =	vst.idx.msk $0xffff, v46;
	v52 =	vmul.f32 $8.000000000e+00, v34  }
0x8f: {  	[tilespmem:v62+s25+$0x0] =	vst.idx.msk $0xffff, v38;
	v54 =	vmul.f32 $8.000000000e+00, v63  }
0x90: {  	[tilespmem:v44+s25+$0x0] =	vst.idx.msk $0xffff, v52;
	v55 =	vmul.f32 $8.000000000e+00, v45  }
0x91: {  	v56 =	vmul.f32 $8.000000000e+00, v48;
	[tilespmem:v49+s25+$0x0] =	vst.idx.msk $0xffff, v54  }
0x92: {  	[tilespmem:v51+s25+$0x0] =	vst.idx.msk $0xffff, v55  }
0x93: {  	s23 =	simm.s32 $0x23F0;
	[tilespmem:v53+s25+$0x0] =	vst.idx.msk $0xffff, v56  }
0x94: {  	v28 =	vld [tilespmem:s23+$0xFFFFFFD0];
	_ =	sdelay $0x3  }
0x95: {  	v29 =	vld [tilespmem:s23+$0xFFFFFF50]  }
0x96: {  	v30 =	vld [tilespmem:s23+$0xFFFFFF90];
	v28 =	vmul.f32 $8.000000000e+00, v28  }
0x97: {  	v31 =	vld [tilespmem:s23+$0xFFFFFF10]  }
0x98: {  	[tilespmem:v11+s26+$0x0] =	vst.idx.msk $0xffff, v28  }
0x99: {  	v11 =	vld [tilespmem:s23+$0xFFFFFFE0]  }
0x9a: {  	v57 =	vmul.f32 $8.000000000e+00, v29  }
0x9b: {  	v58 =	vmul.f32 $8.000000000e+00, v30  }
0x9c: {  	v59 =	vmul.f32 $8.000000000e+00, v31;
	[tilespmem:v13+s26+$0x0] =	vst.idx.msk $0xffff, v57  }
0x9d: {  	[tilespmem:v14+s26+$0x0] =	vst.idx.msk $0xffff, v58;
	v13 =	vld [tilespmem:s23+$0xFFFFFF60]  }
0x9e: {  	[tilespmem:v12+s26+$0x0] =	vst.idx.msk $0xffff, v59;
	v12 =	vld [tilespmem:s23+$0xFFFFFFA0];
	v11 =	vmul.f32 $8.000000000e+00, v11  }
0x9f: {  	s1 =	simm.s32 $0x24F0;
	v14 =	vld [tilespmem:s23+$0xFFFFFF20]  }
0xa0: {  	[tilespmem:v15+s26+$0x0] =	vst.idx.msk $0xffff, v11;
	v11 =	vld [tilespmem:s1+$0xFFFFFFD0]  }
0xa1: {  	v15 =	vld [tilespmem:s23+$0xFFFFFFF0]  }
0xa2: {  	v60 =	vld [tilespmem:s1+$0xFFFFFF10];
	v13 =	vmul.f32 $8.000000000e+00, v13  }
0xa3: {  	v61 =	vld [tilespmem:s1+$0xFFFFFF50];
	v12 =	vmul.f32 $8.000000000e+00, v12  }
0xa4: {  	v14 =	vmul.f32 $8.000000000e+00, v14;
	[tilespmem:v16+s26+$0x0] =	vst.idx.msk $0xffff, v13;
	v13 =	vadd.s32 v0, v4;
	v16 =	vld [tilespmem:s1+$0xFFFFFF90]  }
0xa5: {  	[tilespmem:v17+s26+$0x0] =	vst.idx.msk $0xffff, v12;
	v12 =	vld [tilespmem:s23+$0xFFFFFF70];
	v11 =	vmul.f32 $8.000000000e+00, v11  }
0xa6: {  	[tilespmem:v18+s26+$0x0] =	vst.idx.msk $0xffff, v14;
	v14 =	vld [tilespmem:s23+$0xFFFFFFB0];
	v15 =	vmul.f32 $8.000000000e+00, v15  }
0xa7: {  	v17 =	vmul.f32 $8.000000000e+00, v60;
	[tilespmem:v19+s26+$0x0] =	vst.idx.msk $0xffff, v11;
	v11 =	vld [tilespmem:s23+$0xFFFFFF30]  }
0xa8: {  	v18 =	vmul.f32 $8.000000000e+00, v61;
	v19 =	vld [tilespmem:s1+$0xFFFFFFE0];
	[tilespmem:v20+s26+$0x0] =	vst.idx.msk $0xffff, v15  }
0xa9: {  	[tilespmem:v13+s26+$0x0] =	vst.idx.msk $0xffff, v17;
	v13 =	vmul.f32 $8.000000000e+00, v16;
	v15 =	vadd.s32 v2, v8;
	v20 =	vld [tilespmem:s23+$0x0]  }
0xaa: {  	[tilespmem:v22+s26+$0x0] =	vst.idx.msk $0xffff, v18;
	v62 =	vld [tilespmem:s1+$0xFFFFFF20];
	v12 =	vmul.f32 $8.000000000e+00, v12  }
0xab: {  	v22 =	vld [tilespmem:s1+$0xFFFFFF60];
	[tilespmem:v23+s26+$0x0] =	vst.idx.msk $0xffff, v13;
	v13 =	vmul.f32 $8.000000000e+00, v14  }
0xac: {  	v18 =	vadd.s32 v1, v4;
	v16 =	vld [tilespmem:s1+$0xFFFFFFA0];
	[tilespmem:v26+s26+$0x0] =	vst.idx.msk $0xffff, v12;
	v11 =	vmul.f32 $8.000000000e+00, v11  }
0xad: {  	v17 =	vadd.s32 v1, v6;
	v14 =	vld [tilespmem:s23+$0xFFFFFF80];
	[tilespmem:v24+s26+$0x0] =	vst.idx.msk $0xffff, v13;
	v19 =	vmul.f32 $8.000000000e+00, v19  }
0xae: {  	v12 =	vadd.s32 v1, v7;
	v13 =	vld [tilespmem:s23+$0xFFFFFFC0];
	[tilespmem:v15+s26+$0x0] =	vst.idx.msk $0xffff, v11;
	v63 =	vmul.f32 $8.000000000e+00, v20  }
0xaf: {  	v10 =	vadd.s32 v3, v10;
	v9 =	vadd.s32 v3, v9;
	s19 =	simm.s32 $0x25F0;
	v20 =	vmul.f32 $8.000000000e+00, v62;
	[tilespmem:v25+s26+$0x0] =	vst.idx.msk $0xffff, v19;
	v15 =	vld [tilespmem:s23+$0xFFFFFF40]  }
0xb0: {  	v23 =	vmov s0;
	s0 =	simm.s32 $0xC;
	v22 =	vmul.f32 $8.000000000e+00, v22;
	v11 =	vand.u32 $0x7C, v27;
	v19 =	vld [tilespmem:s19+$0xFFFFFFD0];
	[tilespmem:v21+s26+$0x0] =	vst.idx.msk $0xffff, v63  }
.LBB2_5:
0xb1: {  	p0 =	slt.u32 s0, $0x7C;
	s10 =	sadd.s32 $0x1, s16;
	v21 =	vand.u32 $0x7F, v23;
	[tilespmem:v18+s26+$0x0] =	vst.idx.msk $0xffff, v20;
	v16 =	vmul.f32 $8.000000000e+00, v16;
	v18 =	vld [tilespmem:s1+$0xFFFFFFF0];
	v20 =	vadd.s32 v3, v8;
	v8 =	vmovc v4  }
0xb2: {  	v4 =	vmovc v11;
	v23 =	vld [tilespmem:s19+$0xFFFFFF10];
	v24 =	vmov s10;
	s10 =	sadd.s32 $0x2, s16;
	v25 =	vadd.s32 v0, v21;
	[tilespmem:v17+s26+$0x0] =	vst.idx.msk $0xffff, v22;
	v14 =	vmul.f32 $8.000000000e+00, v14;
	s16 =	smov.u32 s0  }
0xb3: {  	v11 =	vld [tilespmem:s19+$0xFFFFFF50];
	v17 =	vmov s10;
	[tilespmem:v12+s26+$0x0] =	vst.idx.msk $0xffff, v16;
	v12 =	vadd.s32 v2, v5;
	v13 =	vmul.f32 $8.000000000e+00, v13  }
0xb4: {  	v16 =	vadd.s32 v0, v4;
	v22 =	vand.u32 $0x7D, v24;
	v24 =	vld [tilespmem:s19+$0xFFFFFF90];
	v15 =	vmul.f32 $8.000000000e+00, v15;
	[tilespmem:v10+s26+$0x0] =	vst.idx.msk $0xffff, v14  }
0xb5: {  	v10 =	vadd.s32 v0, v22;
	v26 =	vand.u32 $0x7E, v17;
	v14 =	vmul.f32 $8.000000000e+00, v19;
	v17 =	vld [tilespmem:s1+$0xFFFFFF70];
	[tilespmem:v9+s26+$0x0] =	vst.idx.msk $0xffff, v13  }
0xb6: {  	v9 =	vadd.s32 v0, v26;
	v13 =	vld [tilespmem:s1+$0xFFFFFFB0];
	v18 =	vmul.f32 $8.000000000e+00, v18;
	[tilespmem:v20+s26+$0x0] =	vst.idx.msk $0xffff, v15  }
0xb7: {  	v19 =	vadd.s32 v2, v6;
	v15 =	vmul.f32 $8.000000000e+00, v23;
	[tilespmem:v25+s26+$0x0] =	vst.idx.msk $0xffff, v14;
	v14 =	vld [tilespmem:s1+$0xFFFFFF30]  }
0xb8: {  	v23 =	vadd.s32 v2, v7;
	v11 =	vmul.f32 $8.000000000e+00, v11;
	v20 =	vld [tilespmem:s19+$0xFFFFFFE0];
	[tilespmem:v12+s26+$0x0] =	vst.idx.msk $0xffff, v18  }
0xb9: {  	[tilespmem:v16+s26+$0x0] =	vst.idx.msk $0xffff, v15;
	v12 =	vmul.f32 $8.000000000e+00, v24;
	v15 =	vadd.s32 v2, v8;
	v24 =	vld [tilespmem:s1+$0x0]  }
0xba: {  	v25 =	vld [tilespmem:s19+$0xFFFFFF20];
	[tilespmem:v10+s26+$0x0] =	vst.idx.msk $0xffff, v11;
	v10 =	vadd.s32 v1, v21;
	v11 =	vmul.f32 $8.000000000e+00, v17  }
0xbb: {  	v28 =	vadd.s32 v3, v5;
	v5 =	vmov v21;
	v27 =	vld [tilespmem:s19+$0xFFFFFF60];
	[tilespmem:v9+s26+$0x0] =	vst.idx.msk $0xffff, v12;
	v9 =	vmul.f32 $8.000000000e+00, v13  }
.Ltmp1:
0xbc: {  	v18 =	vadd.s32 v1, v4;
	v16 =	vld [tilespmem:s19+$0xFFFFFFA0];
	v13 =	vmul.f32 $8.000000000e+00, v14;
	[tilespmem:v19+s26+$0x0] =	vst.idx.msk $0xffff, v11;
	(pc) =	sbr.rel @p0 .LBB2_5-.Ltmp1, $4  }
0xbd: {  	v17 =	vadd.s32 v1, v22;
	v19 =	vmul.f32 $8.000000000e+00, v20;
	v14 =	vld [tilespmem:s1+$0xFFFFFF80];
	[tilespmem:v23+s26+$0x0] =	vst.idx.msk $0xffff, v9  }
0xbe: {  	v12 =	vadd.s32 v1, v26;
	v9 =	vmov s0;
	[tilespmem:v15+s26+$0x0] =	vst.idx.msk $0xffff, v13;
	v13 =	vld [tilespmem:s1+$0xFFFFFFC0];
	v21 =	vmul.f32 $8.000000000e+00, v24  }
0xbf: {  	s10 =	sadd.s32 $0x3, s0;
	v11 =	vand.u32 $0x7C, v9;
	v20 =	vmul.f32 $8.000000000e+00, v25;
	[tilespmem:v10+s26+$0x0] =	vst.idx.msk $0xffff, v19;
	v15 =	vld [tilespmem:s1+$0xFFFFFF40];
	v10 =	vadd.s32 v3, v6;
	v6 =	vmovc v22;
	s1 =	smov.u32 s19;
	s19 =	sadd.s32 $0x100, s19  }
0xc0: {  	v23 =	vmov s10;
	s0 =	sadd.s32 $0x4, s0;
	v9 =	vadd.s32 v3, v7;
	v7 =	vmovc v26;
	v19 =	vld [tilespmem:s19+$0xFFFFFFD0];
	v22 =	vmul.f32 $8.000000000e+00, v27;
	[tilespmem:v28+s26+$0x0] =	vst.idx.msk $0xffff, v21  }
0xc1: {  	s0 =	sadd.s32 $0x1, s16;
	v21 =	vand.u32 $0x7F, v23;
	v28 =	vld [tilespmem:s19+$0xFFFFFF10]  }
0xc2: {  	s16 =	sadd.s32 $0x2, s16;
	v24 =	vld [tilespmem:s19+$0xFFFFFF50];
	v48 =	vmov s0;
	v25 =	vadd.s32 v0, v21  }
0xc3: {  	v27 =	vld [tilespmem:s19+$0xFFFFFF90];
	v49 =	vadd.s32 v0, v11;
	v26 =	vmov s16;
	v23 =	vand.u32 $0x7D, v48  }
0xc4: {  	v26 =	vand.u32 $0x7E, v26;
	v29 =	vadd.s32 v0, v23  }
0xc5: {  	[tilespmem:v18+s26+$0x0] =	vst.idx.msk $0xffff, v20;
	v30 =	vadd.s32 v0, v26;
	v19 =	vmul.f32 $8.000000000e+00, v19  }
0xc6: {  	[tilespmem:v17+s26+$0x0] =	vst.idx.msk $0xffff, v22;
	v52 =	vmul.f32 $8.000000000e+00, v28  }
0xc7: {  	v50 =	vmul.f32 $8.000000000e+00, v24;
	[tilespmem:v25+s26+$0x0] =	vst.idx.msk $0xffff, v19  }
0xc8: {  	v51 =	vmul.f32 $8.000000000e+00, v27;
	v53 =	vld [tilespmem:s19+$0xFFFFFFE0];
	[tilespmem:v49+s26+$0x0] =	vst.idx.msk $0xffff, v52  }
0xc9: {  	v16 =	vmul.f32 $8.000000000e+00, v16;
	v8 =	vadd.s32 v3, v8;
	[tilespmem:v29+s26+$0x0] =	vst.idx.msk $0xffff, v50;
	v57 =	vld [tilespmem:s19+$0xFFFFFF20]  }
0xca: {  	v14 =	vmul.f32 $8.000000000e+00, v14;
	v55 =	vadd.s32 v1, v21;
	[tilespmem:v30+s26+$0x0] =	vst.idx.msk $0xffff, v51;
	v54 =	vld [tilespmem:s19+$0xFFFFFF60]  }
0xcb: {  	v62 =	vadd.s32 v1, v11;
	[tilespmem:v12+s26+$0x0] =	vst.idx.msk $0xffff, v16;
	v56 =	vmul.f32 $8.000000000e+00, v13;
	v19 =	vld [tilespmem:s19+$0xFFFFFFA0]  }
0xcc: {  	v59 =	vld [tilespmem:s1+$0xFFFFFFF0];
	v58 =	vadd.s32 v1, v23;
	v15 =	vmul.f32 $8.000000000e+00, v15;
	[tilespmem:v10+s26+$0x0] =	vst.idx.msk $0xffff, v14  }
0xcd: {  	v31 =	vld [tilespmem:s1+$0xFFFFFF30];
	v60 =	vadd.s32 v1, v26;
	[tilespmem:v9+s26+$0x0] =	vst.idx.msk $0xffff, v56;
	v63 =	vmul.f32 $8.000000000e+00, v53  }
0xce: {  	v28 =	vadd.s32 v2, v5;
	[tilespmem:v8+s26+$0x0] =	vst.idx.msk $0xffff, v15;
	v29 =	vld [tilespmem:s1+$0xFFFFFFB0];
	v13 =	vmul.f32 $8.000000000e+00, v57  }
0xcf: {  	v37 =	vadd.s32 v2, v4;
	v61 =	vld [tilespmem:s1+$0xFFFFFF70];
	v30 =	vmul.f32 $8.000000000e+00, v54;
	[tilespmem:v55+s26+$0x0] =	vst.idx.msk $0xffff, v63  }
0xd0: {  	v34 =	vadd.s32 v2, v7;
	v33 =	vmul.f32 $8.000000000e+00, v19;
	v35 =	vld [tilespmem:s19+$0xFFFFFFF0];
	[tilespmem:v62+s26+$0x0] =	vst.idx.msk $0xffff, v13  }
0xd1: {  	v32 =	vadd.s32 v2, v6;
	v36 =	vmul.f32 $8.000000000e+00, v59;
	[tilespmem:v58+s26+$0x0] =	vst.idx.msk $0xffff, v30;
	v43 =	vld [tilespmem:s19+$0xFFFFFF30]  }
0xd2: {  	v40 =	vadd.s32 v2, v21;
	v15 =	vmul.f32 $8.000000000e+00, v31;
	[tilespmem:v60+s26+$0x0] =	vst.idx.msk $0xffff, v33;
	v38 =	vld [tilespmem:s19+$0xFFFFFF70]  }
0xd3: {  	v48 =	vadd.s32 v2, v11;
	[tilespmem:v28+s26+$0x0] =	vst.idx.msk $0xffff, v36;
	v42 =	vmul.f32 $8.000000000e+00, v29;
	v41 =	vld [tilespmem:s19+$0xFFFFFFB0]  }
0xd4: {  	v44 =	vadd.s32 v2, v23;
	v39 =	vmul.f32 $8.000000000e+00, v61;
	[tilespmem:v37+s26+$0x0] =	vst.idx.msk $0xffff, v15;
	v45 =	vld [tilespmem:s1+$0x0]  }
0xd5: {  	v46 =	vadd.s32 v2, v26;
	v16 =	vld [tilespmem:s1+$0xFFFFFF40];
	[tilespmem:v34+s26+$0x0] =	vst.idx.msk $0xffff, v42;
	v47 =	vmul.f32 $8.000000000e+00, v35  }
0xd6: {  	v5 =	vadd.s32 v3, v5;
	[tilespmem:v32+s26+$0x0] =	vst.idx.msk $0xffff, v39;
	v49 =	vld [tilespmem:s1+$0xFFFFFFC0];
	v53 =	vmul.f32 $8.000000000e+00, v43  }
0xd7: {  	v4 =	vadd.s32 v3, v4;
	v22 =	vld [tilespmem:s1+$0xFFFFFF80];
	v10 =	vmul.f32 $8.000000000e+00, v38;
	[tilespmem:v40+s26+$0x0] =	vst.idx.msk $0xffff, v47  }
0xd8: {  	v52 =	vadd.s32 v3, v7;
	v51 =	vmul.f32 $8.000000000e+00, v41;
	v9 =	vld [tilespmem:s19+$0x0];
	[tilespmem:v48+s26+$0x0] =	vst.idx.msk $0xffff, v53  }
0xd9: {  	v50 =	vadd.s32 v3, v6;
	v54 =	vmul.f32 $8.000000000e+00, v45;
	[tilespmem:v44+s26+$0x0] =	vst.idx.msk $0xffff, v10;
	v59 =	vld [tilespmem:s19+$0xFFFFFF40]  }
0xda: {  	v57 =	vadd.s32 v3, v21;
	v16 =	vmul.f32 $8.000000000e+00, v16;
	[tilespmem:v46+s26+$0x0] =	vst.idx.msk $0xffff, v51;
	v55 =	vld [tilespmem:s19+$0xFFFFFF80]  }
0xdb: {  	v62 =	vadd.s32 v3, v11;
	[tilespmem:v5+s26+$0x0] =	vst.idx.msk $0xffff, v54;
	v5 =	vmul.f32 $8.000000000e+00, v49;
	v58 =	vld [tilespmem:s19+$0xFFFFFFC0]  }
0xdc: {  	s16 =	smul.u32 $0x6, s15;
	v56 =	vmul.f32 $8.000000000e+00, v22;
	v60 =	vadd.s32 v3, v23;
	[tilespmem:v4+s26+$0x0] =	vst.idx.msk $0xffff, v16  }
0xdd: {  	v61 =	vadd.s32 v3, v26;
	[tilespmem:v52+s26+$0x0] =	vst.idx.msk $0xffff, v5;
	v5 =	vmul.f32 $8.000000000e+00, v9  }
0xde: {  	[tilespmem:v50+s26+$0x0] =	vst.idx.msk $0xffff, v56;
	s19 =	sadd.s32 s7, s16;
	v63 =	vmul.f32 $8.000000000e+00, v59  }
0xdf: {  	s22 =	sshll.u32 s19, $0x7;
	v4 =	vmul.f32 $8.000000000e+00, v55;
	[tilespmem:v57+s26+$0x0] =	vst.idx.msk $0xffff, v5  }
0xe0: {  	s10 =	sshll.u32 s19, $0xA;
	s0 =	sand.u32 $0xF00, s22;
	v5 =	vmul.f32 $8.000000000e+00, v58;
	[tilespmem:v62+s26+$0x0] =	vst.idx.msk $0xffff, v63  }
0xe1: {  	s1 =	sand.u32 $0xFFF8000, s10;
	s23 =	sadd.s32 s2, s0;
	[tilespmem:v60+s26+$0x0] =	vst.idx.msk $0xffff, v4  }
0xe2: {  	s11 =	simm.s32 $0xC300;
	s19 =	sadd.s32 s1, s23;
	[tilespmem:v61+s26+$0x0] =	vst.idx.msk $0xffff, v5  }
0xe3: {  	[hbm4b:s19+s3] =	stream.linear.scatter [tilespmem:s11], [sflag:$0x7], $0x80, $0x38;
	[tilespmem:$0x18F00] =	vst v63  }
0xe4: {  	s12 =	simm.s32 $0xC388;
	s11 =	sadd.s32 $0x10, s19  }
0xe5: {  	[hbm4b:s11+s3] =	stream.linear.scatter [tilespmem:s12], [sflag:$0x7], $0x80, $0x38;
	[tilespmem:$0x18F00] =	vst v63  }
0xe6: {  	s22 =	simm.s32 $0xC410;
	s23 =	sadd.s32 $0x20, s19  }
0xe7: {  	[hbm4b:s23+s3] =	stream.linear.scatter [tilespmem:s22], [sflag:$0x7], $0x80, $0x38;
	[tilespmem:$0x18F00] =	vst v63  }
0xe8: {  	s11 =	simm.s32 $0xC498;
	s12 =	sadd.s32 $0x30, s19  }
0xe9: {  	[hbm4b:s12+s3] =	stream.linear.scatter [tilespmem:s11], [sflag:$0x7], $0x80, $0x38;
	[tilespmem:$0x18F00] =	vst v63  }
0xea: {  	s22 =	simm.s32 $0xC520;
	s23 =	sadd.s32 $0x40, s19  }
0xeb: {  	[hbm4b:s23+s3] =	stream.linear.scatter [tilespmem:s22], [sflag:$0x7], $0x80, $0x38;
	[tilespmem:$0x18F00] =	vst v63  }
0xec: {  	s10 =	simm.s32 $0x440;
	s11 =	simm.s32 $0xC5A8;
	s12 =	sadd.s32 $0x50, s19  }
0xed: {  	[hbm4b:s12+s3] =	stream.linear.scatter [tilespmem:s11], [sflag:$0x7], $0x80, $0x38;
	[tilespmem:$0x18F00] =	vst v63  }
0xee: {  	s22 =	simm.s32 $0xC630;
	s23 =	sadd.s32 $0x60, s19;
	s11 =	sadd.s32 $0x70, s19  }
0xef: {  	[hbm4b:s23+s3] =	stream.linear.scatter [tilespmem:s22], [sflag:$0x7], $0x80, $0x38;
	[tilespmem:$0x18F00] =	vst v63  }
0xf0: {  	s19 =	sadd.s32 $0x1000, s19;
	s22 =	simm.s32 $0x2200;
	s23 =	simm.s32 $0xC6B8  }
.LBB2_7:
0xf1: {  	[hbm4b:s11+s3] =	stream.linear.scatter [tilespmem:s23], [sflag:$0x7], $0x80, $0x38;
	[tilespmem:$0x18F00] =	vst v63  }
0xf2: {  	s11 =	smov.u32 s10;
	s10 =	smov.u32 s22  }
0xf3: {  	s12 =	sadd.s32 $0x1100, s22;
	s10 =	sshra.s32 s10, $0x2;
	s23 =	sadd.s32 $0xC300, s11  }
0xf4: {  	[hbm4b:s19+s3] =	stream.linear.scatter [tilespmem:s23], [sflag:$0x7], $0x80, $0x38;
	[tilespmem:$0x18F00] =	vst v63  }
0xf5: {  	p0 =	sne.s32 s22, $0x7700;
	s22 =	sadd.s32 $0xC388, s11;
	s23 =	sadd.s32 $0x10, s19  }
0xf6: {  	[hbm4b:s23+s3] =	stream.linear.scatter [tilespmem:s22], [sflag:$0x7], $0x80, $0x38;
	[tilespmem:$0x18F00] =	vst v63  }
0xf7: {  	s22 =	sadd.s32 $0xC410, s11;
	s23 =	sadd.s32 $0x20, s19  }
0xf8: {  	[hbm4b:s23+s3] =	stream.linear.scatter [tilespmem:s22], [sflag:$0x7], $0x80, $0x38;
	[tilespmem:$0x18F00] =	vst v63  }
0xf9: {  	s22 =	sadd.s32 $0xC498, s11;
	s23 =	sadd.s32 $0x30, s19  }
0xfa: {  	[hbm4b:s23+s3] =	stream.linear.scatter [tilespmem:s22], [sflag:$0x7], $0x80, $0x38;
	[tilespmem:$0x18F00] =	vst v63  }
0xfb: {  	s22 =	sadd.s32 $0xC520, s11;
	s23 =	sadd.s32 $0x40, s19  }
0xfc: {  	[hbm4b:s23+s3] =	stream.linear.scatter [tilespmem:s22], [sflag:$0x7], $0x80, $0x38;
	[tilespmem:$0x18F00] =	vst v63  }
0xfd: {  	s22 =	sadd.s32 $0xC5A8, s11;
	s23 =	sadd.s32 $0x50, s19  }
0xfe: {  	[hbm4b:s23+s3] =	stream.linear.scatter [tilespmem:s22], [sflag:$0x7], $0x80, $0x38;
	[tilespmem:$0x18F00] =	vst v63  }
.Ltmp2:
0xff: {  	_ = 	snop;
	(pc) =	sbr.rel @p0 .LBB2_7-.Ltmp2, $4  }
0x100: {  	s22 =	sadd.s32 $0xC630, s11;
	s23 =	sadd.s32 $0x60, s19  }
0x101: {  	[hbm4b:s23+s3] =	stream.linear.scatter [tilespmem:s22], [sflag:$0x7], $0x80, $0x38;
	[tilespmem:$0x18F00] =	vst v63  }
0x102: {  	s23 =	sadd.s32 $0xC6B8, s11  }
0x103: {  	s11 =	sadd.s32 $0x70, s19;
	s19 =	sadd.s32 $0x1000, s19;
	s22 =	smov.u32 s12  }
0x104: {  	[hbm4b:s11+s3] =	stream.linear.scatter [tilespmem:s23], [sflag:$0x7], $0x80, $0x38;
	[tilespmem:$0x18F00] =	vst v63  }
0x105: {  	s22 =	sadd.s32 $0xC300, s10  }
0x106: {  	[hbm4b:s19+s3] =	stream.linear.scatter [tilespmem:s22], [sflag:$0x7], $0x80, $0x38;
	[tilespmem:$0x18F00] =	vst v63  }
0x107: {  	s23 =	sadd.s32 $0xC388, s10;
	s12 =	sadd.s32 $0x10, s19  }
0x108: {  	[hbm4b:s12+s3] =	stream.linear.scatter [tilespmem:s23], [sflag:$0x7], $0x80, $0x38;
	[tilespmem:$0x18F00] =	vst v63  }
0x109: {  	s22 =	sadd.s32 $0xC410, s10;
	s23 =	sadd.s32 $0x20, s19  }
0x10a: {  	[hbm4b:s23+s3] =	stream.linear.scatter [tilespmem:s22], [sflag:$0x7], $0x80, $0x38;
	[tilespmem:$0x18F00] =	vst v63  }
0x10b: {  	s22 =	sadd.s32 $0xC498, s10;
	s23 =	sadd.s32 $0x30, s19  }
0x10c: {  	[hbm4b:s23+s3] =	stream.linear.scatter [tilespmem:s22], [sflag:$0x7], $0x80, $0x38;
	[tilespmem:$0x18F00] =	vst v63  }
0x10d: {  	s22 =	sadd.s32 $0xC520, s10;
	s23 =	sadd.s32 $0x40, s19  }
0x10e: {  	[hbm4b:s23+s3] =	stream.linear.scatter [tilespmem:s22], [sflag:$0x7], $0x80, $0x38;
	[tilespmem:$0x18F00] =	vst v63  }
0x10f: {  	s22 =	sadd.s32 $0xC5A8, s10;
	s23 =	sadd.s32 $0x50, s19  }
0x110: {  	[hbm4b:s23+s3] =	stream.linear.scatter [tilespmem:s22], [sflag:$0x7], $0x80, $0x38;
	[tilespmem:$0x18F00] =	vst v63  }
0x111: {  	s1 =	sadd.s32 s2, s1;
	s22 =	sadd.s32 $0xC630, s10;
	s23 =	sadd.s32 $0x60, s19  }
0x112: {  	[hbm4b:s23+s3] =	stream.linear.scatter [tilespmem:s22], [sflag:$0x7], $0x80, $0x38;
	[tilespmem:$0x18F00] =	vst v63  }
0x113: {  	s0 =	sadd.s32 s0, s1;
	s12 =	sadd.s32 $0xC6B8, s10;
	s22 =	sadd.s32 $0x70, s19  }
0x114: {  	[hbm4b:s22+s3] =	stream.linear.scatter [tilespmem:s12], [sflag:$0x7], $0x80, $0x38;
	[tilespmem:$0x18F00] =	vst v63  }
0x115: {  	s1 =	sadd.s32 $0x80, s0;
	s23 =	simm.s32 $0xE500  }
0x116: {  	[hbm4b:s1+s3] =	stream.linear.scatter [tilespmem:s23], [sflag:$0x7], $0x80, $0x38;
	[tilespmem:$0x18F00] =	vst v63  }
0x117: {  	s11 =	sadd.s32 $0x10, s1;
	s10 =	simm.s32 $0xE588  }
0x118: {  	[hbm4b:s11+s3] =	stream.linear.scatter [tilespmem:s10], [sflag:$0x7], $0x80, $0x38;
	[tilespmem:$0x18F00] =	vst v63  }
0x119: {  	s0 =	simm.s32 $0x440;
	s19 =	sadd.s32 $0x20, s1;
	s12 =	simm.s32 $0xE610  }
0x11a: {  	[hbm4b:s19+s3] =	stream.linear.scatter [tilespmem:s12], [sflag:$0x7], $0x80, $0x38;
	[tilespmem:$0x18F00] =	vst v63  }
0x11b: {  	s22 =	simm.s32 $0xE698;
	s23 =	sadd.s32 $0x30, s1;
	s10 =	simm.s32 $0xE720  }
0x11c: {  	[hbm4b:s23+s3] =	stream.linear.scatter [tilespmem:s22], [sflag:$0x7], $0x80, $0x38;
	[tilespmem:$0x18F00] =	vst v63  }
0x11d: {  	s11 =	sadd.s32 $0x40, s1;
	s12 =	simm.s32 $0xE7A8;
	s19 =	sadd.s32 $0x50, s1  }
0x11e: {  	[hbm4b:s11+s3] =	stream.linear.scatter [tilespmem:s10], [sflag:$0x7], $0x80, $0x38;
	[tilespmem:$0x18F00] =	vst v63  }
0x11f: {  	s22 =	simm.s32 $0xE830;
	s23 =	sadd.s32 $0x60, s1;
	s10 =	simm.s32 $0x2200  }
0x120: {  	[hbm4b:s19+s3] =	stream.linear.scatter [tilespmem:s12], [sflag:$0x7], $0x80, $0x38;
	[tilespmem:$0x18F00] =	vst v63  }
0x121: {  	s11 =	sadd.s32 $0x70, s1;
	s1 =	sadd.s32 $0x1000, s1;
	s19 =	simm.s32 $0xE8B8  }
0x122: {  	[hbm4b:s23+s3] =	stream.linear.scatter [tilespmem:s22], [sflag:$0x7], $0x80, $0x38;
	[tilespmem:$0x18F00] =	vst v63  }
.LBB2_9:
0x123: {  	[hbm4b:s11+s3] =	stream.linear.scatter [tilespmem:s19], [sflag:$0x7], $0x80, $0x38;
	[tilespmem:$0x18F00] =	vst v63  }
0x124: {  	s11 =	smov.u32 s0;
	s0 =	smov.u32 s10  }
0x125: {  	s12 =	sadd.s32 $0x1100, s10;
	s0 =	sshra.s32 s0, $0x2;
	s19 =	sadd.s32 $0xE500, s11  }
0x126: {  	[hbm4b:s1+s3] =	stream.linear.scatter [tilespmem:s19], [sflag:$0x7], $0x80, $0x38;
	[tilespmem:$0x18F00] =	vst v63  }
0x127: {  	p0 =	sne.s32 s10, $0x7700;
	s10 =	sadd.s32 $0xE588, s11;
	s19 =	sadd.s32 $0x10, s1  }
0x128: {  	[hbm4b:s19+s3] =	stream.linear.scatter [tilespmem:s10], [sflag:$0x7], $0x80, $0x38;
	[tilespmem:$0x18F00] =	vst v63  }
0x129: {  	s10 =	sadd.s32 $0xE610, s11;
	s19 =	sadd.s32 $0x20, s1  }
0x12a: {  	[hbm4b:s19+s3] =	stream.linear.scatter [tilespmem:s10], [sflag:$0x7], $0x80, $0x38;
	[tilespmem:$0x18F00] =	vst v63  }
0x12b: {  	s10 =	sadd.s32 $0xE698, s11;
	s19 =	sadd.s32 $0x30, s1  }
0x12c: {  	[hbm4b:s19+s3] =	stream.linear.scatter [tilespmem:s10], [sflag:$0x7], $0x80, $0x38;
	[tilespmem:$0x18F00] =	vst v63  }
0x12d: {  	s10 =	sadd.s32 $0xE720, s11;
	s19 =	sadd.s32 $0x40, s1  }
0x12e: {  	[hbm4b:s19+s3] =	stream.linear.scatter [tilespmem:s10], [sflag:$0x7], $0x80, $0x38;
	[tilespmem:$0x18F00] =	vst v63  }
0x12f: {  	s10 =	sadd.s32 $0xE7A8, s11;
	s19 =	sadd.s32 $0x50, s1  }
0x130: {  	[hbm4b:s19+s3] =	stream.linear.scatter [tilespmem:s10], [sflag:$0x7], $0x80, $0x38;
	[tilespmem:$0x18F00] =	vst v63  }
.Ltmp3:
0x131: {  	_ = 	snop;
	(pc) =	sbr.rel @p0 .LBB2_9-.Ltmp3, $4  }
0x132: {  	s10 =	sadd.s32 $0xE830, s11;
	s19 =	sadd.s32 $0x60, s1  }
0x133: {  	[hbm4b:s19+s3] =	stream.linear.scatter [tilespmem:s10], [sflag:$0x7], $0x80, $0x38;
	[tilespmem:$0x18F00] =	vst v63  }
0x134: {  	s19 =	sadd.s32 $0xE8B8, s11  }
0x135: {  	s11 =	sadd.s32 $0x70, s1;
	s1 =	sadd.s32 $0x1000, s1;
	s10 =	smov.u32 s12  }
0x136: {  	[hbm4b:s11+s3] =	stream.linear.scatter [tilespmem:s19], [sflag:$0x7], $0x80, $0x38;
	[tilespmem:$0x18F00] =	vst v63  }
0x137: {  	s10 =	sadd.s32 $0xE500, s0  }
0x138: {  	[hbm4b:s1+s3] =	stream.linear.scatter [tilespmem:s10], [sflag:$0x7], $0x80, $0x38;
	[tilespmem:$0x18F00] =	vst v63  }
0x139: {  	s22 =	sadd.s32 $0xE588, s0;
	s23 =	sadd.s32 $0x10, s1  }
0x13a: {  	[hbm4b:s23+s3] =	stream.linear.scatter [tilespmem:s22], [sflag:$0x7], $0x80, $0x38;
	[tilespmem:$0x18F00] =	vst v63  }
0x13b: {  	s12 =	sadd.s32 $0xE610, s0;
	s19 =	sadd.s32 $0x20, s1  }
0x13c: {  	[hbm4b:s19+s3] =	stream.linear.scatter [tilespmem:s12], [sflag:$0x7], $0x80, $0x38;
	[tilespmem:$0x18F00] =	vst v63  }
0x13d: {  	s22 =	sadd.s32 $0xE698, s0;
	s23 =	sadd.s32 $0x30, s1  }
0x13e: {  	[hbm4b:s23+s3] =	stream.linear.scatter [tilespmem:s22], [sflag:$0x7], $0x80, $0x38;
	[tilespmem:$0x18F00] =	vst v63  }
0x13f: {  	s12 =	sadd.s32 $0xE720, s0;
	s19 =	sadd.s32 $0x40, s1  }
0x140: {  	[hbm4b:s19+s3] =	stream.linear.scatter [tilespmem:s12], [sflag:$0x7], $0x80, $0x38;
	[tilespmem:$0x18F00] =	vst v63  }
0x141: {  	s22 =	sadd.s32 $0xE7A8, s0;
	s23 =	sadd.s32 $0x50, s1  }
0x142: {  	[hbm4b:s23+s3] =	stream.linear.scatter [tilespmem:s22], [sflag:$0x7], $0x80, $0x38;
	[tilespmem:$0x18F00] =	vst v63  }
0x143: {  	s12 =	sadd.s32 $0xE830, s0;
	s19 =	sadd.s32 $0x60, s1  }
0x144: {  	[hbm4b:s19+s3] =	stream.linear.scatter [tilespmem:s12], [sflag:$0x7], $0x80, $0x38;
	[tilespmem:$0x18F00] =	vst v63  }
0x145: {  	s22 =	sadd.s32 $0xE8B8, s0;
	s23 =	sadd.s32 $0x70, s1  }
0x146: {  	[hbm4b:s23+s3] =	stream.linear.scatter [tilespmem:s22], [sflag:$0x7], $0x80, $0x38;
	[tilespmem:$0x18F00] =	vst v63  }
0x147: {  	_ =	swait.ge [sflag:s28], $0x2000  }
0x148: {  	[sflag:s28] =	ssyncset.done $0x0  }
0x149: {  	[sflag:s28] =	ssyncadd.s32 $0xFFFFE000  }
0x14a: {  	_ =	swait.ge [sflag:s28], $0x2000  }
0x14b: {  	p0 =	seq.s32 s15, $0x20;
	s0 =	rddreg [dreg:$0x7]  }
0x14c: {  	s0 =	sadd.s32 @!p0 s0, s31  }
0x14d: {  	s10 =	simm.s32 @!p0 $0x100;
	[sflag:s28] =	ssyncset.done $0x0;
	s0 =	sshrl.u32 @!p0 s0, $0x3  }
0x14e: {  	s1 =	simm.s32 @!p0 $0x0;
	[sflag:s28] =	ssyncadd.s32 $0xFFFFE000;
	s0 =	sadd.s32 @!p0 s4, s0  }
0x14f: {  	[tilespmem:s10], [sflag:$0x5] =	stream.linear.gather @!p0 [hbm4b:s0+s1], $0x100, $0x38;
	[tilespmem:$0x18F00] =	vst v63  }
0x150: {  	_ =	swait.ge [sflag:s20], $0x100  }
0x151: {  	[sflag:s20] =	ssyncset.done $0x0  }
0x152: {  	s1 =	simm.s32 $0x300;
	[sflag:s20] =	ssyncadd.s32 $0xFFFFFF00  }
0x153: {  	[tilespmem:s1], [sflag:$0x1] =	stream.indirect.gather [hbm4b:s5+s21], $0x40, s3, s21, $0xb8;
	[tilespmem:$0x18F00] =	vst v63  }
0x154: {  	s10 =	simm.s32 $0x2300;
	s0 =	simm.s32 @!p1 $0x8  }
0x155: {  	[tilespmem:s10], [sflag:$0x1] =	stream.indirect.gather [hbm4b:s5+s21], $0x40, s21, s21, $0xb8;
	[tilespmem:$0x18F00] =	vst v63  }
0x156: {  	_ =	swait.ge @!p1 [sflag:s0], $0x2000  }
0x157: {  	[sflag:s0] =	ssyncset.done @!p1 $0x0  }
0x158: {  	[sflag:s0] =	ssyncadd.s32 @!p1 $0xFFFFE000  }
0x159: {  	_ =	swait.ge @!p1 [sflag:s0], $0x2000  }
0x15a: {  	[sflag:s0] =	ssyncset.done @!p1 $0x0  }
0x15b: {  	s11 =	simm.s32 $0x3;
	s23 =	simm.s32 $0x43F0;
	[sflag:s0] =	ssyncadd.s32 @!p1 $0xFFFFE000  }
0x15c: {  	v4 =	vmov s11;
	v5 =	vld [tilespmem:s23+$0xFFFFFFD0]  }
0x15d: {  	v21 =	vand.u32 $0x7F, v4;
	s12 =	simm.s32 $0x0  }
0x15e: {  	v11 =	vadd.s32 v0, v21;
	s19 =	simm.s32 $0x1;
	v4 =	vmov s12;
	v6 =	vld [tilespmem:s23+$0xFFFFFF10]  }
0x15f: {  	v8 =	vand.u32 $0x7C, v4;
	v4 =	vmov s19;
	v7 =	vld [tilespmem:s23+$0xFFFFFF50]  }
0x160: {  	s22 =	simm.s32 $0x2;
	v10 =	vand.u32 $0x7D, v4  }
0x161: {  	v9 =	vmov s22;
	v13 =	vadd.s32 v0, v10;
	v4 =	vld [tilespmem:s23+$0xFFFFFF90];
	v5 =	vmul.f32 $8.000000000e+00, v5  }
0x162: {  	v12 =	vadd.s32 v0, v8;
	v9 =	vand.u32 $0x7E, v9  }
0x163: {  	v14 =	vadd.s32 v0, v9;
	[tilespmem:v11+s18+$0x0] =	vst.idx.msk $0xffff, v5  }
0x164: {  	v7 =	vmul.f32 $8.000000000e+00, v7;
	v5 =	vmul.f32 $8.000000000e+00, v6;
	v6 =	vld [tilespmem:s23+$0xFFFFFFE0];
	_ =	sdelay $0x1  }
0x165: {  	v15 =	vadd.s32 v1, v21;
	v4 =	vmul.f32 $8.000000000e+00, v4;
	[tilespmem:v13+s18+$0x0] =	vst.idx.msk $0xffff, v7  }
0x166: {  	v7 =	vld [tilespmem:s23+$0xFFFFFF60];
	[tilespmem:v12+s18+$0x0] =	vst.idx.msk $0xffff, v5  }
0x167: {  	[tilespmem:v14+s18+$0x0] =	vst.idx.msk $0xffff, v4;
	v19 =	vld [tilespmem:s23+$0xFFFFFF20]  }
0x168: {  	v20 =	vld [tilespmem:s23+$0xFFFFFFA0];
	v4 =	vmul.f32 $8.000000000e+00, v6  }
0x169: {  	s11 =	simm.s32 $0x7;
	s19 =	simm.s32 $0x44F0;
	v16 =	vadd.s32 v1, v10;
	s10 =	simm.s32 $0x4  }
0x16a: {  	v17 =	vadd.s32 v1, v9;
	v23 =	vld [tilespmem:s19+$0xFFFFFFD0];
	v5 =	vmov s10;
	v6 =	vmov s11;
	[tilespmem:v15+s18+$0x0] =	vst.idx.msk $0xffff, v4  }
0x16b: {  	v18 =	vadd.s32 v1, v8;
	v4 =	vand.u32 $0x7C, v5;
	v5 =	vand.u32 $0x7F, v6;
	v24 =	vld [tilespmem:s23+$0xFFFFFFF0]  }
0x16c: {  	v26 =	vld [tilespmem:s19+$0xFFFFFF10];
	v25 =	vmul.f32 $8.000000000e+00, v19;
	v6 =	vmul.f32 $8.000000000e+00, v7;
	v19 =	vadd.s32 v0, v5  }
0x16d: {  	s12 =	simm.s32 $0x5;
	s22 =	simm.s32 $0x6;
	v27 =	vld [tilespmem:s19+$0xFFFFFF50];
	v7 =	vmul.f32 $8.000000000e+00, v20;
	v20 =	vadd.s32 v2, v21  }
0x16e: {  	v22 =	vmov s12;
	v28 =	vmov s22;
	v30 =	vld [tilespmem:s19+$0xFFFFFF90];
	v29 =	vadd.s32 v0, v4;
	[tilespmem:v16+s18+$0x0] =	vst.idx.msk $0xffff, v6  }
0x16f: {  	v6 =	vand.u32 $0x7D, v22;
	[tilespmem:v17+s18+$0x0] =	vst.idx.msk $0xffff, v7;
	v7 =	vand.u32 $0x7E, v28;
	v28 =	vmul.f32 $8.000000000e+00, v23  }
0x170: {  	[tilespmem:v18+s18+$0x0] =	vst.idx.msk $0xffff, v25;
	v22 =	vadd.s32 v0, v6;
	v31 =	vld [tilespmem:s23+$0xFFFFFF70];
	v25 =	vmul.f32 $8.000000000e+00, v24  }
0x171: {  	v33 =	vmul.f32 $8.000000000e+00, v26;
	v23 =	vadd.s32 v0, v7;
	[tilespmem:v19+s18+$0x0] =	vst.idx.msk $0xffff, v28;
	v28 =	vld [tilespmem:s23+$0xFFFFFF30]  }
0x172: {  	v26 =	vadd.s32 v2, v10;
	v32 =	vld [tilespmem:s23+$0xFFFFFFB0];
	[tilespmem:v20+s18+$0x0] =	vst.idx.msk $0xffff, v25  }
0x173: {  	v27 =	vmul.f32 $8.000000000e+00, v27;
	[tilespmem:v29+s18+$0x0] =	vst.idx.msk $0xffff, v33;
	v29 =	vmul.f32 $8.000000000e+00, v30;
	v30 =	vadd.s32 v2, v8;
	v63 =	vld [tilespmem:s23+$0x0]  }
0x174: {  	v24 =	vadd.s32 v2, v9;
	v34 =	vld [tilespmem:s19+$0xFFFFFFE0]  }
0x175: {  	[tilespmem:v22+s18+$0x0] =	vst.idx.msk $0xffff, v27;
	v27 =	vmul.f32 $8.000000000e+00, v31  }
0x176: {  	v38 =	vld [tilespmem:s19+$0xFFFFFF20];
	v25 =	vadd.s32 v1, v5;
	[tilespmem:v23+s18+$0x0] =	vst.idx.msk $0xffff, v29;
	v28 =	vmul.f32 $8.000000000e+00, v28  }
0x177: {  	v21 =	vadd.s32 v3, v21;
	v29 =	vmul.f32 $8.000000000e+00, v32;
	v31 =	vld [tilespmem:s19+$0xFFFFFF60];
	[tilespmem:v26+s18+$0x0] =	vst.idx.msk $0xffff, v27  }
0x178: {  	v42 =	vadd.s32 v1, v4;
	v37 =	vld [tilespmem:s19+$0xFFFFFFA0];
	[tilespmem:v30+s18+$0x0] =	vst.idx.msk $0xffff, v28;
	v28 =	vmul.f32 $8.000000000e+00, v63  }
0x179: {  	v41 =	vadd.s32 v3, v9;
	s1 =	simm.s32 $0xB;
	s0 =	simm.s32 $0x8;
	v40 =	vadd.s32 v1, v6;
	v36 =	vld [tilespmem:s23+$0xFFFFFF80];
	[tilespmem:v24+s18+$0x0] =	vst.idx.msk $0xffff, v29;
	v39 =	vmul.f32 $8.000000000e+00, v34  }
0x17a: {  	v46 =	vmov s1;
	v27 =	vmov s0;
	v34 =	vadd.s32 v1, v7;
	v35 =	vld [tilespmem:s23+$0xFFFFFFC0]  }
0x17b: {  	s22 =	simm.s32 $0x45F0;
	v33 =	vmovc v8;
	v32 =	vand.u32 $0x7C, v27;
	v44 =	vmul.f32 $8.000000000e+00, v38;
	[tilespmem:v25+s18+$0x0] =	vst.idx.msk $0xffff, v39;
	v38 =	vld [tilespmem:s23+$0xFFFFFF40];
	v39 =	vadd.s32 v3, v10  }
0x17c: {  	v43 =	vld [tilespmem:s22+$0xFFFFFFD0];
	s10 =	simm.s32 $0x8;
	v29 =	vmovc v7;
	v30 =	vmovc v6;
	s23 =	simm.s32 $0xC;
	v45 =	vmul.f32 $8.000000000e+00, v31;
	v31 =	vmov v5;
	[tilespmem:v21+s18+$0x0] =	vst.idx.msk $0xffff, v28;
	v28 =	vmov v4  }
.LBB2_11:
0x17d: {  	p1 =	slt.u32 s23, $0x7C;
	s11 =	sadd.s32 $0x1, s10;
	v46 =	vand.u32 $0x7F, v46;
	[tilespmem:v42+s18+$0x0] =	vst.idx.msk $0xffff, v44;
	v37 =	vmul.f32 $8.000000000e+00, v37;
	v42 =	vld [tilespmem:s19+$0xFFFFFFF0];
	v44 =	vadd.s32 v3, v33;
	v33 =	vmovc v28  }
0x17e: {  	v28 =	vmovc v32;
	v47 =	vld [tilespmem:s22+$0xFFFFFF10];
	v48 =	vmov s11;
	s11 =	sadd.s32 $0x2, s10;
	v49 =	vadd.s32 v0, v46;
	[tilespmem:v40+s18+$0x0] =	vst.idx.msk $0xffff, v45;
	v36 =	vmul.f32 $8.000000000e+00, v36;
	s10 =	smov.u32 s23  }
0x17f: {  	v32 =	vld [tilespmem:s22+$0xFFFFFF50];
	v40 =	vmov s11;
	[tilespmem:v34+s18+$0x0] =	vst.idx.msk $0xffff, v37;
	v34 =	vadd.s32 v2, v31;
	v35 =	vmul.f32 $8.000000000e+00, v35  }
0x180: {  	v37 =	vadd.s32 v0, v28;
	v45 =	vand.u32 $0x7D, v48;
	v48 =	vld [tilespmem:s22+$0xFFFFFF90];
	v38 =	vmul.f32 $8.000000000e+00, v38;
	[tilespmem:v39+s18+$0x0] =	vst.idx.msk $0xffff, v36  }
0x181: {  	v36 =	vadd.s32 v0, v45;
	v50 =	vand.u32 $0x7E, v40;
	v39 =	vmul.f32 $8.000000000e+00, v43;
	v40 =	vld [tilespmem:s19+$0xFFFFFF70];
	[tilespmem:v41+s18+$0x0] =	vst.idx.msk $0xffff, v35  }
0x182: {  	v35 =	vadd.s32 v0, v50;
	v41 =	vld [tilespmem:s19+$0xFFFFFFB0];
	v42 =	vmul.f32 $8.000000000e+00, v42;
	[tilespmem:v44+s18+$0x0] =	vst.idx.msk $0xffff, v38  }
0x183: {  	v43 =	vadd.s32 v2, v30;
	v38 =	vmul.f32 $8.000000000e+00, v47;
	[tilespmem:v49+s18+$0x0] =	vst.idx.msk $0xffff, v39;
	v39 =	vld [tilespmem:s19+$0xFFFFFF30]  }
0x184: {  	v47 =	vadd.s32 v2, v29;
	v32 =	vmul.f32 $8.000000000e+00, v32;
	v44 =	vld [tilespmem:s22+$0xFFFFFFE0];
	[tilespmem:v34+s18+$0x0] =	vst.idx.msk $0xffff, v42  }
0x185: {  	[tilespmem:v37+s18+$0x0] =	vst.idx.msk $0xffff, v38;
	v34 =	vmul.f32 $8.000000000e+00, v48;
	v38 =	vadd.s32 v2, v33;
	v48 =	vld [tilespmem:s19+$0x0]  }
0x186: {  	v51 =	vadd.s32 v1, v46;
	v49 =	vld [tilespmem:s22+$0xFFFFFF20];
	[tilespmem:v36+s18+$0x0] =	vst.idx.msk $0xffff, v32;
	v32 =	vmul.f32 $8.000000000e+00, v40  }
0x187: {  	v53 =	vadd.s32 v3, v31;
	v31 =	vmov v46;
	v52 =	vld [tilespmem:s22+$0xFFFFFF60];
	[tilespmem:v35+s18+$0x0] =	vst.idx.msk $0xffff, v34;
	v34 =	vmul.f32 $8.000000000e+00, v41  }
.Ltmp4:
0x188: {  	v42 =	vadd.s32 v1, v28;
	v37 =	vld [tilespmem:s22+$0xFFFFFFA0];
	v35 =	vmul.f32 $8.000000000e+00, v39;
	[tilespmem:v43+s18+$0x0] =	vst.idx.msk $0xffff, v32;
	(pc) =	sbr.rel @p1 .LBB2_11-.Ltmp4, $4  }
0x189: {  	v40 =	vadd.s32 v1, v45;
	v39 =	vmul.f32 $8.000000000e+00, v44;
	v36 =	vld [tilespmem:s19+$0xFFFFFF80];
	[tilespmem:v47+s18+$0x0] =	vst.idx.msk $0xffff, v34  }
0x18a: {  	v32 =	vmov s23;
	v34 =	vadd.s32 v1, v50;
	[tilespmem:v38+s18+$0x0] =	vst.idx.msk $0xffff, v35;
	v35 =	vld [tilespmem:s19+$0xFFFFFFC0];
	v47 =	vmul.f32 $8.000000000e+00, v48  }
0x18b: {  	s11 =	sadd.s32 $0x3, s23;
	v32 =	vand.u32 $0x7C, v32;
	v44 =	vmul.f32 $8.000000000e+00, v49;
	[tilespmem:v51+s18+$0x0] =	vst.idx.msk $0xffff, v39;
	v38 =	vld [tilespmem:s19+$0xFFFFFF40];
	v39 =	vadd.s32 v3, v30;
	v30 =	vmovc v45;
	s19 =	smov.u32 s22;
	s22 =	sadd.s32 $0x100, s22  }
0x18c: {  	v46 =	vmov s11;
	v41 =	vadd.s32 v3, v29;
	v29 =	vmovc v50;
	s23 =	sadd.s32 $0x4, s23;
	v43 =	vld [tilespmem:s22+$0xFFFFFFD0];
	v45 =	vmul.f32 $8.000000000e+00, v52;
	[tilespmem:v53+s18+$0x0] =	vst.idx.msk $0xffff, v47  }
0x18d: {  	s11 =	sadd.s32 $0x1, s10  }
0x18e: {  	v46 =	vand.u32 $0x7F, v46;
	s12 =	sadd.s32 $0x2, s10;
	v48 =	vld [tilespmem:s22+$0xFFFFFF50];
	v47 =	vmov s11  }
0x18f: {  	v51 =	vld [tilespmem:s22+$0xFFFFFF90];
	v49 =	vadd.s32 v0, v46;
	v50 =	vmov s12;
	v47 =	vand.u32 $0x7D, v47  }
0x190: {  	v52 =	vld [tilespmem:s22+$0xFFFFFF10];
	v50 =	vand.u32 $0x7E, v50;
	v53 =	vadd.s32 v0, v47  }
0x191: {  	v54 =	vadd.s32 v0, v50  }
0x192: {  	[tilespmem:v42+s18+$0x0] =	vst.idx.msk $0xffff, v44;
	v63 =	vadd.s32 v0, v32;
	v43 =	vmul.f32 $8.000000000e+00, v43  }
0x193: {  	[tilespmem:v40+s18+$0x0] =	vst.idx.msk $0xffff, v45;
	v48 =	vmul.f32 $8.000000000e+00, v48  }
0x194: {  	v59 =	vld [tilespmem:s19+$0xFFFFFFF0];
	[tilespmem:v49+s18+$0x0] =	vst.idx.msk $0xffff, v43;
	v49 =	vmul.f32 $8.000000000e+00, v51  }
0x195: {  	v51 =	vmul.f32 $8.000000000e+00, v52;
	v52 =	vld [tilespmem:s22+$0xFFFFFFE0];
	[tilespmem:v53+s18+$0x0] =	vst.idx.msk $0xffff, v48  }
0x196: {  	v37 =	vmul.f32 $8.000000000e+00, v37;
	v33 =	vadd.s32 v3, v33;
	[tilespmem:v54+s18+$0x0] =	vst.idx.msk $0xffff, v49;
	v53 =	vld [tilespmem:s22+$0xFFFFFF60]  }
0x197: {  	v36 =	vmul.f32 $8.000000000e+00, v36;
	v55 =	vadd.s32 v1, v46;
	[tilespmem:v63+s18+$0x0] =	vst.idx.msk $0xffff, v51;
	v43 =	vld [tilespmem:s22+$0xFFFFFFA0]  }
0x198: {  	[tilespmem:v34+s18+$0x0] =	vst.idx.msk $0xffff, v37;
	v56 =	vmul.f32 $8.000000000e+00, v35;
	v58 =	vadd.s32 v1, v47;
	v57 =	vld [tilespmem:s22+$0xFFFFFF20]  }
0x199: {  	v61 =	vld [tilespmem:s19+$0xFFFFFF70];
	v38 =	vmul.f32 $8.000000000e+00, v38;
	[tilespmem:v39+s18+$0x0] =	vst.idx.msk $0xffff, v36;
	v60 =	vadd.s32 v1, v50  }
0x19a: {  	v62 =	vadd.s32 v1, v32;
	[tilespmem:v41+s18+$0x0] =	vst.idx.msk $0xffff, v56;
	v40 =	vmul.f32 $8.000000000e+00, v52  }
0x19b: {  	[tilespmem:v33+s18+$0x0] =	vst.idx.msk $0xffff, v38;
	v63 =	vld [tilespmem:s19+$0xFFFFFFB0];
	v54 =	vadd.s32 v2, v30;
	v52 =	vmul.f32 $8.000000000e+00, v53  }
0x19c: {  	v41 =	vadd.s32 v2, v31;
	v53 =	vld [tilespmem:s19+$0xFFFFFF30];
	[tilespmem:v55+s18+$0x0] =	vst.idx.msk $0xffff, v40;
	v55 =	vmul.f32 $8.000000000e+00, v43  }
0x19d: {  	v56 =	vadd.s32 v2, v29;
	v35 =	vmul.f32 $8.000000000e+00, v57;
	v57 =	vld [tilespmem:s22+$0xFFFFFFF0];
	[tilespmem:v58+s18+$0x0] =	vst.idx.msk $0xffff, v52  }
0x19e: {  	v39 =	vmul.f32 $8.000000000e+00, v61;
	v58 =	vmul.f32 $8.000000000e+00, v59;
	v59 =	vadd.s32 v2, v28;
	[tilespmem:v60+s18+$0x0] =	vst.idx.msk $0xffff, v55;
	v60 =	vld [tilespmem:s22+$0xFFFFFF70]  }
0x19f: {  	v61 =	vadd.s32 v2, v46;
	[tilespmem:v62+s18+$0x0] =	vst.idx.msk $0xffff, v35;
	v62 =	vld [tilespmem:s22+$0xFFFFFFB0]  }
0x1a0: {  	v49 =	vadd.s32 v2, v47;
	v63 =	vmul.f32 $8.000000000e+00, v63;
	[tilespmem:v54+s18+$0x0] =	vst.idx.msk $0xffff, v39;
	v48 =	vld [tilespmem:s22+$0xFFFFFF30]  }
0x1a1: {  	v45 =	vld [tilespmem:s19+$0xFFFFFF80];
	v52 =	vadd.s32 v2, v50;
	[tilespmem:v41+s18+$0x0] =	vst.idx.msk $0xffff, v58;
	v38 =	vmul.f32 $8.000000000e+00, v53  }
0x1a2: {  	v54 =	vadd.s32 v2, v32;
	[tilespmem:v56+s18+$0x0] =	vst.idx.msk $0xffff, v63;
	v51 =	vld [tilespmem:s19+$0x0];
	v53 =	vmul.f32 $8.000000000e+00, v57  }
0x1a3: {  	v56 =	vld [tilespmem:s19+$0xFFFFFFC0];
	v57 =	vadd.s32 v3, v30;
	[tilespmem:v59+s18+$0x0] =	vst.idx.msk $0xffff, v38;
	v36 =	vmul.f32 $8.000000000e+00, v60  }
0x1a4: {  	v55 =	vadd.s32 v3, v31;
	v38 =	vld [tilespmem:s19+$0xFFFFFF40];
	[tilespmem:v61+s18+$0x0] =	vst.idx.msk $0xffff, v53;
	v58 =	vmul.f32 $8.000000000e+00, v62  }
0x1a5: {  	v59 =	vadd.s32 v3, v29;
	v60 =	vmul.f32 $8.000000000e+00, v48;
	v34 =	vld [tilespmem:s22+$0x0];
	[tilespmem:v49+s18+$0x0] =	vst.idx.msk $0xffff, v36  }
0x1a6: {  	v43 =	vmul.f32 $8.000000000e+00, v45;
	v62 =	vadd.s32 v3, v28;
	[tilespmem:v52+s18+$0x0] =	vst.idx.msk $0xffff, v58;
	v63 =	vld [tilespmem:s22+$0xFFFFFF80]  }
0x1a7: {  	v44 =	vadd.s32 v3, v46;
	v61 =	vmul.f32 $8.000000000e+00, v51;
	[tilespmem:v54+s18+$0x0] =	vst.idx.msk $0xffff, v60;
	v45 =	vld [tilespmem:s22+$0xFFFFFFC0]  }
0x1a8: {  	v46 =	vmul.f32 $8.000000000e+00, v56;
	v49 =	vadd.s32 v3, v47;
	v48 =	vld [tilespmem:s22+$0xFFFFFF40];
	[tilespmem:v57+s18+$0x0] =	vst.idx.msk $0xffff, v43  }
0x1a9: {  	v51 =	vadd.s32 v3, v50;
	[tilespmem:v55+s18+$0x0] =	vst.idx.msk $0xffff, v61;
	v38 =	vmul.f32 $8.000000000e+00, v38  }
0x1aa: {  	v53 =	vadd.s32 v3, v32;
	[tilespmem:v59+s18+$0x0] =	vst.idx.msk $0xffff, v46;
	v52 =	vmul.f32 $8.000000000e+00, v34  }
0x1ab: {  	[tilespmem:v62+s18+$0x0] =	vst.idx.msk $0xffff, v38;
	v54 =	vmul.f32 $8.000000000e+00, v63  }
0x1ac: {  	[tilespmem:v44+s18+$0x0] =	vst.idx.msk $0xffff, v52;
	v55 =	vmul.f32 $8.000000000e+00, v45  }
0x1ad: {  	v56 =	vmul.f32 $8.000000000e+00, v48;
	[tilespmem:v49+s18+$0x0] =	vst.idx.msk $0xffff, v54  }
0x1ae: {  	[tilespmem:v51+s18+$0x0] =	vst.idx.msk $0xffff, v55  }
0x1af: {  	s23 =	simm.s32 $0x63F0;
	[tilespmem:v53+s18+$0x0] =	vst.idx.msk $0xffff, v56  }
0x1b0: {  	v28 =	vld [tilespmem:s23+$0xFFFFFFD0];
	_ =	sdelay $0x3  }
0x1b1: {  	v29 =	vld [tilespmem:s23+$0xFFFFFF50]  }
0x1b2: {  	v30 =	vld [tilespmem:s23+$0xFFFFFF90];
	v28 =	vmul.f32 $8.000000000e+00, v28  }
0x1b3: {  	v31 =	vld [tilespmem:s23+$0xFFFFFF10]  }
0x1b4: {  	[tilespmem:v11+s8+$0x0] =	vst.idx.msk $0xffff, v28  }
0x1b5: {  	v11 =	vld [tilespmem:s23+$0xFFFFFFE0]  }
0x1b6: {  	v57 =	vmul.f32 $8.000000000e+00, v29  }
0x1b7: {  	v58 =	vmul.f32 $8.000000000e+00, v30  }
0x1b8: {  	v59 =	vmul.f32 $8.000000000e+00, v31;
	[tilespmem:v13+s8+$0x0] =	vst.idx.msk $0xffff, v57  }
0x1b9: {  	[tilespmem:v14+s8+$0x0] =	vst.idx.msk $0xffff, v58;
	v13 =	vld [tilespmem:s23+$0xFFFFFF60]  }
0x1ba: {  	[tilespmem:v12+s8+$0x0] =	vst.idx.msk $0xffff, v59;
	v12 =	vld [tilespmem:s23+$0xFFFFFFA0];
	v11 =	vmul.f32 $8.000000000e+00, v11  }
0x1bb: {  	s19 =	simm.s32 $0x64F0;
	v14 =	vld [tilespmem:s23+$0xFFFFFF20]  }
0x1bc: {  	[tilespmem:v15+s8+$0x0] =	vst.idx.msk $0xffff, v11;
	v11 =	vld [tilespmem:s19+$0xFFFFFFD0]  }
0x1bd: {  	v15 =	vld [tilespmem:s23+$0xFFFFFFF0]  }
0x1be: {  	v60 =	vld [tilespmem:s19+$0xFFFFFF10];
	v13 =	vmul.f32 $8.000000000e+00, v13  }
0x1bf: {  	v61 =	vld [tilespmem:s19+$0xFFFFFF50];
	v12 =	vmul.f32 $8.000000000e+00, v12  }
0x1c0: {  	v14 =	vmul.f32 $8.000000000e+00, v14;
	[tilespmem:v16+s8+$0x0] =	vst.idx.msk $0xffff, v13;
	v13 =	vadd.s32 v0, v4;
	v16 =	vld [tilespmem:s19+$0xFFFFFF90]  }
0x1c1: {  	[tilespmem:v17+s8+$0x0] =	vst.idx.msk $0xffff, v12;
	v12 =	vld [tilespmem:s23+$0xFFFFFF70];
	v11 =	vmul.f32 $8.000000000e+00, v11  }
0x1c2: {  	[tilespmem:v18+s8+$0x0] =	vst.idx.msk $0xffff, v14;
	v14 =	vld [tilespmem:s23+$0xFFFFFFB0];
	v15 =	vmul.f32 $8.000000000e+00, v15  }
0x1c3: {  	v17 =	vmul.f32 $8.000000000e+00, v60;
	[tilespmem:v19+s8+$0x0] =	vst.idx.msk $0xffff, v11;
	v11 =	vld [tilespmem:s23+$0xFFFFFF30]  }
0x1c4: {  	v18 =	vmul.f32 $8.000000000e+00, v61;
	v19 =	vld [tilespmem:s19+$0xFFFFFFE0];
	[tilespmem:v20+s8+$0x0] =	vst.idx.msk $0xffff, v15  }
0x1c5: {  	[tilespmem:v13+s8+$0x0] =	vst.idx.msk $0xffff, v17;
	v13 =	vmul.f32 $8.000000000e+00, v16;
	v15 =	vadd.s32 v2, v8;
	v20 =	vld [tilespmem:s23+$0x0]  }
0x1c6: {  	[tilespmem:v22+s8+$0x0] =	vst.idx.msk $0xffff, v18;
	v62 =	vld [tilespmem:s19+$0xFFFFFF20];
	v12 =	vmul.f32 $8.000000000e+00, v12  }
0x1c7: {  	v22 =	vld [tilespmem:s19+$0xFFFFFF60];
	[tilespmem:v23+s8+$0x0] =	vst.idx.msk $0xffff, v13;
	v13 =	vmul.f32 $8.000000000e+00, v14  }
0x1c8: {  	v18 =	vadd.s32 v1, v4;
	v16 =	vld [tilespmem:s19+$0xFFFFFFA0];
	[tilespmem:v26+s8+$0x0] =	vst.idx.msk $0xffff, v12;
	v11 =	vmul.f32 $8.000000000e+00, v11  }
0x1c9: {  	v17 =	vadd.s32 v1, v6;
	v14 =	vld [tilespmem:s23+$0xFFFFFF80];
	[tilespmem:v24+s8+$0x0] =	vst.idx.msk $0xffff, v13;
	v19 =	vmul.f32 $8.000000000e+00, v19  }
0x1ca: {  	v12 =	vadd.s32 v1, v7;
	v13 =	vld [tilespmem:s23+$0xFFFFFFC0];
	[tilespmem:v15+s8+$0x0] =	vst.idx.msk $0xffff, v11;
	v63 =	vmul.f32 $8.000000000e+00, v20  }
0x1cb: {  	v10 =	vadd.s32 v3, v10;
	v9 =	vadd.s32 v3, v9;
	s22 =	simm.s32 $0x65F0;
	v20 =	vmul.f32 $8.000000000e+00, v62;
	[tilespmem:v25+s8+$0x0] =	vst.idx.msk $0xffff, v19;
	v15 =	vld [tilespmem:s23+$0xFFFFFF40]  }
0x1cc: {  	v23 =	vmov s1;
	s1 =	simm.s32 $0xC;
	v22 =	vmul.f32 $8.000000000e+00, v22;
	v11 =	vand.u32 $0x7C, v27;
	v19 =	vld [tilespmem:s22+$0xFFFFFFD0];
	[tilespmem:v21+s8+$0x0] =	vst.idx.msk $0xffff, v63  }
.LBB2_13:
0x1cd: {  	p1 =	slt.u32 s1, $0x7C;
	s10 =	sadd.s32 $0x1, s0;
	v21 =	vand.u32 $0x7F, v23;
	[tilespmem:v18+s8+$0x0] =	vst.idx.msk $0xffff, v20;
	v16 =	vmul.f32 $8.000000000e+00, v16;
	v18 =	vld [tilespmem:s19+$0xFFFFFFF0];
	v20 =	vadd.s32 v3, v8;
	v8 =	vmovc v4  }
0x1ce: {  	v4 =	vmovc v11;
	v23 =	vld [tilespmem:s22+$0xFFFFFF10];
	v24 =	vmov s10;
	s10 =	sadd.s32 $0x2, s0;
	v25 =	vadd.s32 v0, v21;
	[tilespmem:v17+s8+$0x0] =	vst.idx.msk $0xffff, v22;
	v14 =	vmul.f32 $8.000000000e+00, v14;
	s0 =	smov.u32 s1  }
0x1cf: {  	v11 =	vld [tilespmem:s22+$0xFFFFFF50];
	v17 =	vmov s10;
	[tilespmem:v12+s8+$0x0] =	vst.idx.msk $0xffff, v16;
	v12 =	vadd.s32 v2, v5;
	v13 =	vmul.f32 $8.000000000e+00, v13  }
0x1d0: {  	v16 =	vadd.s32 v0, v4;
	v22 =	vand.u32 $0x7D, v24;
	v24 =	vld [tilespmem:s22+$0xFFFFFF90];
	v15 =	vmul.f32 $8.000000000e+00, v15;
	[tilespmem:v10+s8+$0x0] =	vst.idx.msk $0xffff, v14  }
0x1d1: {  	v10 =	vadd.s32 v0, v22;
	v26 =	vand.u32 $0x7E, v17;
	v14 =	vmul.f32 $8.000000000e+00, v19;
	v17 =	vld [tilespmem:s19+$0xFFFFFF70];
	[tilespmem:v9+s8+$0x0] =	vst.idx.msk $0xffff, v13  }
0x1d2: {  	v9 =	vadd.s32 v0, v26;
	v13 =	vld [tilespmem:s19+$0xFFFFFFB0];
	v18 =	vmul.f32 $8.000000000e+00, v18;
	[tilespmem:v20+s8+$0x0] =	vst.idx.msk $0xffff, v15  }
0x1d3: {  	v19 =	vadd.s32 v2, v6;
	v15 =	vmul.f32 $8.000000000e+00, v23;
	[tilespmem:v25+s8+$0x0] =	vst.idx.msk $0xffff, v14;
	v14 =	vld [tilespmem:s19+$0xFFFFFF30]  }
0x1d4: {  	v23 =	vadd.s32 v2, v7;
	v11 =	vmul.f32 $8.000000000e+00, v11;
	v20 =	vld [tilespmem:s22+$0xFFFFFFE0];
	[tilespmem:v12+s8+$0x0] =	vst.idx.msk $0xffff, v18  }
0x1d5: {  	[tilespmem:v16+s8+$0x0] =	vst.idx.msk $0xffff, v15;
	v12 =	vmul.f32 $8.000000000e+00, v24;
	v15 =	vadd.s32 v2, v8;
	v24 =	vld [tilespmem:s19+$0x0]  }
0x1d6: {  	v25 =	vld [tilespmem:s22+$0xFFFFFF20];
	[tilespmem:v10+s8+$0x0] =	vst.idx.msk $0xffff, v11;
	v10 =	vadd.s32 v1, v21;
	v11 =	vmul.f32 $8.000000000e+00, v17  }
0x1d7: {  	v28 =	vadd.s32 v3, v5;
	v5 =	vmov v21;
	v27 =	vld [tilespmem:s22+$0xFFFFFF60];
	[tilespmem:v9+s8+$0x0] =	vst.idx.msk $0xffff, v12;
	v9 =	vmul.f32 $8.000000000e+00, v13  }
.Ltmp5:
0x1d8: {  	v18 =	vadd.s32 v1, v4;
	v16 =	vld [tilespmem:s22+$0xFFFFFFA0];
	v13 =	vmul.f32 $8.000000000e+00, v14;
	[tilespmem:v19+s8+$0x0] =	vst.idx.msk $0xffff, v11;
	(pc) =	sbr.rel @p1 .LBB2_13-.Ltmp5, $4  }
0x1d9: {  	v17 =	vadd.s32 v1, v22;
	v19 =	vmul.f32 $8.000000000e+00, v20;
	v14 =	vld [tilespmem:s19+$0xFFFFFF80];
	[tilespmem:v23+s8+$0x0] =	vst.idx.msk $0xffff, v9  }
0x1da: {  	v12 =	vadd.s32 v1, v26;
	v9 =	vmov s1;
	[tilespmem:v15+s8+$0x0] =	vst.idx.msk $0xffff, v13;
	v13 =	vld [tilespmem:s19+$0xFFFFFFC0];
	v21 =	vmul.f32 $8.000000000e+00, v24  }
0x1db: {  	s10 =	sadd.s32 $0x3, s1;
	v11 =	vand.u32 $0x7C, v9;
	v20 =	vmul.f32 $8.000000000e+00, v25;
	[tilespmem:v10+s8+$0x0] =	vst.idx.msk $0xffff, v19;
	v15 =	vld [tilespmem:s19+$0xFFFFFF40];
	v10 =	vadd.s32 v3, v6;
	v6 =	vmovc v22;
	s19 =	smov.u32 s22;
	s22 =	sadd.s32 $0x100, s22  }
0x1dc: {  	v23 =	vmov s10;
	s1 =	sadd.s32 $0x4, s1;
	v9 =	vadd.s32 v3, v7;
	v7 =	vmovc v26;
	v19 =	vld [tilespmem:s22+$0xFFFFFFD0];
	v22 =	vmul.f32 $8.000000000e+00, v27;
	[tilespmem:v28+s8+$0x0] =	vst.idx.msk $0xffff, v21  }
0x1dd: {  	_ =	sdelay $0x1  }
0x1de: {  	s1 =	sadd.s32 $0x1, s0;
	v21 =	vand.u32 $0x7F, v23;
	v28 =	vld [tilespmem:s22+$0xFFFFFF10]  }
0x1df: {  	s12 =	sadd.s32 $0x2, s0;
	v24 =	vld [tilespmem:s22+$0xFFFFFF50];
	v49 =	vadd.s32 v0, v11;
	v48 =	vmov s1;
	v25 =	vadd.s32 v0, v21  }
0x1e0: {  	v27 =	vld [tilespmem:s22+$0xFFFFFF90];
	[tilespmem:v18+s8+$0x0] =	vst.idx.msk $0xffff, v20;
	v16 =	vmul.f32 $8.000000000e+00, v16;
	v26 =	vmov s12;
	v23 =	vand.u32 $0x7D, v48  }
0x1e1: {  	[tilespmem:v17+s8+$0x0] =	vst.idx.msk $0xffff, v22;
	v14 =	vmul.f32 $8.000000000e+00, v14;
	v26 =	vand.u32 $0x7E, v26;
	v29 =	vadd.s32 v0, v23  }
0x1e2: {  	[tilespmem:v12+s8+$0x0] =	vst.idx.msk $0xffff, v16;
	v30 =	vadd.s32 v0, v26;
	v19 =	vmul.f32 $8.000000000e+00, v19  }
0x1e3: {  	v8 =	vadd.s32 v3, v8;
	v31 =	vld [tilespmem:s19+$0xFFFFFF30];
	[tilespmem:v10+s8+$0x0] =	vst.idx.msk $0xffff, v14;
	v52 =	vmul.f32 $8.000000000e+00, v28  }
0x1e4: {  	v59 =	vld [tilespmem:s19+$0xFFFFFFF0];
	v50 =	vmul.f32 $8.000000000e+00, v24;
	[tilespmem:v25+s8+$0x0] =	vst.idx.msk $0xffff, v19  }
0x1e5: {  	v37 =	vadd.s32 v2, v4;
	v51 =	vmul.f32 $8.000000000e+00, v27;
	v53 =	vld [tilespmem:s22+$0xFFFFFFE0];
	[tilespmem:v49+s8+$0x0] =	vst.idx.msk $0xffff, v52  }
0x1e6: {  	v15 =	vmul.f32 $8.000000000e+00, v15;
	v28 =	vadd.s32 v2, v5;
	[tilespmem:v29+s8+$0x0] =	vst.idx.msk $0xffff, v50;
	v57 =	vld [tilespmem:s22+$0xFFFFFF20]  }
0x1e7: {  	v55 =	vadd.s32 v1, v21;
	v56 =	vmul.f32 $8.000000000e+00, v13;
	[tilespmem:v30+s8+$0x0] =	vst.idx.msk $0xffff, v51;
	v54 =	vld [tilespmem:s22+$0xFFFFFF60]  }
0x1e8: {  	v62 =	vadd.s32 v1, v11;
	[tilespmem:v8+s8+$0x0] =	vst.idx.msk $0xffff, v15;
	v15 =	vmul.f32 $8.000000000e+00, v31;
	v19 =	vld [tilespmem:s22+$0xFFFFFFA0]  }
0x1e9: {  	v61 =	vld [tilespmem:s19+$0xFFFFFF70];
	v58 =	vadd.s32 v1, v23;
	[tilespmem:v9+s8+$0x0] =	vst.idx.msk $0xffff, v56;
	v36 =	vmul.f32 $8.000000000e+00, v59  }
0x1ea: {  	v60 =	vadd.s32 v1, v26;
	v29 =	vld [tilespmem:s19+$0xFFFFFFB0];
	[tilespmem:v37+s8+$0x0] =	vst.idx.msk $0xffff, v15;
	v63 =	vmul.f32 $8.000000000e+00, v53  }
0x1eb: {  	v32 =	vadd.s32 v2, v6;
	v16 =	vld [tilespmem:s19+$0xFFFFFF40];
	[tilespmem:v28+s8+$0x0] =	vst.idx.msk $0xffff, v36;
	v13 =	vmul.f32 $8.000000000e+00, v57  }
0x1ec: {  	v34 =	vadd.s32 v2, v7;
	v45 =	vld [tilespmem:s19+$0x0];
	v30 =	vmul.f32 $8.000000000e+00, v54;
	[tilespmem:v55+s8+$0x0] =	vst.idx.msk $0xffff, v63  }
0x1ed: {  	v4 =	vadd.s32 v3, v4;
	v33 =	vmul.f32 $8.000000000e+00, v19;
	v35 =	vld [tilespmem:s22+$0xFFFFFFF0];
	[tilespmem:v62+s8+$0x0] =	vst.idx.msk $0xffff, v13  }
0x1ee: {  	v5 =	vadd.s32 v3, v5;
	v39 =	vmul.f32 $8.000000000e+00, v61;
	[tilespmem:v58+s8+$0x0] =	vst.idx.msk $0xffff, v30;
	v43 =	vld [tilespmem:s22+$0xFFFFFF30]  }
0x1ef: {  	v40 =	vadd.s32 v2, v21;
	v42 =	vmul.f32 $8.000000000e+00, v29;
	[tilespmem:v60+s8+$0x0] =	vst.idx.msk $0xffff, v33;
	v38 =	vld [tilespmem:s22+$0xFFFFFF70]  }
0x1f0: {  	v48 =	vadd.s32 v2, v11;
	[tilespmem:v32+s8+$0x0] =	vst.idx.msk $0xffff, v39;
	v16 =	vmul.f32 $8.000000000e+00, v16;
	v41 =	vld [tilespmem:s22+$0xFFFFFFB0]  }
0x1f1: {  	v44 =	vadd.s32 v2, v23;
	v22 =	vld [tilespmem:s19+$0xFFFFFF80];
	[tilespmem:v34+s8+$0x0] =	vst.idx.msk $0xffff, v42;
	v54 =	vmul.f32 $8.000000000e+00, v45  }
0x1f2: {  	v46 =	vadd.s32 v2, v26;
	v49 =	vld [tilespmem:s19+$0xFFFFFFC0];
	[tilespmem:v4+s8+$0x0] =	vst.idx.msk $0xffff, v16;
	v47 =	vmul.f32 $8.000000000e+00, v35  }
0x1f3: {  	v50 =	vadd.s32 v3, v6;
	[tilespmem:v5+s8+$0x0] =	vst.idx.msk $0xffff, v54;
	v53 =	vmul.f32 $8.000000000e+00, v43  }
0x1f4: {  	v52 =	vadd.s32 v3, v7;
	v10 =	vmul.f32 $8.000000000e+00, v38;
	[tilespmem:v40+s8+$0x0] =	vst.idx.msk $0xffff, v47  }
0x1f5: {  	v51 =	vmul.f32 $8.000000000e+00, v41;
	v9 =	vld [tilespmem:s22+$0x0];
	[tilespmem:v48+s8+$0x0] =	vst.idx.msk $0xffff, v53  }
0x1f6: {  	v56 =	vmul.f32 $8.000000000e+00, v22;
	[tilespmem:v44+s8+$0x0] =	vst.idx.msk $0xffff, v10;
	v59 =	vld [tilespmem:s22+$0xFFFFFF40]  }
0x1f7: {  	v57 =	vadd.s32 v3, v21;
	v5 =	vmul.f32 $8.000000000e+00, v49;
	[tilespmem:v46+s8+$0x0] =	vst.idx.msk $0xffff, v51;
	v55 =	vld [tilespmem:s22+$0xFFFFFF80]  }
0x1f8: {  	v62 =	vadd.s32 v3, v11;
	[tilespmem:v50+s8+$0x0] =	vst.idx.msk $0xffff, v56;
	v58 =	vld [tilespmem:s22+$0xFFFFFFC0]  }
0x1f9: {  	v60 =	vadd.s32 v3, v23;
	[tilespmem:v52+s8+$0x0] =	vst.idx.msk $0xffff, v5  }
0x1fa: {  	v61 =	vadd.s32 v3, v26;
	s19 =	rddreg [dreg:$0x8];
	v5 =	vmul.f32 $8.000000000e+00, v9  }
0x1fb: {  	s0 =	sadd.s32 s16, s19;
	v63 =	vmul.f32 $8.000000000e+00, v59  }
0x1fc: {  	s22 =	sshll.u32 s0, $0x7;
	v4 =	vmul.f32 $8.000000000e+00, v55;
	[tilespmem:v57+s8+$0x0] =	vst.idx.msk $0xffff, v5  }
0x1fd: {  	s10 =	sshll.u32 s0, $0xA;
	s0 =	sand.u32 $0xF00, s22;
	v5 =	vmul.f32 $8.000000000e+00, v58;
	[tilespmem:v62+s8+$0x0] =	vst.idx.msk $0xffff, v63  }
0x1fe: {  	s1 =	sand.u32 $0xFFF8000, s10;
	s23 =	sadd.s32 s2, s0;
	[tilespmem:v60+s8+$0x0] =	vst.idx.msk $0xffff, v4  }
0x1ff: {  	s11 =	simm.s32 $0x10700;
	s12 =	sadd.s32 s1, s23;
	[tilespmem:v61+s8+$0x0] =	vst.idx.msk $0xffff, v5  }
0x200: {  	[hbm4b:s12+s3] =	stream.linear.scatter [tilespmem:s11], [sflag:$0x8], $0x80, $0x38;
	[tilespmem:$0x18F00] =	vst v63  }
0x201: {  	s19 =	simm.s32 $0x10788;
	s11 =	sadd.s32 $0x10, s12  }
0x202: {  	[hbm4b:s11+s3] =	stream.linear.scatter [tilespmem:s19], [sflag:$0x8], $0x80, $0x38;
	[tilespmem:$0x18F00] =	vst v63  }
0x203: {  	s22 =	simm.s32 $0x10810;
	s23 =	sadd.s32 $0x20, s12  }
0x204: {  	[hbm4b:s23+s3] =	stream.linear.scatter [tilespmem:s22], [sflag:$0x8], $0x80, $0x38;
	[tilespmem:$0x18F00] =	vst v63  }
0x205: {  	s11 =	simm.s32 $0x10898;
	s19 =	sadd.s32 $0x30, s12  }
0x206: {  	[hbm4b:s19+s3] =	stream.linear.scatter [tilespmem:s11], [sflag:$0x8], $0x80, $0x38;
	[tilespmem:$0x18F00] =	vst v63  }
0x207: {  	s22 =	simm.s32 $0x10920;
	s23 =	sadd.s32 $0x40, s12  }
0x208: {  	[hbm4b:s23+s3] =	stream.linear.scatter [tilespmem:s22], [sflag:$0x8], $0x80, $0x38;
	[tilespmem:$0x18F00] =	vst v63  }
0x209: {  	s10 =	simm.s32 $0x440;
	s11 =	simm.s32 $0x109A8;
	s19 =	sadd.s32 $0x50, s12  }
0x20a: {  	[hbm4b:s19+s3] =	stream.linear.scatter [tilespmem:s11], [sflag:$0x8], $0x80, $0x38;
	[tilespmem:$0x18F00] =	vst v63  }
0x20b: {  	s22 =	simm.s32 $0x10A30;
	s23 =	sadd.s32 $0x60, s12;
	s11 =	sadd.s32 $0x70, s12  }
0x20c: {  	[hbm4b:s23+s3] =	stream.linear.scatter [tilespmem:s22], [sflag:$0x8], $0x80, $0x38;
	[tilespmem:$0x18F00] =	vst v63  }
0x20d: {  	s19 =	sadd.s32 $0x1000, s12;
	s22 =	simm.s32 $0x2200;
	s23 =	simm.s32 $0x10AB8  }
.LBB2_15:
0x20e: {  	[hbm4b:s11+s3] =	stream.linear.scatter [tilespmem:s23], [sflag:$0x8], $0x80, $0x38;
	[tilespmem:$0x18F00] =	vst v63  }
0x20f: {  	s11 =	smov.u32 s10;
	s10 =	smov.u32 s22  }
0x210: {  	s12 =	sadd.s32 $0x1100, s22;
	s10 =	sshra.s32 s10, $0x2;
	s23 =	sadd.s32 $0x10700, s11  }
0x211: {  	[hbm4b:s19+s3] =	stream.linear.scatter [tilespmem:s23], [sflag:$0x8], $0x80, $0x38;
	[tilespmem:$0x18F00] =	vst v63  }
0x212: {  	p1 =	sne.s32 s22, $0x7700;
	s22 =	sadd.s32 $0x10788, s11;
	s23 =	sadd.s32 $0x10, s19  }
0x213: {  	[hbm4b:s23+s3] =	stream.linear.scatter [tilespmem:s22], [sflag:$0x8], $0x80, $0x38;
	[tilespmem:$0x18F00] =	vst v63  }
0x214: {  	s22 =	sadd.s32 $0x10810, s11;
	s23 =	sadd.s32 $0x20, s19  }
0x215: {  	[hbm4b:s23+s3] =	stream.linear.scatter [tilespmem:s22], [sflag:$0x8], $0x80, $0x38;
	[tilespmem:$0x18F00] =	vst v63  }
0x216: {  	s22 =	sadd.s32 $0x10898, s11;
	s23 =	sadd.s32 $0x30, s19  }
0x217: {  	[hbm4b:s23+s3] =	stream.linear.scatter [tilespmem:s22], [sflag:$0x8], $0x80, $0x38;
	[tilespmem:$0x18F00] =	vst v63  }
0x218: {  	s22 =	sadd.s32 $0x10920, s11;
	s23 =	sadd.s32 $0x40, s19  }
0x219: {  	[hbm4b:s23+s3] =	stream.linear.scatter [tilespmem:s22], [sflag:$0x8], $0x80, $0x38;
	[tilespmem:$0x18F00] =	vst v63  }
0x21a: {  	s22 =	sadd.s32 $0x109A8, s11;
	s23 =	sadd.s32 $0x50, s19  }
0x21b: {  	[hbm4b:s23+s3] =	stream.linear.scatter [tilespmem:s22], [sflag:$0x8], $0x80, $0x38;
	[tilespmem:$0x18F00] =	vst v63  }
.Ltmp6:
0x21c: {  	_ = 	snop;
	(pc) =	sbr.rel @p1 .LBB2_15-.Ltmp6, $4  }
0x21d: {  	s22 =	sadd.s32 $0x10A30, s11;
	s23 =	sadd.s32 $0x60, s19  }
0x21e: {  	[hbm4b:s23+s3] =	stream.linear.scatter [tilespmem:s22], [sflag:$0x8], $0x80, $0x38;
	[tilespmem:$0x18F00] =	vst v63  }
0x21f: {  	s23 =	sadd.s32 $0x10AB8, s11  }
0x220: {  	s11 =	sadd.s32 $0x70, s19;
	s19 =	sadd.s32 $0x1000, s19;
	s22 =	smov.u32 s12  }
0x221: {  	[hbm4b:s11+s3] =	stream.linear.scatter [tilespmem:s23], [sflag:$0x8], $0x80, $0x38;
	[tilespmem:$0x18F00] =	vst v63  }
0x222: {  	s22 =	sadd.s32 $0x10700, s10  }
0x223: {  	[hbm4b:s19+s3] =	stream.linear.scatter [tilespmem:s22], [sflag:$0x8], $0x80, $0x38;
	[tilespmem:$0x18F00] =	vst v63  }
0x224: {  	s23 =	sadd.s32 $0x10788, s10;
	s12 =	sadd.s32 $0x10, s19  }
0x225: {  	[hbm4b:s12+s3] =	stream.linear.scatter [tilespmem:s23], [sflag:$0x8], $0x80, $0x38;
	[tilespmem:$0x18F00] =	vst v63  }
0x226: {  	s22 =	sadd.s32 $0x10810, s10;
	s23 =	sadd.s32 $0x20, s19  }
0x227: {  	[hbm4b:s23+s3] =	stream.linear.scatter [tilespmem:s22], [sflag:$0x8], $0x80, $0x38;
	[tilespmem:$0x18F00] =	vst v63  }
0x228: {  	s22 =	sadd.s32 $0x10898, s10;
	s23 =	sadd.s32 $0x30, s19  }
0x229: {  	[hbm4b:s23+s3] =	stream.linear.scatter [tilespmem:s22], [sflag:$0x8], $0x80, $0x38;
	[tilespmem:$0x18F00] =	vst v63  }
0x22a: {  	s22 =	sadd.s32 $0x10920, s10;
	s23 =	sadd.s32 $0x40, s19  }
0x22b: {  	[hbm4b:s23+s3] =	stream.linear.scatter [tilespmem:s22], [sflag:$0x8], $0x80, $0x38;
	[tilespmem:$0x18F00] =	vst v63  }
0x22c: {  	s22 =	sadd.s32 $0x109A8, s10;
	s23 =	sadd.s32 $0x50, s19  }
0x22d: {  	[hbm4b:s23+s3] =	stream.linear.scatter [tilespmem:s22], [sflag:$0x8], $0x80, $0x38;
	[tilespmem:$0x18F00] =	vst v63  }
0x22e: {  	s1 =	sadd.s32 s2, s1;
	s22 =	sadd.s32 $0x10A30, s10;
	s23 =	sadd.s32 $0x60, s19  }
0x22f: {  	[hbm4b:s23+s3] =	stream.linear.scatter [tilespmem:s22], [sflag:$0x8], $0x80, $0x38;
	[tilespmem:$0x18F00] =	vst v63  }
0x230: {  	s0 =	sadd.s32 s0, s1;
	s12 =	sadd.s32 $0x10AB8, s10;
	s22 =	sadd.s32 $0x70, s19  }
0x231: {  	[hbm4b:s22+s3] =	stream.linear.scatter [tilespmem:s12], [sflag:$0x8], $0x80, $0x38;
	[tilespmem:$0x18F00] =	vst v63  }
0x232: {  	s1 =	sadd.s32 $0x80, s0;
	s23 =	simm.s32 $0x12900  }
0x233: {  	[hbm4b:s1+s3] =	stream.linear.scatter [tilespmem:s23], [sflag:$0x8], $0x80, $0x38;
	[tilespmem:$0x18F00] =	vst v63  }
0x234: {  	s11 =	sadd.s32 $0x10, s1;
	s10 =	simm.s32 $0x12988  }
0x235: {  	[hbm4b:s11+s3] =	stream.linear.scatter [tilespmem:s10], [sflag:$0x8], $0x80, $0x38;
	[tilespmem:$0x18F00] =	vst v63  }
0x236: {  	s0 =	simm.s32 $0x440;
	s19 =	sadd.s32 $0x20, s1;
	s12 =	simm.s32 $0x12A10  }
0x237: {  	[hbm4b:s19+s3] =	stream.linear.scatter [tilespmem:s12], [sflag:$0x8], $0x80, $0x38;
	[tilespmem:$0x18F00] =	vst v63  }
0x238: {  	s22 =	simm.s32 $0x12A98;
	s23 =	sadd.s32 $0x30, s1;
	s10 =	simm.s32 $0x12B20  }
0x239: {  	[hbm4b:s23+s3] =	stream.linear.scatter [tilespmem:s22], [sflag:$0x8], $0x80, $0x38;
	[tilespmem:$0x18F00] =	vst v63  }
0x23a: {  	s11 =	sadd.s32 $0x40, s1;
	s12 =	simm.s32 $0x12BA8;
	s19 =	sadd.s32 $0x50, s1  }
0x23b: {  	[hbm4b:s11+s3] =	stream.linear.scatter [tilespmem:s10], [sflag:$0x8], $0x80, $0x38;
	[tilespmem:$0x18F00] =	vst v63  }
0x23c: {  	s22 =	simm.s32 $0x12C30;
	s23 =	sadd.s32 $0x60, s1;
	s10 =	simm.s32 $0x2200  }
0x23d: {  	[hbm4b:s19+s3] =	stream.linear.scatter [tilespmem:s12], [sflag:$0x8], $0x80, $0x38;
	[tilespmem:$0x18F00] =	vst v63  }
0x23e: {  	s11 =	sadd.s32 $0x70, s1;
	s1 =	sadd.s32 $0x1000, s1;
	s19 =	simm.s32 $0x12CB8  }
0x23f: {  	[hbm4b:s23+s3] =	stream.linear.scatter [tilespmem:s22], [sflag:$0x8], $0x80, $0x38;
	[tilespmem:$0x18F00] =	vst v63  }
.LBB2_17:
0x240: {  	[hbm4b:s11+s3] =	stream.linear.scatter [tilespmem:s19], [sflag:$0x8], $0x80, $0x38;
	[tilespmem:$0x18F00] =	vst v63  }
0x241: {  	s11 =	smov.u32 s0;
	s0 =	smov.u32 s10  }
0x242: {  	s12 =	sadd.s32 $0x1100, s10;
	s0 =	sshra.s32 s0, $0x2;
	s19 =	sadd.s32 $0x12900, s11  }
0x243: {  	[hbm4b:s1+s3] =	stream.linear.scatter [tilespmem:s19], [sflag:$0x8], $0x80, $0x38;
	[tilespmem:$0x18F00] =	vst v63  }
0x244: {  	p1 =	sne.s32 s10, $0x7700;
	s10 =	sadd.s32 $0x12988, s11;
	s19 =	sadd.s32 $0x10, s1  }
0x245: {  	[hbm4b:s19+s3] =	stream.linear.scatter [tilespmem:s10], [sflag:$0x8], $0x80, $0x38;
	[tilespmem:$0x18F00] =	vst v63  }
0x246: {  	s10 =	sadd.s32 $0x12A10, s11;
	s19 =	sadd.s32 $0x20, s1  }
0x247: {  	[hbm4b:s19+s3] =	stream.linear.scatter [tilespmem:s10], [sflag:$0x8], $0x80, $0x38;
	[tilespmem:$0x18F00] =	vst v63  }
0x248: {  	s10 =	sadd.s32 $0x12A98, s11;
	s19 =	sadd.s32 $0x30, s1  }
0x249: {  	[hbm4b:s19+s3] =	stream.linear.scatter [tilespmem:s10], [sflag:$0x8], $0x80, $0x38;
	[tilespmem:$0x18F00] =	vst v63  }
0x24a: {  	s10 =	sadd.s32 $0x12B20, s11;
	s19 =	sadd.s32 $0x40, s1  }
0x24b: {  	[hbm4b:s19+s3] =	stream.linear.scatter [tilespmem:s10], [sflag:$0x8], $0x80, $0x38;
	[tilespmem:$0x18F00] =	vst v63  }
0x24c: {  	s10 =	sadd.s32 $0x12BA8, s11;
	s19 =	sadd.s32 $0x50, s1  }
0x24d: {  	[hbm4b:s19+s3] =	stream.linear.scatter [tilespmem:s10], [sflag:$0x8], $0x80, $0x38;
	[tilespmem:$0x18F00] =	vst v63  }
.Ltmp7:
0x24e: {  	_ = 	snop;
	(pc) =	sbr.rel @p1 .LBB2_17-.Ltmp7, $4  }
0x24f: {  	s10 =	sadd.s32 $0x12C30, s11;
	s19 =	sadd.s32 $0x60, s1  }
0x250: {  	[hbm4b:s19+s3] =	stream.linear.scatter [tilespmem:s10], [sflag:$0x8], $0x80, $0x38;
	[tilespmem:$0x18F00] =	vst v63  }
0x251: {  	s19 =	sadd.s32 $0x12CB8, s11  }
0x252: {  	s11 =	sadd.s32 $0x70, s1;
	s1 =	sadd.s32 $0x1000, s1;
	s10 =	smov.u32 s12  }
0x253: {  	[hbm4b:s11+s3] =	stream.linear.scatter [tilespmem:s19], [sflag:$0x8], $0x80, $0x38;
	[tilespmem:$0x18F00] =	vst v63  }
0x254: {  	s10 =	sadd.s32 $0x12900, s0  }
0x255: {  	[hbm4b:s1+s3] =	stream.linear.scatter [tilespmem:s10], [sflag:$0x8], $0x80, $0x38;
	[tilespmem:$0x18F00] =	vst v63  }
0x256: {  	s12 =	sadd.s32 $0x12988, s0;
	s19 =	sadd.s32 $0x10, s1  }
0x257: {  	[hbm4b:s19+s3] =	stream.linear.scatter [tilespmem:s12], [sflag:$0x8], $0x80, $0x38;
	[tilespmem:$0x18F00] =	vst v63  }
0x258: {  	s22 =	sadd.s32 $0x12A10, s0;
	s23 =	sadd.s32 $0x20, s1  }
0x259: {  	[hbm4b:s23+s3] =	stream.linear.scatter [tilespmem:s22], [sflag:$0x8], $0x80, $0x38;
	[tilespmem:$0x18F00] =	vst v63  }
0x25a: {  	s12 =	sadd.s32 $0x12A98, s0;
	s19 =	sadd.s32 $0x30, s1  }
0x25b: {  	[hbm4b:s19+s3] =	stream.linear.scatter [tilespmem:s12], [sflag:$0x8], $0x80, $0x38;
	[tilespmem:$0x18F00] =	vst v63  }
0x25c: {  	s22 =	sadd.s32 $0x12B20, s0;
	s23 =	sadd.s32 $0x40, s1  }
0x25d: {  	[hbm4b:s23+s3] =	stream.linear.scatter [tilespmem:s22], [sflag:$0x8], $0x80, $0x38;
	[tilespmem:$0x18F00] =	vst v63  }
0x25e: {  	s12 =	sadd.s32 $0x12BA8, s0;
	s19 =	sadd.s32 $0x50, s1  }
0x25f: {  	[hbm4b:s19+s3] =	stream.linear.scatter [tilespmem:s12], [sflag:$0x8], $0x80, $0x38;
	[tilespmem:$0x18F00] =	vst v63  }
0x260: {  	s22 =	sadd.s32 $0x12C30, s0;
	s23 =	sadd.s32 $0x60, s1  }
0x261: {  	[hbm4b:s23+s3] =	stream.linear.scatter [tilespmem:s22], [sflag:$0x8], $0x80, $0x38;
	[tilespmem:$0x18F00] =	vst v63  }
0x262: {  	s12 =	sadd.s32 $0x12CB8, s0;
	s19 =	sadd.s32 $0x70, s1  }
0x263: {  	[hbm4b:s19+s3] =	stream.linear.scatter [tilespmem:s12], [sflag:$0x8], $0x80, $0x38;
	[tilespmem:$0x18F00] =	vst v63  }
0x264: {  	_ =	swait.ge [sflag:s9], $0x2000  }
0x265: {  	[sflag:s9] =	ssyncset.done $0x0  }
0x266: {  	[sflag:s9] =	ssyncadd.s32 $0xFFFFE000  }
0x267: {  	s0 =	sadd.s32 @!p0 s13, s31;
	_ =	swait.ge [sflag:s9], $0x2000  }
0x268: {  	s10 =	simm.s32 @!p0 $0x200;
	s0 =	sshrl.u32 @!p0 s0, $0x3;
	[sflag:s9] =	ssyncset.done $0x0  }
0x269: {  	s1 =	simm.s32 @!p0 $0x0;
	s0 =	sadd.s32 @!p0 s4, s0;
	[sflag:s9] =	ssyncadd.s32 $0xFFFFE000  }
0x26a: {  	[tilespmem:s10], [sflag:$0x6] =	stream.linear.gather @!p0 [hbm4b:s0+s1], $0x100, $0x38;
	[tilespmem:$0x18F00] =	vst v63  }
0x26b: {  	s0 =	simm.s32 @!p0 $0x5  }
0x26c: {  	_ =	swait.ge @!p0 [sflag:s0], $0x100  }
0x26d: {  	s1 =	simm.s32 @!p0 $0x100;
	[sflag:s0] =	ssyncset.done @!p0 $0x0  }
0x26e: {  	s10 =	simm.s32 @!p0 $0x4300;
	[sflag:s0] =	ssyncadd.s32 @!p0 $0xFFFFFF00;
	s0 =	simm.s32 @!p0 $0x80  }
0x26f: {  	[tilespmem:s10], [sflag:$0x2] =	stream.indirect.gather @!p0 [hbm4b:s5+s0], $0x40, s1, s0, $0xb8;
	[tilespmem:$0x18F00] =	vst v63  }
0x270: {  	p1 =	seq.s32 @!p0 s15, $0x0;
	s1 =	simm.s32 @!p0 $0x180;
	s10 =	simm.s32 @!p0 $0x6300  }
0x271: {  	[tilespmem:s10], [sflag:$0x2] =	stream.indirect.gather @!p0 [hbm4b:s5+s0], $0x40, s1, s0, $0xb8;
	[tilespmem:$0x18F00] =	vst v63  }
0x272: {  	p0 =	por p0, !p1  }
0x273: {  	_ =	swait.ge @p0 [sflag:s24], $0x2000  }
0x274: {  	[sflag:s24] =	ssyncset.done @p0 $0x0  }
0x275: {  	[sflag:s24] =	ssyncadd.s32 @p0 $0xFFFFE000  }
0x276: {  	_ =	swait.ge @p0 [sflag:s24], $0x2000  }
0x277: {  	[sflag:s24] =	ssyncset.done @p0 $0x0  }
0x278: {  	s23 =	simm.s32 $0x83F0;
	s22 =	simm.s32 $0x3;
	[sflag:s24] =	ssyncadd.s32 @p0 $0xFFFFE000  }
0x279: {  	v4 =	vmov s22;
	v5 =	vld [tilespmem:s23+$0xFFFFFFD0]  }
0x27a: {  	s31 =	simm.s32 $0x0;
	v21 =	vand.u32 $0x7F, v4  }
0x27b: {  	v4 =	vmov s31;
	v11 =	vadd.s32 v0, v21;
	s1 =	simm.s32 $0x1;
	v6 =	vld [tilespmem:s23+$0xFFFFFF10]  }
0x27c: {  	v8 =	vand.u32 $0x7C, v4;
	v4 =	vmov s1;
	v7 =	vld [tilespmem:s23+$0xFFFFFF50]  }
0x27d: {  	s10 =	simm.s32 $0x2;
	v10 =	vand.u32 $0x7D, v4  }
0x27e: {  	v9 =	vmov s10;
	v13 =	vadd.s32 v0, v10;
	v4 =	vld [tilespmem:s23+$0xFFFFFF90];
	v5 =	vmul.f32 $8.000000000e+00, v5  }
0x27f: {  	v12 =	vadd.s32 v0, v8;
	v9 =	vand.u32 $0x7E, v9  }
0x280: {  	v14 =	vadd.s32 v0, v9;
	[tilespmem:v11+s17+$0x0] =	vst.idx.msk $0xffff, v5  }
0x281: {  	v7 =	vmul.f32 $8.000000000e+00, v7;
	v5 =	vmul.f32 $8.000000000e+00, v6;
	v6 =	vld [tilespmem:s23+$0xFFFFFFE0];
	_ =	sdelay $0x1  }
0x282: {  	v15 =	vadd.s32 v1, v21;
	v4 =	vmul.f32 $8.000000000e+00, v4;
	[tilespmem:v13+s17+$0x0] =	vst.idx.msk $0xffff, v7  }
0x283: {  	v7 =	vld [tilespmem:s23+$0xFFFFFF60];
	[tilespmem:v12+s17+$0x0] =	vst.idx.msk $0xffff, v5  }
0x284: {  	[tilespmem:v14+s17+$0x0] =	vst.idx.msk $0xffff, v4;
	v19 =	vld [tilespmem:s23+$0xFFFFFF20]  }
0x285: {  	v20 =	vld [tilespmem:s23+$0xFFFFFFA0];
	v4 =	vmul.f32 $8.000000000e+00, v6  }
0x286: {  	s11 =	simm.s32 $0x4;
	s12 =	simm.s32 $0x7;
	s19 =	simm.s32 $0x84F0;
	v16 =	vadd.s32 v1, v10  }
0x287: {  	v17 =	vadd.s32 v1, v9;
	v23 =	vld [tilespmem:s19+$0xFFFFFFD0];
	v5 =	vmov s11;
	v6 =	vmov s12;
	[tilespmem:v15+s17+$0x0] =	vst.idx.msk $0xffff, v4  }
0x288: {  	v18 =	vadd.s32 v1, v8;
	v4 =	vand.u32 $0x7C, v5;
	v5 =	vand.u32 $0x7F, v6;
	v24 =	vld [tilespmem:s23+$0xFFFFFFF0]  }
0x289: {  	v26 =	vld [tilespmem:s19+$0xFFFFFF10];
	v25 =	vmul.f32 $8.000000000e+00, v19;
	v6 =	vmul.f32 $8.000000000e+00, v7;
	v19 =	vadd.s32 v0, v5  }
0x28a: {  	s22 =	simm.s32 $0x5;
	s31 =	simm.s32 $0x6;
	v27 =	vld [tilespmem:s19+$0xFFFFFF50];
	v7 =	vmul.f32 $8.000000000e+00, v20;
	v20 =	vadd.s32 v2, v21  }
0x28b: {  	v22 =	vmov s22;
	v28 =	vmov s31;
	v30 =	vld [tilespmem:s19+$0xFFFFFF90];
	v29 =	vadd.s32 v0, v4;
	[tilespmem:v16+s17+$0x0] =	vst.idx.msk $0xffff, v6  }
0x28c: {  	v6 =	vand.u32 $0x7D, v22;
	[tilespmem:v17+s17+$0x0] =	vst.idx.msk $0xffff, v7;
	v7 =	vand.u32 $0x7E, v28;
	v28 =	vmul.f32 $8.000000000e+00, v23  }
0x28d: {  	[tilespmem:v18+s17+$0x0] =	vst.idx.msk $0xffff, v25;
	v22 =	vadd.s32 v0, v6;
	v31 =	vld [tilespmem:s23+$0xFFFFFF70];
	v25 =	vmul.f32 $8.000000000e+00, v24  }
0x28e: {  	v33 =	vmul.f32 $8.000000000e+00, v26;
	v23 =	vadd.s32 v0, v7;
	[tilespmem:v19+s17+$0x0] =	vst.idx.msk $0xffff, v28;
	v28 =	vld [tilespmem:s23+$0xFFFFFF30]  }
0x28f: {  	v26 =	vadd.s32 v2, v10;
	v32 =	vld [tilespmem:s23+$0xFFFFFFB0];
	[tilespmem:v20+s17+$0x0] =	vst.idx.msk $0xffff, v25  }
0x290: {  	v27 =	vmul.f32 $8.000000000e+00, v27;
	[tilespmem:v29+s17+$0x0] =	vst.idx.msk $0xffff, v33;
	v29 =	vmul.f32 $8.000000000e+00, v30;
	v30 =	vadd.s32 v2, v8;
	v63 =	vld [tilespmem:s23+$0x0]  }
0x291: {  	v24 =	vadd.s32 v2, v9;
	v34 =	vld [tilespmem:s19+$0xFFFFFFE0]  }
0x292: {  	[tilespmem:v22+s17+$0x0] =	vst.idx.msk $0xffff, v27;
	v27 =	vmul.f32 $8.000000000e+00, v31  }
0x293: {  	v38 =	vld [tilespmem:s19+$0xFFFFFF20];
	v25 =	vadd.s32 v1, v5;
	[tilespmem:v23+s17+$0x0] =	vst.idx.msk $0xffff, v29;
	v28 =	vmul.f32 $8.000000000e+00, v28  }
0x294: {  	v21 =	vadd.s32 v3, v21;
	v29 =	vmul.f32 $8.000000000e+00, v32;
	v31 =	vld [tilespmem:s19+$0xFFFFFF60];
	[tilespmem:v26+s17+$0x0] =	vst.idx.msk $0xffff, v27  }
0x295: {  	s1 =	simm.s32 $0xB;
	v42 =	vadd.s32 v1, v4;
	v37 =	vld [tilespmem:s19+$0xFFFFFFA0];
	[tilespmem:v30+s17+$0x0] =	vst.idx.msk $0xffff, v28;
	v28 =	vmul.f32 $8.000000000e+00, v63  }
0x296: {  	s0 =	simm.s32 $0x8;
	v46 =	vmov s1;
	v40 =	vadd.s32 v1, v6;
	v36 =	vld [tilespmem:s23+$0xFFFFFF80];
	[tilespmem:v24+s17+$0x0] =	vst.idx.msk $0xffff, v29;
	v39 =	vmul.f32 $8.000000000e+00, v34  }
0x297: {  	v41 =	vadd.s32 v3, v9;
	v27 =	vmov s0;
	v34 =	vadd.s32 v1, v7;
	v35 =	vld [tilespmem:s23+$0xFFFFFFC0]  }
0x298: {  	s22 =	simm.s32 $0x85F0;
	v33 =	vmovc v8;
	v32 =	vand.u32 $0x7C, v27;
	v44 =	vmul.f32 $8.000000000e+00, v38;
	[tilespmem:v25+s17+$0x0] =	vst.idx.msk $0xffff, v39;
	v38 =	vld [tilespmem:s23+$0xFFFFFF40];
	v39 =	vadd.s32 v3, v10  }
0x299: {  	s10 =	simm.s32 $0x8;
	v43 =	vld [tilespmem:s22+$0xFFFFFFD0];
	v29 =	vmovc v7;
	v30 =	vmovc v6;
	s23 =	simm.s32 $0xC;
	v45 =	vmul.f32 $8.000000000e+00, v31;
	v31 =	vmov v5;
	[tilespmem:v21+s17+$0x0] =	vst.idx.msk $0xffff, v28;
	v28 =	vmov v4  }
.LBB2_19:
0x29a: {  	p0 =	slt.u32 s23, $0x7C;
	s11 =	sadd.s32 $0x1, s10;
	v46 =	vand.u32 $0x7F, v46;
	[tilespmem:v42+s17+$0x0] =	vst.idx.msk $0xffff, v44;
	v37 =	vmul.f32 $8.000000000e+00, v37;
	v42 =	vld [tilespmem:s19+$0xFFFFFFF0];
	v44 =	vadd.s32 v3, v33;
	v33 =	vmovc v28  }
0x29b: {  	v28 =	vmovc v32;
	v47 =	vld [tilespmem:s22+$0xFFFFFF10];
	v48 =	vmov s11;
	s11 =	sadd.s32 $0x2, s10;
	v49 =	vadd.s32 v0, v46;
	[tilespmem:v40+s17+$0x0] =	vst.idx.msk $0xffff, v45;
	v36 =	vmul.f32 $8.000000000e+00, v36;
	s10 =	smov.u32 s23  }
0x29c: {  	v32 =	vld [tilespmem:s22+$0xFFFFFF50];
	v40 =	vmov s11;
	[tilespmem:v34+s17+$0x0] =	vst.idx.msk $0xffff, v37;
	v34 =	vadd.s32 v2, v31;
	v35 =	vmul.f32 $8.000000000e+00, v35  }
0x29d: {  	v37 =	vadd.s32 v0, v28;
	v45 =	vand.u32 $0x7D, v48;
	v48 =	vld [tilespmem:s22+$0xFFFFFF90];
	v38 =	vmul.f32 $8.000000000e+00, v38;
	[tilespmem:v39+s17+$0x0] =	vst.idx.msk $0xffff, v36  }
0x29e: {  	v36 =	vadd.s32 v0, v45;
	v50 =	vand.u32 $0x7E, v40;
	v39 =	vmul.f32 $8.000000000e+00, v43;
	v40 =	vld [tilespmem:s19+$0xFFFFFF70];
	[tilespmem:v41+s17+$0x0] =	vst.idx.msk $0xffff, v35  }
0x29f: {  	v35 =	vadd.s32 v0, v50;
	v41 =	vld [tilespmem:s19+$0xFFFFFFB0];
	v42 =	vmul.f32 $8.000000000e+00, v42;
	[tilespmem:v44+s17+$0x0] =	vst.idx.msk $0xffff, v38  }
0x2a0: {  	v43 =	vadd.s32 v2, v30;
	v38 =	vmul.f32 $8.000000000e+00, v47;
	[tilespmem:v49+s17+$0x0] =	vst.idx.msk $0xffff, v39;
	v39 =	vld [tilespmem:s19+$0xFFFFFF30]  }
0x2a1: {  	v47 =	vadd.s32 v2, v29;
	v32 =	vmul.f32 $8.000000000e+00, v32;
	v44 =	vld [tilespmem:s22+$0xFFFFFFE0];
	[tilespmem:v34+s17+$0x0] =	vst.idx.msk $0xffff, v42  }
0x2a2: {  	[tilespmem:v37+s17+$0x0] =	vst.idx.msk $0xffff, v38;
	v34 =	vmul.f32 $8.000000000e+00, v48;
	v38 =	vadd.s32 v2, v33;
	v48 =	vld [tilespmem:s19+$0x0]  }
0x2a3: {  	v51 =	vadd.s32 v1, v46;
	v49 =	vld [tilespmem:s22+$0xFFFFFF20];
	[tilespmem:v36+s17+$0x0] =	vst.idx.msk $0xffff, v32;
	v32 =	vmul.f32 $8.000000000e+00, v40  }
0x2a4: {  	v53 =	vadd.s32 v3, v31;
	v31 =	vmov v46;
	v52 =	vld [tilespmem:s22+$0xFFFFFF60];
	[tilespmem:v35+s17+$0x0] =	vst.idx.msk $0xffff, v34;
	v34 =	vmul.f32 $8.000000000e+00, v41  }
.Ltmp8:
0x2a5: {  	v42 =	vadd.s32 v1, v28;
	v37 =	vld [tilespmem:s22+$0xFFFFFFA0];
	v35 =	vmul.f32 $8.000000000e+00, v39;
	[tilespmem:v43+s17+$0x0] =	vst.idx.msk $0xffff, v32;
	(pc) =	sbr.rel @p0 .LBB2_19-.Ltmp8, $4  }
0x2a6: {  	v40 =	vadd.s32 v1, v45;
	v39 =	vmul.f32 $8.000000000e+00, v44;
	v36 =	vld [tilespmem:s19+$0xFFFFFF80];
	[tilespmem:v47+s17+$0x0] =	vst.idx.msk $0xffff, v34  }
0x2a7: {  	v32 =	vmov s23;
	v34 =	vadd.s32 v1, v50;
	[tilespmem:v38+s17+$0x0] =	vst.idx.msk $0xffff, v35;
	v35 =	vld [tilespmem:s19+$0xFFFFFFC0];
	v47 =	vmul.f32 $8.000000000e+00, v48  }
0x2a8: {  	s11 =	sadd.s32 $0x3, s23;
	v32 =	vand.u32 $0x7C, v32;
	v44 =	vmul.f32 $8.000000000e+00, v49;
	[tilespmem:v51+s17+$0x0] =	vst.idx.msk $0xffff, v39;
	v38 =	vld [tilespmem:s19+$0xFFFFFF40];
	v39 =	vadd.s32 v3, v30;
	v30 =	vmovc v45;
	s19 =	smov.u32 s22;
	s22 =	sadd.s32 $0x100, s22  }
0x2a9: {  	v46 =	vmov s11;
	v41 =	vadd.s32 v3, v29;
	v29 =	vmovc v50;
	s23 =	sadd.s32 $0x4, s23;
	v43 =	vld [tilespmem:s22+$0xFFFFFFD0];
	v45 =	vmul.f32 $8.000000000e+00, v52;
	[tilespmem:v53+s17+$0x0] =	vst.idx.msk $0xffff, v47  }
0x2aa: {  	s11 =	sadd.s32 $0x1, s10  }
0x2ab: {  	v46 =	vand.u32 $0x7F, v46;
	s23 =	sadd.s32 $0x2, s10;
	v48 =	vld [tilespmem:s22+$0xFFFFFF50];
	v47 =	vmov s11  }
0x2ac: {  	v51 =	vld [tilespmem:s22+$0xFFFFFF90];
	v49 =	vadd.s32 v0, v46;
	v50 =	vmov s23;
	v47 =	vand.u32 $0x7D, v47  }
0x2ad: {  	v52 =	vld [tilespmem:s22+$0xFFFFFF10];
	v50 =	vand.u32 $0x7E, v50;
	v53 =	vadd.s32 v0, v47  }
0x2ae: {  	v54 =	vadd.s32 v0, v50  }
0x2af: {  	[tilespmem:v42+s17+$0x0] =	vst.idx.msk $0xffff, v44;
	v63 =	vadd.s32 v0, v32;
	v43 =	vmul.f32 $8.000000000e+00, v43  }
0x2b0: {  	[tilespmem:v40+s17+$0x0] =	vst.idx.msk $0xffff, v45;
	v48 =	vmul.f32 $8.000000000e+00, v48  }
0x2b1: {  	v59 =	vld [tilespmem:s19+$0xFFFFFFF0];
	[tilespmem:v49+s17+$0x0] =	vst.idx.msk $0xffff, v43;
	v49 =	vmul.f32 $8.000000000e+00, v51  }
0x2b2: {  	v51 =	vmul.f32 $8.000000000e+00, v52;
	v52 =	vld [tilespmem:s22+$0xFFFFFFE0];
	[tilespmem:v53+s17+$0x0] =	vst.idx.msk $0xffff, v48  }
0x2b3: {  	v37 =	vmul.f32 $8.000000000e+00, v37;
	v33 =	vadd.s32 v3, v33;
	[tilespmem:v54+s17+$0x0] =	vst.idx.msk $0xffff, v49;
	v53 =	vld [tilespmem:s22+$0xFFFFFF60]  }
0x2b4: {  	v36 =	vmul.f32 $8.000000000e+00, v36;
	v55 =	vadd.s32 v1, v46;
	[tilespmem:v63+s17+$0x0] =	vst.idx.msk $0xffff, v51;
	v43 =	vld [tilespmem:s22+$0xFFFFFFA0]  }
0x2b5: {  	[tilespmem:v34+s17+$0x0] =	vst.idx.msk $0xffff, v37;
	v56 =	vmul.f32 $8.000000000e+00, v35;
	v58 =	vadd.s32 v1, v47;
	v57 =	vld [tilespmem:s22+$0xFFFFFF20]  }
0x2b6: {  	v61 =	vld [tilespmem:s19+$0xFFFFFF70];
	v38 =	vmul.f32 $8.000000000e+00, v38;
	[tilespmem:v39+s17+$0x0] =	vst.idx.msk $0xffff, v36;
	v60 =	vadd.s32 v1, v50  }
0x2b7: {  	v62 =	vadd.s32 v1, v32;
	[tilespmem:v41+s17+$0x0] =	vst.idx.msk $0xffff, v56;
	v40 =	vmul.f32 $8.000000000e+00, v52  }
0x2b8: {  	[tilespmem:v33+s17+$0x0] =	vst.idx.msk $0xffff, v38;
	v63 =	vld [tilespmem:s19+$0xFFFFFFB0];
	v54 =	vadd.s32 v2, v30;
	v52 =	vmul.f32 $8.000000000e+00, v53  }
0x2b9: {  	v41 =	vadd.s32 v2, v31;
	v53 =	vld [tilespmem:s19+$0xFFFFFF30];
	[tilespmem:v55+s17+$0x0] =	vst.idx.msk $0xffff, v40;
	v55 =	vmul.f32 $8.000000000e+00, v43  }
0x2ba: {  	v56 =	vadd.s32 v2, v29;
	v35 =	vmul.f32 $8.000000000e+00, v57;
	v57 =	vld [tilespmem:s22+$0xFFFFFFF0];
	[tilespmem:v58+s17+$0x0] =	vst.idx.msk $0xffff, v52  }
0x2bb: {  	v39 =	vmul.f32 $8.000000000e+00, v61;
	v58 =	vmul.f32 $8.000000000e+00, v59;
	v59 =	vadd.s32 v2, v28;
	[tilespmem:v60+s17+$0x0] =	vst.idx.msk $0xffff, v55;
	v60 =	vld [tilespmem:s22+$0xFFFFFF70]  }
0x2bc: {  	v61 =	vadd.s32 v2, v46;
	[tilespmem:v62+s17+$0x0] =	vst.idx.msk $0xffff, v35;
	v62 =	vld [tilespmem:s22+$0xFFFFFFB0]  }
0x2bd: {  	v49 =	vadd.s32 v2, v47;
	v63 =	vmul.f32 $8.000000000e+00, v63;
	[tilespmem:v54+s17+$0x0] =	vst.idx.msk $0xffff, v39;
	v48 =	vld [tilespmem:s22+$0xFFFFFF30]  }
0x2be: {  	v45 =	vld [tilespmem:s19+$0xFFFFFF80];
	v52 =	vadd.s32 v2, v50;
	[tilespmem:v41+s17+$0x0] =	vst.idx.msk $0xffff, v58;
	v38 =	vmul.f32 $8.000000000e+00, v53  }
0x2bf: {  	v54 =	vadd.s32 v2, v32;
	[tilespmem:v56+s17+$0x0] =	vst.idx.msk $0xffff, v63;
	v51 =	vld [tilespmem:s19+$0x0];
	v53 =	vmul.f32 $8.000000000e+00, v57  }
0x2c0: {  	v56 =	vld [tilespmem:s19+$0xFFFFFFC0];
	v57 =	vadd.s32 v3, v30;
	[tilespmem:v59+s17+$0x0] =	vst.idx.msk $0xffff, v38;
	v36 =	vmul.f32 $8.000000000e+00, v60  }
0x2c1: {  	v55 =	vadd.s32 v3, v31;
	v38 =	vld [tilespmem:s19+$0xFFFFFF40];
	[tilespmem:v61+s17+$0x0] =	vst.idx.msk $0xffff, v53;
	v58 =	vmul.f32 $8.000000000e+00, v62  }
0x2c2: {  	v59 =	vadd.s32 v3, v29;
	v60 =	vmul.f32 $8.000000000e+00, v48;
	v34 =	vld [tilespmem:s22+$0x0];
	[tilespmem:v49+s17+$0x0] =	vst.idx.msk $0xffff, v36  }
0x2c3: {  	v43 =	vmul.f32 $8.000000000e+00, v45;
	v62 =	vadd.s32 v3, v28;
	[tilespmem:v52+s17+$0x0] =	vst.idx.msk $0xffff, v58;
	v63 =	vld [tilespmem:s22+$0xFFFFFF80]  }
0x2c4: {  	v44 =	vadd.s32 v3, v46;
	v61 =	vmul.f32 $8.000000000e+00, v51;
	[tilespmem:v54+s17+$0x0] =	vst.idx.msk $0xffff, v60;
	v45 =	vld [tilespmem:s22+$0xFFFFFFC0]  }
0x2c5: {  	v46 =	vmul.f32 $8.000000000e+00, v56;
	v49 =	vadd.s32 v3, v47;
	v48 =	vld [tilespmem:s22+$0xFFFFFF40];
	[tilespmem:v57+s17+$0x0] =	vst.idx.msk $0xffff, v43  }
0x2c6: {  	v51 =	vadd.s32 v3, v50;
	[tilespmem:v55+s17+$0x0] =	vst.idx.msk $0xffff, v61;
	v38 =	vmul.f32 $8.000000000e+00, v38  }
0x2c7: {  	v53 =	vadd.s32 v3, v32;
	[tilespmem:v59+s17+$0x0] =	vst.idx.msk $0xffff, v46;
	v52 =	vmul.f32 $8.000000000e+00, v34  }
0x2c8: {  	[tilespmem:v62+s17+$0x0] =	vst.idx.msk $0xffff, v38;
	v54 =	vmul.f32 $8.000000000e+00, v63  }
0x2c9: {  	[tilespmem:v44+s17+$0x0] =	vst.idx.msk $0xffff, v52;
	v55 =	vmul.f32 $8.000000000e+00, v45  }
0x2ca: {  	v56 =	vmul.f32 $8.000000000e+00, v48;
	[tilespmem:v49+s17+$0x0] =	vst.idx.msk $0xffff, v54  }
0x2cb: {  	[tilespmem:v51+s17+$0x0] =	vst.idx.msk $0xffff, v55  }
0x2cc: {  	s31 =	simm.s32 $0xA3F0;
	[tilespmem:v53+s17+$0x0] =	vst.idx.msk $0xffff, v56  }
0x2cd: {  	v28 =	vld [tilespmem:s31+$0xFFFFFFD0];
	_ =	sdelay $0x3  }
0x2ce: {  	v29 =	vld [tilespmem:s31+$0xFFFFFF50]  }
0x2cf: {  	v30 =	vld [tilespmem:s31+$0xFFFFFF90];
	v28 =	vmul.f32 $8.000000000e+00, v28  }
0x2d0: {  	v31 =	vld [tilespmem:s31+$0xFFFFFF10]  }
0x2d1: {  	[tilespmem:v11+s6+$0x0] =	vst.idx.msk $0xffff, v28  }
0x2d2: {  	v11 =	vld [tilespmem:s31+$0xFFFFFFE0]  }
0x2d3: {  	v57 =	vmul.f32 $8.000000000e+00, v29  }
0x2d4: {  	v58 =	vmul.f32 $8.000000000e+00, v30  }
0x2d5: {  	v59 =	vmul.f32 $8.000000000e+00, v31;
	[tilespmem:v13+s6+$0x0] =	vst.idx.msk $0xffff, v57  }
0x2d6: {  	[tilespmem:v14+s6+$0x0] =	vst.idx.msk $0xffff, v58;
	v13 =	vld [tilespmem:s31+$0xFFFFFF60]  }
0x2d7: {  	[tilespmem:v12+s6+$0x0] =	vst.idx.msk $0xffff, v59;
	v12 =	vld [tilespmem:s31+$0xFFFFFFA0];
	v11 =	vmul.f32 $8.000000000e+00, v11  }
0x2d8: {  	s19 =	simm.s32 $0xA4F0;
	v14 =	vld [tilespmem:s31+$0xFFFFFF20]  }
0x2d9: {  	[tilespmem:v15+s6+$0x0] =	vst.idx.msk $0xffff, v11;
	v11 =	vld [tilespmem:s19+$0xFFFFFFD0]  }
0x2da: {  	v15 =	vld [tilespmem:s31+$0xFFFFFFF0]  }
0x2db: {  	v60 =	vld [tilespmem:s19+$0xFFFFFF10];
	v13 =	vmul.f32 $8.000000000e+00, v13  }
0x2dc: {  	v61 =	vld [tilespmem:s19+$0xFFFFFF50];
	v12 =	vmul.f32 $8.000000000e+00, v12  }
0x2dd: {  	v14 =	vmul.f32 $8.000000000e+00, v14;
	[tilespmem:v16+s6+$0x0] =	vst.idx.msk $0xffff, v13;
	v13 =	vadd.s32 v0, v4;
	v16 =	vld [tilespmem:s19+$0xFFFFFF90]  }
0x2de: {  	[tilespmem:v17+s6+$0x0] =	vst.idx.msk $0xffff, v12;
	v12 =	vld [tilespmem:s31+$0xFFFFFF70];
	v11 =	vmul.f32 $8.000000000e+00, v11  }
0x2df: {  	[tilespmem:v18+s6+$0x0] =	vst.idx.msk $0xffff, v14;
	v14 =	vld [tilespmem:s31+$0xFFFFFFB0];
	v15 =	vmul.f32 $8.000000000e+00, v15  }
0x2e0: {  	v17 =	vmul.f32 $8.000000000e+00, v60;
	[tilespmem:v19+s6+$0x0] =	vst.idx.msk $0xffff, v11;
	v11 =	vld [tilespmem:s31+$0xFFFFFF30]  }
0x2e1: {  	v18 =	vmul.f32 $8.000000000e+00, v61;
	v19 =	vld [tilespmem:s19+$0xFFFFFFE0];
	[tilespmem:v20+s6+$0x0] =	vst.idx.msk $0xffff, v15  }
0x2e2: {  	[tilespmem:v13+s6+$0x0] =	vst.idx.msk $0xffff, v17;
	v13 =	vmul.f32 $8.000000000e+00, v16;
	v15 =	vadd.s32 v2, v8;
	v20 =	vld [tilespmem:s31+$0x0]  }
0x2e3: {  	[tilespmem:v22+s6+$0x0] =	vst.idx.msk $0xffff, v18;
	v62 =	vld [tilespmem:s19+$0xFFFFFF20];
	v12 =	vmul.f32 $8.000000000e+00, v12  }
0x2e4: {  	v22 =	vld [tilespmem:s19+$0xFFFFFF60];
	[tilespmem:v23+s6+$0x0] =	vst.idx.msk $0xffff, v13;
	v13 =	vmul.f32 $8.000000000e+00, v14  }
0x2e5: {  	v18 =	vadd.s32 v1, v4;
	v16 =	vld [tilespmem:s19+$0xFFFFFFA0];
	[tilespmem:v26+s6+$0x0] =	vst.idx.msk $0xffff, v12;
	v11 =	vmul.f32 $8.000000000e+00, v11  }
0x2e6: {  	v17 =	vadd.s32 v1, v6;
	v14 =	vld [tilespmem:s31+$0xFFFFFF80];
	[tilespmem:v24+s6+$0x0] =	vst.idx.msk $0xffff, v13;
	v19 =	vmul.f32 $8.000000000e+00, v19  }
0x2e7: {  	v12 =	vadd.s32 v1, v7;
	v13 =	vld [tilespmem:s31+$0xFFFFFFC0];
	[tilespmem:v15+s6+$0x0] =	vst.idx.msk $0xffff, v11;
	v63 =	vmul.f32 $8.000000000e+00, v20  }
0x2e8: {  	v10 =	vadd.s32 v3, v10;
	v9 =	vadd.s32 v3, v9;
	s22 =	simm.s32 $0xA5F0;
	v20 =	vmul.f32 $8.000000000e+00, v62;
	[tilespmem:v25+s6+$0x0] =	vst.idx.msk $0xffff, v19;
	v15 =	vld [tilespmem:s31+$0xFFFFFF40]  }
0x2e9: {  	v23 =	vmov s1;
	s1 =	simm.s32 $0xC;
	v22 =	vmul.f32 $8.000000000e+00, v22;
	v11 =	vand.u32 $0x7C, v27;
	v19 =	vld [tilespmem:s22+$0xFFFFFFD0];
	[tilespmem:v21+s6+$0x0] =	vst.idx.msk $0xffff, v63  }
.LBB2_21:
0x2ea: {  	p0 =	slt.u32 s1, $0x7C;
	s10 =	sadd.s32 $0x1, s0;
	v21 =	vand.u32 $0x7F, v23;
	[tilespmem:v18+s6+$0x0] =	vst.idx.msk $0xffff, v20;
	v16 =	vmul.f32 $8.000000000e+00, v16;
	v18 =	vld [tilespmem:s19+$0xFFFFFFF0];
	v20 =	vadd.s32 v3, v8;
	v8 =	vmovc v4  }
0x2eb: {  	v4 =	vmovc v11;
	v23 =	vld [tilespmem:s22+$0xFFFFFF10];
	v24 =	vmov s10;
	s10 =	sadd.s32 $0x2, s0;
	v25 =	vadd.s32 v0, v21;
	[tilespmem:v17+s6+$0x0] =	vst.idx.msk $0xffff, v22;
	v14 =	vmul.f32 $8.000000000e+00, v14;
	s0 =	smov.u32 s1  }
0x2ec: {  	v11 =	vld [tilespmem:s22+$0xFFFFFF50];
	v17 =	vmov s10;
	[tilespmem:v12+s6+$0x0] =	vst.idx.msk $0xffff, v16;
	v12 =	vadd.s32 v2, v5;
	v13 =	vmul.f32 $8.000000000e+00, v13  }
0x2ed: {  	v16 =	vadd.s32 v0, v4;
	v22 =	vand.u32 $0x7D, v24;
	v24 =	vld [tilespmem:s22+$0xFFFFFF90];
	v15 =	vmul.f32 $8.000000000e+00, v15;
	[tilespmem:v10+s6+$0x0] =	vst.idx.msk $0xffff, v14  }
0x2ee: {  	v10 =	vadd.s32 v0, v22;
	v26 =	vand.u32 $0x7E, v17;
	v14 =	vmul.f32 $8.000000000e+00, v19;
	v17 =	vld [tilespmem:s19+$0xFFFFFF70];
	[tilespmem:v9+s6+$0x0] =	vst.idx.msk $0xffff, v13  }
0x2ef: {  	v9 =	vadd.s32 v0, v26;
	v13 =	vld [tilespmem:s19+$0xFFFFFFB0];
	v18 =	vmul.f32 $8.000000000e+00, v18;
	[tilespmem:v20+s6+$0x0] =	vst.idx.msk $0xffff, v15  }
0x2f0: {  	v19 =	vadd.s32 v2, v6;
	v15 =	vmul.f32 $8.000000000e+00, v23;
	[tilespmem:v25+s6+$0x0] =	vst.idx.msk $0xffff, v14;
	v14 =	vld [tilespmem:s19+$0xFFFFFF30]  }
0x2f1: {  	v23 =	vadd.s32 v2, v7;
	v11 =	vmul.f32 $8.000000000e+00, v11;
	v20 =	vld [tilespmem:s22+$0xFFFFFFE0];
	[tilespmem:v12+s6+$0x0] =	vst.idx.msk $0xffff, v18  }
0x2f2: {  	[tilespmem:v16+s6+$0x0] =	vst.idx.msk $0xffff, v15;
	v12 =	vmul.f32 $8.000000000e+00, v24;
	v15 =	vadd.s32 v2, v8;
	v24 =	vld [tilespmem:s19+$0x0]  }
0x2f3: {  	v25 =	vld [tilespmem:s22+$0xFFFFFF20];
	[tilespmem:v10+s6+$0x0] =	vst.idx.msk $0xffff, v11;
	v10 =	vadd.s32 v1, v21;
	v11 =	vmul.f32 $8.000000000e+00, v17  }
0x2f4: {  	v28 =	vadd.s32 v3, v5;
	v5 =	vmov v21;
	v27 =	vld [tilespmem:s22+$0xFFFFFF60];
	[tilespmem:v9+s6+$0x0] =	vst.idx.msk $0xffff, v12;
	v9 =	vmul.f32 $8.000000000e+00, v13  }
.Ltmp9:
0x2f5: {  	v18 =	vadd.s32 v1, v4;
	v16 =	vld [tilespmem:s22+$0xFFFFFFA0];
	v13 =	vmul.f32 $8.000000000e+00, v14;
	[tilespmem:v19+s6+$0x0] =	vst.idx.msk $0xffff, v11;
	(pc) =	sbr.rel @p0 .LBB2_21-.Ltmp9, $4  }
0x2f6: {  	v17 =	vadd.s32 v1, v22;
	v19 =	vmul.f32 $8.000000000e+00, v20;
	v14 =	vld [tilespmem:s19+$0xFFFFFF80];
	[tilespmem:v23+s6+$0x0] =	vst.idx.msk $0xffff, v9  }
0x2f7: {  	v12 =	vadd.s32 v1, v26;
	v9 =	vmov s1;
	[tilespmem:v15+s6+$0x0] =	vst.idx.msk $0xffff, v13;
	v13 =	vld [tilespmem:s19+$0xFFFFFFC0];
	v21 =	vmul.f32 $8.000000000e+00, v24  }
0x2f8: {  	s10 =	sadd.s32 $0x3, s1;
	v11 =	vand.u32 $0x7C, v9;
	v20 =	vmul.f32 $8.000000000e+00, v25;
	[tilespmem:v10+s6+$0x0] =	vst.idx.msk $0xffff, v19;
	v15 =	vld [tilespmem:s19+$0xFFFFFF40];
	v10 =	vadd.s32 v3, v6;
	v6 =	vmovc v22;
	s19 =	smov.u32 s22;
	s22 =	sadd.s32 $0x100, s22  }
0x2f9: {  	v23 =	vmov s10;
	s1 =	sadd.s32 $0x4, s1;
	v9 =	vadd.s32 v3, v7;
	v7 =	vmovc v26;
	v19 =	vld [tilespmem:s22+$0xFFFFFFD0];
	v22 =	vmul.f32 $8.000000000e+00, v27;
	[tilespmem:v28+s6+$0x0] =	vst.idx.msk $0xffff, v21  }
0x2fa: {  	s1 =	sadd.s32 $0x1, s0;
	v21 =	vand.u32 $0x7F, v23;
	v28 =	vld [tilespmem:s22+$0xFFFFFF10]  }
0x2fb: {  	s12 =	sadd.s32 $0x2, s0;
	v24 =	vld [tilespmem:s22+$0xFFFFFF50];
	v48 =	vmov s1;
	v25 =	vadd.s32 v0, v21  }
0x2fc: {  	v27 =	vld [tilespmem:s22+$0xFFFFFF90];
	v49 =	vadd.s32 v0, v11;
	v26 =	vmov s12;
	v23 =	vand.u32 $0x7D, v48  }
0x2fd: {  	v26 =	vand.u32 $0x7E, v26;
	v29 =	vadd.s32 v0, v23  }
0x2fe: {  	[tilespmem:v18+s6+$0x0] =	vst.idx.msk $0xffff, v20;
	v30 =	vadd.s32 v0, v26;
	v19 =	vmul.f32 $8.000000000e+00, v19  }
0x2ff: {  	[tilespmem:v17+s6+$0x0] =	vst.idx.msk $0xffff, v22;
	v52 =	vmul.f32 $8.000000000e+00, v28  }
0x300: {  	v50 =	vmul.f32 $8.000000000e+00, v24;
	[tilespmem:v25+s6+$0x0] =	vst.idx.msk $0xffff, v19  }
0x301: {  	v51 =	vmul.f32 $8.000000000e+00, v27;
	v53 =	vld [tilespmem:s22+$0xFFFFFFE0];
	[tilespmem:v49+s6+$0x0] =	vst.idx.msk $0xffff, v52  }
0x302: {  	v16 =	vmul.f32 $8.000000000e+00, v16;
	v8 =	vadd.s32 v3, v8;
	[tilespmem:v29+s6+$0x0] =	vst.idx.msk $0xffff, v50;
	v57 =	vld [tilespmem:s22+$0xFFFFFF20]  }
0x303: {  	v14 =	vmul.f32 $8.000000000e+00, v14;
	v55 =	vadd.s32 v1, v21;
	[tilespmem:v30+s6+$0x0] =	vst.idx.msk $0xffff, v51;
	v54 =	vld [tilespmem:s22+$0xFFFFFF60]  }
0x304: {  	v62 =	vadd.s32 v1, v11;
	[tilespmem:v12+s6+$0x0] =	vst.idx.msk $0xffff, v16;
	v56 =	vmul.f32 $8.000000000e+00, v13;
	v19 =	vld [tilespmem:s22+$0xFFFFFFA0]  }
0x305: {  	v59 =	vld [tilespmem:s19+$0xFFFFFFF0];
	v58 =	vadd.s32 v1, v23;
	v15 =	vmul.f32 $8.000000000e+00, v15;
	[tilespmem:v10+s6+$0x0] =	vst.idx.msk $0xffff, v14  }
0x306: {  	v31 =	vld [tilespmem:s19+$0xFFFFFF30];
	v60 =	vadd.s32 v1, v26;
	[tilespmem:v9+s6+$0x0] =	vst.idx.msk $0xffff, v56;
	v63 =	vmul.f32 $8.000000000e+00, v53  }
0x307: {  	v28 =	vadd.s32 v2, v5;
	[tilespmem:v8+s6+$0x0] =	vst.idx.msk $0xffff, v15;
	v29 =	vld [tilespmem:s19+$0xFFFFFFB0];
	v13 =	vmul.f32 $8.000000000e+00, v57  }
0x308: {  	v37 =	vadd.s32 v2, v4;
	v61 =	vld [tilespmem:s19+$0xFFFFFF70];
	v30 =	vmul.f32 $8.000000000e+00, v54;
	[tilespmem:v55+s6+$0x0] =	vst.idx.msk $0xffff, v63  }
0x309: {  	v34 =	vadd.s32 v2, v7;
	v33 =	vmul.f32 $8.000000000e+00, v19;
	v35 =	vld [tilespmem:s22+$0xFFFFFFF0];
	[tilespmem:v62+s6+$0x0] =	vst.idx.msk $0xffff, v13  }
0x30a: {  	v32 =	vadd.s32 v2, v6;
	v36 =	vmul.f32 $8.000000000e+00, v59;
	[tilespmem:v58+s6+$0x0] =	vst.idx.msk $0xffff, v30;
	v43 =	vld [tilespmem:s22+$0xFFFFFF30]  }
0x30b: {  	v40 =	vadd.s32 v2, v21;
	v15 =	vmul.f32 $8.000000000e+00, v31;
	[tilespmem:v60+s6+$0x0] =	vst.idx.msk $0xffff, v33;
	v38 =	vld [tilespmem:s22+$0xFFFFFF70]  }
0x30c: {  	v48 =	vadd.s32 v2, v11;
	[tilespmem:v28+s6+$0x0] =	vst.idx.msk $0xffff, v36;
	v42 =	vmul.f32 $8.000000000e+00, v29;
	v41 =	vld [tilespmem:s22+$0xFFFFFFB0]  }
0x30d: {  	v44 =	vadd.s32 v2, v23;
	v39 =	vmul.f32 $8.000000000e+00, v61;
	[tilespmem:v37+s6+$0x0] =	vst.idx.msk $0xffff, v15;
	v45 =	vld [tilespmem:s19+$0x0]  }
0x30e: {  	v46 =	vadd.s32 v2, v26;
	v16 =	vld [tilespmem:s19+$0xFFFFFF40];
	[tilespmem:v34+s6+$0x0] =	vst.idx.msk $0xffff, v42;
	v47 =	vmul.f32 $8.000000000e+00, v35  }
0x30f: {  	v5 =	vadd.s32 v3, v5;
	[tilespmem:v32+s6+$0x0] =	vst.idx.msk $0xffff, v39;
	v49 =	vld [tilespmem:s19+$0xFFFFFFC0];
	v53 =	vmul.f32 $8.000000000e+00, v43  }
0x310: {  	v4 =	vadd.s32 v3, v4;
	v22 =	vld [tilespmem:s19+$0xFFFFFF80];
	v10 =	vmul.f32 $8.000000000e+00, v38;
	[tilespmem:v40+s6+$0x0] =	vst.idx.msk $0xffff, v47  }
0x311: {  	v52 =	vadd.s32 v3, v7;
	v51 =	vmul.f32 $8.000000000e+00, v41;
	v9 =	vld [tilespmem:s22+$0x0];
	[tilespmem:v48+s6+$0x0] =	vst.idx.msk $0xffff, v53  }
0x312: {  	v50 =	vadd.s32 v3, v6;
	v54 =	vmul.f32 $8.000000000e+00, v45;
	[tilespmem:v44+s6+$0x0] =	vst.idx.msk $0xffff, v10;
	v59 =	vld [tilespmem:s22+$0xFFFFFF40]  }
0x313: {  	v57 =	vadd.s32 v3, v21;
	v16 =	vmul.f32 $8.000000000e+00, v16;
	[tilespmem:v46+s6+$0x0] =	vst.idx.msk $0xffff, v51;
	v55 =	vld [tilespmem:s22+$0xFFFFFF80]  }
0x314: {  	v62 =	vadd.s32 v3, v11;
	[tilespmem:v5+s6+$0x0] =	vst.idx.msk $0xffff, v54;
	v5 =	vmul.f32 $8.000000000e+00, v49;
	v58 =	vld [tilespmem:s22+$0xFFFFFFC0]  }
0x315: {  	v56 =	vmul.f32 $8.000000000e+00, v22;
	v60 =	vadd.s32 v3, v23;
	[tilespmem:v4+s6+$0x0] =	vst.idx.msk $0xffff, v16  }
0x316: {  	v61 =	vadd.s32 v3, v26;
	[tilespmem:v52+s6+$0x0] =	vst.idx.msk $0xffff, v5;
	v5 =	vmul.f32 $8.000000000e+00, v9  }
0x317: {  	[tilespmem:v50+s6+$0x0] =	vst.idx.msk $0xffff, v56;
	s22 =	sadd.s32 s16, s14;
	v63 =	vmul.f32 $8.000000000e+00, v59  }
0x318: {  	s23 =	sshll.u32 s22, $0x7;
	v4 =	vmul.f32 $8.000000000e+00, v55;
	[tilespmem:v57+s6+$0x0] =	vst.idx.msk $0xffff, v5  }
0x319: {  	s10 =	sshll.u32 s22, $0xA;
	s0 =	sand.u32 $0xF00, s23;
	v5 =	vmul.f32 $8.000000000e+00, v58;
	[tilespmem:v62+s6+$0x0] =	vst.idx.msk $0xffff, v63  }
0x31a: {  	s1 =	sand.u32 $0xFFF8000, s10;
	s31 =	sadd.s32 s2, s0;
	[tilespmem:v60+s6+$0x0] =	vst.idx.msk $0xffff, v4  }
0x31b: {  	s11 =	simm.s32 $0x14B00;
	s12 =	sadd.s32 s1, s31;
	[tilespmem:v61+s6+$0x0] =	vst.idx.msk $0xffff, v5  }
0x31c: {  	[hbm4b:s12+s3] =	stream.linear.scatter [tilespmem:s11], [sflag:$0x9], $0x80, $0x38;
	[tilespmem:$0x18F00] =	vst v63  }
0x31d: {  	s16 =	simm.s32 $0x14B88;
	s11 =	sadd.s32 $0x10, s12  }
0x31e: {  	[hbm4b:s11+s3] =	stream.linear.scatter [tilespmem:s16], [sflag:$0x9], $0x80, $0x38;
	[tilespmem:$0x18F00] =	vst v63  }
0x31f: {  	s19 =	simm.s32 $0x14C10;
	s23 =	simm.s32 $0x14C98;
	s22 =	sadd.s32 $0x20, s12  }
0x320: {  	[hbm4b:s22+s3] =	stream.linear.scatter [tilespmem:s19], [sflag:$0x9], $0x80, $0x38;
	[tilespmem:$0x18F00] =	vst v63  }
0x321: {  	s10 =	simm.s32 $0x440;
	s31 =	sadd.s32 $0x30, s12;
	s11 =	simm.s32 $0x14D20  }
0x322: {  	[hbm4b:s31+s3] =	stream.linear.scatter [tilespmem:s23], [sflag:$0x9], $0x80, $0x38;
	[tilespmem:$0x18F00] =	vst v63  }
0x323: {  	s16 =	sadd.s32 $0x40, s12;
	s19 =	simm.s32 $0x14DA8;
	s22 =	sadd.s32 $0x50, s12  }
0x324: {  	[hbm4b:s16+s3] =	stream.linear.scatter [tilespmem:s11], [sflag:$0x9], $0x80, $0x38;
	[tilespmem:$0x18F00] =	vst v63  }
0x325: {  	s23 =	simm.s32 $0x14E30;
	s31 =	sadd.s32 $0x60, s12;
	s11 =	sadd.s32 $0x70, s12  }
0x326: {  	[hbm4b:s22+s3] =	stream.linear.scatter [tilespmem:s19], [sflag:$0x9], $0x80, $0x38;
	[tilespmem:$0x18F00] =	vst v63  }
0x327: {  	s16 =	sadd.s32 $0x1000, s12;
	s19 =	simm.s32 $0x2200;
	s22 =	simm.s32 $0x14EB8  }
0x328: {  	[hbm4b:s31+s3] =	stream.linear.scatter [tilespmem:s23], [sflag:$0x9], $0x80, $0x38;
	[tilespmem:$0x18F00] =	vst v63  }
.LBB2_23:
0x329: {  	[hbm4b:s11+s3] =	stream.linear.scatter [tilespmem:s22], [sflag:$0x9], $0x80, $0x38;
	[tilespmem:$0x18F00] =	vst v63  }
0x32a: {  	s11 =	smov.u32 s10;
	s10 =	smov.u32 s19  }
0x32b: {  	s12 =	sadd.s32 $0x1100, s19;
	s10 =	sshra.s32 s10, $0x2;
	s22 =	sadd.s32 $0x14B00, s11  }
0x32c: {  	[hbm4b:s16+s3] =	stream.linear.scatter [tilespmem:s22], [sflag:$0x9], $0x80, $0x38;
	[tilespmem:$0x18F00] =	vst v63  }
0x32d: {  	p0 =	sne.s32 s19, $0x7700;
	s19 =	sadd.s32 $0x14B88, s11;
	s22 =	sadd.s32 $0x10, s16  }
0x32e: {  	[hbm4b:s22+s3] =	stream.linear.scatter [tilespmem:s19], [sflag:$0x9], $0x80, $0x38;
	[tilespmem:$0x18F00] =	vst v63  }
0x32f: {  	s19 =	sadd.s32 $0x14C10, s11;
	s22 =	sadd.s32 $0x20, s16  }
0x330: {  	[hbm4b:s22+s3] =	stream.linear.scatter [tilespmem:s19], [sflag:$0x9], $0x80, $0x38;
	[tilespmem:$0x18F00] =	vst v63  }
0x331: {  	s19 =	sadd.s32 $0x14C98, s11;
	s22 =	sadd.s32 $0x30, s16  }
0x332: {  	[hbm4b:s22+s3] =	stream.linear.scatter [tilespmem:s19], [sflag:$0x9], $0x80, $0x38;
	[tilespmem:$0x18F00] =	vst v63  }
0x333: {  	s19 =	sadd.s32 $0x14D20, s11;
	s22 =	sadd.s32 $0x40, s16  }
0x334: {  	[hbm4b:s22+s3] =	stream.linear.scatter [tilespmem:s19], [sflag:$0x9], $0x80, $0x38;
	[tilespmem:$0x18F00] =	vst v63  }
0x335: {  	s19 =	sadd.s32 $0x14DA8, s11;
	s22 =	sadd.s32 $0x50, s16  }
0x336: {  	[hbm4b:s22+s3] =	stream.linear.scatter [tilespmem:s19], [sflag:$0x9], $0x80, $0x38;
	[tilespmem:$0x18F00] =	vst v63  }
.Ltmp10:
0x337: {  	_ = 	snop;
	(pc) =	sbr.rel @p0 .LBB2_23-.Ltmp10, $4  }
0x338: {  	s19 =	sadd.s32 $0x14E30, s11;
	s22 =	sadd.s32 $0x60, s16  }
0x339: {  	[hbm4b:s22+s3] =	stream.linear.scatter [tilespmem:s19], [sflag:$0x9], $0x80, $0x38;
	[tilespmem:$0x18F00] =	vst v63  }
0x33a: {  	s22 =	sadd.s32 $0x14EB8, s11  }
0x33b: {  	s11 =	sadd.s32 $0x70, s16;
	s16 =	sadd.s32 $0x1000, s16;
	s19 =	smov.u32 s12  }
0x33c: {  	[hbm4b:s11+s3] =	stream.linear.scatter [tilespmem:s22], [sflag:$0x9], $0x80, $0x38;
	[tilespmem:$0x18F00] =	vst v63  }
0x33d: {  	s19 =	sadd.s32 $0x14B00, s10  }
0x33e: {  	[hbm4b:s16+s3] =	stream.linear.scatter [tilespmem:s19], [sflag:$0x9], $0x80, $0x38;
	[tilespmem:$0x18F00] =	vst v63  }
0x33f: {  	s22 =	sadd.s32 $0x14B88, s10;
	s12 =	sadd.s32 $0x10, s16  }
0x340: {  	[hbm4b:s12+s3] =	stream.linear.scatter [tilespmem:s22], [sflag:$0x9], $0x80, $0x38;
	[tilespmem:$0x18F00] =	vst v63  }
0x341: {  	s23 =	sadd.s32 $0x14C10, s10;
	s31 =	sadd.s32 $0x20, s16  }
0x342: {  	[hbm4b:s31+s3] =	stream.linear.scatter [tilespmem:s23], [sflag:$0x9], $0x80, $0x38;
	[tilespmem:$0x18F00] =	vst v63  }
0x343: {  	s19 =	sadd.s32 $0x14C98, s10;
	s22 =	sadd.s32 $0x30, s16  }
0x344: {  	[hbm4b:s22+s3] =	stream.linear.scatter [tilespmem:s19], [sflag:$0x9], $0x80, $0x38;
	[tilespmem:$0x18F00] =	vst v63  }
0x345: {  	s23 =	sadd.s32 $0x14D20, s10;
	s31 =	sadd.s32 $0x40, s16  }
0x346: {  	[hbm4b:s31+s3] =	stream.linear.scatter [tilespmem:s23], [sflag:$0x9], $0x80, $0x38;
	[tilespmem:$0x18F00] =	vst v63  }
0x347: {  	s19 =	sadd.s32 $0x14DA8, s10;
	s22 =	sadd.s32 $0x50, s16  }
0x348: {  	[hbm4b:s22+s3] =	stream.linear.scatter [tilespmem:s19], [sflag:$0x9], $0x80, $0x38;
	[tilespmem:$0x18F00] =	vst v63  }
0x349: {  	s1 =	sadd.s32 s2, s1;
	s23 =	sadd.s32 $0x14E30, s10;
	s31 =	sadd.s32 $0x60, s16  }
0x34a: {  	[hbm4b:s31+s3] =	stream.linear.scatter [tilespmem:s23], [sflag:$0x9], $0x80, $0x38;
	[tilespmem:$0x18F00] =	vst v63  }
0x34b: {  	s11 =	sadd.s32 $0x14EB8, s10;
	s0 =	sadd.s32 s0, s1;
	s12 =	sadd.s32 $0x70, s16  }
0x34c: {  	[hbm4b:s12+s3] =	stream.linear.scatter [tilespmem:s11], [sflag:$0x9], $0x80, $0x38;
	[tilespmem:$0x18F00] =	vst v63  }
0x34d: {  	s1 =	sadd.s32 $0x80, s0;
	s16 =	simm.s32 $0x16D00  }
0x34e: {  	[hbm4b:s1+s3] =	stream.linear.scatter [tilespmem:s16], [sflag:$0x9], $0x80, $0x38;
	[tilespmem:$0x18F00] =	vst v63  }
0x34f: {  	s19 =	simm.s32 $0x16D88;
	s22 =	sadd.s32 $0x10, s1  }
0x350: {  	[hbm4b:s22+s3] =	stream.linear.scatter [tilespmem:s19], [sflag:$0x9], $0x80, $0x38;
	[tilespmem:$0x18F00] =	vst v63  }
0x351: {  	s0 =	simm.s32 $0x440;
	s23 =	simm.s32 $0x16E10;
	s31 =	sadd.s32 $0x20, s1  }
0x352: {  	[hbm4b:s31+s3] =	stream.linear.scatter [tilespmem:s23], [sflag:$0x9], $0x80, $0x38;
	[tilespmem:$0x18F00] =	vst v63  }
0x353: {  	s10 =	simm.s32 $0x16E98;
	s11 =	sadd.s32 $0x30, s1;
	s12 =	simm.s32 $0x16F20  }
0x354: {  	[hbm4b:s11+s3] =	stream.linear.scatter [tilespmem:s10], [sflag:$0x9], $0x80, $0x38;
	[tilespmem:$0x18F00] =	vst v63  }
0x355: {  	s16 =	sadd.s32 $0x40, s1;
	s19 =	simm.s32 $0x16FA8;
	s22 =	sadd.s32 $0x50, s1  }
0x356: {  	[hbm4b:s16+s3] =	stream.linear.scatter [tilespmem:s12], [sflag:$0x9], $0x80, $0x38;
	[tilespmem:$0x18F00] =	vst v63  }
0x357: {  	s23 =	simm.s32 $0x17030;
	s31 =	sadd.s32 $0x60, s1;
	s10 =	simm.s32 $0x2200  }
0x358: {  	[hbm4b:s22+s3] =	stream.linear.scatter [tilespmem:s19], [sflag:$0x9], $0x80, $0x38;
	[tilespmem:$0x18F00] =	vst v63  }
0x359: {  	s11 =	sadd.s32 $0x70, s1;
	s1 =	sadd.s32 $0x1000, s1;
	s16 =	simm.s32 $0x170B8  }
0x35a: {  	[hbm4b:s31+s3] =	stream.linear.scatter [tilespmem:s23], [sflag:$0x9], $0x80, $0x38;
	[tilespmem:$0x18F00] =	vst v63  }
.LBB2_25:
0x35b: {  	[hbm4b:s11+s3] =	stream.linear.scatter [tilespmem:s16], [sflag:$0x9], $0x80, $0x38;
	[tilespmem:$0x18F00] =	vst v63  }
0x35c: {  	s11 =	smov.u32 s0;
	s0 =	smov.u32 s10  }
0x35d: {  	s12 =	sadd.s32 $0x1100, s10;
	s0 =	sshra.s32 s0, $0x2;
	s16 =	sadd.s32 $0x16D00, s11  }
0x35e: {  	[hbm4b:s1+s3] =	stream.linear.scatter [tilespmem:s16], [sflag:$0x9], $0x80, $0x38;
	[tilespmem:$0x18F00] =	vst v63  }
0x35f: {  	p0 =	sne.s32 s10, $0x7700;
	s10 =	sadd.s32 $0x16D88, s11;
	s16 =	sadd.s32 $0x10, s1  }
0x360: {  	[hbm4b:s16+s3] =	stream.linear.scatter [tilespmem:s10], [sflag:$0x9], $0x80, $0x38;
	[tilespmem:$0x18F00] =	vst v63  }
0x361: {  	s10 =	sadd.s32 $0x16E10, s11;
	s16 =	sadd.s32 $0x20, s1  }
0x362: {  	[hbm4b:s16+s3] =	stream.linear.scatter [tilespmem:s10], [sflag:$0x9], $0x80, $0x38;
	[tilespmem:$0x18F00] =	vst v63  }
0x363: {  	s10 =	sadd.s32 $0x16E98, s11;
	s16 =	sadd.s32 $0x30, s1  }
0x364: {  	[hbm4b:s16+s3] =	stream.linear.scatter [tilespmem:s10], [sflag:$0x9], $0x80, $0x38;
	[tilespmem:$0x18F00] =	vst v63  }
0x365: {  	s10 =	sadd.s32 $0x16F20, s11;
	s16 =	sadd.s32 $0x40, s1  }
0x366: {  	[hbm4b:s16+s3] =	stream.linear.scatter [tilespmem:s10], [sflag:$0x9], $0x80, $0x38;
	[tilespmem:$0x18F00] =	vst v63  }
0x367: {  	s10 =	sadd.s32 $0x16FA8, s11;
	s16 =	sadd.s32 $0x50, s1  }
0x368: {  	[hbm4b:s16+s3] =	stream.linear.scatter [tilespmem:s10], [sflag:$0x9], $0x80, $0x38;
	[tilespmem:$0x18F00] =	vst v63  }
.Ltmp11:
0x369: {  	_ = 	snop;
	(pc) =	sbr.rel @p0 .LBB2_25-.Ltmp11, $4  }
0x36a: {  	s10 =	sadd.s32 $0x17030, s11;
	s16 =	sadd.s32 $0x60, s1  }
0x36b: {  	[hbm4b:s16+s3] =	stream.linear.scatter [tilespmem:s10], [sflag:$0x9], $0x80, $0x38;
	[tilespmem:$0x18F00] =	vst v63  }
0x36c: {  	s16 =	sadd.s32 $0x170B8, s11  }
0x36d: {  	s11 =	sadd.s32 $0x70, s1;
	s1 =	sadd.s32 $0x1000, s1;
	s10 =	smov.u32 s12  }
0x36e: {  	[hbm4b:s11+s3] =	stream.linear.scatter [tilespmem:s16], [sflag:$0x9], $0x80, $0x38;
	[tilespmem:$0x18F00] =	vst v63  }
0x36f: {  	s10 =	sadd.s32 $0x16D00, s0  }
0x370: {  	[hbm4b:s1+s3] =	stream.linear.scatter [tilespmem:s10], [sflag:$0x9], $0x80, $0x38;
	[tilespmem:$0x18F00] =	vst v63  }
0x371: {  	s23 =	sadd.s32 $0x16D88, s0;
	s31 =	sadd.s32 $0x10, s1  }
0x372: {  	[hbm4b:s31+s3] =	stream.linear.scatter [tilespmem:s23], [sflag:$0x9], $0x80, $0x38;
	[tilespmem:$0x18F00] =	vst v63  }
0x373: {  	s12 =	sadd.s32 $0x16E10, s0;
	s16 =	sadd.s32 $0x20, s1  }
0x374: {  	[hbm4b:s16+s3] =	stream.linear.scatter [tilespmem:s12], [sflag:$0x9], $0x80, $0x38;
	[tilespmem:$0x18F00] =	vst v63  }
0x375: {  	s19 =	sadd.s32 $0x16E98, s0;
	s22 =	sadd.s32 $0x30, s1  }
0x376: {  	[hbm4b:s22+s3] =	stream.linear.scatter [tilespmem:s19], [sflag:$0x9], $0x80, $0x38;
	[tilespmem:$0x18F00] =	vst v63  }
0x377: {  	s15 =	sadd.s32 $0x1, s15;
	s23 =	sadd.s32 $0x16F20, s0;
	s31 =	sadd.s32 $0x40, s1  }
0x378: {  	[hbm4b:s31+s3] =	stream.linear.scatter [tilespmem:s23], [sflag:$0x9], $0x80, $0x38;
	[tilespmem:$0x18F00] =	vst v63  }
0x379: {  	p0 =	sne.s32 s15, $0x21;
	s12 =	sadd.s32 $0x16FA8, s0;
	s16 =	sadd.s32 $0x50, s1  }
0x37a: {  	[hbm4b:s16+s3] =	stream.linear.scatter [tilespmem:s12], [sflag:$0x9], $0x80, $0x38;
	[tilespmem:$0x18F00] =	vst v63  }
.Ltmp12:
0x37b: {  	_ = 	snop;
	(pc) =	sbr.rel @p0 .LBB2_2-.Ltmp12, $4  }
0x37c: {  	s19 =	sadd.s32 $0x17030, s0;
	s22 =	sadd.s32 $0x60, s1  }
0x37d: {  	[hbm4b:s22+s3] =	stream.linear.scatter [tilespmem:s19], [sflag:$0x9], $0x80, $0x38;
	[tilespmem:$0x18F00] =	vst v63  }
0x37e: {  	s23 =	sadd.s32 $0x170B8, s0;
	s31 =	sadd.s32 $0x70, s1  }
0x37f: {  	[hbm4b:s31+s3] =	stream.linear.scatter [tilespmem:s23], [sflag:$0x9], $0x80, $0x38;
	[tilespmem:$0x18F00] =	vst v63  }
0x380: {  	_ =	swait.ge [sflag:s29], $0x2000  }
0x381: {  	[sflag:s29] =	ssyncset.done $0x0  }
0x382: {  	[sflag:s29] =	ssyncadd.s32 $0xFFFFE000  }
0x383: {  	_ =	swait.ge [sflag:s29], $0x2000  }
0x384: {  	[sflag:s29] =	ssyncset.done $0x0  }
0x385: {  	s22 =	simm.s32 $0x7;
	[sflag:s29] =	ssyncadd.s32 $0xFFFFE000  }
0x386: {  	_ =	swait.ge [sflag:s22], $0x2000  }
0x387: {  	[sflag:s22] =	ssyncset.done $0x0  }
0x388: {  	[sflag:s22] =	ssyncadd.s32 $0xFFFFE000  }
0x389: {  	_ =	swait.ge [sflag:s22], $0x2000  }
0x38a: {  	[sflag:s22] =	ssyncset.done $0x0  }
0x38b: {  	s19 =	simm.s32 $0x380;
	s0 =	simm.s32 $0x3;
	[sflag:s22] =	ssyncadd.s32 $0xFFFFE000  }
0x38c: {  	v4 =	vmov s0;
	v5 =	vld [tilespmem:s19+$0x40]  }
0x38d: {  	s10 =	simm.s32 $0x0;
	v21 =	vand.u32 $0x7F, v4  }
0x38e: {  	s11 =	simm.s32 $0x1;
	v4 =	vmov s10;
	v11 =	vadd.s32 v0, v21;
	v6 =	vld [tilespmem:s19+$0xFFFFFF80]  }
0x38f: {  	v8 =	vand.u32 $0x7C, v4;
	v4 =	vmov s11;
	v7 =	vld [tilespmem:s19+$0xFFFFFFC0]  }
0x390: {  	s1 =	simm.s32 $0x2;
	v10 =	vand.u32 $0x7D, v4  }
0x391: {  	v9 =	vmov s1;
	v13 =	vadd.s32 v0, v10;
	v4 =	vld [tilespmem:s19+$0x0];
	v5 =	vmul.f32 $8.000000000e+00, v5  }
0x392: {  	v9 =	vand.u32 $0x7E, v9;
	v12 =	vadd.s32 v0, v8  }
0x393: {  	v14 =	vadd.s32 v0, v9;
	[tilespmem:v11+s25+$0x0] =	vst.idx.msk $0xffff, v5  }
0x394: {  	v7 =	vmul.f32 $8.000000000e+00, v7;
	v5 =	vmul.f32 $8.000000000e+00, v6;
	v6 =	vld [tilespmem:s19+$0x50];
	_ =	sdelay $0x1  }
0x395: {  	v15 =	vadd.s32 v1, v21;
	v4 =	vmul.f32 $8.000000000e+00, v4;
	[tilespmem:v13+s25+$0x0] =	vst.idx.msk $0xffff, v7  }
0x396: {  	v7 =	vld [tilespmem:s19+$0xFFFFFFD0];
	[tilespmem:v12+s25+$0x0] =	vst.idx.msk $0xffff, v5  }
0x397: {  	[tilespmem:v14+s25+$0x0] =	vst.idx.msk $0xffff, v4;
	v19 =	vld [tilespmem:s19+$0xFFFFFF90]  }
0x398: {  	v20 =	vld [tilespmem:s19+$0x10];
	v4 =	vmul.f32 $8.000000000e+00, v6  }
0x399: {  	s12 =	simm.s32 $0x4;
	s16 =	simm.s32 $0x7;
	s15 =	simm.s32 $0x480;
	v16 =	vadd.s32 v1, v10  }
0x39a: {  	v17 =	vadd.s32 v1, v9;
	v23 =	vld [tilespmem:s15+$0x40];
	v5 =	vmov s12;
	v6 =	vmov s16;
	[tilespmem:v15+s25+$0x0] =	vst.idx.msk $0xffff, v4  }
0x39b: {  	v18 =	vadd.s32 v1, v8;
	v4 =	vand.u32 $0x7C, v5;
	v5 =	vand.u32 $0x7F, v6;
	v24 =	vld [tilespmem:s19+$0x60]  }
0x39c: {  	v26 =	vld [tilespmem:s15+$0xFFFFFF80];
	v25 =	vmul.f32 $8.000000000e+00, v19;
	v6 =	vmul.f32 $8.000000000e+00, v7;
	v19 =	vadd.s32 v0, v5  }
0x39d: {  	s23 =	simm.s32 $0x5;
	s31 =	simm.s32 $0x6;
	v27 =	vld [tilespmem:s15+$0xFFFFFFC0];
	v7 =	vmul.f32 $8.000000000e+00, v20;
	v20 =	vadd.s32 v2, v21  }
0x39e: {  	v22 =	vmov s23;
	v28 =	vmov s31;
	v30 =	vld [tilespmem:s15+$0x0];
	v29 =	vadd.s32 v0, v4;
	[tilespmem:v16+s25+$0x0] =	vst.idx.msk $0xffff, v6  }
0x39f: {  	v6 =	vand.u32 $0x7D, v22;
	[tilespmem:v17+s25+$0x0] =	vst.idx.msk $0xffff, v7;
	v7 =	vand.u32 $0x7E, v28;
	v28 =	vmul.f32 $8.000000000e+00, v23  }
0x3a0: {  	[tilespmem:v18+s25+$0x0] =	vst.idx.msk $0xffff, v25;
	v22 =	vadd.s32 v0, v6;
	v31 =	vld [tilespmem:s19+$0xFFFFFFE0];
	v25 =	vmul.f32 $8.000000000e+00, v24  }
0x3a1: {  	v33 =	vmul.f32 $8.000000000e+00, v26;
	v23 =	vadd.s32 v0, v7;
	[tilespmem:v19+s25+$0x0] =	vst.idx.msk $0xffff, v28;
	v28 =	vld [tilespmem:s19+$0xFFFFFFA0]  }
0x3a2: {  	v26 =	vadd.s32 v2, v10;
	v32 =	vld [tilespmem:s19+$0x20];
	[tilespmem:v20+s25+$0x0] =	vst.idx.msk $0xffff, v25  }
0x3a3: {  	v27 =	vmul.f32 $8.000000000e+00, v27;
	[tilespmem:v29+s25+$0x0] =	vst.idx.msk $0xffff, v33;
	v29 =	vmul.f32 $8.000000000e+00, v30;
	v30 =	vadd.s32 v2, v8;
	v63 =	vld [tilespmem:s19+$0x70]  }
0x3a4: {  	v24 =	vadd.s32 v2, v9;
	v34 =	vld [tilespmem:s15+$0x50]  }
0x3a5: {  	[tilespmem:v22+s25+$0x0] =	vst.idx.msk $0xffff, v27;
	v27 =	vmul.f32 $8.000000000e+00, v31  }
0x3a6: {  	v38 =	vld [tilespmem:s15+$0xFFFFFF90];
	v25 =	vadd.s32 v1, v5;
	[tilespmem:v23+s25+$0x0] =	vst.idx.msk $0xffff, v29;
	v28 =	vmul.f32 $8.000000000e+00, v28  }
0x3a7: {  	v21 =	vadd.s32 v3, v21;
	v29 =	vmul.f32 $8.000000000e+00, v32;
	v31 =	vld [tilespmem:s15+$0xFFFFFFD0];
	[tilespmem:v26+s25+$0x0] =	vst.idx.msk $0xffff, v27  }
0x3a8: {  	s1 =	simm.s32 $0xB;
	v42 =	vadd.s32 v1, v4;
	v37 =	vld [tilespmem:s15+$0x10];
	[tilespmem:v30+s25+$0x0] =	vst.idx.msk $0xffff, v28;
	v28 =	vmul.f32 $8.000000000e+00, v63  }
0x3a9: {  	s0 =	simm.s32 $0x8;
	v46 =	vmov s1;
	v40 =	vadd.s32 v1, v6;
	v36 =	vld [tilespmem:s19+$0xFFFFFFF0];
	[tilespmem:v24+s25+$0x0] =	vst.idx.msk $0xffff, v29;
	v39 =	vmul.f32 $8.000000000e+00, v34  }
0x3aa: {  	v41 =	vadd.s32 v3, v9;
	v27 =	vmov s0;
	v34 =	vadd.s32 v1, v7;
	v35 =	vld [tilespmem:s19+$0x30]  }
0x3ab: {  	s16 =	simm.s32 $0x580;
	v33 =	vmovc v8;
	v32 =	vand.u32 $0x7C, v27;
	v44 =	vmul.f32 $8.000000000e+00, v38;
	[tilespmem:v25+s25+$0x0] =	vst.idx.msk $0xffff, v39;
	v38 =	vld [tilespmem:s19+$0xFFFFFFB0];
	v39 =	vadd.s32 v3, v10  }
0x3ac: {  	s10 =	simm.s32 $0x8;
	v43 =	vld [tilespmem:s16+$0x40];
	v29 =	vmovc v7;
	v30 =	vmovc v6;
	s19 =	simm.s32 $0xC;
	v45 =	vmul.f32 $8.000000000e+00, v31;
	v31 =	vmov v5;
	[tilespmem:v21+s25+$0x0] =	vst.idx.msk $0xffff, v28;
	v28 =	vmov v4  }
.LBB2_28:
0x3ad: {  	p0 =	slt.u32 s19, $0x7C;
	s11 =	sadd.s32 $0x1, s10;
	v46 =	vand.u32 $0x7F, v46;
	[tilespmem:v42+s25+$0x0] =	vst.idx.msk $0xffff, v44;
	v37 =	vmul.f32 $8.000000000e+00, v37;
	v42 =	vld [tilespmem:s15+$0x60];
	v44 =	vadd.s32 v3, v33;
	v33 =	vmovc v28  }
0x3ae: {  	v28 =	vmovc v32;
	v47 =	vld [tilespmem:s16+$0xFFFFFF80];
	v48 =	vmov s11;
	s11 =	sadd.s32 $0x2, s10;
	v49 =	vadd.s32 v0, v46;
	[tilespmem:v40+s25+$0x0] =	vst.idx.msk $0xffff, v45;
	v36 =	vmul.f32 $8.000000000e+00, v36;
	s10 =	smov.u32 s19  }
0x3af: {  	v32 =	vld [tilespmem:s16+$0xFFFFFFC0];
	v40 =	vmov s11;
	[tilespmem:v34+s25+$0x0] =	vst.idx.msk $0xffff, v37;
	v34 =	vadd.s32 v2, v31;
	v35 =	vmul.f32 $8.000000000e+00, v35  }
0x3b0: {  	v37 =	vadd.s32 v0, v28;
	v45 =	vand.u32 $0x7D, v48;
	v48 =	vld [tilespmem:s16+$0x0];
	v38 =	vmul.f32 $8.000000000e+00, v38;
	[tilespmem:v39+s25+$0x0] =	vst.idx.msk $0xffff, v36  }
0x3b1: {  	v36 =	vadd.s32 v0, v45;
	v50 =	vand.u32 $0x7E, v40;
	v39 =	vmul.f32 $8.000000000e+00, v43;
	v40 =	vld [tilespmem:s15+$0xFFFFFFE0];
	[tilespmem:v41+s25+$0x0] =	vst.idx.msk $0xffff, v35  }
0x3b2: {  	v35 =	vadd.s32 v0, v50;
	v41 =	vld [tilespmem:s15+$0x20];
	v42 =	vmul.f32 $8.000000000e+00, v42;
	[tilespmem:v44+s25+$0x0] =	vst.idx.msk $0xffff, v38  }
0x3b3: {  	v43 =	vadd.s32 v2, v30;
	v38 =	vmul.f32 $8.000000000e+00, v47;
	[tilespmem:v49+s25+$0x0] =	vst.idx.msk $0xffff, v39;
	v39 =	vld [tilespmem:s15+$0xFFFFFFA0]  }
0x3b4: {  	v47 =	vadd.s32 v2, v29;
	v32 =	vmul.f32 $8.000000000e+00, v32;
	v44 =	vld [tilespmem:s16+$0x50];
	[tilespmem:v34+s25+$0x0] =	vst.idx.msk $0xffff, v42  }
0x3b5: {  	[tilespmem:v37+s25+$0x0] =	vst.idx.msk $0xffff, v38;
	v34 =	vmul.f32 $8.000000000e+00, v48;
	v38 =	vadd.s32 v2, v33;
	v48 =	vld [tilespmem:s15+$0x70]  }
0x3b6: {  	v51 =	vadd.s32 v1, v46;
	v49 =	vld [tilespmem:s16+$0xFFFFFF90];
	[tilespmem:v36+s25+$0x0] =	vst.idx.msk $0xffff, v32;
	v32 =	vmul.f32 $8.000000000e+00, v40  }
0x3b7: {  	v53 =	vadd.s32 v3, v31;
	v31 =	vmov v46;
	v52 =	vld [tilespmem:s16+$0xFFFFFFD0];
	[tilespmem:v35+s25+$0x0] =	vst.idx.msk $0xffff, v34;
	v34 =	vmul.f32 $8.000000000e+00, v41  }
.Ltmp13:
0x3b8: {  	v42 =	vadd.s32 v1, v28;
	v37 =	vld [tilespmem:s16+$0x10];
	v35 =	vmul.f32 $8.000000000e+00, v39;
	[tilespmem:v43+s25+$0x0] =	vst.idx.msk $0xffff, v32;
	(pc) =	sbr.rel @p0 .LBB2_28-.Ltmp13, $4  }
0x3b9: {  	v40 =	vadd.s32 v1, v45;
	v39 =	vmul.f32 $8.000000000e+00, v44;
	v36 =	vld [tilespmem:s15+$0xFFFFFFF0];
	[tilespmem:v47+s25+$0x0] =	vst.idx.msk $0xffff, v34  }
0x3ba: {  	v32 =	vmov s19;
	v34 =	vadd.s32 v1, v50;
	[tilespmem:v38+s25+$0x0] =	vst.idx.msk $0xffff, v35;
	v35 =	vld [tilespmem:s15+$0x30];
	v47 =	vmul.f32 $8.000000000e+00, v48  }
0x3bb: {  	s11 =	sadd.s32 $0x3, s19;
	v32 =	vand.u32 $0x7C, v32;
	v44 =	vmul.f32 $8.000000000e+00, v49;
	[tilespmem:v51+s25+$0x0] =	vst.idx.msk $0xffff, v39;
	v38 =	vld [tilespmem:s15+$0xFFFFFFB0];
	v39 =	vadd.s32 v3, v30;
	v30 =	vmovc v45;
	s15 =	smov.u32 s16;
	s16 =	sadd.s32 $0x100, s16  }
0x3bc: {  	v46 =	vmov s11;
	v41 =	vadd.s32 v3, v29;
	v29 =	vmovc v50;
	s19 =	sadd.s32 $0x4, s19;
	v43 =	vld [tilespmem:s16+$0x40];
	v45 =	vmul.f32 $8.000000000e+00, v52;
	[tilespmem:v53+s25+$0x0] =	vst.idx.msk $0xffff, v47  }
0x3bd: {  	s11 =	sadd.s32 $0x1, s10  }
0x3be: {  	v46 =	vand.u32 $0x7F, v46;
	s23 =	sadd.s32 $0x2, s10;
	v48 =	vld [tilespmem:s16+$0xFFFFFFC0];
	v47 =	vmov s11  }
0x3bf: {  	v51 =	vld [tilespmem:s16+$0x0];
	v49 =	vadd.s32 v0, v46;
	v50 =	vmov s23;
	v47 =	vand.u32 $0x7D, v47  }
0x3c0: {  	v52 =	vld [tilespmem:s16+$0xFFFFFF80];
	v50 =	vand.u32 $0x7E, v50;
	v53 =	vadd.s32 v0, v47  }
0x3c1: {  	v54 =	vadd.s32 v0, v50  }
0x3c2: {  	[tilespmem:v42+s25+$0x0] =	vst.idx.msk $0xffff, v44;
	v63 =	vadd.s32 v0, v32;
	v43 =	vmul.f32 $8.000000000e+00, v43  }
0x3c3: {  	[tilespmem:v40+s25+$0x0] =	vst.idx.msk $0xffff, v45;
	v48 =	vmul.f32 $8.000000000e+00, v48  }
0x3c4: {  	v59 =	vld [tilespmem:s15+$0x60];
	[tilespmem:v49+s25+$0x0] =	vst.idx.msk $0xffff, v43;
	v49 =	vmul.f32 $8.000000000e+00, v51  }
0x3c5: {  	v51 =	vmul.f32 $8.000000000e+00, v52;
	v52 =	vld [tilespmem:s16+$0x50];
	[tilespmem:v53+s25+$0x0] =	vst.idx.msk $0xffff, v48  }
0x3c6: {  	v37 =	vmul.f32 $8.000000000e+00, v37;
	v33 =	vadd.s32 v3, v33;
	[tilespmem:v54+s25+$0x0] =	vst.idx.msk $0xffff, v49;
	v53 =	vld [tilespmem:s16+$0xFFFFFFD0]  }
0x3c7: {  	v36 =	vmul.f32 $8.000000000e+00, v36;
	v55 =	vadd.s32 v1, v46;
	[tilespmem:v63+s25+$0x0] =	vst.idx.msk $0xffff, v51;
	v43 =	vld [tilespmem:s16+$0x10]  }
0x3c8: {  	[tilespmem:v34+s25+$0x0] =	vst.idx.msk $0xffff, v37;
	v56 =	vmul.f32 $8.000000000e+00, v35;
	v58 =	vadd.s32 v1, v47;
	v57 =	vld [tilespmem:s16+$0xFFFFFF90]  }
0x3c9: {  	v61 =	vld [tilespmem:s15+$0xFFFFFFE0];
	v38 =	vmul.f32 $8.000000000e+00, v38;
	[tilespmem:v39+s25+$0x0] =	vst.idx.msk $0xffff, v36;
	v60 =	vadd.s32 v1, v50  }
0x3ca: {  	v62 =	vadd.s32 v1, v32;
	[tilespmem:v41+s25+$0x0] =	vst.idx.msk $0xffff, v56;
	v40 =	vmul.f32 $8.000000000e+00, v52  }
0x3cb: {  	[tilespmem:v33+s25+$0x0] =	vst.idx.msk $0xffff, v38;
	v63 =	vld [tilespmem:s15+$0x20];
	v54 =	vadd.s32 v2, v30;
	v52 =	vmul.f32 $8.000000000e+00, v53  }
0x3cc: {  	v41 =	vadd.s32 v2, v31;
	v53 =	vld [tilespmem:s15+$0xFFFFFFA0];
	[tilespmem:v55+s25+$0x0] =	vst.idx.msk $0xffff, v40;
	v55 =	vmul.f32 $8.000000000e+00, v43  }
0x3cd: {  	v56 =	vadd.s32 v2, v29;
	v35 =	vmul.f32 $8.000000000e+00, v57;
	v57 =	vld [tilespmem:s16+$0x60];
	[tilespmem:v58+s25+$0x0] =	vst.idx.msk $0xffff, v52  }
0x3ce: {  	v39 =	vmul.f32 $8.000000000e+00, v61;
	v58 =	vmul.f32 $8.000000000e+00, v59;
	v59 =	vadd.s32 v2, v28;
	[tilespmem:v60+s25+$0x0] =	vst.idx.msk $0xffff, v55;
	v60 =	vld [tilespmem:s16+$0xFFFFFFE0]  }
0x3cf: {  	v61 =	vadd.s32 v2, v46;
	[tilespmem:v62+s25+$0x0] =	vst.idx.msk $0xffff, v35;
	v62 =	vld [tilespmem:s16+$0x20]  }
0x3d0: {  	v49 =	vadd.s32 v2, v47;
	v63 =	vmul.f32 $8.000000000e+00, v63;
	[tilespmem:v54+s25+$0x0] =	vst.idx.msk $0xffff, v39;
	v48 =	vld [tilespmem:s16+$0xFFFFFFA0]  }
0x3d1: {  	v45 =	vld [tilespmem:s15+$0xFFFFFFF0];
	v52 =	vadd.s32 v2, v50;
	[tilespmem:v41+s25+$0x0] =	vst.idx.msk $0xffff, v58;
	v38 =	vmul.f32 $8.000000000e+00, v53  }
0x3d2: {  	v54 =	vadd.s32 v2, v32;
	[tilespmem:v56+s25+$0x0] =	vst.idx.msk $0xffff, v63;
	v51 =	vld [tilespmem:s15+$0x70];
	v53 =	vmul.f32 $8.000000000e+00, v57  }
0x3d3: {  	v56 =	vld [tilespmem:s15+$0x30];
	v57 =	vadd.s32 v3, v30;
	[tilespmem:v59+s25+$0x0] =	vst.idx.msk $0xffff, v38;
	v36 =	vmul.f32 $8.000000000e+00, v60  }
0x3d4: {  	v55 =	vadd.s32 v3, v31;
	v38 =	vld [tilespmem:s15+$0xFFFFFFB0];
	[tilespmem:v61+s25+$0x0] =	vst.idx.msk $0xffff, v53;
	v58 =	vmul.f32 $8.000000000e+00, v62  }
0x3d5: {  	v59 =	vadd.s32 v3, v29;
	v60 =	vmul.f32 $8.000000000e+00, v48;
	v34 =	vld [tilespmem:s16+$0x70];
	[tilespmem:v49+s25+$0x0] =	vst.idx.msk $0xffff, v36  }
0x3d6: {  	v43 =	vmul.f32 $8.000000000e+00, v45;
	v62 =	vadd.s32 v3, v28;
	[tilespmem:v52+s25+$0x0] =	vst.idx.msk $0xffff, v58;
	v63 =	vld [tilespmem:s16+$0xFFFFFFF0]  }
0x3d7: {  	v44 =	vadd.s32 v3, v46;
	v61 =	vmul.f32 $8.000000000e+00, v51;
	[tilespmem:v54+s25+$0x0] =	vst.idx.msk $0xffff, v60;
	v45 =	vld [tilespmem:s16+$0x30]  }
0x3d8: {  	v46 =	vmul.f32 $8.000000000e+00, v56;
	v49 =	vadd.s32 v3, v47;
	v48 =	vld [tilespmem:s16+$0xFFFFFFB0];
	[tilespmem:v57+s25+$0x0] =	vst.idx.msk $0xffff, v43  }
0x3d9: {  	v51 =	vadd.s32 v3, v50;
	[tilespmem:v55+s25+$0x0] =	vst.idx.msk $0xffff, v61;
	v38 =	vmul.f32 $8.000000000e+00, v38  }
0x3da: {  	v53 =	vadd.s32 v3, v32;
	[tilespmem:v59+s25+$0x0] =	vst.idx.msk $0xffff, v46;
	v52 =	vmul.f32 $8.000000000e+00, v34  }
0x3db: {  	[tilespmem:v62+s25+$0x0] =	vst.idx.msk $0xffff, v38;
	v54 =	vmul.f32 $8.000000000e+00, v63  }
0x3dc: {  	[tilespmem:v44+s25+$0x0] =	vst.idx.msk $0xffff, v52;
	v55 =	vmul.f32 $8.000000000e+00, v45  }
0x3dd: {  	v56 =	vmul.f32 $8.000000000e+00, v48;
	[tilespmem:v49+s25+$0x0] =	vst.idx.msk $0xffff, v54  }
0x3de: {  	[tilespmem:v51+s25+$0x0] =	vst.idx.msk $0xffff, v55  }
0x3df: {  	s31 =	simm.s32 $0x23F0;
	[tilespmem:v53+s25+$0x0] =	vst.idx.msk $0xffff, v56  }
0x3e0: {  	v28 =	vld [tilespmem:s31+$0xFFFFFFD0];
	_ =	sdelay $0x3  }
0x3e1: {  	v29 =	vld [tilespmem:s31+$0xFFFFFF50]  }
0x3e2: {  	v30 =	vld [tilespmem:s31+$0xFFFFFF90];
	v28 =	vmul.f32 $8.000000000e+00, v28  }
0x3e3: {  	v31 =	vld [tilespmem:s31+$0xFFFFFF10]  }
0x3e4: {  	[tilespmem:v11+s26+$0x0] =	vst.idx.msk $0xffff, v28  }
0x3e5: {  	v11 =	vld [tilespmem:s31+$0xFFFFFFE0]  }
0x3e6: {  	v57 =	vmul.f32 $8.000000000e+00, v29  }
0x3e7: {  	v58 =	vmul.f32 $8.000000000e+00, v30  }
0x3e8: {  	v59 =	vmul.f32 $8.000000000e+00, v31;
	[tilespmem:v13+s26+$0x0] =	vst.idx.msk $0xffff, v57  }
0x3e9: {  	[tilespmem:v14+s26+$0x0] =	vst.idx.msk $0xffff, v58;
	v13 =	vld [tilespmem:s31+$0xFFFFFF60]  }
0x3ea: {  	[tilespmem:v12+s26+$0x0] =	vst.idx.msk $0xffff, v59;
	v12 =	vld [tilespmem:s31+$0xFFFFFFA0];
	v11 =	vmul.f32 $8.000000000e+00, v11  }
0x3eb: {  	s15 =	simm.s32 $0x24F0;
	v14 =	vld [tilespmem:s31+$0xFFFFFF20]  }
0x3ec: {  	[tilespmem:v15+s26+$0x0] =	vst.idx.msk $0xffff, v11;
	v11 =	vld [tilespmem:s15+$0xFFFFFFD0]  }
0x3ed: {  	v15 =	vld [tilespmem:s31+$0xFFFFFFF0]  }
0x3ee: {  	v60 =	vld [tilespmem:s15+$0xFFFFFF10];
	v13 =	vmul.f32 $8.000000000e+00, v13  }
0x3ef: {  	v61 =	vld [tilespmem:s15+$0xFFFFFF50];
	v12 =	vmul.f32 $8.000000000e+00, v12  }
0x3f0: {  	v14 =	vmul.f32 $8.000000000e+00, v14;
	[tilespmem:v16+s26+$0x0] =	vst.idx.msk $0xffff, v13;
	v13 =	vadd.s32 v0, v4;
	v16 =	vld [tilespmem:s15+$0xFFFFFF90]  }
0x3f1: {  	[tilespmem:v17+s26+$0x0] =	vst.idx.msk $0xffff, v12;
	v12 =	vld [tilespmem:s31+$0xFFFFFF70];
	v11 =	vmul.f32 $8.000000000e+00, v11  }
0x3f2: {  	[tilespmem:v18+s26+$0x0] =	vst.idx.msk $0xffff, v14;
	v14 =	vld [tilespmem:s31+$0xFFFFFFB0];
	v15 =	vmul.f32 $8.000000000e+00, v15  }
0x3f3: {  	v17 =	vmul.f32 $8.000000000e+00, v60;
	[tilespmem:v19+s26+$0x0] =	vst.idx.msk $0xffff, v11;
	v11 =	vld [tilespmem:s31+$0xFFFFFF30]  }
0x3f4: {  	v18 =	vmul.f32 $8.000000000e+00, v61;
	v19 =	vld [tilespmem:s15+$0xFFFFFFE0];
	[tilespmem:v20+s26+$0x0] =	vst.idx.msk $0xffff, v15  }
0x3f5: {  	[tilespmem:v13+s26+$0x0] =	vst.idx.msk $0xffff, v17;
	v13 =	vmul.f32 $8.000000000e+00, v16;
	v15 =	vadd.s32 v2, v8;
	v20 =	vld [tilespmem:s31+$0x0]  }
0x3f6: {  	[tilespmem:v22+s26+$0x0] =	vst.idx.msk $0xffff, v18;
	v62 =	vld [tilespmem:s15+$0xFFFFFF20];
	v12 =	vmul.f32 $8.000000000e+00, v12  }
0x3f7: {  	v22 =	vld [tilespmem:s15+$0xFFFFFF60];
	[tilespmem:v23+s26+$0x0] =	vst.idx.msk $0xffff, v13;
	v13 =	vmul.f32 $8.000000000e+00, v14  }
0x3f8: {  	v18 =	vadd.s32 v1, v4;
	v16 =	vld [tilespmem:s15+$0xFFFFFFA0];
	[tilespmem:v26+s26+$0x0] =	vst.idx.msk $0xffff, v12;
	v11 =	vmul.f32 $8.000000000e+00, v11  }
0x3f9: {  	v17 =	vadd.s32 v1, v6;
	v14 =	vld [tilespmem:s31+$0xFFFFFF80];
	[tilespmem:v24+s26+$0x0] =	vst.idx.msk $0xffff, v13;
	v19 =	vmul.f32 $8.000000000e+00, v19  }
0x3fa: {  	v12 =	vadd.s32 v1, v7;
	v13 =	vld [tilespmem:s31+$0xFFFFFFC0];
	[tilespmem:v15+s26+$0x0] =	vst.idx.msk $0xffff, v11;
	v63 =	vmul.f32 $8.000000000e+00, v20  }
0x3fb: {  	v10 =	vadd.s32 v3, v10;
	v9 =	vadd.s32 v3, v9;
	s16 =	simm.s32 $0x25F0;
	v20 =	vmul.f32 $8.000000000e+00, v62;
	[tilespmem:v25+s26+$0x0] =	vst.idx.msk $0xffff, v19;
	v15 =	vld [tilespmem:s31+$0xFFFFFF40]  }
0x3fc: {  	v23 =	vmov s1;
	s1 =	simm.s32 $0xC;
	v22 =	vmul.f32 $8.000000000e+00, v22;
	v11 =	vand.u32 $0x7C, v27;
	v19 =	vld [tilespmem:s16+$0xFFFFFFD0];
	[tilespmem:v21+s26+$0x0] =	vst.idx.msk $0xffff, v63  }
.LBB2_30:
0x3fd: {  	p0 =	slt.u32 s1, $0x7C;
	s10 =	sadd.s32 $0x1, s0;
	v21 =	vand.u32 $0x7F, v23;
	[tilespmem:v18+s26+$0x0] =	vst.idx.msk $0xffff, v20;
	v16 =	vmul.f32 $8.000000000e+00, v16;
	v18 =	vld [tilespmem:s15+$0xFFFFFFF0];
	v20 =	vadd.s32 v3, v8;
	v8 =	vmovc v4  }
0x3fe: {  	v4 =	vmovc v11;
	v23 =	vld [tilespmem:s16+$0xFFFFFF10];
	v24 =	vmov s10;
	s10 =	sadd.s32 $0x2, s0;
	v25 =	vadd.s32 v0, v21;
	[tilespmem:v17+s26+$0x0] =	vst.idx.msk $0xffff, v22;
	v14 =	vmul.f32 $8.000000000e+00, v14;
	s0 =	smov.u32 s1  }
0x3ff: {  	v11 =	vld [tilespmem:s16+$0xFFFFFF50];
	v17 =	vmov s10;
	[tilespmem:v12+s26+$0x0] =	vst.idx.msk $0xffff, v16;
	v12 =	vadd.s32 v2, v5;
	v13 =	vmul.f32 $8.000000000e+00, v13  }
0x400: {  	v16 =	vadd.s32 v0, v4;
	v22 =	vand.u32 $0x7D, v24;
	v24 =	vld [tilespmem:s16+$0xFFFFFF90];
	v15 =	vmul.f32 $8.000000000e+00, v15;
	[tilespmem:v10+s26+$0x0] =	vst.idx.msk $0xffff, v14  }
0x401: {  	v10 =	vadd.s32 v0, v22;
	v26 =	vand.u32 $0x7E, v17;
	v14 =	vmul.f32 $8.000000000e+00, v19;
	v17 =	vld [tilespmem:s15+$0xFFFFFF70];
	[tilespmem:v9+s26+$0x0] =	vst.idx.msk $0xffff, v13  }
0x402: {  	v9 =	vadd.s32 v0, v26;
	v13 =	vld [tilespmem:s15+$0xFFFFFFB0];
	v18 =	vmul.f32 $8.000000000e+00, v18;
	[tilespmem:v20+s26+$0x0] =	vst.idx.msk $0xffff, v15  }
0x403: {  	v19 =	vadd.s32 v2, v6;
	v15 =	vmul.f32 $8.000000000e+00, v23;
	[tilespmem:v25+s26+$0x0] =	vst.idx.msk $0xffff, v14;
	v14 =	vld [tilespmem:s15+$0xFFFFFF30]  }
0x404: {  	v23 =	vadd.s32 v2, v7;
	v11 =	vmul.f32 $8.000000000e+00, v11;
	v20 =	vld [tilespmem:s16+$0xFFFFFFE0];
	[tilespmem:v12+s26+$0x0] =	vst.idx.msk $0xffff, v18  }
0x405: {  	[tilespmem:v16+s26+$0x0] =	vst.idx.msk $0xffff, v15;
	v12 =	vmul.f32 $8.000000000e+00, v24;
	v15 =	vadd.s32 v2, v8;
	v24 =	vld [tilespmem:s15+$0x0]  }
0x406: {  	v25 =	vld [tilespmem:s16+$0xFFFFFF20];
	[tilespmem:v10+s26+$0x0] =	vst.idx.msk $0xffff, v11;
	v10 =	vadd.s32 v1, v21;
	v11 =	vmul.f32 $8.000000000e+00, v17  }
0x407: {  	v28 =	vadd.s32 v3, v5;
	v5 =	vmov v21;
	v27 =	vld [tilespmem:s16+$0xFFFFFF60];
	[tilespmem:v9+s26+$0x0] =	vst.idx.msk $0xffff, v12;
	v9 =	vmul.f32 $8.000000000e+00, v13  }
.Ltmp14:
0x408: {  	v18 =	vadd.s32 v1, v4;
	v16 =	vld [tilespmem:s16+$0xFFFFFFA0];
	v13 =	vmul.f32 $8.000000000e+00, v14;
	[tilespmem:v19+s26+$0x0] =	vst.idx.msk $0xffff, v11;
	(pc) =	sbr.rel @p0 .LBB2_30-.Ltmp14, $4  }
0x409: {  	v17 =	vadd.s32 v1, v22;
	v19 =	vmul.f32 $8.000000000e+00, v20;
	v14 =	vld [tilespmem:s15+$0xFFFFFF80];
	[tilespmem:v23+s26+$0x0] =	vst.idx.msk $0xffff, v9  }
0x40a: {  	v12 =	vadd.s32 v1, v26;
	v9 =	vmov s1;
	[tilespmem:v15+s26+$0x0] =	vst.idx.msk $0xffff, v13;
	v13 =	vld [tilespmem:s15+$0xFFFFFFC0];
	v21 =	vmul.f32 $8.000000000e+00, v24  }
0x40b: {  	s10 =	sadd.s32 $0x3, s1;
	v11 =	vand.u32 $0x7C, v9;
	v20 =	vmul.f32 $8.000000000e+00, v25;
	[tilespmem:v10+s26+$0x0] =	vst.idx.msk $0xffff, v19;
	v15 =	vld [tilespmem:s15+$0xFFFFFF40];
	v10 =	vadd.s32 v3, v6;
	v6 =	vmovc v22;
	s15 =	smov.u32 s16;
	s16 =	sadd.s32 $0x100, s16  }
0x40c: {  	v23 =	vmov s10;
	s1 =	sadd.s32 $0x4, s1;
	v9 =	vadd.s32 v3, v7;
	v7 =	vmovc v26;
	v19 =	vld [tilespmem:s16+$0xFFFFFFD0];
	v22 =	vmul.f32 $8.000000000e+00, v27;
	[tilespmem:v28+s26+$0x0] =	vst.idx.msk $0xffff, v21  }
0x40d: {  	s1 =	sadd.s32 $0x1, s0;
	v21 =	vand.u32 $0x7F, v23;
	v28 =	vld [tilespmem:s16+$0xFFFFFF10]  }
0x40e: {  	s12 =	sadd.s32 $0x2, s0;
	v24 =	vld [tilespmem:s16+$0xFFFFFF50];
	v48 =	vmov s1;
	v25 =	vadd.s32 v0, v21  }
0x40f: {  	v27 =	vld [tilespmem:s16+$0xFFFFFF90];
	v49 =	vadd.s32 v0, v11;
	v26 =	vmov s12;
	v23 =	vand.u32 $0x7D, v48  }
0x410: {  	v26 =	vand.u32 $0x7E, v26;
	v29 =	vadd.s32 v0, v23  }
0x411: {  	[tilespmem:v18+s26+$0x0] =	vst.idx.msk $0xffff, v20;
	v30 =	vadd.s32 v0, v26;
	v19 =	vmul.f32 $8.000000000e+00, v19  }
0x412: {  	[tilespmem:v17+s26+$0x0] =	vst.idx.msk $0xffff, v22;
	v52 =	vmul.f32 $8.000000000e+00, v28  }
0x413: {  	v50 =	vmul.f32 $8.000000000e+00, v24;
	[tilespmem:v25+s26+$0x0] =	vst.idx.msk $0xffff, v19  }
0x414: {  	v51 =	vmul.f32 $8.000000000e+00, v27;
	v53 =	vld [tilespmem:s16+$0xFFFFFFE0];
	[tilespmem:v49+s26+$0x0] =	vst.idx.msk $0xffff, v52  }
0x415: {  	v16 =	vmul.f32 $8.000000000e+00, v16;
	v8 =	vadd.s32 v3, v8;
	[tilespmem:v29+s26+$0x0] =	vst.idx.msk $0xffff, v50;
	v57 =	vld [tilespmem:s16+$0xFFFFFF20]  }
0x416: {  	v14 =	vmul.f32 $8.000000000e+00, v14;
	v55 =	vadd.s32 v1, v21;
	[tilespmem:v30+s26+$0x0] =	vst.idx.msk $0xffff, v51;
	v54 =	vld [tilespmem:s16+$0xFFFFFF60]  }
0x417: {  	v62 =	vadd.s32 v1, v11;
	[tilespmem:v12+s26+$0x0] =	vst.idx.msk $0xffff, v16;
	v56 =	vmul.f32 $8.000000000e+00, v13;
	v19 =	vld [tilespmem:s16+$0xFFFFFFA0]  }
0x418: {  	v59 =	vld [tilespmem:s15+$0xFFFFFFF0];
	v58 =	vadd.s32 v1, v23;
	v15 =	vmul.f32 $8.000000000e+00, v15;
	[tilespmem:v10+s26+$0x0] =	vst.idx.msk $0xffff, v14  }
0x419: {  	v31 =	vld [tilespmem:s15+$0xFFFFFF30];
	v60 =	vadd.s32 v1, v26;
	[tilespmem:v9+s26+$0x0] =	vst.idx.msk $0xffff, v56;
	v63 =	vmul.f32 $8.000000000e+00, v53  }
0x41a: {  	v28 =	vadd.s32 v2, v5;
	[tilespmem:v8+s26+$0x0] =	vst.idx.msk $0xffff, v15;
	v29 =	vld [tilespmem:s15+$0xFFFFFFB0];
	v13 =	vmul.f32 $8.000000000e+00, v57  }
0x41b: {  	v37 =	vadd.s32 v2, v4;
	v61 =	vld [tilespmem:s15+$0xFFFFFF70];
	v30 =	vmul.f32 $8.000000000e+00, v54;
	[tilespmem:v55+s26+$0x0] =	vst.idx.msk $0xffff, v63  }
0x41c: {  	v34 =	vadd.s32 v2, v7;
	v33 =	vmul.f32 $8.000000000e+00, v19;
	v35 =	vld [tilespmem:s16+$0xFFFFFFF0];
	[tilespmem:v62+s26+$0x0] =	vst.idx.msk $0xffff, v13  }
0x41d: {  	v32 =	vadd.s32 v2, v6;
	v36 =	vmul.f32 $8.000000000e+00, v59;
	[tilespmem:v58+s26+$0x0] =	vst.idx.msk $0xffff, v30;
	v43 =	vld [tilespmem:s16+$0xFFFFFF30]  }
0x41e: {  	v40 =	vadd.s32 v2, v21;
	v15 =	vmul.f32 $8.000000000e+00, v31;
	[tilespmem:v60+s26+$0x0] =	vst.idx.msk $0xffff, v33;
	v38 =	vld [tilespmem:s16+$0xFFFFFF70]  }
0x41f: {  	v48 =	vadd.s32 v2, v11;
	[tilespmem:v28+s26+$0x0] =	vst.idx.msk $0xffff, v36;
	v42 =	vmul.f32 $8.000000000e+00, v29;
	v41 =	vld [tilespmem:s16+$0xFFFFFFB0]  }
0x420: {  	v44 =	vadd.s32 v2, v23;
	v39 =	vmul.f32 $8.000000000e+00, v61;
	[tilespmem:v37+s26+$0x0] =	vst.idx.msk $0xffff, v15;
	v45 =	vld [tilespmem:s15+$0x0]  }
0x421: {  	v46 =	vadd.s32 v2, v26;
	v16 =	vld [tilespmem:s15+$0xFFFFFF40];
	[tilespmem:v34+s26+$0x0] =	vst.idx.msk $0xffff, v42;
	v47 =	vmul.f32 $8.000000000e+00, v35  }
0x422: {  	v5 =	vadd.s32 v3, v5;
	[tilespmem:v32+s26+$0x0] =	vst.idx.msk $0xffff, v39;
	v49 =	vld [tilespmem:s15+$0xFFFFFFC0];
	v53 =	vmul.f32 $8.000000000e+00, v43  }
0x423: {  	v4 =	vadd.s32 v3, v4;
	v22 =	vld [tilespmem:s15+$0xFFFFFF80];
	v10 =	vmul.f32 $8.000000000e+00, v38;
	[tilespmem:v40+s26+$0x0] =	vst.idx.msk $0xffff, v47  }
0x424: {  	v52 =	vadd.s32 v3, v7;
	v51 =	vmul.f32 $8.000000000e+00, v41;
	v9 =	vld [tilespmem:s16+$0x0];
	[tilespmem:v48+s26+$0x0] =	vst.idx.msk $0xffff, v53  }
0x425: {  	v50 =	vadd.s32 v3, v6;
	v54 =	vmul.f32 $8.000000000e+00, v45;
	[tilespmem:v44+s26+$0x0] =	vst.idx.msk $0xffff, v10;
	v59 =	vld [tilespmem:s16+$0xFFFFFF40]  }
0x426: {  	v57 =	vadd.s32 v3, v21;
	v16 =	vmul.f32 $8.000000000e+00, v16;
	[tilespmem:v46+s26+$0x0] =	vst.idx.msk $0xffff, v51;
	v55 =	vld [tilespmem:s16+$0xFFFFFF80]  }
0x427: {  	v62 =	vadd.s32 v3, v11;
	[tilespmem:v5+s26+$0x0] =	vst.idx.msk $0xffff, v54;
	v5 =	vmul.f32 $8.000000000e+00, v49;
	v58 =	vld [tilespmem:s16+$0xFFFFFFC0]  }
0x428: {  	v56 =	vmul.f32 $8.000000000e+00, v22;
	v60 =	vadd.s32 v3, v23;
	[tilespmem:v4+s26+$0x0] =	vst.idx.msk $0xffff, v16  }
0x429: {  	v61 =	vadd.s32 v3, v26;
	[tilespmem:v52+s26+$0x0] =	vst.idx.msk $0xffff, v5;
	v5 =	vmul.f32 $8.000000000e+00, v9  }
0x42a: {  	[tilespmem:v50+s26+$0x0] =	vst.idx.msk $0xffff, v56;
	v63 =	vmul.f32 $8.000000000e+00, v59  }
0x42b: {  	v4 =	vmul.f32 $8.000000000e+00, v55;
	[tilespmem:v57+s26+$0x0] =	vst.idx.msk $0xffff, v5  }
0x42c: {  	v5 =	vmul.f32 $8.000000000e+00, v58;
	[tilespmem:v62+s26+$0x0] =	vst.idx.msk $0xffff, v63  }
0x42d: {  	[tilespmem:v60+s26+$0x0] =	vst.idx.msk $0xffff, v4  }
0x42e: {  	[tilespmem:v61+s26+$0x0] =	vst.idx.msk $0xffff, v5  }
0x42f: {  	s15 =	simm.s32 $0xC300;
	s12 =	rddreg [dreg:$0x9]  }
0x430: {  	[hbm4b:s12+s3] =	stream.linear.scatter [tilespmem:s15], [sflag:$0x7], $0x80, $0x38;
	[tilespmem:$0x18F00] =	vst v63  }
0x431: {  	s16 =	simm.s32 $0xC388;
	s19 =	sadd.s32 $0x10, s12  }
0x432: {  	[hbm4b:s19+s3] =	stream.linear.scatter [tilespmem:s16], [sflag:$0x7], $0x80, $0x38;
	[tilespmem:$0x18F00] =	vst v63  }
0x433: {  	s23 =	simm.s32 $0xC410;
	s11 =	simm.s32 $0xC520;
	s31 =	sadd.s32 $0x20, s12  }
0x434: {  	[hbm4b:s31+s3] =	stream.linear.scatter [tilespmem:s23], [sflag:$0x7], $0x80, $0x38;
	[tilespmem:$0x18F00] =	vst v63  }
0x435: {  	s0 =	simm.s32 $0x440;
	s1 =	simm.s32 $0xC498;
	s10 =	sadd.s32 $0x30, s12  }
0x436: {  	[hbm4b:s10+s3] =	stream.linear.scatter [tilespmem:s1], [sflag:$0x7], $0x80, $0x38;
	[tilespmem:$0x18F00] =	vst v63  }
0x437: {  	s15 =	sadd.s32 $0x40, s12;
	s16 =	simm.s32 $0xC5A8;
	s19 =	sadd.s32 $0x50, s12  }
0x438: {  	[hbm4b:s15+s3] =	stream.linear.scatter [tilespmem:s11], [sflag:$0x7], $0x80, $0x38;
	[tilespmem:$0x18F00] =	vst v63  }
0x439: {  	s23 =	simm.s32 $0xC630;
	s31 =	sadd.s32 $0x60, s12;
	s10 =	simm.s32 $0x2200  }
0x43a: {  	[hbm4b:s19+s3] =	stream.linear.scatter [tilespmem:s16], [sflag:$0x7], $0x80, $0x38;
	[tilespmem:$0x18F00] =	vst v63  }
0x43b: {  	s1 =	sadd.s32 $0x1000, s12;
	s15 =	simm.s32 $0xC6B8;
	s11 =	sadd.s32 $0x70, s12  }
0x43c: {  	[hbm4b:s31+s3] =	stream.linear.scatter [tilespmem:s23], [sflag:$0x7], $0x80, $0x38;
	[tilespmem:$0x18F00] =	vst v63  }
.LBB2_32:
0x43d: {  	[hbm4b:s11+s3] =	stream.linear.scatter [tilespmem:s15], [sflag:$0x7], $0x80, $0x38;
	[tilespmem:$0x18F00] =	vst v63  }
0x43e: {  	s11 =	smov.u32 s0;
	s0 =	smov.u32 s10  }
0x43f: {  	s12 =	sadd.s32 $0x1100, s10;
	s0 =	sshra.s32 s0, $0x2;
	s15 =	sadd.s32 $0xC300, s11  }
0x440: {  	[hbm4b:s1+s3] =	stream.linear.scatter [tilespmem:s15], [sflag:$0x7], $0x80, $0x38;
	[tilespmem:$0x18F00] =	vst v63  }
0x441: {  	p0 =	sne.s32 s10, $0x7700;
	s10 =	sadd.s32 $0xC388, s11;
	s15 =	sadd.s32 $0x10, s1  }
0x442: {  	[hbm4b:s15+s3] =	stream.linear.scatter [tilespmem:s10], [sflag:$0x7], $0x80, $0x38;
	[tilespmem:$0x18F00] =	vst v63  }
0x443: {  	s10 =	sadd.s32 $0xC410, s11;
	s15 =	sadd.s32 $0x20, s1  }
0x444: {  	[hbm4b:s15+s3] =	stream.linear.scatter [tilespmem:s10], [sflag:$0x7], $0x80, $0x38;
	[tilespmem:$0x18F00] =	vst v63  }
0x445: {  	s10 =	sadd.s32 $0xC498, s11;
	s15 =	sadd.s32 $0x30, s1  }
0x446: {  	[hbm4b:s15+s3] =	stream.linear.scatter [tilespmem:s10], [sflag:$0x7], $0x80, $0x38;
	[tilespmem:$0x18F00] =	vst v63  }
0x447: {  	s10 =	sadd.s32 $0xC520, s11;
	s15 =	sadd.s32 $0x40, s1  }
0x448: {  	[hbm4b:s15+s3] =	stream.linear.scatter [tilespmem:s10], [sflag:$0x7], $0x80, $0x38;
	[tilespmem:$0x18F00] =	vst v63  }
0x449: {  	s10 =	sadd.s32 $0xC5A8, s11;
	s15 =	sadd.s32 $0x50, s1  }
0x44a: {  	[hbm4b:s15+s3] =	stream.linear.scatter [tilespmem:s10], [sflag:$0x7], $0x80, $0x38;
	[tilespmem:$0x18F00] =	vst v63  }
.Ltmp15:
0x44b: {  	_ = 	snop;
	(pc) =	sbr.rel @p0 .LBB2_32-.Ltmp15, $4  }
0x44c: {  	s10 =	sadd.s32 $0xC630, s11;
	s15 =	sadd.s32 $0x60, s1  }
0x44d: {  	[hbm4b:s15+s3] =	stream.linear.scatter [tilespmem:s10], [sflag:$0x7], $0x80, $0x38;
	[tilespmem:$0x18F00] =	vst v63  }
0x44e: {  	s15 =	sadd.s32 $0xC6B8, s11  }
0x44f: {  	s11 =	sadd.s32 $0x70, s1;
	s1 =	sadd.s32 $0x1000, s1;
	s10 =	smov.u32 s12  }
0x450: {  	[hbm4b:s11+s3] =	stream.linear.scatter [tilespmem:s15], [sflag:$0x7], $0x80, $0x38;
	[tilespmem:$0x18F00] =	vst v63  }
0x451: {  	s10 =	sadd.s32 $0xC300, s0  }
0x452: {  	[hbm4b:s1+s3] =	stream.linear.scatter [tilespmem:s10], [sflag:$0x7], $0x80, $0x38;
	[tilespmem:$0x18F00] =	vst v63  }
0x453: {  	s12 =	sadd.s32 $0xC388, s0;
	s15 =	sadd.s32 $0x10, s1  }
0x454: {  	[hbm4b:s15+s3] =	stream.linear.scatter [tilespmem:s12], [sflag:$0x7], $0x80, $0x38;
	[tilespmem:$0x18F00] =	vst v63  }
0x455: {  	s16 =	sadd.s32 $0xC410, s0;
	s19 =	sadd.s32 $0x20, s1  }
0x456: {  	[hbm4b:s19+s3] =	stream.linear.scatter [tilespmem:s16], [sflag:$0x7], $0x80, $0x38;
	[tilespmem:$0x18F00] =	vst v63  }
0x457: {  	s23 =	sadd.s32 $0xC498, s0;
	s31 =	sadd.s32 $0x30, s1  }
0x458: {  	[hbm4b:s31+s3] =	stream.linear.scatter [tilespmem:s23], [sflag:$0x7], $0x80, $0x38;
	[tilespmem:$0x18F00] =	vst v63  }
0x459: {  	s12 =	sadd.s32 $0xC520, s0;
	s15 =	sadd.s32 $0x40, s1  }
0x45a: {  	[hbm4b:s15+s3] =	stream.linear.scatter [tilespmem:s12], [sflag:$0x7], $0x80, $0x38;
	[tilespmem:$0x18F00] =	vst v63  }
0x45b: {  	s16 =	sadd.s32 $0xC5A8, s0;
	s19 =	sadd.s32 $0x50, s1  }
0x45c: {  	[hbm4b:s19+s3] =	stream.linear.scatter [tilespmem:s16], [sflag:$0x7], $0x80, $0x38;
	[tilespmem:$0x18F00] =	vst v63  }
0x45d: {  	s23 =	sadd.s32 $0xC630, s0;
	s31 =	sadd.s32 $0x60, s1  }
0x45e: {  	[hbm4b:s31+s3] =	stream.linear.scatter [tilespmem:s23], [sflag:$0x7], $0x80, $0x38;
	[tilespmem:$0x18F00] =	vst v63  }
0x45f: {  	s11 =	sadd.s32 $0xC6B8, s0;
	s12 =	sadd.s32 $0x70, s1  }
0x460: {  	[hbm4b:s12+s3] =	stream.linear.scatter [tilespmem:s11], [sflag:$0x7], $0x80, $0x38;
	[tilespmem:$0x18F00] =	vst v63  }
0x461: {  	s15 =	simm.s32 $0xE500;
	s12 =	rddreg [dreg:$0xa]  }
0x462: {  	[hbm4b:s12+s3] =	stream.linear.scatter [tilespmem:s15], [sflag:$0x7], $0x80, $0x38;
	[tilespmem:$0x18F00] =	vst v63  }
0x463: {  	s16 =	simm.s32 $0xE588;
	s19 =	sadd.s32 $0x10, s12  }
0x464: {  	[hbm4b:s19+s3] =	stream.linear.scatter [tilespmem:s16], [sflag:$0x7], $0x80, $0x38;
	[tilespmem:$0x18F00] =	vst v63  }
0x465: {  	s0 =	simm.s32 $0x440;
	s23 =	simm.s32 $0xE610;
	s31 =	sadd.s32 $0x20, s12  }
0x466: {  	[hbm4b:s31+s3] =	stream.linear.scatter [tilespmem:s23], [sflag:$0x7], $0x80, $0x38;
	[tilespmem:$0x18F00] =	vst v63  }
0x467: {  	s1 =	simm.s32 $0xE698;
	s11 =	simm.s32 $0xE720;
	s10 =	sadd.s32 $0x30, s12  }
0x468: {  	[hbm4b:s10+s3] =	stream.linear.scatter [tilespmem:s1], [sflag:$0x7], $0x80, $0x38;
	[tilespmem:$0x18F00] =	vst v63  }
0x469: {  	s15 =	sadd.s32 $0x40, s12;
	s16 =	simm.s32 $0xE7A8;
	s19 =	sadd.s32 $0x50, s12  }
0x46a: {  	[hbm4b:s15+s3] =	stream.linear.scatter [tilespmem:s11], [sflag:$0x7], $0x80, $0x38;
	[tilespmem:$0x18F00] =	vst v63  }
0x46b: {  	s23 =	simm.s32 $0xE830;
	s31 =	sadd.s32 $0x60, s12;
	s10 =	simm.s32 $0x2200  }
0x46c: {  	[hbm4b:s19+s3] =	stream.linear.scatter [tilespmem:s16], [sflag:$0x7], $0x80, $0x38;
	[tilespmem:$0x18F00] =	vst v63  }
0x46d: {  	s1 =	sadd.s32 $0x1000, s12;
	s15 =	simm.s32 $0xE8B8;
	s11 =	sadd.s32 $0x70, s12  }
0x46e: {  	[hbm4b:s31+s3] =	stream.linear.scatter [tilespmem:s23], [sflag:$0x7], $0x80, $0x38;
	[tilespmem:$0x18F00] =	vst v63  }
.LBB2_34:
0x46f: {  	[hbm4b:s11+s3] =	stream.linear.scatter [tilespmem:s15], [sflag:$0x7], $0x80, $0x38;
	[tilespmem:$0x18F00] =	vst v63  }
0x470: {  	s11 =	smov.u32 s0;
	s0 =	smov.u32 s10  }
0x471: {  	s12 =	sadd.s32 $0x1100, s10;
	s0 =	sshra.s32 s0, $0x2;
	s15 =	sadd.s32 $0xE500, s11  }
0x472: {  	[hbm4b:s1+s3] =	stream.linear.scatter [tilespmem:s15], [sflag:$0x7], $0x80, $0x38;
	[tilespmem:$0x18F00] =	vst v63  }
0x473: {  	p0 =	sne.s32 s10, $0x7700;
	s10 =	sadd.s32 $0xE588, s11;
	s15 =	sadd.s32 $0x10, s1  }
0x474: {  	[hbm4b:s15+s3] =	stream.linear.scatter [tilespmem:s10], [sflag:$0x7], $0x80, $0x38;
	[tilespmem:$0x18F00] =	vst v63  }
0x475: {  	s10 =	sadd.s32 $0xE610, s11;
	s15 =	sadd.s32 $0x20, s1  }
0x476: {  	[hbm4b:s15+s3] =	stream.linear.scatter [tilespmem:s10], [sflag:$0x7], $0x80, $0x38;
	[tilespmem:$0x18F00] =	vst v63  }
0x477: {  	s10 =	sadd.s32 $0xE698, s11;
	s15 =	sadd.s32 $0x30, s1  }
0x478: {  	[hbm4b:s15+s3] =	stream.linear.scatter [tilespmem:s10], [sflag:$0x7], $0x80, $0x38;
	[tilespmem:$0x18F00] =	vst v63  }
0x479: {  	s10 =	sadd.s32 $0xE720, s11;
	s15 =	sadd.s32 $0x40, s1  }
0x47a: {  	[hbm4b:s15+s3] =	stream.linear.scatter [tilespmem:s10], [sflag:$0x7], $0x80, $0x38;
	[tilespmem:$0x18F00] =	vst v63  }
0x47b: {  	s10 =	sadd.s32 $0xE7A8, s11;
	s15 =	sadd.s32 $0x50, s1  }
0x47c: {  	[hbm4b:s15+s3] =	stream.linear.scatter [tilespmem:s10], [sflag:$0x7], $0x80, $0x38;
	[tilespmem:$0x18F00] =	vst v63  }
.Ltmp16:
0x47d: {  	_ = 	snop;
	(pc) =	sbr.rel @p0 .LBB2_34-.Ltmp16, $4  }
0x47e: {  	s10 =	sadd.s32 $0xE830, s11;
	s15 =	sadd.s32 $0x60, s1  }
0x47f: {  	[hbm4b:s15+s3] =	stream.linear.scatter [tilespmem:s10], [sflag:$0x7], $0x80, $0x38;
	[tilespmem:$0x18F00] =	vst v63  }
0x480: {  	s15 =	sadd.s32 $0xE8B8, s11  }
0x481: {  	s11 =	sadd.s32 $0x70, s1;
	s1 =	sadd.s32 $0x1000, s1;
	s10 =	smov.u32 s12  }
0x482: {  	[hbm4b:s11+s3] =	stream.linear.scatter [tilespmem:s15], [sflag:$0x7], $0x80, $0x38;
	[tilespmem:$0x18F00] =	vst v63  }
0x483: {  	s10 =	sadd.s32 $0xE500, s0  }
0x484: {  	[hbm4b:s1+s3] =	stream.linear.scatter [tilespmem:s10], [sflag:$0x7], $0x80, $0x38;
	[tilespmem:$0x18F00] =	vst v63  }
0x485: {  	s16 =	sadd.s32 $0xE588, s0;
	s19 =	sadd.s32 $0x10, s1  }
0x486: {  	[hbm4b:s19+s3] =	stream.linear.scatter [tilespmem:s16], [sflag:$0x7], $0x80, $0x38;
	[tilespmem:$0x18F00] =	vst v63  }
0x487: {  	s23 =	sadd.s32 $0xE610, s0;
	s31 =	sadd.s32 $0x20, s1  }
0x488: {  	[hbm4b:s31+s3] =	stream.linear.scatter [tilespmem:s23], [sflag:$0x7], $0x80, $0x38;
	[tilespmem:$0x18F00] =	vst v63  }
0x489: {  	s12 =	sadd.s32 $0xE698, s0;
	s15 =	sadd.s32 $0x30, s1  }
0x48a: {  	[hbm4b:s15+s3] =	stream.linear.scatter [tilespmem:s12], [sflag:$0x7], $0x80, $0x38;
	[tilespmem:$0x18F00] =	vst v63  }
0x48b: {  	s16 =	sadd.s32 $0xE720, s0;
	s19 =	sadd.s32 $0x40, s1  }
0x48c: {  	[hbm4b:s19+s3] =	stream.linear.scatter [tilespmem:s16], [sflag:$0x7], $0x80, $0x38;
	[tilespmem:$0x18F00] =	vst v63  }
0x48d: {  	s23 =	sadd.s32 $0xE7A8, s0;
	s31 =	sadd.s32 $0x50, s1  }
0x48e: {  	[hbm4b:s31+s3] =	stream.linear.scatter [tilespmem:s23], [sflag:$0x7], $0x80, $0x38;
	[tilespmem:$0x18F00] =	vst v63  }
0x48f: {  	s11 =	sadd.s32 $0xE830, s0;
	s12 =	sadd.s32 $0x60, s1  }
0x490: {  	[hbm4b:s12+s3] =	stream.linear.scatter [tilespmem:s11], [sflag:$0x7], $0x80, $0x38;
	[tilespmem:$0x18F00] =	vst v63  }
0x491: {  	s15 =	sadd.s32 $0xE8B8, s0;
	s16 =	sadd.s32 $0x70, s1;
	s19 =	simm.s32 $0x8  }
0x492: {  	[hbm4b:s16+s3] =	stream.linear.scatter [tilespmem:s15], [sflag:$0x7], $0x80, $0x38;
	[tilespmem:$0x18F00] =	vst v63  }
0x493: {  	_ =	swait.ge [sflag:s19], $0x2000  }
0x494: {  	[sflag:s19] =	ssyncset.done $0x0  }
0x495: {  	[sflag:s19] =	ssyncadd.s32 $0xFFFFE000  }
0x496: {  	_ =	swait.ge [sflag:s19], $0x2000  }
0x497: {  	[sflag:s19] =	ssyncset.done $0x0  }
0x498: {  	[sflag:s19] =	ssyncadd.s32 $0xFFFFE000  }
0x499: {  	_ =	swait.ge [sflag:s24], $0x2000  }
0x49a: {  	[sflag:s24] =	ssyncset.done $0x0  }
0x49b: {  	[sflag:s24] =	ssyncadd.s32 $0xFFFFE000  }
0x49c: {  	_ =	swait.ge [sflag:s24], $0x2000  }
0x49d: {  	[sflag:s24] =	ssyncset.done $0x0  }
0x49e: {  	[sflag:s24] =	ssyncadd.s32 $0xFFFFE000  }
0x49f: {  	_ =	swait.ge [sflag:s22], $0x2000  }
0x4a0: {  	[sflag:s22] =	ssyncset.done $0x0  }
0x4a1: {  	[sflag:s22] =	ssyncadd.s32 $0xFFFFE000  }
0x4a2: {  	_ =	swait.ge [sflag:s22], $0x2000  }
0x4a3: {  	s23 =	rddreg [dreg:$0xc]  }
0x4a4: {  	s31 =	rddreg [dreg:$0xb];
	s1 =	sadd.s32 $0x1, s23  }
0x4a5: {  	p0 =	sne.s32 s1, s31  }
.Ltmp17:
0x4a6: {  	_ = 	snop;
	(pc) =	sbr.rel @p0 .LBB2_1-.Ltmp17, $3  }
0x4a7: {  	_ =	sdelay $0x1  }
0x4a8: {  	[sflag:s22] =	ssyncset.done $0x0  }
0x4a9: {  	[sflag:s22] =	ssyncadd.s32 $0xFFFFE000  }
0x4aa: {  	_ =	sfence.sel $0x180000  }
0x4ab: {  	[bflag:$0x0] =	sbarrier.arrive $0xFFFF  }
0x4ac: {  	_ =	strace $0x90000047  }
0x4ad: {  	s0 =	stileid.u32;
	[bflag:$0x2] =	sbarrier.arrive $0xFFFF  }
0x4ae: {  	p0 =	sne.s32 s0, $0x0;
	s0 =	rddreg [dreg:$0x2]  }
0x4af: {  	s0 =	sadd.s32 @!p0 $0x100000, s0  }
0x4b0: {  	[sflag:s0] =	ssyncadd.tile.s32 @!p0 $0x1;
	_ =	shalt  }
.Lfunc_end2:
_tile_overlayer_lowered:
.L_overlay_start_2:
0x4b1: {  	(tag) =	ssettag $0x2  }
0x4b2: {  	s0 =	rddreg [dreg:$0x0];
	s2 =	stileid.u32  }
0x4b3: {  	s1 =	rddreg [dreg:$0x1];
	p0 =	sne.s32 s2, $0x0  }
0x4b4: {  	s3 =	rddreg [dreg:$0x2];
	[bflag:$0x3] =	sbarrier.arrive $0xFFFF;
	s2 =	simm.s32 @!p0 $0x1C0A  }
0x4b5: {  	[timem:s3], [sflag:s2] =	dma.local @!p0 [hbm:s0], s1  }
0x4b6: {  	s0 =	simm.s32 @!p0 $0xA  }
0x4b7: {  	_ =	swait.ge @!p0 [sflag:s0], s1  }
0x4b8: {  	s1 =	ssub.s32 @!p0 $0x0, s1;
	[sflag:s0] =	ssyncset.done @!p0 $0x0  }
0x4b9: {  	[sflag:s0] =	ssyncadd.s32 @!p0 s1  }
0x4ba: {  	[bflag:$0x3] =	sbarrier.arrive $0xFFFF  }
0x4bb: {  	_ =	shalt  }

</sc_bundles>
